<compile_context>
chip_gen: v7x
topology: tpu7x:2x2x1
jax: 0.10.2.dev20260603
libtpu: 0.0.44.dev20260713+nightly
codegen_flags: <defaults>
</compile_context>

<pallas_src>
import functools

import jax
import jax.numpy as jnp
from jax import lax
from jax.experimental import pallas as pl
from jax.experimental.pallas import tpu as pltpu
from jax.experimental.pallas import tpu_sc as plsc

N = 10000
E = 320000
DH = 128
DO = 32
NC = 2
NS = 16
L = 16
NPAD = 10240
RPT = NPAD // NS
W = 125
WPT = E // NC // NS // W
WCH = 80
RCH = RPT // WCH

_MESH = plsc.VectorSubcoreMesh(core_axis_name="c", subcore_axis_name="s")


def _zero_rows(ref, nrow, ncol):
    def body(i, _):
        for j in range(ncol // L):
            ref[i, pl.ds(j * L, L)] = jnp.zeros((L,), jnp.float32)
        return 0
    lax.fori_loop(0, nrow, body, 0)


def _deg_body(coli, ew, deg_out, coli_v, ew_v, zd_v, deg_sh, sem):
    c = lax.axis_index("c")
    s = lax.axis_index("s")
    def zb(i, _):
        zd_v[pl.ds(i * L, L)] = jnp.zeros((L,), jnp.float32)
        return 0
    lax.fori_loop(0, RPT // L, zb, 0)
    pltpu.sync_copy(zd_v, deg_sh.at[pl.ds(s * RPT, RPT)])
    wbase = (c * NS + s) * WPT
    pltpu.sync_copy(coli.at[pl.ds(wbase, WPT)], coli_v)
    pltpu.sync_copy(ew.at[pl.ds(wbase, WPT)], ew_v)
    plsc.subcore_barrier()
    def grp(g, _):
        ds_ = [pltpu.async_copy(ew_v.at[g * 8 + k],
                                deg_sh.at[coli_v.at[g * 8 + k]], sem,
                                add=True)
               for k in range(8)]
        for d in ds_:
            d.wait()
        return 0
    lax.fori_loop(0, WPT // 8, grp, 0)
    plsc.subcore_barrier()
    pltpu.sync_copy(deg_sh.at[pl.ds(s * RPT, RPT)],
                    deg_out.at[c, pl.ds(s * RPT, RPT)])


def _sc_deg(coli, ew):
    f = pl.kernel(
        _deg_body,
        out_type=jax.ShapeDtypeStruct((NC, NPAD), jnp.float32),
        mesh=_MESH,
        compiler_params=pltpu.CompilerParams(needs_layout_passes=False,
                                             use_tc_tiling_on_sc=False),
        scratch_types=[
            pltpu.VMEM((WPT, W), jnp.int32),
            pltpu.VMEM((WPT, W), jnp.float32),
            pltpu.VMEM((RPT,), jnp.float32),
            pltpu.VMEM_SHARED((NPAD,), jnp.float32),
            pltpu.SemaphoreType.DMA,
        ],
    )
    return f(coli, ew)


def _acc_body(dd, gdep, bw, table, rowi, coli, ew, acc_out, *refs):
    rowi_v, coli_v, ew_v = refs[0], refs[1], refs[2]
    rbufs = refs[3:3 + gdep]
    acc_sh, gsem, ssem = refs[3 + gdep:]
    c = lax.axis_index("c")
    s = lax.axis_index("s")
    rb0 = rbufs[0]

    _zero_rows(rb0, WCH, dd)
    for k in range(RCH):
        pltpu.sync_copy(rb0.at[pl.ds(0, WCH)],
                        acc_sh.at[pl.ds(s * RPT + k * WCH, WCH)])
    plsc.subcore_barrier()

    def block(blk, _):
        wbase = (c * NS + s) * WPT + blk * bw
        pltpu.sync_copy(rowi.at[pl.ds(wbase, bw)], rowi_v)
        pltpu.sync_copy(coli.at[pl.ds(wbase, bw)], coli_v)
        pltpu.sync_copy(ew.at[pl.ds(wbase, bw)], ew_v)
        def group(g, _):
            gd = [pltpu.async_copy(table.at[rowi_v.at[g * gdep + k]],
                                   rbufs[k], gsem)
                  for k in range(gdep)]
            sd = []
            for k in range(gdep):
                w = g * gdep + k
                gd[k].wait()
                @plsc.parallel_loop(0, W, unroll=5)
                def scale(e):
                    sp = plsc.load_gather(
                        ew_v, [jnp.zeros((L,), jnp.int32) + w,
                               jnp.zeros((L,), jnp.int32) + e])
                    for j in range(dd // L):
                        rbufs[k][e, pl.ds(j * L, L)] = (
                            rbufs[k][e, pl.ds(j * L, L)] * sp)
                sd.append(pltpu.async_copy(rbufs[k], acc_sh.at[coli_v.at[w]],
                                           ssem, add=True))
            for d in sd:
                d.wait()
            return 0
        lax.fori_loop(0, bw // gdep, group, 0)
        return 0
    lax.fori_loop(0, WPT // bw, block, 0)
    plsc.subcore_barrier()
    pltpu.sync_copy(acc_sh.at[pl.ds(s * RPT, RPT)],
                    acc_out.at[c, pl.ds(s * RPT, RPT)])


def _sc_acc(table, rowi, coli, ew, dd, gdep, bw):
    scratch = [
        pltpu.VMEM((bw, W), jnp.int32),
        pltpu.VMEM((bw, W), jnp.int32),
        pltpu.VMEM((bw, W), jnp.float32),
    ]
    scratch += [pltpu.VMEM((W, dd), jnp.float32) for _ in range(gdep)]
    scratch += [
        pltpu.VMEM_SHARED((NPAD, dd), jnp.float32),
        pltpu.SemaphoreType.DMA,
        pltpu.SemaphoreType.DMA,
    ]
    f = pl.kernel(
        functools.partial(_acc_body, dd, gdep, bw),
        out_type=jax.ShapeDtypeStruct((NC, NPAD, dd), jnp.float32),
        mesh=_MESH,
        compiler_params=pltpu.CompilerParams(needs_layout_passes=False,
                                             use_tc_tiling_on_sc=False),
        scratch_types=scratch,
    )
    return f(table, rowi, coli, ew)


_RB = 1000


def _mm1_k(x_ref, w_ref, deg_ref, o_ref, dis_ref):
    dv = lax.rsqrt(deg_ref[:, 0] + deg_ref[:, 1] + 1.0)[:, None]
    y = jnp.dot(x_ref[...], w_ref[...], preferred_element_type=jnp.float32)
    o_ref[...] = y * dv
    dis_ref[...] = dv


def _tc_mm1(x, w1, deg):
    return pl.pallas_call(
        _mm1_k,
        grid=(N // _RB,),
        in_specs=[pl.BlockSpec((_RB, DH), lambda i: (i, 0)),
                  pl.BlockSpec((DH, DH), lambda i: (0, 0)),
                  pl.BlockSpec((_RB, NC), lambda i: (i, 0))],
        out_specs=[pl.BlockSpec((_RB, DH), lambda i: (i, 0)),
                   pl.BlockSpec((_RB, 1), lambda i: (i, 0))],
        out_shape=[jax.ShapeDtypeStruct((N, DH), jnp.float32),
                   jax.ShapeDtypeStruct((N, 1), jnp.float32)],
    )(x, w1, deg)


def _mm2_k(acc_ref, t1_ref, dis_ref, b1_ref, w_ref, o_ref):
    h = dis_ref[...] * (acc_ref[0] + acc_ref[1] + t1_ref[...]) + b1_ref[...]
    h = jnp.maximum(h, 0.0)
    y = jnp.dot(h, w_ref[...], preferred_element_type=jnp.float32)
    o_ref[...] = y * dis_ref[...]


def _tc_mm2(acc1, t1, dis_col, b1, w2):
    return pl.pallas_call(
        _mm2_k,
        grid=(N // _RB,),
        in_specs=[pl.BlockSpec((NC, _RB, DH), lambda i: (0, i, 0)),
                  pl.BlockSpec((_RB, DH), lambda i: (i, 0)),
                  pl.BlockSpec((_RB, 1), lambda i: (i, 0)),
                  pl.BlockSpec((1, DH), lambda i: (0, 0)),
                  pl.BlockSpec((DH, DO), lambda i: (0, 0))],
        out_specs=pl.BlockSpec((_RB, DO), lambda i: (i, 0)),
        out_shape=jax.ShapeDtypeStruct((N, DO), jnp.float32),
    )(acc1, t1, dis_col, b1, w2)


def _soft_k(acc_ref, t2_ref, dis_ref, b2_ref, o_ref):
    z = dis_ref[...] * (acc_ref[0] + acc_ref[1] + t2_ref[...]) + b2_ref[...]
    z = z - jnp.max(z, axis=1, keepdims=True)
    ez = jnp.exp(z)
    o_ref[...] = ez / jnp.sum(ez, axis=1, keepdims=True)


def _tc_soft(acc, t2, dis_col, b2):
    return pl.pallas_call(
        _soft_k,
        grid=(N // _RB,),
        in_specs=[pl.BlockSpec((NC, _RB, DO), lambda i: (0, i, 0)),
                  pl.BlockSpec((_RB, DO), lambda i: (i, 0)),
                  pl.BlockSpec((_RB, 1), lambda i: (i, 0)),
                  pl.BlockSpec((1, DO), lambda i: (0, 0))],
        out_specs=pl.BlockSpec((_RB, DO), lambda i: (i, 0)),
        out_shape=jax.ShapeDtypeStruct((N, DO), jnp.float32),
    )(acc, t2, dis_col, b2)


def kernel(x, edge_index, edge_weight, W1, b1, W2, b2, attention):
    row = edge_index[0].astype(jnp.int32).reshape(E // W, W)
    col = edge_index[1].astype(jnp.int32).reshape(E // W, W)
    ew2 = edge_weight.reshape(E // W, W)
    p0 = jax.nn.softmax(attention, axis=0)[0]
    deg = _sc_deg(col, ew2)
    table1, dis_col = _tc_mm1(x, W1 * p0, deg.T)
    acc1 = _sc_acc(table1, row, col, ew2, DH, 2, 40)
    table2 = _tc_mm2(acc1, table1, dis_col, (b1 * p0)[None, :], W2)
    acc2 = _sc_acc(table2, row, col, ew2, DO, 8, 80)
    return _tc_soft(acc2, table2, dis_col, b2[None, :])

# --- scband reference (transcript-rebuilt; emitter-appended) ---
"""Pipeline reference for scband-gcn2-attention-89008902243178 (READ-ONLY COPY).

The authoritative reference and input builder live on the scoring server;
editing this copy changes nothing except your own understanding.
"""

import jax, jax.numpy as jnp
import numpy as np

N_NODES = 10000
N_EDGES = 320000
D_IN = 128
D_HID = 128
D_OUT = 32
PERIODS = 1


def setup_inputs(seed: int = 0) -> dict:
    key = jax.random.key(seed)
    k = jax.random.split(key, 8)
    x = jax.random.normal(k[0], (N_NODES, D_IN), dtype=jnp.float32)
    edge_index = jax.random.randint(k[1], (2, N_EDGES), 0, N_NODES, dtype=jnp.int64)
    edge_weight = jax.random.uniform(k[2], (N_EDGES,), dtype=jnp.float32)
    W1 = jax.random.normal(k[3], (D_IN, D_HID), dtype=jnp.float32) * (1.0 / np.sqrt(D_IN))
    b1 = jnp.zeros((D_HID,), dtype=jnp.float32)
    W2 = jax.random.normal(k[4], (D_HID, D_OUT), dtype=jnp.float32) * (1.0 / np.sqrt(D_HID))
    b2 = jnp.zeros((D_OUT,), dtype=jnp.float32)
    attention = jax.random.uniform(k[5], (PERIODS,), dtype=jnp.float32)
    return {"x": x, "edge_index": edge_index, "edge_weight": edge_weight,
            "W1": W1, "b1": b1, "W2": W2, "b2": b2, "attention": attention}


def _gcn_conv(x, W, b, row, col, ew, n_nodes):
    # PyG GCNConv: linear, add self-loops (weight 1), symmetric normalization, scatter-add at dst
    xw = x @ W
    loop = jnp.arange(n_nodes)
    row_sl = jnp.concatenate([row, loop])
    col_sl = jnp.concatenate([col, loop])
    ew_sl = jnp.concatenate([ew, jnp.ones((n_nodes,), dtype=ew.dtype)])
    deg = jnp.zeros((n_nodes,), dtype=ew.dtype).at[col_sl].add(ew_sl)
    deg_inv_sqrt = jnp.where(deg > 0, deg ** -0.5, 0.0)
    norm = deg_inv_sqrt[row_sl] * ew_sl * deg_inv_sqrt[col_sl]
    msg = xw[row_sl] * norm[:, None]
    out = jnp.zeros_like(xw).at[col_sl].add(msg)
    return out + b


def reference(x, edge_index, edge_weight, W1, b1, W2, b2, attention):
    n_nodes = x.shape[0]
    row = edge_index[0]
    col = edge_index[1]
    h0 = x.reshape(x.shape[0], x.shape[1], 1)
    probs = jax.nn.softmax(attention, axis=0)
    H_accum = 0.0
    for period in range(PERIODS):
        H_accum = H_accum + probs[period] * _gcn_conv(h0[:, :, period], W1, b1, row, col, edge_weight, n_nodes)
    h = jax.nn.relu(H_accum)
    h = _gcn_conv(h, W2, b2, row, col, edge_weight, n_nodes)
    return jax.nn.softmax(h, axis=1)

if __name__ == "__main__":
    import jax
    _d = setup_inputs()
    print(jax.jit(kernel)(*tuple(_d.values())))

</pallas_src>

<mosaic_0001>
#map = affine_map<(d0, d1) -> (0, 0)>
module attributes {stable_mosaic.version = 14 : i64} {
  func.func @_deg_body(%arg0: i32, %arg1: i32, %arg2: memref<2560x125xi32, #tpu.memory_space<hbm>>, %arg3: memref<2560x125xf32, #tpu.memory_space<hbm>>, %arg4: memref<2x10240xf32, #tpu.memory_space<hbm>>, %arg5: memref<80x125xi32, #tpu.memory_space<vmem>>, %arg6: memref<80x125xf32, #tpu.memory_space<vmem>>, %arg7: memref<640xf32, #tpu.memory_space<vmem>>, %arg8: memref<10240xf32, #tpu.memory_space<vmem_shared>>, %arg9: memref<!tpu.dma_semaphore, #tpu.memory_space<semaphore_mem>>) attributes {dimension_semantics = [#tpu.dimension_semantics<core_parallel>, #tpu.dimension_semantics<subcore_parallel>], iteration_bounds = array<i64: 2, 16>, scalar_prefetch = 0 : i64, scratch_operands = 5 : i64, tpu.core_type = #tpu.core_type<sc_vector_subcore>, window_params = [{transform_indices = #map}, {transform_indices = #map}, {transform_indices = #map}]} {
    %scan3A = arith.constant 0 : i32
    %scan3A_0 = arith.constant 0 : i32
    %scan3A_1 = arith.constant 40 : i32
    %scan3A_2 = arith.addi %scan3A_0, %scan3A_1 : i32
    %scan3A_3 = arith.constant 1 : i32
    %scan3A_4 = scf.for %scan3A_23 = %scan3A_0 to %scan3A_2 step %scan3A_3 iter_args(%scan3A_24 = %scan3A) -> (i32)  : i32 {
      %broadcast_in_dim3A = arith.constant 0.000000e+00 : f32
      %broadcast_in_dim3A_25 = vector.broadcast %broadcast_in_dim3A : f32 to vector<16xf32>
      %mul3A_26 = arith.constant 16 : i32
      %mul3A_27 = arith.muli %scan3A_23, %mul3A_26 : i32
      %swap3A = arith.index_cast %mul3A_27 : i32 to index
      %swap3A_28 = tpu.vector_load %arg7[%swap3A] {strides = array<i32>} : memref<640xf32, #tpu.memory_space<vmem>>, vector<16xf32>,
      tpu.vector_store %arg7[%swap3A], %broadcast_in_dim3A_25 {strides = array<i32>} : memref<640xf32, #tpu.memory_space<vmem>>, vector<16xf32>,
      %scan3A_29 = arith.constant 0 : i32
      scf.yield %scan3A_29 : i32
    }
    %scan3A_5 = arith.constant 40 : i32
    %mul3A = arith.constant 640 : i32
    %mul3A_6 = arith.muli %arg1, %mul3A : i32
    "tpu.region"() ({
      %run_scoped3A = tpu.sem_alloc : memref<!tpu.dma_semaphore, #tpu.memory_space<semaphore_mem>>
      %dma_start3A = tpu.memref_slice %arg8[%mul3A_6] : memref<10240xf32, #tpu.memory_space<vmem_shared>> -> memref<640xf32, #tpu.memory_space<vmem_shared>>
      %dma_start3A_23 = tpu.memref_slice %arg8[%mul3A_6] : memref<10240xf32, #tpu.memory_space<vmem_shared>> -> memref<640xf32, #tpu.memory_space<vmem_shared>>
      tpu.enqueue_dma source(%arg7 : memref<640xf32, #tpu.memory_space<vmem>>) target(%dma_start3A_23 : memref<640xf32, #tpu.memory_space<vmem_shared>>) target_semaphore(%run_scoped3A : memref<!tpu.dma_semaphore, #tpu.memory_space<semaphore_mem>>)
      %dma_wait3A = tpu.memref_slice %arg8[%mul3A_6] : memref<10240xf32, #tpu.memory_space<vmem_shared>> -> memref<640xf32, #tpu.memory_space<vmem_shared>>
      %dma_wait3A_24 = tpu.memref_slice %arg8[%mul3A_6] : memref<10240xf32, #tpu.memory_space<vmem_shared>> -> memref<640xf32, #tpu.memory_space<vmem_shared>>
      tpu.wait_dma2 semaphore(%run_scoped3A : memref<!tpu.dma_semaphore, #tpu.memory_space<semaphore_mem>>) src(%arg7 : memref<640xf32, #tpu.memory_space<vmem>>) dst(%dma_wait3A_24 : memref<640xf32, #tpu.memory_space<vmem_shared>>)
      tpu.yield
    }) : () -> ()
    %mul3A_7 = arith.constant 16 : i32
    %mul3A_8 = arith.muli %arg0, %mul3A_7 : i32
    %add3A = arith.addi %mul3A_8, %arg1 : i32
    %mul3A_9 = arith.constant 80 : i32
    %mul3A_10 = arith.muli %add3A, %mul3A_9 : i32
    "tpu.region"() ({
      %run_scoped3A = tpu.sem_alloc : memref<!tpu.dma_semaphore, #tpu.memory_space<semaphore_mem>>
      %dma_start3A = arith.constant 0 : i32
      %dma_start3A_23 = tpu.memref_slice %arg2[%mul3A_10, %dma_start3A] : memref<2560x125xi32, #tpu.memory_space<hbm>> -> memref<80x125xi32, #tpu.memory_space<hbm>>
      %dma_start3A_24 = arith.constant 0 : i32
      %dma_start3A_25 = tpu.memref_slice %arg2[%mul3A_10, %dma_start3A_24] : memref<2560x125xi32, #tpu.memory_space<hbm>> -> memref<80x125xi32, #tpu.memory_space<hbm>>
      tpu.enqueue_dma source(%dma_start3A_25 : memref<80x125xi32, #tpu.memory_space<hbm>>) target(%arg5 : memref<80x125xi32, #tpu.memory_space<vmem>>) target_semaphore(%run_scoped3A : memref<!tpu.dma_semaphore, #tpu.memory_space<semaphore_mem>>)
      %dma_wait3A = arith.constant 0 : i32
      %dma_wait3A_26 = tpu.memref_slice %arg2[%mul3A_10, %dma_wait3A] : memref<2560x125xi32, #tpu.memory_space<hbm>> -> memref<80x125xi32, #tpu.memory_space<hbm>>
      %dma_wait3A_27 = arith.constant 0 : i32
      %dma_wait3A_28 = tpu.memref_slice %arg2[%mul3A_10, %dma_wait3A_27] : memref<2560x125xi32, #tpu.memory_space<hbm>> -> memref<80x125xi32, #tpu.memory_space<hbm>>
      tpu.wait_dma2 semaphore(%run_scoped3A : memref<!tpu.dma_semaphore, #tpu.memory_space<semaphore_mem>>) src(%dma_wait3A_28 : memref<80x125xi32, #tpu.memory_space<hbm>>) dst(%arg5 : memref<80x125xi32, #tpu.memory_space<vmem>>)
      tpu.yield
    }) : () -> ()
    "tpu.region"() ({
      %run_scoped3A = tpu.sem_alloc : memref<!tpu.dma_semaphore, #tpu.memory_space<semaphore_mem>>
      %dma_start3A = arith.constant 0 : i32
      %dma_start3A_23 = tpu.memref_slice %arg3[%mul3A_10, %dma_start3A] : memref<2560x125xf32, #tpu.memory_space<hbm>> -> memref<80x125xf32, #tpu.memory_space<hbm>>
      %dma_start3A_24 = arith.constant 0 : i32
      %dma_start3A_25 = tpu.memref_slice %arg3[%mul3A_10, %dma_start3A_24] : memref<2560x125xf32, #tpu.memory_space<hbm>> -> memref<80x125xf32, #tpu.memory_space<hbm>>
      tpu.enqueue_dma source(%dma_start3A_25 : memref<80x125xf32, #tpu.memory_space<hbm>>) target(%arg6 : memref<80x125xf32, #tpu.memory_space<vmem>>) target_semaphore(%run_scoped3A : memref<!tpu.dma_semaphore, #tpu.memory_space<semaphore_mem>>)
      %dma_wait3A = arith.constant 0 : i32
      %dma_wait3A_26 = tpu.memref_slice %arg3[%mul3A_10, %dma_wait3A] : memref<2560x125xf32, #tpu.memory_space<hbm>> -> memref<80x125xf32, #tpu.memory_space<hbm>>
      %dma_wait3A_27 = arith.constant 0 : i32
      %dma_wait3A_28 = tpu.memref_slice %arg3[%mul3A_10, %dma_wait3A_27] : memref<2560x125xf32, #tpu.memory_space<hbm>> -> memref<80x125xf32, #tpu.memory_space<hbm>>
      tpu.wait_dma2 semaphore(%run_scoped3A : memref<!tpu.dma_semaphore, #tpu.memory_space<semaphore_mem>>) src(%dma_wait3A_28 : memref<80x125xf32, #tpu.memory_space<hbm>>) dst(%arg6 : memref<80x125xf32, #tpu.memory_space<vmem>>)
      tpu.yield
    }) : () -> ()
    %barrier3A = arith.constant 0 : index
    tpu.barrier barrier_id(%barrier3A)
    %scan3A_11 = arith.constant 0 : i32
    %scan3A_12 = arith.constant 0 : i32
    %scan3A_13 = arith.constant 10 : i32
    %scan3A_14 = arith.addi %scan3A_12, %scan3A_13 : i32
    %scan3A_15 = arith.constant 1 : i32
    %scan3A_16 = scf.for %scan3A_23 = %scan3A_12 to %scan3A_14 step %scan3A_15 iter_args(%scan3A_24 = %scan3A_11) -> (i32)  : i32 {
      %mul3A_25 = arith.constant 8 : i32
      %mul3A_26 = arith.muli %scan3A_23, %mul3A_25 : i32
      %add3A_27 = arith.constant 0 : i32
      %add3A_28 = arith.addi %mul3A_26, %add3A_27 : i32
      %mul3A_29 = arith.constant 8 : i32
      %mul3A_30 = arith.muli %scan3A_23, %mul3A_29 : i32
      %add3A_31 = arith.constant 0 : i32
      %add3A_32 = arith.addi %mul3A_30, %add3A_31 : i32
      %dma_start3A = arith.constant 0 : i32
      %dma_start3A_33 = tpu.memref_slice %arg6[%add3A_28, %dma_start3A] : memref<80x125xf32, #tpu.memory_space<vmem>> -> memref<1x125xf32, #tpu.memory_space<vmem>>
      %dma_start3A_34 = tpu.memref_squeeze %dma_start3A_33 : memref<1x125xf32, #tpu.memory_space<vmem>> -> memref<125xf32, #tpu.memory_space<vmem>>
      %dma_start3A_35 = arith.constant 0 : i32
      %dma_start3A_36 = tpu.memref_slice %arg5[%add3A_32, %dma_start3A_35] : memref<80x125xi32, #tpu.memory_space<vmem>> -> memref<1x125xi32, #tpu.memory_space<vmem>>
      %dma_start3A_37 = tpu.memref_squeeze %dma_start3A_36 : memref<1x125xi32, #tpu.memory_space<vmem>> -> memref<125xi32, #tpu.memory_space<vmem>>
      %dma_start3A_38 = arith.constant 0 : i32
      %dma_start3A_39 = tpu.memref_slice %arg8[%dma_start3A_38] : memref<10240xf32, #tpu.memory_space<vmem_shared>> -> memref<10240xf32, #tpu.memory_space<vmem_shared>>
      tpu.enqueue_indirect_dma source(%dma_start3A_34 : memref<125xf32, #tpu.memory_space<vmem>>) target(%dma_start3A_39 : memref<10240xf32, #tpu.memory_space<vmem_shared>>) offsets(%dma_start3A_37 : memref<125xi32, #tpu.memory_space<vmem>>) semaphore(%arg9 : memref<!tpu.dma_semaphore, #tpu.memory_space<semaphore_mem>>) {add = true}
      %mul3A_40 = arith.constant 8 : i32
      %mul3A_41 = arith.muli %scan3A_23, %mul3A_40 : i32
      %add3A_42 = arith.constant 1 : i32
      %add3A_43 = arith.addi %mul3A_41, %add3A_42 : i32
      %mul3A_44 = arith.constant 8 : i32
      %mul3A_45 = arith.muli %scan3A_23, %mul3A_44 : i32
      %add3A_46 = arith.constant 1 : i32
      %add3A_47 = arith.addi %mul3A_45, %add3A_46 : i32
      %dma_start3A_48 = arith.constant 0 : i32
      %dma_start3A_49 = tpu.memref_slice %arg6[%add3A_43, %dma_start3A_48] : memref<80x125xf32, #tpu.memory_space<vmem>> -> memref<1x125xf32, #tpu.memory_space<vmem>>
      %dma_start3A_50 = tpu.memref_squeeze %dma_start3A_49 : memref<1x125xf32, #tpu.memory_space<vmem>> -> memref<125xf32, #tpu.memory_space<vmem>>
      %dma_start3A_51 = arith.constant 0 : i32
      %dma_start3A_52 = tpu.memref_slice %arg5[%add3A_47, %dma_start3A_51] : memref<80x125xi32, #tpu.memory_space<vmem>> -> memref<1x125xi32, #tpu.memory_space<vmem>>
      %dma_start3A_53 = tpu.memref_squeeze %dma_start3A_52 : memref<1x125xi32, #tpu.memory_space<vmem>> -> memref<125xi32, #tpu.memory_space<vmem>>
      %dma_start3A_54 = arith.constant 0 : i32
      %dma_start3A_55 = tpu.memref_slice %arg8[%dma_start3A_54] : memref<10240xf32, #tpu.memory_space<vmem_shared>> -> memref<10240xf32, #tpu.memory_space<vmem_shared>>
      tpu.enqueue_indirect_dma source(%dma_start3A_50 : memref<125xf32, #tpu.memory_space<vmem>>) target(%dma_start3A_55 : memref<10240xf32, #tpu.memory_space<vmem_shared>>) offsets(%dma_start3A_53 : memref<125xi32, #tpu.memory_space<vmem>>) semaphore(%arg9 : memref<!tpu.dma_semaphore, #tpu.memory_space<semaphore_mem>>) {add = true}
      %mul3A_56 = arith.constant 8 : i32
      %mul3A_57 = arith.muli %scan3A_23, %mul3A_56 : i32
      %add3A_58 = arith.constant 2 : i32
      %add3A_59 = arith.addi %mul3A_57, %add3A_58 : i32
      %mul3A_60 = arith.constant 8 : i32
      %mul3A_61 = arith.muli %scan3A_23, %mul3A_60 : i32
      %add3A_62 = arith.constant 2 : i32
      %add3A_63 = arith.addi %mul3A_61, %add3A_62 : i32
      %dma_start3A_64 = arith.constant 0 : i32
      %dma_start3A_65 = tpu.memref_slice %arg6[%add3A_59, %dma_start3A_64] : memref<80x125xf32, #tpu.memory_space<vmem>> -> memref<1x125xf32, #tpu.memory_space<vmem>>
      %dma_start3A_66 = tpu.memref_squeeze %dma_start3A_65 : memref<1x125xf32, #tpu.memory_space<vmem>> -> memref<125xf32, #tpu.memory_space<vmem>>
      %dma_start3A_67 = arith.constant 0 : i32
      %dma_start3A_68 = tpu.memref_slice %arg5[%add3A_63, %dma_start3A_67] : memref<80x125xi32, #tpu.memory_space<vmem>> -> memref<1x125xi32, #tpu.memory_space<vmem>>
      %dma_start3A_69 = tpu.memref_squeeze %dma_start3A_68 : memref<1x125xi32, #tpu.memory_space<vmem>> -> memref<125xi32, #tpu.memory_space<vmem>>
      %dma_start3A_70 = arith.constant 0 : i32
      %dma_start3A_71 = tpu.memref_slice %arg8[%dma_start3A_70] : memref<10240xf32, #tpu.memory_space<vmem_shared>> -> memref<10240xf32, #tpu.memory_space<vmem_shared>>
      tpu.enqueue_indirect_dma source(%dma_start3A_66 : memref<125xf32, #tpu.memory_space<vmem>>) target(%dma_start3A_71 : memref<10240xf32, #tpu.memory_space<vmem_shared>>) offsets(%dma_start3A_69 : memref<125xi32, #tpu.memory_space<vmem>>) semaphore(%arg9 : memref<!tpu.dma_semaphore, #tpu.memory_space<semaphore_mem>>) {add = true}
      %mul3A_72 = arith.constant 8 : i32
      %mul3A_73 = arith.muli %scan3A_23, %mul3A_72 : i32
      %add3A_74 = arith.constant 3 : i32
      %add3A_75 = arith.addi %mul3A_73, %add3A_74 : i32
      %mul3A_76 = arith.constant 8 : i32
      %mul3A_77 = arith.muli %scan3A_23, %mul3A_76 : i32
      %add3A_78 = arith.constant 3 : i32
      %add3A_79 = arith.addi %mul3A_77, %add3A_78 : i32
      %dma_start3A_80 = arith.constant 0 : i32
      %dma_start3A_81 = tpu.memref_slice %arg6[%add3A_75, %dma_start3A_80] : memref<80x125xf32, #tpu.memory_space<vmem>> -> memref<1x125xf32, #tpu.memory_space<vmem>>
      %dma_start3A_82 = tpu.memref_squeeze %dma_start3A_81 : memref<1x125xf32, #tpu.memory_space<vmem>> -> memref<125xf32, #tpu.memory_space<vmem>>
      %dma_start3A_83 = arith.constant 0 : i32
      %dma_start3A_84 = tpu.memref_slice %arg5[%add3A_79, %dma_start3A_83] : memref<80x125xi32, #tpu.memory_space<vmem>> -> memref<1x125xi32, #tpu.memory_space<vmem>>
      %dma_start3A_85 = tpu.memref_squeeze %dma_start3A_84 : memref<1x125xi32, #tpu.memory_space<vmem>> -> memref<125xi32, #tpu.memory_space<vmem>>
      %dma_start3A_86 = arith.constant 0 : i32
      %dma_start3A_87 = tpu.memref_slice %arg8[%dma_start3A_86] : memref<10240xf32, #tpu.memory_space<vmem_shared>> -> memref<10240xf32, #tpu.memory_space<vmem_shared>>
      tpu.enqueue_indirect_dma source(%dma_start3A_82 : memref<125xf32, #tpu.memory_space<vmem>>) target(%dma_start3A_87 : memref<10240xf32, #tpu.memory_space<vmem_shared>>) offsets(%dma_start3A_85 : memref<125xi32, #tpu.memory_space<vmem>>) semaphore(%arg9 : memref<!tpu.dma_semaphore, #tpu.memory_space<semaphore_mem>>) {add = true}
      %mul3A_88 = arith.constant 8 : i32
      %mul3A_89 = arith.muli %scan3A_23, %mul3A_88 : i32
      %add3A_90 = arith.constant 4 : i32
      %add3A_91 = arith.addi %mul3A_89, %add3A_90 : i32
      %mul3A_92 = arith.constant 8 : i32
      %mul3A_93 = arith.muli %scan3A_23, %mul3A_92 : i32
      %add3A_94 = arith.constant 4 : i32
      %add3A_95 = arith.addi %mul3A_93, %add3A_94 : i32
      %dma_start3A_96 = arith.constant 0 : i32
      %dma_start3A_97 = tpu.memref_slice %arg6[%add3A_91, %dma_start3A_96] : memref<80x125xf32, #tpu.memory_space<vmem>> -> memref<1x125xf32, #tpu.memory_space<vmem>>
      %dma_start3A_98 = tpu.memref_squeeze %dma_start3A_97 : memref<1x125xf32, #tpu.memory_space<vmem>> -> memref<125xf32, #tpu.memory_space<vmem>>
      %dma_start3A_99 = arith.constant 0 : i32
      %dma_start3A_100 = tpu.memref_slice %arg5[%add3A_95, %dma_start3A_99] : memref<80x125xi32, #tpu.memory_space<vmem>> -> memref<1x125xi32, #tpu.memory_space<vmem>>
      %dma_start3A_101 = tpu.memref_squeeze %dma_start3A_100 : memref<1x125xi32, #tpu.memory_space<vmem>> -> memref<125xi32, #tpu.memory_space<vmem>>
      %dma_start3A_102 = arith.constant 0 : i32
      %dma_start3A_103 = tpu.memref_slice %arg8[%dma_start3A_102] : memref<10240xf32, #tpu.memory_space<vmem_shared>> -> memref<10240xf32, #tpu.memory_space<vmem_shared>>
      tpu.enqueue_indirect_dma source(%dma_start3A_98 : memref<125xf32, #tpu.memory_space<vmem>>) target(%dma_start3A_103 : memref<10240xf32, #tpu.memory_space<vmem_shared>>) offsets(%dma_start3A_101 : memref<125xi32, #tpu.memory_space<vmem>>) semaphore(%arg9 : memref<!tpu.dma_semaphore, #tpu.memory_space<semaphore_mem>>) {add = true}
      %mul3A_104 = arith.constant 8 : i32
      %mul3A_105 = arith.muli %scan3A_23, %mul3A_104 : i32
      %add3A_106 = arith.constant 5 : i32
      %add3A_107 = arith.addi %mul3A_105, %add3A_106 : i32
      %mul3A_108 = arith.constant 8 : i32
      %mul3A_109 = arith.muli %scan3A_23, %mul3A_108 : i32
      %add3A_110 = arith.constant 5 : i32
      %add3A_111 = arith.addi %mul3A_109, %add3A_110 : i32
      %dma_start3A_112 = arith.constant 0 : i32
      %dma_start3A_113 = tpu.memref_slice %arg6[%add3A_107, %dma_start3A_112] : memref<80x125xf32, #tpu.memory_space<vmem>> -> memref<1x125xf32, #tpu.memory_space<vmem>>
      %dma_start3A_114 = tpu.memref_squeeze %dma_start3A_113 : memref<1x125xf32, #tpu.memory_space<vmem>> -> memref<125xf32, #tpu.memory_space<vmem>>
      %dma_start3A_115 = arith.constant 0 : i32
      %dma_start3A_116 = tpu.memref_slice %arg5[%add3A_111, %dma_start3A_115] : memref<80x125xi32, #tpu.memory_space<vmem>> -> memref<1x125xi32, #tpu.memory_space<vmem>>
      %dma_start3A_117 = tpu.memref_squeeze %dma_start3A_116 : memref<1x125xi32, #tpu.memory_space<vmem>> -> memref<125xi32, #tpu.memory_space<vmem>>
      %dma_start3A_118 = arith.constant 0 : i32
      %dma_start3A_119 = tpu.memref_slice %arg8[%dma_start3A_118] : memref<10240xf32, #tpu.memory_space<vmem_shared>> -> memref<10240xf32, #tpu.memory_space<vmem_shared>>
      tpu.enqueue_indirect_dma source(%dma_start3A_114 : memref<125xf32, #tpu.memory_space<vmem>>) target(%dma_start3A_119 : memref<10240xf32, #tpu.memory_space<vmem_shared>>) offsets(%dma_start3A_117 : memref<125xi32, #tpu.memory_space<vmem>>) semaphore(%arg9 : memref<!tpu.dma_semaphore, #tpu.memory_space<semaphore_mem>>) {add = true}
      %mul3A_120 = arith.constant 8 : i32
      %mul3A_121 = arith.muli %scan3A_23, %mul3A_120 : i32
      %add3A_122 = arith.constant 6 : i32
      %add3A_123 = arith.addi %mul3A_121, %add3A_122 : i32
      %mul3A_124 = arith.constant 8 : i32
      %mul3A_125 = arith.muli %scan3A_23, %mul3A_124 : i32
      %add3A_126 = arith.constant 6 : i32
      %add3A_127 = arith.addi %mul3A_125, %add3A_126 : i32
      %dma_start3A_128 = arith.constant 0 : i32
      %dma_start3A_129 = tpu.memref_slice %arg6[%add3A_123, %dma_start3A_128] : memref<80x125xf32, #tpu.memory_space<vmem>> -> memref<1x125xf32, #tpu.memory_space<vmem>>
      %dma_start3A_130 = tpu.memref_squeeze %dma_start3A_129 : memref<1x125xf32, #tpu.memory_space<vmem>> -> memref<125xf32, #tpu.memory_space<vmem>>
      %dma_start3A_131 = arith.constant 0 : i32
      %dma_start3A_132 = tpu.memref_slice %arg5[%add3A_127, %dma_start3A_131] : memref<80x125xi32, #tpu.memory_space<vmem>> -> memref<1x125xi32, #tpu.memory_space<vmem>>
      %dma_start3A_133 = tpu.memref_squeeze %dma_start3A_132 : memref<1x125xi32, #tpu.memory_space<vmem>> -> memref<125xi32, #tpu.memory_space<vmem>>
      %dma_start3A_134 = arith.constant 0 : i32
      %dma_start3A_135 = tpu.memref_slice %arg8[%dma_start3A_134] : memref<10240xf32, #tpu.memory_space<vmem_shared>> -> memref<10240xf32, #tpu.memory_space<vmem_shared>>
      tpu.enqueue_indirect_dma source(%dma_start3A_130 : memref<125xf32, #tpu.memory_space<vmem>>) target(%dma_start3A_135 : memref<10240xf32, #tpu.memory_space<vmem_shared>>) offsets(%dma_start3A_133 : memref<125xi32, #tpu.memory_space<vmem>>) semaphore(%arg9 : memref<!tpu.dma_semaphore, #tpu.memory_space<semaphore_mem>>) {add = true}
      %mul3A_136 = arith.constant 8 : i32
      %mul3A_137 = arith.muli %scan3A_23, %mul3A_136 : i32
      %add3A_138 = arith.constant 7 : i32
      %add3A_139 = arith.addi %mul3A_137, %add3A_138 : i32
      %mul3A_140 = arith.constant 8 : i32
      %mul3A_141 = arith.muli %scan3A_23, %mul3A_140 : i32
      %add3A_142 = arith.constant 7 : i32
      %add3A_143 = arith.addi %mul3A_141, %add3A_142 : i32
      %dma_start3A_144 = arith.constant 0 : i32
      %dma_start3A_145 = tpu.memref_slice %arg6[%add3A_139, %dma_start3A_144] : memref<80x125xf32, #tpu.memory_space<vmem>> -> memref<1x125xf32, #tpu.memory_space<vmem>>
      %dma_start3A_146 = tpu.memref_squeeze %dma_start3A_145 : memref<1x125xf32, #tpu.memory_space<vmem>> -> memref<125xf32, #tpu.memory_space<vmem>>
      %dma_start3A_147 = arith.constant 0 : i32
      %dma_start3A_148 = tpu.memref_slice %arg5[%add3A_143, %dma_start3A_147] : memref<80x125xi32, #tpu.memory_space<vmem>> -> memref<1x125xi32, #tpu.memory_space<vmem>>
      %dma_start3A_149 = tpu.memref_squeeze %dma_start3A_148 : memref<1x125xi32, #tpu.memory_space<vmem>> -> memref<125xi32, #tpu.memory_space<vmem>>
      %dma_start3A_150 = arith.constant 0 : i32
      %dma_start3A_151 = tpu.memref_slice %arg8[%dma_start3A_150] : memref<10240xf32, #tpu.memory_space<vmem_shared>> -> memref<10240xf32, #tpu.memory_space<vmem_shared>>
      tpu.enqueue_indirect_dma source(%dma_start3A_146 : memref<125xf32, #tpu.memory_space<vmem>>) target(%dma_start3A_151 : memref<10240xf32, #tpu.memory_space<vmem_shared>>) offsets(%dma_start3A_149 : memref<125xi32, #tpu.memory_space<vmem>>) semaphore(%arg9 : memref<!tpu.dma_semaphore, #tpu.memory_space<semaphore_mem>>) {add = true}
      %dma_wait3A = arith.constant 0 : i32
      %dma_wait3A_152 = tpu.memref_slice %arg6[%add3A_28, %dma_wait3A] : memref<80x125xf32, #tpu.memory_space<vmem>> -> memref<1x125xf32, #tpu.memory_space<vmem>>
      %dma_wait3A_153 = tpu.memref_squeeze %dma_wait3A_152 : memref<1x125xf32, #tpu.memory_space<vmem>> -> memref<125xf32, #tpu.memory_space<vmem>>
      %dma_wait3A_154 = arith.constant 0 : i32
      %dma_wait3A_155 = tpu.memref_slice %arg5[%add3A_32, %dma_wait3A_154] : memref<80x125xi32, #tpu.memory_space<vmem>> -> memref<1x125xi32, #tpu.memory_space<vmem>>
      %dma_wait3A_156 = tpu.memref_squeeze %dma_wait3A_155 : memref<1x125xi32, #tpu.memory_space<vmem>> -> memref<125xi32, #tpu.memory_space<vmem>>
      %dma_wait3A_157 = arith.constant 0 : i32
      %dma_wait3A_158 = tpu.memref_slice %arg8[%dma_wait3A_157] : memref<10240xf32, #tpu.memory_space<vmem_shared>> -> memref<10240xf32, #tpu.memory_space<vmem_shared>>
      tpu.wait_indirect_dma semaphore(%arg9 : memref<!tpu.dma_semaphore, #tpu.memory_space<semaphore_mem>>) src(%dma_wait3A_153 : memref<125xf32, #tpu.memory_space<vmem>>) dst(%dma_wait3A_158 : memref<10240xf32, #tpu.memory_space<vmem_shared>>)
      %dma_wait3A_159 = arith.constant 0 : i32
      %dma_wait3A_160 = tpu.memref_slice %arg6[%add3A_43, %dma_wait3A_159] : memref<80x125xf32, #tpu.memory_space<vmem>> -> memref<1x125xf32, #tpu.memory_space<vmem>>
      %dma_wait3A_161 = tpu.memref_squeeze %dma_wait3A_160 : memref<1x125xf32, #tpu.memory_space<vmem>> -> memref<125xf32, #tpu.memory_space<vmem>>
      %dma_wait3A_162 = arith.constant 0 : i32
      %dma_wait3A_163 = tpu.memref_slice %arg5[%add3A_47, %dma_wait3A_162] : memref<80x125xi32, #tpu.memory_space<vmem>> -> memref<1x125xi32, #tpu.memory_space<vmem>>
      %dma_wait3A_164 = tpu.memref_squeeze %dma_wait3A_163 : memref<1x125xi32, #tpu.memory_space<vmem>> -> memref<125xi32, #tpu.memory_space<vmem>>
      %dma_wait3A_165 = arith.constant 0 : i32
      %dma_wait3A_166 = tpu.memref_slice %arg8[%dma_wait3A_165] : memref<10240xf32, #tpu.memory_space<vmem_shared>> -> memref<10240xf32, #tpu.memory_space<vmem_shared>>
      tpu.wait_indirect_dma semaphore(%arg9 : memref<!tpu.dma_semaphore, #tpu.memory_space<semaphore_mem>>) src(%dma_wait3A_161 : memref<125xf32, #tpu.memory_space<vmem>>) dst(%dma_wait3A_166 : memref<10240xf32, #tpu.memory_space<vmem_shared>>)
      %dma_wait3A_167 = arith.constant 0 : i32
      %dma_wait3A_168 = tpu.memref_slice %arg6[%add3A_59, %dma_wait3A_167] : memref<80x125xf32, #tpu.memory_space<vmem>> -> memref<1x125xf32, #tpu.memory_space<vmem>>
      %dma_wait3A_169 = tpu.memref_squeeze %dma_wait3A_168 : memref<1x125xf32, #tpu.memory_space<vmem>> -> memref<125xf32, #tpu.memory_space<vmem>>
      %dma_wait3A_170 = arith.constant 0 : i32
      %dma_wait3A_171 = tpu.memref_slice %arg5[%add3A_63, %dma_wait3A_170] : memref<80x125xi32, #tpu.memory_space<vmem>> -> memref<1x125xi32, #tpu.memory_space<vmem>>
      %dma_wait3A_172 = tpu.memref_squeeze %dma_wait3A_171 : memref<1x125xi32, #tpu.memory_space<vmem>> -> memref<125xi32, #tpu.memory_space<vmem>>
      %dma_wait3A_173 = arith.constant 0 : i32
      %dma_wait3A_174 = tpu.memref_slice %arg8[%dma_wait3A_173] : memref<10240xf32, #tpu.memory_space<vmem_shared>> -> memref<10240xf32, #tpu.memory_space<vmem_shared>>
      tpu.wait_indirect_dma semaphore(%arg9 : memref<!tpu.dma_semaphore, #tpu.memory_space<semaphore_mem>>) src(%dma_wait3A_169 : memref<125xf32, #tpu.memory_space<vmem>>) dst(%dma_wait3A_174 : memref<10240xf32, #tpu.memory_space<vmem_shared>>)
      %dma_wait3A_175 = arith.constant 0 : i32
      %dma_wait3A_176 = tpu.memref_slice %arg6[%add3A_75, %dma_wait3A_175] : memref<80x125xf32, #tpu.memory_space<vmem>> -> memref<1x125xf32, #tpu.memory_space<vmem>>
      %dma_wait3A_177 = tpu.memref_squeeze %dma_wait3A_176 : memref<1x125xf32, #tpu.memory_space<vmem>> -> memref<125xf32, #tpu.memory_space<vmem>>
      %dma_wait3A_178 = arith.constant 0 : i32
      %dma_wait3A_179 = tpu.memref_slice %arg5[%add3A_79, %dma_wait3A_178] : memref<80x125xi32, #tpu.memory_space<vmem>> -> memref<1x125xi32, #tpu.memory_space<vmem>>
      %dma_wait3A_180 = tpu.memref_squeeze %dma_wait3A_179 : memref<1x125xi32, #tpu.memory_space<vmem>> -> memref<125xi32, #tpu.memory_space<vmem>>
      %dma_wait3A_181 = arith.constant 0 : i32
      %dma_wait3A_182 = tpu.memref_slice %arg8[%dma_wait3A_181] : memref<10240xf32, #tpu.memory_space<vmem_shared>> -> memref<10240xf32, #tpu.memory_space<vmem_shared>>
      tpu.wait_indirect_dma semaphore(%arg9 : memref<!tpu.dma_semaphore, #tpu.memory_space<semaphore_mem>>) src(%dma_wait3A_177 : memref<125xf32, #tpu.memory_space<vmem>>) dst(%dma_wait3A_182 : memref<10240xf32, #tpu.memory_space<vmem_shared>>)
      %dma_wait3A_183 = arith.constant 0 : i32
      %dma_wait3A_184 = tpu.memref_slice %arg6[%add3A_91, %dma_wait3A_183] : memref<80x125xf32, #tpu.memory_space<vmem>> -> memref<1x125xf32, #tpu.memory_space<vmem>>
      %dma_wait3A_185 = tpu.memref_squeeze %dma_wait3A_184 : memref<1x125xf32, #tpu.memory_space<vmem>> -> memref<125xf32, #tpu.memory_space<vmem>>
      %dma_wait3A_186 = arith.constant 0 : i32
      %dma_wait3A_187 = tpu.memref_slice %arg5[%add3A_95, %dma_wait3A_186] : memref<80x125xi32, #tpu.memory_space<vmem>> -> memref<1x125xi32, #tpu.memory_space<vmem>>
      %dma_wait3A_188 = tpu.memref_squeeze %dma_wait3A_187 : memref<1x125xi32, #tpu.memory_space<vmem>> -> memref<125xi32, #tpu.memory_space<vmem>>
      %dma_wait3A_189 = arith.constant 0 : i32
      %dma_wait3A_190 = tpu.memref_slice %arg8[%dma_wait3A_189] : memref<10240xf32, #tpu.memory_space<vmem_shared>> -> memref<10240xf32, #tpu.memory_space<vmem_shared>>
      tpu.wait_indirect_dma semaphore(%arg9 : memref<!tpu.dma_semaphore, #tpu.memory_space<semaphore_mem>>) src(%dma_wait3A_185 : memref<125xf32, #tpu.memory_space<vmem>>) dst(%dma_wait3A_190 : memref<10240xf32, #tpu.memory_space<vmem_shared>>)
      %dma_wait3A_191 = arith.constant 0 : i32
      %dma_wait3A_192 = tpu.memref_slice %arg6[%add3A_107, %dma_wait3A_191] : memref<80x125xf32, #tpu.memory_space<vmem>> -> memref<1x125xf32, #tpu.memory_space<vmem>>
      %dma_wait3A_193 = tpu.memref_squeeze %dma_wait3A_192 : memref<1x125xf32, #tpu.memory_space<vmem>> -> memref<125xf32, #tpu.memory_space<vmem>>
      %dma_wait3A_194 = arith.constant 0 : i32
      %dma_wait3A_195 = tpu.memref_slice %arg5[%add3A_111, %dma_wait3A_194] : memref<80x125xi32, #tpu.memory_space<vmem>> -> memref<1x125xi32, #tpu.memory_space<vmem>>
      %dma_wait3A_196 = tpu.memref_squeeze %dma_wait3A_195 : memref<1x125xi32, #tpu.memory_space<vmem>> -> memref<125xi32, #tpu.memory_space<vmem>>
      %dma_wait3A_197 = arith.constant 0 : i32
      %dma_wait3A_198 = tpu.memref_slice %arg8[%dma_wait3A_197] : memref<10240xf32, #tpu.memory_space<vmem_shared>> -> memref<10240xf32, #tpu.memory_space<vmem_shared>>
      tpu.wait_indirect_dma semaphore(%arg9 : memref<!tpu.dma_semaphore, #tpu.memory_space<semaphore_mem>>) src(%dma_wait3A_193 : memref<125xf32, #tpu.memory_space<vmem>>) dst(%dma_wait3A_198 : memref<10240xf32, #tpu.memory_space<vmem_shared>>)
      %dma_wait3A_199 = arith.constant 0 : i32
      %dma_wait3A_200 = tpu.memref_slice %arg6[%add3A_123, %dma_wait3A_199] : memref<80x125xf32, #tpu.memory_space<vmem>> -> memref<1x125xf32, #tpu.memory_space<vmem>>
      %dma_wait3A_201 = tpu.memref_squeeze %dma_wait3A_200 : memref<1x125xf32, #tpu.memory_space<vmem>> -> memref<125xf32, #tpu.memory_space<vmem>>
      %dma_wait3A_202 = arith.constant 0 : i32
      %dma_wait3A_203 = tpu.memref_slice %arg5[%add3A_127, %dma_wait3A_202] : memref<80x125xi32, #tpu.memory_space<vmem>> -> memref<1x125xi32, #tpu.memory_space<vmem>>
      %dma_wait3A_204 = tpu.memref_squeeze %dma_wait3A_203 : memref<1x125xi32, #tpu.memory_space<vmem>> -> memref<125xi32, #tpu.memory_space<vmem>>
      %dma_wait3A_205 = arith.constant 0 : i32
      %dma_wait3A_206 = tpu.memref_slice %arg8[%dma_wait3A_205] : memref<10240xf32, #tpu.memory_space<vmem_shared>> -> memref<10240xf32, #tpu.memory_space<vmem_shared>>
      tpu.wait_indirect_dma semaphore(%arg9 : memref<!tpu.dma_semaphore, #tpu.memory_space<semaphore_mem>>) src(%dma_wait3A_201 : memref<125xf32, #tpu.memory_space<vmem>>) dst(%dma_wait3A_206 : memref<10240xf32, #tpu.memory_space<vmem_shared>>)
      %dma_wait3A_207 = arith.constant 0 : i32
      %dma_wait3A_208 = tpu.memref_slice %arg6[%add3A_139, %dma_wait3A_207] : memref<80x125xf32, #tpu.memory_space<vmem>> -> memref<1x125xf32, #tpu.memory_space<vmem>>
      %dma_wait3A_209 = tpu.memref_squeeze %dma_wait3A_208 : memref<1x125xf32, #tpu.memory_space<vmem>> -> memref<125xf32, #tpu.memory_space<vmem>>
      %dma_wait3A_210 = arith.constant 0 : i32
      %dma_wait3A_211 = tpu.memref_slice %arg5[%add3A_143, %dma_wait3A_210] : memref<80x125xi32, #tpu.memory_space<vmem>> -> memref<1x125xi32, #tpu.memory_space<vmem>>
      %dma_wait3A_212 = tpu.memref_squeeze %dma_wait3A_211 : memref<1x125xi32, #tpu.memory_space<vmem>> -> memref<125xi32, #tpu.memory_space<vmem>>
      %dma_wait3A_213 = arith.constant 0 : i32
      %dma_wait3A_214 = tpu.memref_slice %arg8[%dma_wait3A_213] : memref<10240xf32, #tpu.memory_space<vmem_shared>> -> memref<10240xf32, #tpu.memory_space<vmem_shared>>
      tpu.wait_indirect_dma semaphore(%arg9 : memref<!tpu.dma_semaphore, #tpu.memory_space<semaphore_mem>>) src(%dma_wait3A_209 : memref<125xf32, #tpu.memory_space<vmem>>) dst(%dma_wait3A_214 : memref<10240xf32, #tpu.memory_space<vmem_shared>>)
      %scan3A_215 = arith.constant 0 : i32
      scf.yield %scan3A_215 : i32
    }
    %scan3A_17 = arith.constant 10 : i32
    %barrier3A_18 = arith.constant 0 : index
    tpu.barrier barrier_id(%barrier3A_18)
    %mul3A_19 = arith.constant 640 : i32
    %mul3A_20 = arith.muli %arg1, %mul3A_19 : i32
    %mul3A_21 = arith.constant 640 : i32
    %mul3A_22 = arith.muli %arg1, %mul3A_21 : i32
    "tpu.region"() ({
      %run_scoped3A = tpu.sem_alloc : memref<!tpu.dma_semaphore, #tpu.memory_space<semaphore_mem>>
      %dma_start3A = tpu.memref_slice %arg4[%arg0, %mul3A_22] : memref<2x10240xf32, #tpu.memory_space<hbm>> -> memref<1x640xf32, #tpu.memory_space<hbm>>
      %dma_start3A_23 = tpu.memref_squeeze %dma_start3A : memref<1x640xf32, #tpu.memory_space<hbm>> -> memref<640xf32, #tpu.memory_space<hbm>>
      %dma_start3A_24 = tpu.memref_slice %arg8[%mul3A_20] : memref<10240xf32, #tpu.memory_space<vmem_shared>> -> memref<640xf32, #tpu.memory_space<vmem_shared>>
      tpu.enqueue_dma source(%dma_start3A_24 : memref<640xf32, #tpu.memory_space<vmem_shared>>) target(%dma_start3A_23 : memref<640xf32, #tpu.memory_space<hbm>>) target_semaphore(%run_scoped3A : memref<!tpu.dma_semaphore, #tpu.memory_space<semaphore_mem>>)
      %dma_wait3A = tpu.memref_slice %arg4[%arg0, %mul3A_22] : memref<2x10240xf32, #tpu.memory_space<hbm>> -> memref<1x640xf32, #tpu.memory_space<hbm>>
      %dma_wait3A_25 = tpu.memref_squeeze %dma_wait3A : memref<1x640xf32, #tpu.memory_space<hbm>> -> memref<640xf32, #tpu.memory_space<hbm>>
      %dma_wait3A_26 = tpu.memref_slice %arg8[%mul3A_20] : memref<10240xf32, #tpu.memory_space<vmem_shared>> -> memref<640xf32, #tpu.memory_space<vmem_shared>>
      tpu.wait_dma2 semaphore(%run_scoped3A : memref<!tpu.dma_semaphore, #tpu.memory_space<semaphore_mem>>) src(%dma_wait3A_26 : memref<640xf32, #tpu.memory_space<vmem_shared>>) dst(%dma_wait3A_25 : memref<640xf32, #tpu.memory_space<hbm>>)
      tpu.yield
    }) : () -> ()
    return
  }
}

#map = affine_map<(d0, d1) -> (0, 0)>
#map1 = affine_map<(d0, d1) -> (0, 0, 0)>
module attributes {stable_mosaic.version = 14 : i64} {
  func.func @_acc_body(%arg0: i32, %arg1: i32, %arg2: memref<10000x32xf32, #tpu.memory_space<hbm>>, %arg3: memref<2560x125xi32, #tpu.memory_space<hbm>>, %arg4: memref<2560x125xi32, #tpu.memory_space<hbm>>, %arg5: memref<2560x125xf32, #tpu.memory_space<hbm>>, %arg6: memref<2x10240x32xf32, #tpu.memory_space<hbm>>, %arg7: memref<80x125xi32, #tpu.memory_space<vmem>>, %arg8: memref<80x125xi32, #tpu.memory_space<vmem>>, %arg9: memref<80x125xf32, #tpu.memory_space<vmem>>, %arg10: memref<125x32xf32, #tpu.memory_space<vmem>>, %arg11: memref<125x32xf32, #tpu.memory_space<vmem>>, %arg12: memref<125x32xf32, #tpu.memory_space<vmem>>, %arg13: memref<125x32xf32, #tpu.memory_space<vmem>>, %arg14: memref<125x32xf32, #tpu.memory_space<vmem>>, %arg15: memref<125x32xf32, #tpu.memory_space<vmem>>, %arg16: memref<125x32xf32, #tpu.memory_space<vmem>>, %arg17: memref<125x32xf32, #tpu.memory_space<vmem>>, %arg18: memref<10240x32xf32, #tpu.memory_space<vmem_shared>>, %arg19: memref<!tpu.dma_semaphore, #tpu.memory_space<semaphore_mem>>, %arg20: memref<!tpu.dma_semaphore, #tpu.memory_space<semaphore_mem>>) attributes {dimension_semantics = [#tpu.dimension_semantics<core_parallel>, #tpu.dimension_semantics<subcore_parallel>], iteration_bounds = array<i64: 2, 16>, scalar_prefetch = 0 : i64, scratch_operands = 14 : i64, tpu.core_type = #tpu.core_type<sc_vector_subcore>, window_params = [{transform_indices = #map}, {transform_indices = #map}, {transform_indices = #map}, {transform_indices = #map}, {transform_indices = #map1}]} {
    %scan3A = arith.constant 0 : i32
    %scan3A_0 = arith.constant 0 : i32
    %scan3A_1 = arith.constant 80 : i32
    %scan3A_2 = arith.addi %scan3A_0, %scan3A_1 : i32
    %scan3A_3 = arith.constant 1 : i32
    %scan3A_4 = scf.for %scan3A_60 = %scan3A_0 to %scan3A_2 step %scan3A_3 iter_args(%scan3A_61 = %scan3A) -> (i32)  : i32 {
      %broadcast_in_dim3A = arith.constant 0.000000e+00 : f32
      %broadcast_in_dim3A_62 = vector.broadcast %broadcast_in_dim3A : f32 to vector<16xf32>
      %swap3A = arith.index_cast %scan3A_60 : i32 to index
      %swap3A_63 = arith.constant 0 : index
      %swap3A_64 = tpu.vector_load %arg10[%swap3A, %swap3A_63] {strides = array<i32>} : memref<125x32xf32, #tpu.memory_space<vmem>>, vector<16xf32>,
      tpu.vector_store %arg10[%swap3A, %swap3A_63], %broadcast_in_dim3A_62 {strides = array<i32>} : memref<125x32xf32, #tpu.memory_space<vmem>>, vector<16xf32>,
      %broadcast_in_dim3A_65 = arith.constant 0.000000e+00 : f32
      %broadcast_in_dim3A_66 = vector.broadcast %broadcast_in_dim3A_65 : f32 to vector<16xf32>
      %swap3A_67 = arith.index_cast %scan3A_60 : i32 to index
      %swap3A_68 = arith.constant 16 : index
      %swap3A_69 = tpu.vector_load %arg10[%swap3A_67, %swap3A_68] {strides = array<i32>} : memref<125x32xf32, #tpu.memory_space<vmem>>, vector<16xf32>,
      tpu.vector_store %arg10[%swap3A_67, %swap3A_68], %broadcast_in_dim3A_66 {strides = array<i32>} : memref<125x32xf32, #tpu.memory_space<vmem>>, vector<16xf32>,
      %scan3A_70 = arith.constant 0 : i32
      scf.yield %scan3A_70 : i32
    }
    %scan3A_5 = arith.constant 80 : i32
    %mul3A = arith.constant 640 : i32
    %mul3A_6 = arith.muli %arg1, %mul3A : i32
    %add3A = arith.constant 0 : i32
    %add3A_7 = arith.addi %mul3A_6, %add3A : i32
    "tpu.region"() ({
      %run_scoped3A = tpu.sem_alloc : memref<!tpu.dma_semaphore, #tpu.memory_space<semaphore_mem>>
      %dma_start3A = arith.constant 0 : i32
      %dma_start3A_60 = arith.constant 0 : i32
      %dma_start3A_61 = tpu.memref_slice %arg10[%dma_start3A, %dma_start3A_60] : memref<125x32xf32, #tpu.memory_space<vmem>> -> memref<80x32xf32, #tpu.memory_space<vmem>>
      %dma_start3A_62 = arith.constant 0 : i32
      %dma_start3A_63 = tpu.memref_slice %arg18[%add3A_7, %dma_start3A_62] : memref<10240x32xf32, #tpu.memory_space<vmem_shared>> -> memref<80x32xf32, #tpu.memory_space<vmem_shared>>
      %dma_start3A_64 = arith.constant 0 : i32
      %dma_start3A_65 = tpu.memref_slice %arg18[%add3A_7, %dma_start3A_64] : memref<10240x32xf32, #tpu.memory_space<vmem_shared>> -> memref<80x32xf32, #tpu.memory_space<vmem_shared>>
      %dma_start3A_66 = arith.constant 0 : i32
      %dma_start3A_67 = arith.constant 0 : i32
      %dma_start3A_68 = tpu.memref_slice %arg10[%dma_start3A_66, %dma_start3A_67] : memref<125x32xf32, #tpu.memory_space<vmem>> -> memref<80x32xf32, #tpu.memory_space<vmem>>
      tpu.enqueue_dma source(%dma_start3A_68 : memref<80x32xf32, #tpu.memory_space<vmem>>) target(%dma_start3A_65 : memref<80x32xf32, #tpu.memory_space<vmem_shared>>) target_semaphore(%run_scoped3A : memref<!tpu.dma_semaphore, #tpu.memory_space<semaphore_mem>>)
      %dma_wait3A = arith.constant 0 : i32
      %dma_wait3A_69 = arith.constant 0 : i32
      %dma_wait3A_70 = tpu.memref_slice %arg10[%dma_wait3A, %dma_wait3A_69] : memref<125x32xf32, #tpu.memory_space<vmem>> -> memref<80x32xf32, #tpu.memory_space<vmem>>
      %dma_wait3A_71 = arith.constant 0 : i32
      %dma_wait3A_72 = tpu.memref_slice %arg18[%add3A_7, %dma_wait3A_71] : memref<10240x32xf32, #tpu.memory_space<vmem_shared>> -> memref<80x32xf32, #tpu.memory_space<vmem_shared>>
      %dma_wait3A_73 = arith.constant 0 : i32
      %dma_wait3A_74 = tpu.memref_slice %arg18[%add3A_7, %dma_wait3A_73] : memref<10240x32xf32, #tpu.memory_space<vmem_shared>> -> memref<80x32xf32, #tpu.memory_space<vmem_shared>>
      %dma_wait3A_75 = arith.constant 0 : i32
      %dma_wait3A_76 = arith.constant 0 : i32
      %dma_wait3A_77 = tpu.memref_slice %arg10[%dma_wait3A_75, %dma_wait3A_76] : memref<125x32xf32, #tpu.memory_space<vmem>> -> memref<80x32xf32, #tpu.memory_space<vmem>>
      tpu.wait_dma2 semaphore(%run_scoped3A : memref<!tpu.dma_semaphore, #tpu.memory_space<semaphore_mem>>) src(%dma_wait3A_77 : memref<80x32xf32, #tpu.memory_space<vmem>>) dst(%dma_wait3A_74 : memref<80x32xf32, #tpu.memory_space<vmem_shared>>)
      tpu.yield
    }) : () -> ()
    %mul3A_8 = arith.constant 640 : i32
    %mul3A_9 = arith.muli %arg1, %mul3A_8 : i32
    %add3A_10 = arith.constant 80 : i32
    %add3A_11 = arith.addi %mul3A_9, %add3A_10 : i32
    "tpu.region"() ({
      %run_scoped3A = tpu.sem_alloc : memref<!tpu.dma_semaphore, #tpu.memory_space<semaphore_mem>>
      %dma_start3A = arith.constant 0 : i32
      %dma_start3A_60 = arith.constant 0 : i32
      %dma_start3A_61 = tpu.memref_slice %arg10[%dma_start3A, %dma_start3A_60] : memref<125x32xf32, #tpu.memory_space<vmem>> -> memref<80x32xf32, #tpu.memory_space<vmem>>
      %dma_start3A_62 = arith.constant 0 : i32
      %dma_start3A_63 = tpu.memref_slice %arg18[%add3A_11, %dma_start3A_62] : memref<10240x32xf32, #tpu.memory_space<vmem_shared>> -> memref<80x32xf32, #tpu.memory_space<vmem_shared>>
      %dma_start3A_64 = arith.constant 0 : i32
      %dma_start3A_65 = tpu.memref_slice %arg18[%add3A_11, %dma_start3A_64] : memref<10240x32xf32, #tpu.memory_space<vmem_shared>> -> memref<80x32xf32, #tpu.memory_space<vmem_shared>>
      %dma_start3A_66 = arith.constant 0 : i32
      %dma_start3A_67 = arith.constant 0 : i32
      %dma_start3A_68 = tpu.memref_slice %arg10[%dma_start3A_66, %dma_start3A_67] : memref<125x32xf32, #tpu.memory_space<vmem>> -> memref<80x32xf32, #tpu.memory_space<vmem>>
      tpu.enqueue_dma source(%dma_start3A_68 : memref<80x32xf32, #tpu.memory_space<vmem>>) target(%dma_start3A_65 : memref<80x32xf32, #tpu.memory_space<vmem_shared>>) target_semaphore(%run_scoped3A : memref<!tpu.dma_semaphore, #tpu.memory_space<semaphore_mem>>)
      %dma_wait3A = arith.constant 0 : i32
      %dma_wait3A_69 = arith.constant 0 : i32
      %dma_wait3A_70 = tpu.memref_slice %arg10[%dma_wait3A, %dma_wait3A_69] : memref<125x32xf32, #tpu.memory_space<vmem>> -> memref<80x32xf32, #tpu.memory_space<vmem>>
      %dma_wait3A_71 = arith.constant 0 : i32
      %dma_wait3A_72 = tpu.memref_slice %arg18[%add3A_11, %dma_wait3A_71] : memref<10240x32xf32, #tpu.memory_space<vmem_shared>> -> memref<80x32xf32, #tpu.memory_space<vmem_shared>>
      %dma_wait3A_73 = arith.constant 0 : i32
      %dma_wait3A_74 = tpu.memref_slice %arg18[%add3A_11, %dma_wait3A_73] : memref<10240x32xf32, #tpu.memory_space<vmem_shared>> -> memref<80x32xf32, #tpu.memory_space<vmem_shared>>
      %dma_wait3A_75 = arith.constant 0 : i32
      %dma_wait3A_76 = arith.constant 0 : i32
      %dma_wait3A_77 = tpu.memref_slice %arg10[%dma_wait3A_75, %dma_wait3A_76] : memref<125x32xf32, #tpu.memory_space<vmem>> -> memref<80x32xf32, #tpu.memory_space<vmem>>
      tpu.wait_dma2 semaphore(%run_scoped3A : memref<!tpu.dma_semaphore, #tpu.memory_space<semaphore_mem>>) src(%dma_wait3A_77 : memref<80x32xf32, #tpu.memory_space<vmem>>) dst(%dma_wait3A_74 : memref<80x32xf32, #tpu.memory_space<vmem_shared>>)
      tpu.yield
    }) : () -> ()
    %mul3A_12 = arith.constant 640 : i32
    %mul3A_13 = arith.muli %arg1, %mul3A_12 : i32
    %add3A_14 = arith.constant 160 : i32
    %add3A_15 = arith.addi %mul3A_13, %add3A_14 : i32
    "tpu.region"() ({
      %run_scoped3A = tpu.sem_alloc : memref<!tpu.dma_semaphore, #tpu.memory_space<semaphore_mem>>
      %dma_start3A = arith.constant 0 : i32
      %dma_start3A_60 = arith.constant 0 : i32
      %dma_start3A_61 = tpu.memref_slice %arg10[%dma_start3A, %dma_start3A_60] : memref<125x32xf32, #tpu.memory_space<vmem>> -> memref<80x32xf32, #tpu.memory_space<vmem>>
      %dma_start3A_62 = arith.constant 0 : i32
      %dma_start3A_63 = tpu.memref_slice %arg18[%add3A_15, %dma_start3A_62] : memref<10240x32xf32, #tpu.memory_space<vmem_shared>> -> memref<80x32xf32, #tpu.memory_space<vmem_shared>>
      %dma_start3A_64 = arith.constant 0 : i32
      %dma_start3A_65 = tpu.memref_slice %arg18[%add3A_15, %dma_start3A_64] : memref<10240x32xf32, #tpu.memory_space<vmem_shared>> -> memref<80x32xf32, #tpu.memory_space<vmem_shared>>
      %dma_start3A_66 = arith.constant 0 : i32
      %dma_start3A_67 = arith.constant 0 : i32
      %dma_start3A_68 = tpu.memref_slice %arg10[%dma_start3A_66, %dma_start3A_67] : memref<125x32xf32, #tpu.memory_space<vmem>> -> memref<80x32xf32, #tpu.memory_space<vmem>>
      tpu.enqueue_dma source(%dma_start3A_68 : memref<80x32xf32, #tpu.memory_space<vmem>>) target(%dma_start3A_65 : memref<80x32xf32, #tpu.memory_space<vmem_shared>>) target_semaphore(%run_scoped3A : memref<!tpu.dma_semaphore, #tpu.memory_space<semaphore_mem>>)
      %dma_wait3A = arith.constant 0 : i32
      %dma_wait3A_69 = arith.constant 0 : i32
      %dma_wait3A_70 = tpu.memref_slice %arg10[%dma_wait3A, %dma_wait3A_69] : memref<125x32xf32, #tpu.memory_space<vmem>> -> memref<80x32xf32, #tpu.memory_space<vmem>>
      %dma_wait3A_71 = arith.constant 0 : i32
      %dma_wait3A_72 = tpu.memref_slice %arg18[%add3A_15, %dma_wait3A_71] : memref<10240x32xf32, #tpu.memory_space<vmem_shared>> -> memref<80x32xf32, #tpu.memory_space<vmem_shared>>
      %dma_wait3A_73 = arith.constant 0 : i32
      %dma_wait3A_74 = tpu.memref_slice %arg18[%add3A_15, %dma_wait3A_73] : memref<10240x32xf32, #tpu.memory_space<vmem_shared>> -> memref<80x32xf32, #tpu.memory_space<vmem_shared>>
      %dma_wait3A_75 = arith.constant 0 : i32
      %dma_wait3A_76 = arith.constant 0 : i32
      %dma_wait3A_77 = tpu.memref_slice %arg10[%dma_wait3A_75, %dma_wait3A_76] : memref<125x32xf32, #tpu.memory_space<vmem>> -> memref<80x32xf32, #tpu.memory_space<vmem>>
      tpu.wait_dma2 semaphore(%run_scoped3A : memref<!tpu.dma_semaphore, #tpu.memory_space<semaphore_mem>>) src(%dma_wait3A_77 : memref<80x32xf32, #tpu.memory_space<vmem>>) dst(%dma_wait3A_74 : memref<80x32xf32, #tpu.memory_space<vmem_shared>>)
      tpu.yield
    }) : () -> ()
    %mul3A_16 = arith.constant 640 : i32
    %mul3A_17 = arith.muli %arg1, %mul3A_16 : i32
    %add3A_18 = arith.constant 240 : i32
    %add3A_19 = arith.addi %mul3A_17, %add3A_18 : i32
    "tpu.region"() ({
      %run_scoped3A = tpu.sem_alloc : memref<!tpu.dma_semaphore, #tpu.memory_space<semaphore_mem>>
      %dma_start3A = arith.constant 0 : i32
      %dma_start3A_60 = arith.constant 0 : i32
      %dma_start3A_61 = tpu.memref_slice %arg10[%dma_start3A, %dma_start3A_60] : memref<125x32xf32, #tpu.memory_space<vmem>> -> memref<80x32xf32, #tpu.memory_space<vmem>>
      %dma_start3A_62 = arith.constant 0 : i32
      %dma_start3A_63 = tpu.memref_slice %arg18[%add3A_19, %dma_start3A_62] : memref<10240x32xf32, #tpu.memory_space<vmem_shared>> -> memref<80x32xf32, #tpu.memory_space<vmem_shared>>
      %dma_start3A_64 = arith.constant 0 : i32
      %dma_start3A_65 = tpu.memref_slice %arg18[%add3A_19, %dma_start3A_64] : memref<10240x32xf32, #tpu.memory_space<vmem_shared>> -> memref<80x32xf32, #tpu.memory_space<vmem_shared>>
      %dma_start3A_66 = arith.constant 0 : i32
      %dma_start3A_67 = arith.constant 0 : i32
      %dma_start3A_68 = tpu.memref_slice %arg10[%dma_start3A_66, %dma_start3A_67] : memref<125x32xf32, #tpu.memory_space<vmem>> -> memref<80x32xf32, #tpu.memory_space<vmem>>
      tpu.enqueue_dma source(%dma_start3A_68 : memref<80x32xf32, #tpu.memory_space<vmem>>) target(%dma_start3A_65 : memref<80x32xf32, #tpu.memory_space<vmem_shared>>) target_semaphore(%run_scoped3A : memref<!tpu.dma_semaphore, #tpu.memory_space<semaphore_mem>>)
      %dma_wait3A = arith.constant 0 : i32
      %dma_wait3A_69 = arith.constant 0 : i32
      %dma_wait3A_70 = tpu.memref_slice %arg10[%dma_wait3A, %dma_wait3A_69] : memref<125x32xf32, #tpu.memory_space<vmem>> -> memref<80x32xf32, #tpu.memory_space<vmem>>
      %dma_wait3A_71 = arith.constant 0 : i32
      %dma_wait3A_72 = tpu.memref_slice %arg18[%add3A_19, %dma_wait3A_71] : memref<10240x32xf32, #tpu.memory_space<vmem_shared>> -> memref<80x32xf32, #tpu.memory_space<vmem_shared>>
      %dma_wait3A_73 = arith.constant 0 : i32
      %dma_wait3A_74 = tpu.memref_slice %arg18[%add3A_19, %dma_wait3A_73] : memref<10240x32xf32, #tpu.memory_space<vmem_shared>> -> memref<80x32xf32, #tpu.memory_space<vmem_shared>>
      %dma_wait3A_75 = arith.constant 0 : i32
      %dma_wait3A_76 = arith.constant 0 : i32
      %dma_wait3A_77 = tpu.memref_slice %arg10[%dma_wait3A_75, %dma_wait3A_76] : memref<125x32xf32, #tpu.memory_space<vmem>> -> memref<80x32xf32, #tpu.memory_space<vmem>>
      tpu.wait_dma2 semaphore(%run_scoped3A : memref<!tpu.dma_semaphore, #tpu.memory_space<semaphore_mem>>) src(%dma_wait3A_77 : memref<80x32xf32, #tpu.memory_space<vmem>>) dst(%dma_wait3A_74 : memref<80x32xf32, #tpu.memory_space<vmem_shared>>)
      tpu.yield
    }) : () -> ()
    %mul3A_20 = arith.constant 640 : i32
    %mul3A_21 = arith.muli %arg1, %mul3A_20 : i32
    %add3A_22 = arith.constant 320 : i32
    %add3A_23 = arith.addi %mul3A_21, %add3A_22 : i32
    "tpu.region"() ({
      %run_scoped3A = tpu.sem_alloc : memref<!tpu.dma_semaphore, #tpu.memory_space<semaphore_mem>>
      %dma_start3A = arith.constant 0 : i32
      %dma_start3A_60 = arith.constant 0 : i32
      %dma_start3A_61 = tpu.memref_slice %arg10[%dma_start3A, %dma_start3A_60] : memref<125x32xf32, #tpu.memory_space<vmem>> -> memref<80x32xf32, #tpu.memory_space<vmem>>
      %dma_start3A_62 = arith.constant 0 : i32
      %dma_start3A_63 = tpu.memref_slice %arg18[%add3A_23, %dma_start3A_62] : memref<10240x32xf32, #tpu.memory_space<vmem_shared>> -> memref<80x32xf32, #tpu.memory_space<vmem_shared>>
      %dma_start3A_64 = arith.constant 0 : i32
      %dma_start3A_65 = tpu.memref_slice %arg18[%add3A_23, %dma_start3A_64] : memref<10240x32xf32, #tpu.memory_space<vmem_shared>> -> memref<80x32xf32, #tpu.memory_space<vmem_shared>>
      %dma_start3A_66 = arith.constant 0 : i32
      %dma_start3A_67 = arith.constant 0 : i32
      %dma_start3A_68 = tpu.memref_slice %arg10[%dma_start3A_66, %dma_start3A_67] : memref<125x32xf32, #tpu.memory_space<vmem>> -> memref<80x32xf32, #tpu.memory_space<vmem>>
      tpu.enqueue_dma source(%dma_start3A_68 : memref<80x32xf32, #tpu.memory_space<vmem>>) target(%dma_start3A_65 : memref<80x32xf32, #tpu.memory_space<vmem_shared>>) target_semaphore(%run_scoped3A : memref<!tpu.dma_semaphore, #tpu.memory_space<semaphore_mem>>)
      %dma_wait3A = arith.constant 0 : i32
      %dma_wait3A_69 = arith.constant 0 : i32
      %dma_wait3A_70 = tpu.memref_slice %arg10[%dma_wait3A, %dma_wait3A_69] : memref<125x32xf32, #tpu.memory_space<vmem>> -> memref<80x32xf32, #tpu.memory_space<vmem>>
      %dma_wait3A_71 = arith.constant 0 : i32
      %dma_wait3A_72 = tpu.memref_slice %arg18[%add3A_23, %dma_wait3A_71] : memref<10240x32xf32, #tpu.memory_space<vmem_shared>> -> memref<80x32xf32, #tpu.memory_space<vmem_shared>>
      %dma_wait3A_73 = arith.constant 0 : i32
      %dma_wait3A_74 = tpu.memref_slice %arg18[%add3A_23, %dma_wait3A_73] : memref<10240x32xf32, #tpu.memory_space<vmem_shared>> -> memref<80x32xf32, #tpu.memory_space<vmem_shared>>
      %dma_wait3A_75 = arith.constant 0 : i32
      %dma_wait3A_76 = arith.constant 0 : i32
      %dma_wait3A_77 = tpu.memref_slice %arg10[%dma_wait3A_75, %dma_wait3A_76] : memref<125x32xf32, #tpu.memory_space<vmem>> -> memref<80x32xf32, #tpu.memory_space<vmem>>
      tpu.wait_dma2 semaphore(%run_scoped3A : memref<!tpu.dma_semaphore, #tpu.memory_space<semaphore_mem>>) src(%dma_wait3A_77 : memref<80x32xf32, #tpu.memory_space<vmem>>) dst(%dma_wait3A_74 : memref<80x32xf32, #tpu.memory_space<vmem_shared>>)
      tpu.yield
    }) : () -> ()
    %mul3A_24 = arith.constant 640 : i32
    %mul3A_25 = arith.muli %arg1, %mul3A_24 : i32
    %add3A_26 = arith.constant 400 : i32
    %add3A_27 = arith.addi %mul3A_25, %add3A_26 : i32
    "tpu.region"() ({
      %run_scoped3A = tpu.sem_alloc : memref<!tpu.dma_semaphore, #tpu.memory_space<semaphore_mem>>
      %dma_start3A = arith.constant 0 : i32
      %dma_start3A_60 = arith.constant 0 : i32
      %dma_start3A_61 = tpu.memref_slice %arg10[%dma_start3A, %dma_start3A_60] : memref<125x32xf32, #tpu.memory_space<vmem>> -> memref<80x32xf32, #tpu.memory_space<vmem>>
      %dma_start3A_62 = arith.constant 0 : i32
      %dma_start3A_63 = tpu.memref_slice %arg18[%add3A_27, %dma_start3A_62] : memref<10240x32xf32, #tpu.memory_space<vmem_shared>> -> memref<80x32xf32, #tpu.memory_space<vmem_shared>>
      %dma_start3A_64 = arith.constant 0 : i32
      %dma_start3A_65 = tpu.memref_slice %arg18[%add3A_27, %dma_start3A_64] : memref<10240x32xf32, #tpu.memory_space<vmem_shared>> -> memref<80x32xf32, #tpu.memory_space<vmem_shared>>
      %dma_start3A_66 = arith.constant 0 : i32
      %dma_start3A_67 = arith.constant 0 : i32
      %dma_start3A_68 = tpu.memref_slice %arg10[%dma_start3A_66, %dma_start3A_67] : memref<125x32xf32, #tpu.memory_space<vmem>> -> memref<80x32xf32, #tpu.memory_space<vmem>>
      tpu.enqueue_dma source(%dma_start3A_68 : memref<80x32xf32, #tpu.memory_space<vmem>>) target(%dma_start3A_65 : memref<80x32xf32, #tpu.memory_space<vmem_shared>>) target_semaphore(%run_scoped3A : memref<!tpu.dma_semaphore, #tpu.memory_space<semaphore_mem>>)
      %dma_wait3A = arith.constant 0 : i32
      %dma_wait3A_69 = arith.constant 0 : i32
      %dma_wait3A_70 = tpu.memref_slice %arg10[%dma_wait3A, %dma_wait3A_69] : memref<125x32xf32, #tpu.memory_space<vmem>> -> memref<80x32xf32, #tpu.memory_space<vmem>>
      %dma_wait3A_71 = arith.constant 0 : i32
      %dma_wait3A_72 = tpu.memref_slice %arg18[%add3A_27, %dma_wait3A_71] : memref<10240x32xf32, #tpu.memory_space<vmem_shared>> -> memref<80x32xf32, #tpu.memory_space<vmem_shared>>
      %dma_wait3A_73 = arith.constant 0 : i32
      %dma_wait3A_74 = tpu.memref_slice %arg18[%add3A_27, %dma_wait3A_73] : memref<10240x32xf32, #tpu.memory_space<vmem_shared>> -> memref<80x32xf32, #tpu.memory_space<vmem_shared>>
      %dma_wait3A_75 = arith.constant 0 : i32
      %dma_wait3A_76 = arith.constant 0 : i32
      %dma_wait3A_77 = tpu.memref_slice %arg10[%dma_wait3A_75, %dma_wait3A_76] : memref<125x32xf32, #tpu.memory_space<vmem>> -> memref<80x32xf32, #tpu.memory_space<vmem>>
      tpu.wait_dma2 semaphore(%run_scoped3A : memref<!tpu.dma_semaphore, #tpu.memory_space<semaphore_mem>>) src(%dma_wait3A_77 : memref<80x32xf32, #tpu.memory_space<vmem>>) dst(%dma_wait3A_74 : memref<80x32xf32, #tpu.memory_space<vmem_shared>>)
      tpu.yield
    }) : () -> ()
    %mul3A_28 = arith.constant 640 : i32
    %mul3A_29 = arith.muli %arg1, %mul3A_28 : i32
    %add3A_30 = arith.constant 480 : i32
    %add3A_31 = arith.addi %mul3A_29, %add3A_30 : i32
    "tpu.region"() ({
      %run_scoped3A = tpu.sem_alloc : memref<!tpu.dma_semaphore, #tpu.memory_space<semaphore_mem>>
      %dma_start3A = arith.constant 0 : i32
      %dma_start3A_60 = arith.constant 0 : i32
      %dma_start3A_61 = tpu.memref_slice %arg10[%dma_start3A, %dma_start3A_60] : memref<125x32xf32, #tpu.memory_space<vmem>> -> memref<80x32xf32, #tpu.memory_space<vmem>>
      %dma_start3A_62 = arith.constant 0 : i32
      %dma_start3A_63 = tpu.memref_slice %arg18[%add3A_31, %dma_start3A_62] : memref<10240x32xf32, #tpu.memory_space<vmem_shared>> -> memref<80x32xf32, #tpu.memory_space<vmem_shared>>
      %dma_start3A_64 = arith.constant 0 : i32
      %dma_start3A_65 = tpu.memref_slice %arg18[%add3A_31, %dma_start3A_64] : memref<10240x32xf32, #tpu.memory_space<vmem_shared>> -> memref<80x32xf32, #tpu.memory_space<vmem_shared>>
      %dma_start3A_66 = arith.constant 0 : i32
      %dma_start3A_67 = arith.constant 0 : i32
      %dma_start3A_68 = tpu.memref_slice %arg10[%dma_start3A_66, %dma_start3A_67] : memref<125x32xf32, #tpu.memory_space<vmem>> -> memref<80x32xf32, #tpu.memory_space<vmem>>
      tpu.enqueue_dma source(%dma_start3A_68 : memref<80x32xf32, #tpu.memory_space<vmem>>) target(%dma_start3A_65 : memref<80x32xf32, #tpu.memory_space<vmem_shared>>) target_semaphore(%run_scoped3A : memref<!tpu.dma_semaphore, #tpu.memory_space<semaphore_mem>>)
      %dma_wait3A = arith.constant 0 : i32
      %dma_wait3A_69 = arith.constant 0 : i32
      %dma_wait3A_70 = tpu.memref_slice %arg10[%dma_wait3A, %dma_wait3A_69] : memref<125x32xf32, #tpu.memory_space<vmem>> -> memref<80x32xf32, #tpu.memory_space<vmem>>
      %dma_wait3A_71 = arith.constant 0 : i32
      %dma_wait3A_72 = tpu.memref_slice %arg18[%add3A_31, %dma_wait3A_71] : memref<10240x32xf32, #tpu.memory_space<vmem_shared>> -> memref<80x32xf32, #tpu.memory_space<vmem_shared>>
      %dma_wait3A_73 = arith.constant 0 : i32
      %dma_wait3A_74 = tpu.memref_slice %arg18[%add3A_31, %dma_wait3A_73] : memref<10240x32xf32, #tpu.memory_space<vmem_shared>> -> memref<80x32xf32, #tpu.memory_space<vmem_shared>>
      %dma_wait3A_75 = arith.constant 0 : i32
      %dma_wait3A_76 = arith.constant 0 : i32
      %dma_wait3A_77 = tpu.memref_slice %arg10[%dma_wait3A_75, %dma_wait3A_76] : memref<125x32xf32, #tpu.memory_space<vmem>> -> memref<80x32xf32, #tpu.memory_space<vmem>>
      tpu.wait_dma2 semaphore(%run_scoped3A : memref<!tpu.dma_semaphore, #tpu.memory_space<semaphore_mem>>) src(%dma_wait3A_77 : memref<80x32xf32, #tpu.memory_space<vmem>>) dst(%dma_wait3A_74 : memref<80x32xf32, #tpu.memory_space<vmem_shared>>)
      tpu.yield
    }) : () -> ()
    %mul3A_32 = arith.constant 640 : i32
    %mul3A_33 = arith.muli %arg1, %mul3A_32 : i32
    %add3A_34 = arith.constant 560 : i32
    %add3A_35 = arith.addi %mul3A_33, %add3A_34 : i32
    "tpu.region"() ({
      %run_scoped3A = tpu.sem_alloc : memref<!tpu.dma_semaphore, #tpu.memory_space<semaphore_mem>>
      %dma_start3A = arith.constant 0 : i32
      %dma_start3A_60 = arith.constant 0 : i32
      %dma_start3A_61 = tpu.memref_slice %arg10[%dma_start3A, %dma_start3A_60] : memref<125x32xf32, #tpu.memory_space<vmem>> -> memref<80x32xf32, #tpu.memory_space<vmem>>
      %dma_start3A_62 = arith.constant 0 : i32
      %dma_start3A_63 = tpu.memref_slice %arg18[%add3A_35, %dma_start3A_62] : memref<10240x32xf32, #tpu.memory_space<vmem_shared>> -> memref<80x32xf32, #tpu.memory_space<vmem_shared>>
      %dma_start3A_64 = arith.constant 0 : i32
      %dma_start3A_65 = tpu.memref_slice %arg18[%add3A_35, %dma_start3A_64] : memref<10240x32xf32, #tpu.memory_space<vmem_shared>> -> memref<80x32xf32, #tpu.memory_space<vmem_shared>>
      %dma_start3A_66 = arith.constant 0 : i32
      %dma_start3A_67 = arith.constant 0 : i32
      %dma_start3A_68 = tpu.memref_slice %arg10[%dma_start3A_66, %dma_start3A_67] : memref<125x32xf32, #tpu.memory_space<vmem>> -> memref<80x32xf32, #tpu.memory_space<vmem>>
      tpu.enqueue_dma source(%dma_start3A_68 : memref<80x32xf32, #tpu.memory_space<vmem>>) target(%dma_start3A_65 : memref<80x32xf32, #tpu.memory_space<vmem_shared>>) target_semaphore(%run_scoped3A : memref<!tpu.dma_semaphore, #tpu.memory_space<semaphore_mem>>)
      %dma_wait3A = arith.constant 0 : i32
      %dma_wait3A_69 = arith.constant 0 : i32
      %dma_wait3A_70 = tpu.memref_slice %arg10[%dma_wait3A, %dma_wait3A_69] : memref<125x32xf32, #tpu.memory_space<vmem>> -> memref<80x32xf32, #tpu.memory_space<vmem>>
      %dma_wait3A_71 = arith.constant 0 : i32
      %dma_wait3A_72 = tpu.memref_slice %arg18[%add3A_35, %dma_wait3A_71] : memref<10240x32xf32, #tpu.memory_space<vmem_shared>> -> memref<80x32xf32, #tpu.memory_space<vmem_shared>>
      %dma_wait3A_73 = arith.constant 0 : i32
      %dma_wait3A_74 = tpu.memref_slice %arg18[%add3A_35, %dma_wait3A_73] : memref<10240x32xf32, #tpu.memory_space<vmem_shared>> -> memref<80x32xf32, #tpu.memory_space<vmem_shared>>
      %dma_wait3A_75 = arith.constant 0 : i32
      %dma_wait3A_76 = arith.constant 0 : i32
      %dma_wait3A_77 = tpu.memref_slice %arg10[%dma_wait3A_75, %dma_wait3A_76] : memref<125x32xf32, #tpu.memory_space<vmem>> -> memref<80x32xf32, #tpu.memory_space<vmem>>
      tpu.wait_dma2 semaphore(%run_scoped3A : memref<!tpu.dma_semaphore, #tpu.memory_space<semaphore_mem>>) src(%dma_wait3A_77 : memref<80x32xf32, #tpu.memory_space<vmem>>) dst(%dma_wait3A_74 : memref<80x32xf32, #tpu.memory_space<vmem_shared>>)
      tpu.yield
    }) : () -> ()
    %barrier3A = arith.constant 0 : index
    tpu.barrier barrier_id(%barrier3A)
    %scan3A_36 = arith.constant 0 : i32
    %scan3A_37 = arith.constant 0 : i32
    %mul3A_38 = arith.constant 16 : i32
    %mul3A_39 = arith.muli %arg0, %mul3A_38 : i32
    %add3A_40 = arith.addi %mul3A_39, %arg1 : i32
    %mul3A_41 = arith.constant 80 : i32
    %mul3A_42 = arith.muli %add3A_40, %mul3A_41 : i32
    %mul3A_43 = arith.constant 80 : i32
    %mul3A_44 = arith.muli %scan3A_37, %mul3A_43 : i32
    %add3A_45 = arith.addi %mul3A_42, %mul3A_44 : i32
    "tpu.region"() ({
      %run_scoped3A = tpu.sem_alloc : memref<!tpu.dma_semaphore, #tpu.memory_space<semaphore_mem>>
      %dma_start3A = arith.constant 0 : i32
      %dma_start3A_60 = tpu.memref_slice %arg3[%add3A_45, %dma_start3A] : memref<2560x125xi32, #tpu.memory_space<hbm>> -> memref<80x125xi32, #tpu.memory_space<hbm>>
      %dma_start3A_61 = arith.constant 0 : i32
      %dma_start3A_62 = tpu.memref_slice %arg3[%add3A_45, %dma_start3A_61] : memref<2560x125xi32, #tpu.memory_space<hbm>> -> memref<80x125xi32, #tpu.memory_space<hbm>>
      tpu.enqueue_dma source(%dma_start3A_62 : memref<80x125xi32, #tpu.memory_space<hbm>>) target(%arg7 : memref<80x125xi32, #tpu.memory_space<vmem>>) target_semaphore(%run_scoped3A : memref<!tpu.dma_semaphore, #tpu.memory_space<semaphore_mem>>)
      %dma_wait3A = arith.constant 0 : i32
      %dma_wait3A_63 = tpu.memref_slice %arg3[%add3A_45, %dma_wait3A] : memref<2560x125xi32, #tpu.memory_space<hbm>> -> memref<80x125xi32, #tpu.memory_space<hbm>>
      %dma_wait3A_64 = arith.constant 0 : i32
      %dma_wait3A_65 = tpu.memref_slice %arg3[%add3A_45, %dma_wait3A_64] : memref<2560x125xi32, #tpu.memory_space<hbm>> -> memref<80x125xi32, #tpu.memory_space<hbm>>
      tpu.wait_dma2 semaphore(%run_scoped3A : memref<!tpu.dma_semaphore, #tpu.memory_space<semaphore_mem>>) src(%dma_wait3A_65 : memref<80x125xi32, #tpu.memory_space<hbm>>) dst(%arg7 : memref<80x125xi32, #tpu.memory_space<vmem>>)
      tpu.yield
    }) : () -> ()
    "tpu.region"() ({
      %run_scoped3A = tpu.sem_alloc : memref<!tpu.dma_semaphore, #tpu.memory_space<semaphore_mem>>
      %dma_start3A = arith.constant 0 : i32
      %dma_start3A_60 = tpu.memref_slice %arg4[%add3A_45, %dma_start3A] : memref<2560x125xi32, #tpu.memory_space<hbm>> -> memref<80x125xi32, #tpu.memory_space<hbm>>
      %dma_start3A_61 = arith.constant 0 : i32
      %dma_start3A_62 = tpu.memref_slice %arg4[%add3A_45, %dma_start3A_61] : memref<2560x125xi32, #tpu.memory_space<hbm>> -> memref<80x125xi32, #tpu.memory_space<hbm>>
      tpu.enqueue_dma source(%dma_start3A_62 : memref<80x125xi32, #tpu.memory_space<hbm>>) target(%arg8 : memref<80x125xi32, #tpu.memory_space<vmem>>) target_semaphore(%run_scoped3A : memref<!tpu.dma_semaphore, #tpu.memory_space<semaphore_mem>>)
      %dma_wait3A = arith.constant 0 : i32
      %dma_wait3A_63 = tpu.memref_slice %arg4[%add3A_45, %dma_wait3A] : memref<2560x125xi32, #tpu.memory_space<hbm>> -> memref<80x125xi32, #tpu.memory_space<hbm>>
      %dma_wait3A_64 = arith.constant 0 : i32
      %dma_wait3A_65 = tpu.memref_slice %arg4[%add3A_45, %dma_wait3A_64] : memref<2560x125xi32, #tpu.memory_space<hbm>> -> memref<80x125xi32, #tpu.memory_space<hbm>>
      tpu.wait_dma2 semaphore(%run_scoped3A : memref<!tpu.dma_semaphore, #tpu.memory_space<semaphore_mem>>) src(%dma_wait3A_65 : memref<80x125xi32, #tpu.memory_space<hbm>>) dst(%arg8 : memref<80x125xi32, #tpu.memory_space<vmem>>)
      tpu.yield
    }) : () -> ()
    "tpu.region"() ({
      %run_scoped3A = tpu.sem_alloc : memref<!tpu.dma_semaphore, #tpu.memory_space<semaphore_mem>>
      %dma_start3A = arith.constant 0 : i32
      %dma_start3A_60 = tpu.memref_slice %arg5[%add3A_45, %dma_start3A] : memref<2560x125xf32, #tpu.memory_space<hbm>> -> memref<80x125xf32, #tpu.memory_space<hbm>>
      %dma_start3A_61 = arith.constant 0 : i32
      %dma_start3A_62 = tpu.memref_slice %arg5[%add3A_45, %dma_start3A_61] : memref<2560x125xf32, #tpu.memory_space<hbm>> -> memref<80x125xf32, #tpu.memory_space<hbm>>
      tpu.enqueue_dma source(%dma_start3A_62 : memref<80x125xf32, #tpu.memory_space<hbm>>) target(%arg9 : memref<80x125xf32, #tpu.memory_space<vmem>>) target_semaphore(%run_scoped3A : memref<!tpu.dma_semaphore, #tpu.memory_space<semaphore_mem>>)
      %dma_wait3A = arith.constant 0 : i32
      %dma_wait3A_63 = tpu.memref_slice %arg5[%add3A_45, %dma_wait3A] : memref<2560x125xf32, #tpu.memory_space<hbm>> -> memref<80x125xf32, #tpu.memory_space<hbm>>
      %dma_wait3A_64 = arith.constant 0 : i32
      %dma_wait3A_65 = tpu.memref_slice %arg5[%add3A_45, %dma_wait3A_64] : memref<2560x125xf32, #tpu.memory_space<hbm>> -> memref<80x125xf32, #tpu.memory_space<hbm>>
      tpu.wait_dma2 semaphore(%run_scoped3A : memref<!tpu.dma_semaphore, #tpu.memory_space<semaphore_mem>>) src(%dma_wait3A_65 : memref<80x125xf32, #tpu.memory_space<hbm>>) dst(%arg9 : memref<80x125xf32, #tpu.memory_space<vmem>>)
      tpu.yield
    }) : () -> ()
    %scan3A_46 = arith.constant 0 : i32
    %scan3A_47 = arith.constant 0 : i32
    %scan3A_48 = arith.constant 10 : i32
    %scan3A_49 = arith.addi %scan3A_47, %scan3A_48 : i32
    %scan3A_50 = arith.constant 1 : i32
    %scan3A_51 = scf.for %scan3A_60 = %scan3A_47 to %scan3A_49 step %scan3A_50 iter_args(%scan3A_61 = %scan3A_46) -> (i32)  : i32 {
      %mul3A_62 = arith.constant 8 : i32
      %mul3A_63 = arith.muli %scan3A_60, %mul3A_62 : i32
      %add3A_64 = arith.constant 0 : i32
      %add3A_65 = arith.addi %mul3A_63, %add3A_64 : i32
      %dma_start3A = arith.constant 0 : i32
      %dma_start3A_66 = tpu.memref_slice %arg7[%add3A_65, %dma_start3A] : memref<80x125xi32, #tpu.memory_space<vmem>> -> memref<1x125xi32, #tpu.memory_space<vmem>>
      %dma_start3A_67 = tpu.memref_squeeze %dma_start3A_66 : memref<1x125xi32, #tpu.memory_space<vmem>> -> memref<125xi32, #tpu.memory_space<vmem>>
      %dma_start3A_68 = arith.constant 0 : i32
      %dma_start3A_69 = arith.constant 0 : i32
      %dma_start3A_70 = tpu.memref_slice %arg2[%dma_start3A_68, %dma_start3A_69] : memref<10000x32xf32, #tpu.memory_space<hbm>> -> memref<10000x32xf32, #tpu.memory_space<hbm>>
      tpu.enqueue_indirect_dma source(%dma_start3A_70 : memref<10000x32xf32, #tpu.memory_space<hbm>>) target(%arg10 : memref<125x32xf32, #tpu.memory_space<vmem>>) offsets(%dma_start3A_67 : memref<125xi32, #tpu.memory_space<vmem>>) semaphore(%arg19 : memref<!tpu.dma_semaphore, #tpu.memory_space<semaphore_mem>>)
      %mul3A_71 = arith.constant 8 : i32
      %mul3A_72 = arith.muli %scan3A_60, %mul3A_71 : i32
      %add3A_73 = arith.constant 1 : i32
      %add3A_74 = arith.addi %mul3A_72, %add3A_73 : i32
      %dma_start3A_75 = arith.constant 0 : i32
      %dma_start3A_76 = tpu.memref_slice %arg7[%add3A_74, %dma_start3A_75] : memref<80x125xi32, #tpu.memory_space<vmem>> -> memref<1x125xi32, #tpu.memory_space<vmem>>
      %dma_start3A_77 = tpu.memref_squeeze %dma_start3A_76 : memref<1x125xi32, #tpu.memory_space<vmem>> -> memref<125xi32, #tpu.memory_space<vmem>>
      %dma_start3A_78 = arith.constant 0 : i32
      %dma_start3A_79 = arith.constant 0 : i32
      %dma_start3A_80 = tpu.memref_slice %arg2[%dma_start3A_78, %dma_start3A_79] : memref<10000x32xf32, #tpu.memory_space<hbm>> -> memref<10000x32xf32, #tpu.memory_space<hbm>>
      tpu.enqueue_indirect_dma source(%dma_start3A_80 : memref<10000x32xf32, #tpu.memory_space<hbm>>) target(%arg11 : memref<125x32xf32, #tpu.memory_space<vmem>>) offsets(%dma_start3A_77 : memref<125xi32, #tpu.memory_space<vmem>>) semaphore(%arg19 : memref<!tpu.dma_semaphore, #tpu.memory_space<semaphore_mem>>)
      %mul3A_81 = arith.constant 8 : i32
      %mul3A_82 = arith.muli %scan3A_60, %mul3A_81 : i32
      %add3A_83 = arith.constant 2 : i32
      %add3A_84 = arith.addi %mul3A_82, %add3A_83 : i32
      %dma_start3A_85 = arith.constant 0 : i32
      %dma_start3A_86 = tpu.memref_slice %arg7[%add3A_84, %dma_start3A_85] : memref<80x125xi32, #tpu.memory_space<vmem>> -> memref<1x125xi32, #tpu.memory_space<vmem>>
      %dma_start3A_87 = tpu.memref_squeeze %dma_start3A_86 : memref<1x125xi32, #tpu.memory_space<vmem>> -> memref<125xi32, #tpu.memory_space<vmem>>
      %dma_start3A_88 = arith.constant 0 : i32
      %dma_start3A_89 = arith.constant 0 : i32
      %dma_start3A_90 = tpu.memref_slice %arg2[%dma_start3A_88, %dma_start3A_89] : memref<10000x32xf32, #tpu.memory_space<hbm>> -> memref<10000x32xf32, #tpu.memory_space<hbm>>
      tpu.enqueue_indirect_dma source(%dma_start3A_90 : memref<10000x32xf32, #tpu.memory_space<hbm>>) target(%arg12 : memref<125x32xf32, #tpu.memory_space<vmem>>) offsets(%dma_start3A_87 : memref<125xi32, #tpu.memory_space<vmem>>) semaphore(%arg19 : memref<!tpu.dma_semaphore, #tpu.memory_space<semaphore_mem>>)
      %mul3A_91 = arith.constant 8 : i32
      %mul3A_92 = arith.muli %scan3A_60, %mul3A_91 : i32
      %add3A_93 = arith.constant 3 : i32
      %add3A_94 = arith.addi %mul3A_92, %add3A_93 : i32
      %dma_start3A_95 = arith.constant 0 : i32
      %dma_start3A_96 = tpu.memref_slice %arg7[%add3A_94, %dma_start3A_95] : memref<80x125xi32, #tpu.memory_space<vmem>> -> memref<1x125xi32, #tpu.memory_space<vmem>>
      %dma_start3A_97 = tpu.memref_squeeze %dma_start3A_96 : memref<1x125xi32, #tpu.memory_space<vmem>> -> memref<125xi32, #tpu.memory_space<vmem>>
      %dma_start3A_98 = arith.constant 0 : i32
      %dma_start3A_99 = arith.constant 0 : i32
      %dma_start3A_100 = tpu.memref_slice %arg2[%dma_start3A_98, %dma_start3A_99] : memref<10000x32xf32, #tpu.memory_space<hbm>> -> memref<10000x32xf32, #tpu.memory_space<hbm>>
      tpu.enqueue_indirect_dma source(%dma_start3A_100 : memref<10000x32xf32, #tpu.memory_space<hbm>>) target(%arg13 : memref<125x32xf32, #tpu.memory_space<vmem>>) offsets(%dma_start3A_97 : memref<125xi32, #tpu.memory_space<vmem>>) semaphore(%arg19 : memref<!tpu.dma_semaphore, #tpu.memory_space<semaphore_mem>>)
      %mul3A_101 = arith.constant 8 : i32
      %mul3A_102 = arith.muli %scan3A_60, %mul3A_101 : i32
      %add3A_103 = arith.constant 4 : i32
      %add3A_104 = arith.addi %mul3A_102, %add3A_103 : i32
      %dma_start3A_105 = arith.constant 0 : i32
      %dma_start3A_106 = tpu.memref_slice %arg7[%add3A_104, %dma_start3A_105] : memref<80x125xi32, #tpu.memory_space<vmem>> -> memref<1x125xi32, #tpu.memory_space<vmem>>
      %dma_start3A_107 = tpu.memref_squeeze %dma_start3A_106 : memref<1x125xi32, #tpu.memory_space<vmem>> -> memref<125xi32, #tpu.memory_space<vmem>>
      %dma_start3A_108 = arith.constant 0 : i32
      %dma_start3A_109 = arith.constant 0 : i32
      %dma_start3A_110 = tpu.memref_slice %arg2[%dma_start3A_108, %dma_start3A_109] : memref<10000x32xf32, #tpu.memory_space<hbm>> -> memref<10000x32xf32, #tpu.memory_space<hbm>>
      tpu.enqueue_indirect_dma source(%dma_start3A_110 : memref<10000x32xf32, #tpu.memory_space<hbm>>) target(%arg14 : memref<125x32xf32, #tpu.memory_space<vmem>>) offsets(%dma_start3A_107 : memref<125xi32, #tpu.memory_space<vmem>>) semaphore(%arg19 : memref<!tpu.dma_semaphore, #tpu.memory_space<semaphore_mem>>)
      %mul3A_111 = arith.constant 8 : i32
      %mul3A_112 = arith.muli %scan3A_60, %mul3A_111 : i32
      %add3A_113 = arith.constant 5 : i32
      %add3A_114 = arith.addi %mul3A_112, %add3A_113 : i32
      %dma_start3A_115 = arith.constant 0 : i32
      %dma_start3A_116 = tpu.memref_slice %arg7[%add3A_114, %dma_start3A_115] : memref<80x125xi32, #tpu.memory_space<vmem>> -> memref<1x125xi32, #tpu.memory_space<vmem>>
      %dma_start3A_117 = tpu.memref_squeeze %dma_start3A_116 : memref<1x125xi32, #tpu.memory_space<vmem>> -> memref<125xi32, #tpu.memory_space<vmem>>
      %dma_start3A_118 = arith.constant 0 : i32
      %dma_start3A_119 = arith.constant 0 : i32
      %dma_start3A_120 = tpu.memref_slice %arg2[%dma_start3A_118, %dma_start3A_119] : memref<10000x32xf32, #tpu.memory_space<hbm>> -> memref<10000x32xf32, #tpu.memory_space<hbm>>
      tpu.enqueue_indirect_dma source(%dma_start3A_120 : memref<10000x32xf32, #tpu.memory_space<hbm>>) target(%arg15 : memref<125x32xf32, #tpu.memory_space<vmem>>) offsets(%dma_start3A_117 : memref<125xi32, #tpu.memory_space<vmem>>) semaphore(%arg19 : memref<!tpu.dma_semaphore, #tpu.memory_space<semaphore_mem>>)
      %mul3A_121 = arith.constant 8 : i32
      %mul3A_122 = arith.muli %scan3A_60, %mul3A_121 : i32
      %add3A_123 = arith.constant 6 : i32
      %add3A_124 = arith.addi %mul3A_122, %add3A_123 : i32
      %dma_start3A_125 = arith.constant 0 : i32
      %dma_start3A_126 = tpu.memref_slice %arg7[%add3A_124, %dma_start3A_125] : memref<80x125xi32, #tpu.memory_space<vmem>> -> memref<1x125xi32, #tpu.memory_space<vmem>>
      %dma_start3A_127 = tpu.memref_squeeze %dma_start3A_126 : memref<1x125xi32, #tpu.memory_space<vmem>> -> memref<125xi32, #tpu.memory_space<vmem>>
      %dma_start3A_128 = arith.constant 0 : i32
      %dma_start3A_129 = arith.constant 0 : i32
      %dma_start3A_130 = tpu.memref_slice %arg2[%dma_start3A_128, %dma_start3A_129] : memref<10000x32xf32, #tpu.memory_space<hbm>> -> memref<10000x32xf32, #tpu.memory_space<hbm>>
      tpu.enqueue_indirect_dma source(%dma_start3A_130 : memref<10000x32xf32, #tpu.memory_space<hbm>>) target(%arg16 : memref<125x32xf32, #tpu.memory_space<vmem>>) offsets(%dma_start3A_127 : memref<125xi32, #tpu.memory_space<vmem>>) semaphore(%arg19 : memref<!tpu.dma_semaphore, #tpu.memory_space<semaphore_mem>>)
      %mul3A_131 = arith.constant 8 : i32
      %mul3A_132 = arith.muli %scan3A_60, %mul3A_131 : i32
      %add3A_133 = arith.constant 7 : i32
      %add3A_134 = arith.addi %mul3A_132, %add3A_133 : i32
      %dma_start3A_135 = arith.constant 0 : i32
      %dma_start3A_136 = tpu.memref_slice %arg7[%add3A_134, %dma_start3A_135] : memref<80x125xi32, #tpu.memory_space<vmem>> -> memref<1x125xi32, #tpu.memory_space<vmem>>
      %dma_start3A_137 = tpu.memref_squeeze %dma_start3A_136 : memref<1x125xi32, #tpu.memory_space<vmem>> -> memref<125xi32, #tpu.memory_space<vmem>>
      %dma_start3A_138 = arith.constant 0 : i32
      %dma_start3A_139 = arith.constant 0 : i32
      %dma_start3A_140 = tpu.memref_slice %arg2[%dma_start3A_138, %dma_start3A_139] : memref<10000x32xf32, #tpu.memory_space<hbm>> -> memref<10000x32xf32, #tpu.memory_space<hbm>>
      tpu.enqueue_indirect_dma source(%dma_start3A_140 : memref<10000x32xf32, #tpu.memory_space<hbm>>) target(%arg17 : memref<125x32xf32, #tpu.memory_space<vmem>>) offsets(%dma_start3A_137 : memref<125xi32, #tpu.memory_space<vmem>>) semaphore(%arg19 : memref<!tpu.dma_semaphore, #tpu.memory_space<semaphore_mem>>)
      %mul3A_141 = arith.constant 8 : i32
      %mul3A_142 = arith.muli %scan3A_60, %mul3A_141 : i32
      %add3A_143 = arith.constant 0 : i32
      %add3A_144 = arith.addi %mul3A_142, %add3A_143 : i32
      %dma_wait3A = arith.constant 0 : i32
      %dma_wait3A_145 = tpu.memref_slice %arg7[%add3A_65, %dma_wait3A] : memref<80x125xi32, #tpu.memory_space<vmem>> -> memref<1x125xi32, #tpu.memory_space<vmem>>
      %dma_wait3A_146 = tpu.memref_squeeze %dma_wait3A_145 : memref<1x125xi32, #tpu.memory_space<vmem>> -> memref<125xi32, #tpu.memory_space<vmem>>
      %dma_wait3A_147 = arith.constant 0 : i32
      %dma_wait3A_148 = arith.constant 0 : i32
      %dma_wait3A_149 = tpu.memref_slice %arg2[%dma_wait3A_147, %dma_wait3A_148] : memref<10000x32xf32, #tpu.memory_space<hbm>> -> memref<10000x32xf32, #tpu.memory_space<hbm>>
      tpu.wait_indirect_dma semaphore(%arg19 : memref<!tpu.dma_semaphore, #tpu.memory_space<semaphore_mem>>) src(%dma_wait3A_149 : memref<10000x32xf32, #tpu.memory_space<hbm>>) dst(%arg10 : memref<125x32xf32, #tpu.memory_space<vmem>>)
      %parallel_loop3A = arith.constant 0 : i32
      %parallel_loop3A_150 = arith.constant 125 : i32
      %parallel_loop3A_151 = arith.constant 1 : i32
      scf.for %parallel_loop3A_340 = %parallel_loop3A to %parallel_loop3A_150 step %parallel_loop3A_151  : i32 {
        %parallel_loop3A_341 = arith.constant 0 : i32
        %parallel_loop3A_342 = vector.broadcast %parallel_loop3A_341 : i32 to vector<16xi32>
        %parallel_loop3A_343 = vector.broadcast %add3A_144 : i32 to vector<16xi32>
        %parallel_loop3A_344 = arith.addi %parallel_loop3A_342, %parallel_loop3A_343 : vector<16xi32>
        %parallel_loop3A_345 = arith.constant 0 : i32
        %parallel_loop3A_346 = vector.broadcast %parallel_loop3A_345 : i32 to vector<16xi32>
        %parallel_loop3A_347 = vector.broadcast %parallel_loop3A_340 : i32 to vector<16xi32>
        %parallel_loop3A_348 = arith.addi %parallel_loop3A_346, %parallel_loop3A_347 : vector<16xi32>
        %parallel_loop3A_349 = tpu.vector_load_idx %arg9[%parallel_loop3A_344, %parallel_loop3A_348] : memref<80x125xf32, #tpu.memory_space<vmem>>[vector<16xi32>, vector<16xi32>], vector<16xf32>,
        %parallel_loop3A_350 = arith.index_cast %parallel_loop3A_340 : i32 to index
        %parallel_loop3A_351 = arith.constant 0 : index
        %parallel_loop3A_352 = tpu.vector_load %arg10[%parallel_loop3A_350, %parallel_loop3A_351] {strides = array<i32>} : memref<125x32xf32, #tpu.memory_space<vmem>>, vector<16xf32>,
        %parallel_loop3A_353 = arith.mulf %parallel_loop3A_352, %parallel_loop3A_349 : vector<16xf32>
        %parallel_loop3A_354 = arith.index_cast %parallel_loop3A_340 : i32 to index
        %parallel_loop3A_355 = arith.constant 0 : index
        %parallel_loop3A_356 = tpu.vector_load %arg10[%parallel_loop3A_354, %parallel_loop3A_355] {strides = array<i32>} : memref<125x32xf32, #tpu.memory_space<vmem>>, vector<16xf32>,
        tpu.vector_store %arg10[%parallel_loop3A_354, %parallel_loop3A_355], %parallel_loop3A_353 {strides = array<i32>} : memref<125x32xf32, #tpu.memory_space<vmem>>, vector<16xf32>,
        %parallel_loop3A_357 = arith.index_cast %parallel_loop3A_340 : i32 to index
        %parallel_loop3A_358 = arith.constant 16 : index
        %parallel_loop3A_359 = tpu.vector_load %arg10[%parallel_loop3A_357, %parallel_loop3A_358] {strides = array<i32>} : memref<125x32xf32, #tpu.memory_space<vmem>>, vector<16xf32>,
        %parallel_loop3A_360 = arith.mulf %parallel_loop3A_359, %parallel_loop3A_349 : vector<16xf32>
        %parallel_loop3A_361 = arith.index_cast %parallel_loop3A_340 : i32 to index
        %parallel_loop3A_362 = arith.constant 16 : index
        %parallel_loop3A_363 = tpu.vector_load %arg10[%parallel_loop3A_361, %parallel_loop3A_362] {strides = array<i32>} : memref<125x32xf32, #tpu.memory_space<vmem>>, vector<16xf32>,
        tpu.vector_store %arg10[%parallel_loop3A_361, %parallel_loop3A_362], %parallel_loop3A_360 {strides = array<i32>} : memref<125x32xf32, #tpu.memory_space<vmem>>, vector<16xf32>,
      } {sc.loop_unroll_factor = 5 : i64, sc.parallel_access}
      %dma_start3A_152 = arith.constant 0 : i32
      %dma_start3A_153 = tpu.memref_slice %arg8[%add3A_144, %dma_start3A_152] : memref<80x125xi32, #tpu.memory_space<vmem>> -> memref<1x125xi32, #tpu.memory_space<vmem>>
      %dma_start3A_154 = tpu.memref_squeeze %dma_start3A_153 : memref<1x125xi32, #tpu.memory_space<vmem>> -> memref<125xi32, #tpu.memory_space<vmem>>
      %dma_start3A_155 = arith.constant 0 : i32
      %dma_start3A_156 = arith.constant 0 : i32
      %dma_start3A_157 = tpu.memref_slice %arg18[%dma_start3A_155, %dma_start3A_156] : memref<10240x32xf32, #tpu.memory_space<vmem_shared>> -> memref<10240x32xf32, #tpu.memory_space<vmem_shared>>
      tpu.enqueue_indirect_dma source(%arg10 : memref<125x32xf32, #tpu.memory_space<vmem>>) target(%dma_start3A_157 : memref<10240x32xf32, #tpu.memory_space<vmem_shared>>) offsets(%dma_start3A_154 : memref<125xi32, #tpu.memory_space<vmem>>) semaphore(%arg20 : memref<!tpu.dma_semaphore, #tpu.memory_space<semaphore_mem>>) {add = true}
      %mul3A_158 = arith.constant 8 : i32
      %mul3A_159 = arith.muli %scan3A_60, %mul3A_158 : i32
      %add3A_160 = arith.constant 1 : i32
      %add3A_161 = arith.addi %mul3A_159, %add3A_160 : i32
      %dma_wait3A_162 = arith.constant 0 : i32
      %dma_wait3A_163 = tpu.memref_slice %arg7[%add3A_74, %dma_wait3A_162] : memref<80x125xi32, #tpu.memory_space<vmem>> -> memref<1x125xi32, #tpu.memory_space<vmem>>
      %dma_wait3A_164 = tpu.memref_squeeze %dma_wait3A_163 : memref<1x125xi32, #tpu.memory_space<vmem>> -> memref<125xi32, #tpu.memory_space<vmem>>
      %dma_wait3A_165 = arith.constant 0 : i32
      %dma_wait3A_166 = arith.constant 0 : i32
      %dma_wait3A_167 = tpu.memref_slice %arg2[%dma_wait3A_165, %dma_wait3A_166] : memref<10000x32xf32, #tpu.memory_space<hbm>> -> memref<10000x32xf32, #tpu.memory_space<hbm>>
      tpu.wait_indirect_dma semaphore(%arg19 : memref<!tpu.dma_semaphore, #tpu.memory_space<semaphore_mem>>) src(%dma_wait3A_167 : memref<10000x32xf32, #tpu.memory_space<hbm>>) dst(%arg11 : memref<125x32xf32, #tpu.memory_space<vmem>>)
      %parallel_loop3A_168 = arith.constant 0 : i32
      %parallel_loop3A_169 = arith.constant 125 : i32
      %parallel_loop3A_170 = arith.constant 1 : i32
      scf.for %parallel_loop3A_340 = %parallel_loop3A_168 to %parallel_loop3A_169 step %parallel_loop3A_170  : i32 {
        %parallel_loop3A_341 = arith.constant 0 : i32
        %parallel_loop3A_342 = vector.broadcast %parallel_loop3A_341 : i32 to vector<16xi32>
        %parallel_loop3A_343 = vector.broadcast %add3A_161 : i32 to vector<16xi32>
        %parallel_loop3A_344 = arith.addi %parallel_loop3A_342, %parallel_loop3A_343 : vector<16xi32>
        %parallel_loop3A_345 = arith.constant 0 : i32
        %parallel_loop3A_346 = vector.broadcast %parallel_loop3A_345 : i32 to vector<16xi32>
        %parallel_loop3A_347 = vector.broadcast %parallel_loop3A_340 : i32 to vector<16xi32>
        %parallel_loop3A_348 = arith.addi %parallel_loop3A_346, %parallel_loop3A_347 : vector<16xi32>
        %parallel_loop3A_349 = tpu.vector_load_idx %arg9[%parallel_loop3A_344, %parallel_loop3A_348] : memref<80x125xf32, #tpu.memory_space<vmem>>[vector<16xi32>, vector<16xi32>], vector<16xf32>,
        %parallel_loop3A_350 = arith.index_cast %parallel_loop3A_340 : i32 to index
        %parallel_loop3A_351 = arith.constant 0 : index
        %parallel_loop3A_352 = tpu.vector_load %arg11[%parallel_loop3A_350, %parallel_loop3A_351] {strides = array<i32>} : memref<125x32xf32, #tpu.memory_space<vmem>>, vector<16xf32>,
        %parallel_loop3A_353 = arith.mulf %parallel_loop3A_352, %parallel_loop3A_349 : vector<16xf32>
        %parallel_loop3A_354 = arith.index_cast %parallel_loop3A_340 : i32 to index
        %parallel_loop3A_355 = arith.constant 0 : index
        %parallel_loop3A_356 = tpu.vector_load %arg11[%parallel_loop3A_354, %parallel_loop3A_355] {strides = array<i32>} : memref<125x32xf32, #tpu.memory_space<vmem>>, vector<16xf32>,
        tpu.vector_store %arg11[%parallel_loop3A_354, %parallel_loop3A_355], %parallel_loop3A_353 {strides = array<i32>} : memref<125x32xf32, #tpu.memory_space<vmem>>, vector<16xf32>,
        %parallel_loop3A_357 = arith.index_cast %parallel_loop3A_340 : i32 to index
        %parallel_loop3A_358 = arith.constant 16 : index
        %parallel_loop3A_359 = tpu.vector_load %arg11[%parallel_loop3A_357, %parallel_loop3A_358] {strides = array<i32>} : memref<125x32xf32, #tpu.memory_space<vmem>>, vector<16xf32>,
        %parallel_loop3A_360 = arith.mulf %parallel_loop3A_359, %parallel_loop3A_349 : vector<16xf32>
        %parallel_loop3A_361 = arith.index_cast %parallel_loop3A_340 : i32 to index
        %parallel_loop3A_362 = arith.constant 16 : index
        %parallel_loop3A_363 = tpu.vector_load %arg11[%parallel_loop3A_361, %parallel_loop3A_362] {strides = array<i32>} : memref<125x32xf32, #tpu.memory_space<vmem>>, vector<16xf32>,
        tpu.vector_store %arg11[%parallel_loop3A_361, %parallel_loop3A_362], %parallel_loop3A_360 {strides = array<i32>} : memref<125x32xf32, #tpu.memory_space<vmem>>, vector<16xf32>,
      } {sc.loop_unroll_factor = 5 : i64, sc.parallel_access}
      %dma_start3A_171 = arith.constant 0 : i32
      %dma_start3A_172 = tpu.memref_slice %arg8[%add3A_161, %dma_start3A_171] : memref<80x125xi32, #tpu.memory_space<vmem>> -> memref<1x125xi32, #tpu.memory_space<vmem>>
      %dma_start3A_173 = tpu.memref_squeeze %dma_start3A_172 : memref<1x125xi32, #tpu.memory_space<vmem>> -> memref<125xi32, #tpu.memory_space<vmem>>
      %dma_start3A_174 = arith.constant 0 : i32
      %dma_start3A_175 = arith.constant 0 : i32
      %dma_start3A_176 = tpu.memref_slice %arg18[%dma_start3A_174, %dma_start3A_175] : memref<10240x32xf32, #tpu.memory_space<vmem_shared>> -> memref<10240x32xf32, #tpu.memory_space<vmem_shared>>
      tpu.enqueue_indirect_dma source(%arg11 : memref<125x32xf32, #tpu.memory_space<vmem>>) target(%dma_start3A_176 : memref<10240x32xf32, #tpu.memory_space<vmem_shared>>) offsets(%dma_start3A_173 : memref<125xi32, #tpu.memory_space<vmem>>) semaphore(%arg20 : memref<!tpu.dma_semaphore, #tpu.memory_space<semaphore_mem>>) {add = true}
      %mul3A_177 = arith.constant 8 : i32
      %mul3A_178 = arith.muli %scan3A_60, %mul3A_177 : i32
      %add3A_179 = arith.constant 2 : i32
      %add3A_180 = arith.addi %mul3A_178, %add3A_179 : i32
      %dma_wait3A_181 = arith.constant 0 : i32
      %dma_wait3A_182 = tpu.memref_slice %arg7[%add3A_84, %dma_wait3A_181] : memref<80x125xi32, #tpu.memory_space<vmem>> -> memref<1x125xi32, #tpu.memory_space<vmem>>
      %dma_wait3A_183 = tpu.memref_squeeze %dma_wait3A_182 : memref<1x125xi32, #tpu.memory_space<vmem>> -> memref<125xi32, #tpu.memory_space<vmem>>
      %dma_wait3A_184 = arith.constant 0 : i32
      %dma_wait3A_185 = arith.constant 0 : i32
      %dma_wait3A_186 = tpu.memref_slice %arg2[%dma_wait3A_184, %dma_wait3A_185] : memref<10000x32xf32, #tpu.memory_space<hbm>> -> memref<10000x32xf32, #tpu.memory_space<hbm>>
      tpu.wait_indirect_dma semaphore(%arg19 : memref<!tpu.dma_semaphore, #tpu.memory_space<semaphore_mem>>) src(%dma_wait3A_186 : memref<10000x32xf32, #tpu.memory_space<hbm>>) dst(%arg12 : memref<125x32xf32, #tpu.memory_space<vmem>>)
      %parallel_loop3A_187 = arith.constant 0 : i32
      %parallel_loop3A_188 = arith.constant 125 : i32
      %parallel_loop3A_189 = arith.constant 1 : i32
      scf.for %parallel_loop3A_340 = %parallel_loop3A_187 to %parallel_loop3A_188 step %parallel_loop3A_189  : i32 {
        %parallel_loop3A_341 = arith.constant 0 : i32
        %parallel_loop3A_342 = vector.broadcast %parallel_loop3A_341 : i32 to vector<16xi32>
        %parallel_loop3A_343 = vector.broadcast %add3A_180 : i32 to vector<16xi32>
        %parallel_loop3A_344 = arith.addi %parallel_loop3A_342, %parallel_loop3A_343 : vector<16xi32>
        %parallel_loop3A_345 = arith.constant 0 : i32
        %parallel_loop3A_346 = vector.broadcast %parallel_loop3A_345 : i32 to vector<16xi32>
        %parallel_loop3A_347 = vector.broadcast %parallel_loop3A_340 : i32 to vector<16xi32>
        %parallel_loop3A_348 = arith.addi %parallel_loop3A_346, %parallel_loop3A_347 : vector<16xi32>
        %parallel_loop3A_349 = tpu.vector_load_idx %arg9[%parallel_loop3A_344, %parallel_loop3A_348] : memref<80x125xf32, #tpu.memory_space<vmem>>[vector<16xi32>, vector<16xi32>], vector<16xf32>,
        %parallel_loop3A_350 = arith.index_cast %parallel_loop3A_340 : i32 to index
        %parallel_loop3A_351 = arith.constant 0 : index
        %parallel_loop3A_352 = tpu.vector_load %arg12[%parallel_loop3A_350, %parallel_loop3A_351] {strides = array<i32>} : memref<125x32xf32, #tpu.memory_space<vmem>>, vector<16xf32>,
        %parallel_loop3A_353 = arith.mulf %parallel_loop3A_352, %parallel_loop3A_349 : vector<16xf32>
        %parallel_loop3A_354 = arith.index_cast %parallel_loop3A_340 : i32 to index
        %parallel_loop3A_355 = arith.constant 0 : index
        %parallel_loop3A_356 = tpu.vector_load %arg12[%parallel_loop3A_354, %parallel_loop3A_355] {strides = array<i32>} : memref<125x32xf32, #tpu.memory_space<vmem>>, vector<16xf32>,
        tpu.vector_store %arg12[%parallel_loop3A_354, %parallel_loop3A_355], %parallel_loop3A_353 {strides = array<i32>} : memref<125x32xf32, #tpu.memory_space<vmem>>, vector<16xf32>,
        %parallel_loop3A_357 = arith.index_cast %parallel_loop3A_340 : i32 to index
        %parallel_loop3A_358 = arith.constant 16 : index
        %parallel_loop3A_359 = tpu.vector_load %arg12[%parallel_loop3A_357, %parallel_loop3A_358] {strides = array<i32>} : memref<125x32xf32, #tpu.memory_space<vmem>>, vector<16xf32>,
        %parallel_loop3A_360 = arith.mulf %parallel_loop3A_359, %parallel_loop3A_349 : vector<16xf32>
        %parallel_loop3A_361 = arith.index_cast %parallel_loop3A_340 : i32 to index
        %parallel_loop3A_362 = arith.constant 16 : index
        %parallel_loop3A_363 = tpu.vector_load %arg12[%parallel_loop3A_361, %parallel_loop3A_362] {strides = array<i32>} : memref<125x32xf32, #tpu.memory_space<vmem>>, vector<16xf32>,
        tpu.vector_store %arg12[%parallel_loop3A_361, %parallel_loop3A_362], %parallel_loop3A_360 {strides = array<i32>} : memref<125x32xf32, #tpu.memory_space<vmem>>, vector<16xf32>,
      } {sc.loop_unroll_factor = 5 : i64, sc.parallel_access}
      %dma_start3A_190 = arith.constant 0 : i32
      %dma_start3A_191 = tpu.memref_slice %arg8[%add3A_180, %dma_start3A_190] : memref<80x125xi32, #tpu.memory_space<vmem>> -> memref<1x125xi32, #tpu.memory_space<vmem>>
      %dma_start3A_192 = tpu.memref_squeeze %dma_start3A_191 : memref<1x125xi32, #tpu.memory_space<vmem>> -> memref<125xi32, #tpu.memory_space<vmem>>
      %dma_start3A_193 = arith.constant 0 : i32
      %dma_start3A_194 = arith.constant 0 : i32
      %dma_start3A_195 = tpu.memref_slice %arg18[%dma_start3A_193, %dma_start3A_194] : memref<10240x32xf32, #tpu.memory_space<vmem_shared>> -> memref<10240x32xf32, #tpu.memory_space<vmem_shared>>
      tpu.enqueue_indirect_dma source(%arg12 : memref<125x32xf32, #tpu.memory_space<vmem>>) target(%dma_start3A_195 : memref<10240x32xf32, #tpu.memory_space<vmem_shared>>) offsets(%dma_start3A_192 : memref<125xi32, #tpu.memory_space<vmem>>) semaphore(%arg20 : memref<!tpu.dma_semaphore, #tpu.memory_space<semaphore_mem>>) {add = true}
      %mul3A_196 = arith.constant 8 : i32
      %mul3A_197 = arith.muli %scan3A_60, %mul3A_196 : i32
      %add3A_198 = arith.constant 3 : i32
      %add3A_199 = arith.addi %mul3A_197, %add3A_198 : i32
      %dma_wait3A_200 = arith.constant 0 : i32
      %dma_wait3A_201 = tpu.memref_slice %arg7[%add3A_94, %dma_wait3A_200] : memref<80x125xi32, #tpu.memory_space<vmem>> -> memref<1x125xi32, #tpu.memory_space<vmem>>
      %dma_wait3A_202 = tpu.memref_squeeze %dma_wait3A_201 : memref<1x125xi32, #tpu.memory_space<vmem>> -> memref<125xi32, #tpu.memory_space<vmem>>
      %dma_wait3A_203 = arith.constant 0 : i32
      %dma_wait3A_204 = arith.constant 0 : i32
      %dma_wait3A_205 = tpu.memref_slice %arg2[%dma_wait3A_203, %dma_wait3A_204] : memref<10000x32xf32, #tpu.memory_space<hbm>> -> memref<10000x32xf32, #tpu.memory_space<hbm>>
      tpu.wait_indirect_dma semaphore(%arg19 : memref<!tpu.dma_semaphore, #tpu.memory_space<semaphore_mem>>) src(%dma_wait3A_205 : memref<10000x32xf32, #tpu.memory_space<hbm>>) dst(%arg13 : memref<125x32xf32, #tpu.memory_space<vmem>>)
      %parallel_loop3A_206 = arith.constant 0 : i32
      %parallel_loop3A_207 = arith.constant 125 : i32
      %parallel_loop3A_208 = arith.constant 1 : i32
      scf.for %parallel_loop3A_340 = %parallel_loop3A_206 to %parallel_loop3A_207 step %parallel_loop3A_208  : i32 {
        %parallel_loop3A_341 = arith.constant 0 : i32
        %parallel_loop3A_342 = vector.broadcast %parallel_loop3A_341 : i32 to vector<16xi32>
        %parallel_loop3A_343 = vector.broadcast %add3A_199 : i32 to vector<16xi32>
        %parallel_loop3A_344 = arith.addi %parallel_loop3A_342, %parallel_loop3A_343 : vector<16xi32>
        %parallel_loop3A_345 = arith.constant 0 : i32
        %parallel_loop3A_346 = vector.broadcast %parallel_loop3A_345 : i32 to vector<16xi32>
        %parallel_loop3A_347 = vector.broadcast %parallel_loop3A_340 : i32 to vector<16xi32>
        %parallel_loop3A_348 = arith.addi %parallel_loop3A_346, %parallel_loop3A_347 : vector<16xi32>
        %parallel_loop3A_349 = tpu.vector_load_idx %arg9[%parallel_loop3A_344, %parallel_loop3A_348] : memref<80x125xf32, #tpu.memory_space<vmem>>[vector<16xi32>, vector<16xi32>], vector<16xf32>,
        %parallel_loop3A_350 = arith.index_cast %parallel_loop3A_340 : i32 to index
        %parallel_loop3A_351 = arith.constant 0 : index
        %parallel_loop3A_352 = tpu.vector_load %arg13[%parallel_loop3A_350, %parallel_loop3A_351] {strides = array<i32>} : memref<125x32xf32, #tpu.memory_space<vmem>>, vector<16xf32>,
        %parallel_loop3A_353 = arith.mulf %parallel_loop3A_352, %parallel_loop3A_349 : vector<16xf32>
        %parallel_loop3A_354 = arith.index_cast %parallel_loop3A_340 : i32 to index
        %parallel_loop3A_355 = arith.constant 0 : index
        %parallel_loop3A_356 = tpu.vector_load %arg13[%parallel_loop3A_354, %parallel_loop3A_355] {strides = array<i32>} : memref<125x32xf32, #tpu.memory_space<vmem>>, vector<16xf32>,
        tpu.vector_store %arg13[%parallel_loop3A_354, %parallel_loop3A_355], %parallel_loop3A_353 {strides = array<i32>} : memref<125x32xf32, #tpu.memory_space<vmem>>, vector<16xf32>,
        %parallel_loop3A_357 = arith.index_cast %parallel_loop3A_340 : i32 to index
        %parallel_loop3A_358 = arith.constant 16 : index
        %parallel_loop3A_359 = tpu.vector_load %arg13[%parallel_loop3A_357, %parallel_loop3A_358] {strides = array<i32>} : memref<125x32xf32, #tpu.memory_space<vmem>>, vector<16xf32>,
        %parallel_loop3A_360 = arith.mulf %parallel_loop3A_359, %parallel_loop3A_349 : vector<16xf32>
        %parallel_loop3A_361 = arith.index_cast %parallel_loop3A_340 : i32 to index
        %parallel_loop3A_362 = arith.constant 16 : index
        %parallel_loop3A_363 = tpu.vector_load %arg13[%parallel_loop3A_361, %parallel_loop3A_362] {strides = array<i32>} : memref<125x32xf32, #tpu.memory_space<vmem>>, vector<16xf32>,
        tpu.vector_store %arg13[%parallel_loop3A_361, %parallel_loop3A_362], %parallel_loop3A_360 {strides = array<i32>} : memref<125x32xf32, #tpu.memory_space<vmem>>, vector<16xf32>,
      } {sc.loop_unroll_factor = 5 : i64, sc.parallel_access}
      %dma_start3A_209 = arith.constant 0 : i32
      %dma_start3A_210 = tpu.memref_slice %arg8[%add3A_199, %dma_start3A_209] : memref<80x125xi32, #tpu.memory_space<vmem>> -> memref<1x125xi32, #tpu.memory_space<vmem>>
      %dma_start3A_211 = tpu.memref_squeeze %dma_start3A_210 : memref<1x125xi32, #tpu.memory_space<vmem>> -> memref<125xi32, #tpu.memory_space<vmem>>
      %dma_start3A_212 = arith.constant 0 : i32
      %dma_start3A_213 = arith.constant 0 : i32
      %dma_start3A_214 = tpu.memref_slice %arg18[%dma_start3A_212, %dma_start3A_213] : memref<10240x32xf32, #tpu.memory_space<vmem_shared>> -> memref<10240x32xf32, #tpu.memory_space<vmem_shared>>
      tpu.enqueue_indirect_dma source(%arg13 : memref<125x32xf32, #tpu.memory_space<vmem>>) target(%dma_start3A_214 : memref<10240x32xf32, #tpu.memory_space<vmem_shared>>) offsets(%dma_start3A_211 : memref<125xi32, #tpu.memory_space<vmem>>) semaphore(%arg20 : memref<!tpu.dma_semaphore, #tpu.memory_space<semaphore_mem>>) {add = true}
      %mul3A_215 = arith.constant 8 : i32
      %mul3A_216 = arith.muli %scan3A_60, %mul3A_215 : i32
      %add3A_217 = arith.constant 4 : i32
      %add3A_218 = arith.addi %mul3A_216, %add3A_217 : i32
      %dma_wait3A_219 = arith.constant 0 : i32
      %dma_wait3A_220 = tpu.memref_slice %arg7[%add3A_104, %dma_wait3A_219] : memref<80x125xi32, #tpu.memory_space<vmem>> -> memref<1x125xi32, #tpu.memory_space<vmem>>
      %dma_wait3A_221 = tpu.memref_squeeze %dma_wait3A_220 : memref<1x125xi32, #tpu.memory_space<vmem>> -> memref<125xi32, #tpu.memory_space<vmem>>
      %dma_wait3A_222 = arith.constant 0 : i32
      %dma_wait3A_223 = arith.constant 0 : i32
      %dma_wait3A_224 = tpu.memref_slice %arg2[%dma_wait3A_222, %dma_wait3A_223] : memref<10000x32xf32, #tpu.memory_space<hbm>> -> memref<10000x32xf32, #tpu.memory_space<hbm>>
      tpu.wait_indirect_dma semaphore(%arg19 : memref<!tpu.dma_semaphore, #tpu.memory_space<semaphore_mem>>) src(%dma_wait3A_224 : memref<10000x32xf32, #tpu.memory_space<hbm>>) dst(%arg14 : memref<125x32xf32, #tpu.memory_space<vmem>>)
      %parallel_loop3A_225 = arith.constant 0 : i32
      %parallel_loop3A_226 = arith.constant 125 : i32
      %parallel_loop3A_227 = arith.constant 1 : i32
      scf.for %parallel_loop3A_340 = %parallel_loop3A_225 to %parallel_loop3A_226 step %parallel_loop3A_227  : i32 {
        %parallel_loop3A_341 = arith.constant 0 : i32
        %parallel_loop3A_342 = vector.broadcast %parallel_loop3A_341 : i32 to vector<16xi32>
        %parallel_loop3A_343 = vector.broadcast %add3A_218 : i32 to vector<16xi32>
        %parallel_loop3A_344 = arith.addi %parallel_loop3A_342, %parallel_loop3A_343 : vector<16xi32>
        %parallel_loop3A_345 = arith.constant 0 : i32
        %parallel_loop3A_346 = vector.broadcast %parallel_loop3A_345 : i32 to vector<16xi32>
        %parallel_loop3A_347 = vector.broadcast %parallel_loop3A_340 : i32 to vector<16xi32>
        %parallel_loop3A_348 = arith.addi %parallel_loop3A_346, %parallel_loop3A_347 : vector<16xi32>
        %parallel_loop3A_349 = tpu.vector_load_idx %arg9[%parallel_loop3A_344, %parallel_loop3A_348] : memref<80x125xf32, #tpu.memory_space<vmem>>[vector<16xi32>, vector<16xi32>], vector<16xf32>,
        %parallel_loop3A_350 = arith.index_cast %parallel_loop3A_340 : i32 to index
        %parallel_loop3A_351 = arith.constant 0 : index
        %parallel_loop3A_352 = tpu.vector_load %arg14[%parallel_loop3A_350, %parallel_loop3A_351] {strides = array<i32>} : memref<125x32xf32, #tpu.memory_space<vmem>>, vector<16xf32>,
        %parallel_loop3A_353 = arith.mulf %parallel_loop3A_352, %parallel_loop3A_349 : vector<16xf32>
        %parallel_loop3A_354 = arith.index_cast %parallel_loop3A_340 : i32 to index
        %parallel_loop3A_355 = arith.constant 0 : index
        %parallel_loop3A_356 = tpu.vector_load %arg14[%parallel_loop3A_354, %parallel_loop3A_355] {strides = array<i32>} : memref<125x32xf32, #tpu.memory_space<vmem>>, vector<16xf32>,
        tpu.vector_store %arg14[%parallel_loop3A_354, %parallel_loop3A_355], %parallel_loop3A_353 {strides = array<i32>} : memref<125x32xf32, #tpu.memory_space<vmem>>, vector<16xf32>,
        %parallel_loop3A_357 = arith.index_cast %parallel_loop3A_340 : i32 to index
        %parallel_loop3A_358 = arith.constant 16 : index
        %parallel_loop3A_359 = tpu.vector_load %arg14[%parallel_loop3A_357, %parallel_loop3A_358] {strides = array<i32>} : memref<125x32xf32, #tpu.memory_space<vmem>>, vector<16xf32>,
        %parallel_loop3A_360 = arith.mulf %parallel_loop3A_359, %parallel_loop3A_349 : vector<16xf32>
        %parallel_loop3A_361 = arith.index_cast %parallel_loop3A_340 : i32 to index
        %parallel_loop3A_362 = arith.constant 16 : index
        %parallel_loop3A_363 = tpu.vector_load %arg14[%parallel_loop3A_361, %parallel_loop3A_362] {strides = array<i32>} : memref<125x32xf32, #tpu.memory_space<vmem>>, vector<16xf32>,
        tpu.vector_store %arg14[%parallel_loop3A_361, %parallel_loop3A_362], %parallel_loop3A_360 {strides = array<i32>} : memref<125x32xf32, #tpu.memory_space<vmem>>, vector<16xf32>,
      } {sc.loop_unroll_factor = 5 : i64, sc.parallel_access}
      %dma_start3A_228 = arith.constant 0 : i32
      %dma_start3A_229 = tpu.memref_slice %arg8[%add3A_218, %dma_start3A_228] : memref<80x125xi32, #tpu.memory_space<vmem>> -> memref<1x125xi32, #tpu.memory_space<vmem>>
      %dma_start3A_230 = tpu.memref_squeeze %dma_start3A_229 : memref<1x125xi32, #tpu.memory_space<vmem>> -> memref<125xi32, #tpu.memory_space<vmem>>
      %dma_start3A_231 = arith.constant 0 : i32
      %dma_start3A_232 = arith.constant 0 : i32
      %dma_start3A_233 = tpu.memref_slice %arg18[%dma_start3A_231, %dma_start3A_232] : memref<10240x32xf32, #tpu.memory_space<vmem_shared>> -> memref<10240x32xf32, #tpu.memory_space<vmem_shared>>
      tpu.enqueue_indirect_dma source(%arg14 : memref<125x32xf32, #tpu.memory_space<vmem>>) target(%dma_start3A_233 : memref<10240x32xf32, #tpu.memory_space<vmem_shared>>) offsets(%dma_start3A_230 : memref<125xi32, #tpu.memory_space<vmem>>) semaphore(%arg20 : memref<!tpu.dma_semaphore, #tpu.memory_space<semaphore_mem>>) {add = true}
      %mul3A_234 = arith.constant 8 : i32
      %mul3A_235 = arith.muli %scan3A_60, %mul3A_234 : i32
      %add3A_236 = arith.constant 5 : i32
      %add3A_237 = arith.addi %mul3A_235, %add3A_236 : i32
      %dma_wait3A_238 = arith.constant 0 : i32
      %dma_wait3A_239 = tpu.memref_slice %arg7[%add3A_114, %dma_wait3A_238] : memref<80x125xi32, #tpu.memory_space<vmem>> -> memref<1x125xi32, #tpu.memory_space<vmem>>
      %dma_wait3A_240 = tpu.memref_squeeze %dma_wait3A_239 : memref<1x125xi32, #tpu.memory_space<vmem>> -> memref<125xi32, #tpu.memory_space<vmem>>
      %dma_wait3A_241 = arith.constant 0 : i32
      %dma_wait3A_242 = arith.constant 0 : i32
      %dma_wait3A_243 = tpu.memref_slice %arg2[%dma_wait3A_241, %dma_wait3A_242] : memref<10000x32xf32, #tpu.memory_space<hbm>> -> memref<10000x32xf32, #tpu.memory_space<hbm>>
      tpu.wait_indirect_dma semaphore(%arg19 : memref<!tpu.dma_semaphore, #tpu.memory_space<semaphore_mem>>) src(%dma_wait3A_243 : memref<10000x32xf32, #tpu.memory_space<hbm>>) dst(%arg15 : memref<125x32xf32, #tpu.memory_space<vmem>>)
      %parallel_loop3A_244 = arith.constant 0 : i32
      %parallel_loop3A_245 = arith.constant 125 : i32
      %parallel_loop3A_246 = arith.constant 1 : i32
      scf.for %parallel_loop3A_340 = %parallel_loop3A_244 to %parallel_loop3A_245 step %parallel_loop3A_246  : i32 {
        %parallel_loop3A_341 = arith.constant 0 : i32
        %parallel_loop3A_342 = vector.broadcast %parallel_loop3A_341 : i32 to vector<16xi32>
        %parallel_loop3A_343 = vector.broadcast %add3A_237 : i32 to vector<16xi32>
        %parallel_loop3A_344 = arith.addi %parallel_loop3A_342, %parallel_loop3A_343 : vector<16xi32>
        %parallel_loop3A_345 = arith.constant 0 : i32
        %parallel_loop3A_346 = vector.broadcast %parallel_loop3A_345 : i32 to vector<16xi32>
        %parallel_loop3A_347 = vector.broadcast %parallel_loop3A_340 : i32 to vector<16xi32>
        %parallel_loop3A_348 = arith.addi %parallel_loop3A_346, %parallel_loop3A_347 : vector<16xi32>
        %parallel_loop3A_349 = tpu.vector_load_idx %arg9[%parallel_loop3A_344, %parallel_loop3A_348] : memref<80x125xf32, #tpu.memory_space<vmem>>[vector<16xi32>, vector<16xi32>], vector<16xf32>,
        %parallel_loop3A_350 = arith.index_cast %parallel_loop3A_340 : i32 to index
        %parallel_loop3A_351 = arith.constant 0 : index
        %parallel_loop3A_352 = tpu.vector_load %arg15[%parallel_loop3A_350, %parallel_loop3A_351] {strides = array<i32>} : memref<125x32xf32, #tpu.memory_space<vmem>>, vector<16xf32>,
        %parallel_loop3A_353 = arith.mulf %parallel_loop3A_352, %parallel_loop3A_349 : vector<16xf32>
        %parallel_loop3A_354 = arith.index_cast %parallel_loop3A_340 : i32 to index
        %parallel_loop3A_355 = arith.constant 0 : index
        %parallel_loop3A_356 = tpu.vector_load %arg15[%parallel_loop3A_354, %parallel_loop3A_355] {strides = array<i32>} : memref<125x32xf32, #tpu.memory_space<vmem>>, vector<16xf32>,
        tpu.vector_store %arg15[%parallel_loop3A_354, %parallel_loop3A_355], %parallel_loop3A_353 {strides = array<i32>} : memref<125x32xf32, #tpu.memory_space<vmem>>, vector<16xf32>,
        %parallel_loop3A_357 = arith.index_cast %parallel_loop3A_340 : i32 to index
        %parallel_loop3A_358 = arith.constant 16 : index
        %parallel_loop3A_359 = tpu.vector_load %arg15[%parallel_loop3A_357, %parallel_loop3A_358] {strides = array<i32>} : memref<125x32xf32, #tpu.memory_space<vmem>>, vector<16xf32>,
        %parallel_loop3A_360 = arith.mulf %parallel_loop3A_359, %parallel_loop3A_349 : vector<16xf32>
        %parallel_loop3A_361 = arith.index_cast %parallel_loop3A_340 : i32 to index
        %parallel_loop3A_362 = arith.constant 16 : index
        %parallel_loop3A_363 = tpu.vector_load %arg15[%parallel_loop3A_361, %parallel_loop3A_362] {strides = array<i32>} : memref<125x32xf32, #tpu.memory_space<vmem>>, vector<16xf32>,
        tpu.vector_store %arg15[%parallel_loop3A_361, %parallel_loop3A_362], %parallel_loop3A_360 {strides = array<i32>} : memref<125x32xf32, #tpu.memory_space<vmem>>, vector<16xf32>,
      } {sc.loop_unroll_factor = 5 : i64, sc.parallel_access}
      %dma_start3A_247 = arith.constant 0 : i32
      %dma_start3A_248 = tpu.memref_slice %arg8[%add3A_237, %dma_start3A_247] : memref<80x125xi32, #tpu.memory_space<vmem>> -> memref<1x125xi32, #tpu.memory_space<vmem>>
      %dma_start3A_249 = tpu.memref_squeeze %dma_start3A_248 : memref<1x125xi32, #tpu.memory_space<vmem>> -> memref<125xi32, #tpu.memory_space<vmem>>
      %dma_start3A_250 = arith.constant 0 : i32
      %dma_start3A_251 = arith.constant 0 : i32
      %dma_start3A_252 = tpu.memref_slice %arg18[%dma_start3A_250, %dma_start3A_251] : memref<10240x32xf32, #tpu.memory_space<vmem_shared>> -> memref<10240x32xf32, #tpu.memory_space<vmem_shared>>
      tpu.enqueue_indirect_dma source(%arg15 : memref<125x32xf32, #tpu.memory_space<vmem>>) target(%dma_start3A_252 : memref<10240x32xf32, #tpu.memory_space<vmem_shared>>) offsets(%dma_start3A_249 : memref<125xi32, #tpu.memory_space<vmem>>) semaphore(%arg20 : memref<!tpu.dma_semaphore, #tpu.memory_space<semaphore_mem>>) {add = true}
      %mul3A_253 = arith.constant 8 : i32
      %mul3A_254 = arith.muli %scan3A_60, %mul3A_253 : i32
      %add3A_255 = arith.constant 6 : i32
      %add3A_256 = arith.addi %mul3A_254, %add3A_255 : i32
      %dma_wait3A_257 = arith.constant 0 : i32
      %dma_wait3A_258 = tpu.memref_slice %arg7[%add3A_124, %dma_wait3A_257] : memref<80x125xi32, #tpu.memory_space<vmem>> -> memref<1x125xi32, #tpu.memory_space<vmem>>
      %dma_wait3A_259 = tpu.memref_squeeze %dma_wait3A_258 : memref<1x125xi32, #tpu.memory_space<vmem>> -> memref<125xi32, #tpu.memory_space<vmem>>
      %dma_wait3A_260 = arith.constant 0 : i32
      %dma_wait3A_261 = arith.constant 0 : i32
      %dma_wait3A_262 = tpu.memref_slice %arg2[%dma_wait3A_260, %dma_wait3A_261] : memref<10000x32xf32, #tpu.memory_space<hbm>> -> memref<10000x32xf32, #tpu.memory_space<hbm>>
      tpu.wait_indirect_dma semaphore(%arg19 : memref<!tpu.dma_semaphore, #tpu.memory_space<semaphore_mem>>) src(%dma_wait3A_262 : memref<10000x32xf32, #tpu.memory_space<hbm>>) dst(%arg16 : memref<125x32xf32, #tpu.memory_space<vmem>>)
      %parallel_loop3A_263 = arith.constant 0 : i32
      %parallel_loop3A_264 = arith.constant 125 : i32
      %parallel_loop3A_265 = arith.constant 1 : i32
      scf.for %parallel_loop3A_340 = %parallel_loop3A_263 to %parallel_loop3A_264 step %parallel_loop3A_265  : i32 {
        %parallel_loop3A_341 = arith.constant 0 : i32
        %parallel_loop3A_342 = vector.broadcast %parallel_loop3A_341 : i32 to vector<16xi32>
        %parallel_loop3A_343 = vector.broadcast %add3A_256 : i32 to vector<16xi32>
        %parallel_loop3A_344 = arith.addi %parallel_loop3A_342, %parallel_loop3A_343 : vector<16xi32>
        %parallel_loop3A_345 = arith.constant 0 : i32
        %parallel_loop3A_346 = vector.broadcast %parallel_loop3A_345 : i32 to vector<16xi32>
        %parallel_loop3A_347 = vector.broadcast %parallel_loop3A_340 : i32 to vector<16xi32>
        %parallel_loop3A_348 = arith.addi %parallel_loop3A_346, %parallel_loop3A_347 : vector<16xi32>
        %parallel_loop3A_349 = tpu.vector_load_idx %arg9[%parallel_loop3A_344, %parallel_loop3A_348] : memref<80x125xf32, #tpu.memory_space<vmem>>[vector<16xi32>, vector<16xi32>], vector<16xf32>,
        %parallel_loop3A_350 = arith.index_cast %parallel_loop3A_340 : i32 to index
        %parallel_loop3A_351 = arith.constant 0 : index
        %parallel_loop3A_352 = tpu.vector_load %arg16[%parallel_loop3A_350, %parallel_loop3A_351] {strides = array<i32>} : memref<125x32xf32, #tpu.memory_space<vmem>>, vector<16xf32>,
        %parallel_loop3A_353 = arith.mulf %parallel_loop3A_352, %parallel_loop3A_349 : vector<16xf32>
        %parallel_loop3A_354 = arith.index_cast %parallel_loop3A_340 : i32 to index
        %parallel_loop3A_355 = arith.constant 0 : index
        %parallel_loop3A_356 = tpu.vector_load %arg16[%parallel_loop3A_354, %parallel_loop3A_355] {strides = array<i32>} : memref<125x32xf32, #tpu.memory_space<vmem>>, vector<16xf32>,
        tpu.vector_store %arg16[%parallel_loop3A_354, %parallel_loop3A_355], %parallel_loop3A_353 {strides = array<i32>} : memref<125x32xf32, #tpu.memory_space<vmem>>, vector<16xf32>,
        %parallel_loop3A_357 = arith.index_cast %parallel_loop3A_340 : i32 to index
        %parallel_loop3A_358 = arith.constant 16 : index
        %parallel_loop3A_359 = tpu.vector_load %arg16[%parallel_loop3A_357, %parallel_loop3A_358] {strides = array<i32>} : memref<125x32xf32, #tpu.memory_space<vmem>>, vector<16xf32>,
        %parallel_loop3A_360 = arith.mulf %parallel_loop3A_359, %parallel_loop3A_349 : vector<16xf32>
        %parallel_loop3A_361 = arith.index_cast %parallel_loop3A_340 : i32 to index
        %parallel_loop3A_362 = arith.constant 16 : index
        %parallel_loop3A_363 = tpu.vector_load %arg16[%parallel_loop3A_361, %parallel_loop3A_362] {strides = array<i32>} : memref<125x32xf32, #tpu.memory_space<vmem>>, vector<16xf32>,
        tpu.vector_store %arg16[%parallel_loop3A_361, %parallel_loop3A_362], %parallel_loop3A_360 {strides = array<i32>} : memref<125x32xf32, #tpu.memory_space<vmem>>, vector<16xf32>,
      } {sc.loop_unroll_factor = 5 : i64, sc.parallel_access}
      %dma_start3A_266 = arith.constant 0 : i32
      %dma_start3A_267 = tpu.memref_slice %arg8[%add3A_256, %dma_start3A_266] : memref<80x125xi32, #tpu.memory_space<vmem>> -> memref<1x125xi32, #tpu.memory_space<vmem>>
      %dma_start3A_268 = tpu.memref_squeeze %dma_start3A_267 : memref<1x125xi32, #tpu.memory_space<vmem>> -> memref<125xi32, #tpu.memory_space<vmem>>
      %dma_start3A_269 = arith.constant 0 : i32
      %dma_start3A_270 = arith.constant 0 : i32
      %dma_start3A_271 = tpu.memref_slice %arg18[%dma_start3A_269, %dma_start3A_270] : memref<10240x32xf32, #tpu.memory_space<vmem_shared>> -> memref<10240x32xf32, #tpu.memory_space<vmem_shared>>
      tpu.enqueue_indirect_dma source(%arg16 : memref<125x32xf32, #tpu.memory_space<vmem>>) target(%dma_start3A_271 : memref<10240x32xf32, #tpu.memory_space<vmem_shared>>) offsets(%dma_start3A_268 : memref<125xi32, #tpu.memory_space<vmem>>) semaphore(%arg20 : memref<!tpu.dma_semaphore, #tpu.memory_space<semaphore_mem>>) {add = true}
      %mul3A_272 = arith.constant 8 : i32
      %mul3A_273 = arith.muli %scan3A_60, %mul3A_272 : i32
      %add3A_274 = arith.constant 7 : i32
      %add3A_275 = arith.addi %mul3A_273, %add3A_274 : i32
      %dma_wait3A_276 = arith.constant 0 : i32
      %dma_wait3A_277 = tpu.memref_slice %arg7[%add3A_134, %dma_wait3A_276] : memref<80x125xi32, #tpu.memory_space<vmem>> -> memref<1x125xi32, #tpu.memory_space<vmem>>
      %dma_wait3A_278 = tpu.memref_squeeze %dma_wait3A_277 : memref<1x125xi32, #tpu.memory_space<vmem>> -> memref<125xi32, #tpu.memory_space<vmem>>
      %dma_wait3A_279 = arith.constant 0 : i32
      %dma_wait3A_280 = arith.constant 0 : i32
      %dma_wait3A_281 = tpu.memref_slice %arg2[%dma_wait3A_279, %dma_wait3A_280] : memref<10000x32xf32, #tpu.memory_space<hbm>> -> memref<10000x32xf32, #tpu.memory_space<hbm>>
      tpu.wait_indirect_dma semaphore(%arg19 : memref<!tpu.dma_semaphore, #tpu.memory_space<semaphore_mem>>) src(%dma_wait3A_281 : memref<10000x32xf32, #tpu.memory_space<hbm>>) dst(%arg17 : memref<125x32xf32, #tpu.memory_space<vmem>>)
      %parallel_loop3A_282 = arith.constant 0 : i32
      %parallel_loop3A_283 = arith.constant 125 : i32
      %parallel_loop3A_284 = arith.constant 1 : i32
      scf.for %parallel_loop3A_340 = %parallel_loop3A_282 to %parallel_loop3A_283 step %parallel_loop3A_284  : i32 {
        %parallel_loop3A_341 = arith.constant 0 : i32
        %parallel_loop3A_342 = vector.broadcast %parallel_loop3A_341 : i32 to vector<16xi32>
        %parallel_loop3A_343 = vector.broadcast %add3A_275 : i32 to vector<16xi32>
        %parallel_loop3A_344 = arith.addi %parallel_loop3A_342, %parallel_loop3A_343 : vector<16xi32>
        %parallel_loop3A_345 = arith.constant 0 : i32
        %parallel_loop3A_346 = vector.broadcast %parallel_loop3A_345 : i32 to vector<16xi32>
        %parallel_loop3A_347 = vector.broadcast %parallel_loop3A_340 : i32 to vector<16xi32>
        %parallel_loop3A_348 = arith.addi %parallel_loop3A_346, %parallel_loop3A_347 : vector<16xi32>
        %parallel_loop3A_349 = tpu.vector_load_idx %arg9[%parallel_loop3A_344, %parallel_loop3A_348] : memref<80x125xf32, #tpu.memory_space<vmem>>[vector<16xi32>, vector<16xi32>], vector<16xf32>,
        %parallel_loop3A_350 = arith.index_cast %parallel_loop3A_340 : i32 to index
        %parallel_loop3A_351 = arith.constant 0 : index
        %parallel_loop3A_352 = tpu.vector_load %arg17[%parallel_loop3A_350, %parallel_loop3A_351] {strides = array<i32>} : memref<125x32xf32, #tpu.memory_space<vmem>>, vector<16xf32>,
        %parallel_loop3A_353 = arith.mulf %parallel_loop3A_352, %parallel_loop3A_349 : vector<16xf32>
        %parallel_loop3A_354 = arith.index_cast %parallel_loop3A_340 : i32 to index
        %parallel_loop3A_355 = arith.constant 0 : index
        %parallel_loop3A_356 = tpu.vector_load %arg17[%parallel_loop3A_354, %parallel_loop3A_355] {strides = array<i32>} : memref<125x32xf32, #tpu.memory_space<vmem>>, vector<16xf32>,
        tpu.vector_store %arg17[%parallel_loop3A_354, %parallel_loop3A_355], %parallel_loop3A_353 {strides = array<i32>} : memref<125x32xf32, #tpu.memory_space<vmem>>, vector<16xf32>,
        %parallel_loop3A_357 = arith.index_cast %parallel_loop3A_340 : i32 to index
        %parallel_loop3A_358 = arith.constant 16 : index
        %parallel_loop3A_359 = tpu.vector_load %arg17[%parallel_loop3A_357, %parallel_loop3A_358] {strides = array<i32>} : memref<125x32xf32, #tpu.memory_space<vmem>>, vector<16xf32>,
        %parallel_loop3A_360 = arith.mulf %parallel_loop3A_359, %parallel_loop3A_349 : vector<16xf32>
        %parallel_loop3A_361 = arith.index_cast %parallel_loop3A_340 : i32 to index
        %parallel_loop3A_362 = arith.constant 16 : index
        %parallel_loop3A_363 = tpu.vector_load %arg17[%parallel_loop3A_361, %parallel_loop3A_362] {strides = array<i32>} : memref<125x32xf32, #tpu.memory_space<vmem>>, vector<16xf32>,
        tpu.vector_store %arg17[%parallel_loop3A_361, %parallel_loop3A_362], %parallel_loop3A_360 {strides = array<i32>} : memref<125x32xf32, #tpu.memory_space<vmem>>, vector<16xf32>,
      } {sc.loop_unroll_factor = 5 : i64, sc.parallel_access}
      %dma_start3A_285 = arith.constant 0 : i32
      %dma_start3A_286 = tpu.memref_slice %arg8[%add3A_275, %dma_start3A_285] : memref<80x125xi32, #tpu.memory_space<vmem>> -> memref<1x125xi32, #tpu.memory_space<vmem>>
      %dma_start3A_287 = tpu.memref_squeeze %dma_start3A_286 : memref<1x125xi32, #tpu.memory_space<vmem>> -> memref<125xi32, #tpu.memory_space<vmem>>
      %dma_start3A_288 = arith.constant 0 : i32
      %dma_start3A_289 = arith.constant 0 : i32
      %dma_start3A_290 = tpu.memref_slice %arg18[%dma_start3A_288, %dma_start3A_289] : memref<10240x32xf32, #tpu.memory_space<vmem_shared>> -> memref<10240x32xf32, #tpu.memory_space<vmem_shared>>
      tpu.enqueue_indirect_dma source(%arg17 : memref<125x32xf32, #tpu.memory_space<vmem>>) target(%dma_start3A_290 : memref<10240x32xf32, #tpu.memory_space<vmem_shared>>) offsets(%dma_start3A_287 : memref<125xi32, #tpu.memory_space<vmem>>) semaphore(%arg20 : memref<!tpu.dma_semaphore, #tpu.memory_space<semaphore_mem>>) {add = true}
      %dma_wait3A_291 = arith.constant 0 : i32
      %dma_wait3A_292 = tpu.memref_slice %arg8[%add3A_144, %dma_wait3A_291] : memref<80x125xi32, #tpu.memory_space<vmem>> -> memref<1x125xi32, #tpu.memory_space<vmem>>
      %dma_wait3A_293 = tpu.memref_squeeze %dma_wait3A_292 : memref<1x125xi32, #tpu.memory_space<vmem>> -> memref<125xi32, #tpu.memory_space<vmem>>
      %dma_wait3A_294 = arith.constant 0 : i32
      %dma_wait3A_295 = arith.constant 0 : i32
      %dma_wait3A_296 = tpu.memref_slice %arg18[%dma_wait3A_294, %dma_wait3A_295] : memref<10240x32xf32, #tpu.memory_space<vmem_shared>> -> memref<10240x32xf32, #tpu.memory_space<vmem_shared>>
      tpu.wait_indirect_dma semaphore(%arg20 : memref<!tpu.dma_semaphore, #tpu.memory_space<semaphore_mem>>) src(%arg10 : memref<125x32xf32, #tpu.memory_space<vmem>>) dst(%dma_wait3A_296 : memref<10240x32xf32, #tpu.memory_space<vmem_shared>>)
      %dma_wait3A_297 = arith.constant 0 : i32
      %dma_wait3A_298 = tpu.memref_slice %arg8[%add3A_161, %dma_wait3A_297] : memref<80x125xi32, #tpu.memory_space<vmem>> -> memref<1x125xi32, #tpu.memory_space<vmem>>
      %dma_wait3A_299 = tpu.memref_squeeze %dma_wait3A_298 : memref<1x125xi32, #tpu.memory_space<vmem>> -> memref<125xi32, #tpu.memory_space<vmem>>
      %dma_wait3A_300 = arith.constant 0 : i32
      %dma_wait3A_301 = arith.constant 0 : i32
      %dma_wait3A_302 = tpu.memref_slice %arg18[%dma_wait3A_300, %dma_wait3A_301] : memref<10240x32xf32, #tpu.memory_space<vmem_shared>> -> memref<10240x32xf32, #tpu.memory_space<vmem_shared>>
      tpu.wait_indirect_dma semaphore(%arg20 : memref<!tpu.dma_semaphore, #tpu.memory_space<semaphore_mem>>) src(%arg11 : memref<125x32xf32, #tpu.memory_space<vmem>>) dst(%dma_wait3A_302 : memref<10240x32xf32, #tpu.memory_space<vmem_shared>>)
      %dma_wait3A_303 = arith.constant 0 : i32
      %dma_wait3A_304 = tpu.memref_slice %arg8[%add3A_180, %dma_wait3A_303] : memref<80x125xi32, #tpu.memory_space<vmem>> -> memref<1x125xi32, #tpu.memory_space<vmem>>
      %dma_wait3A_305 = tpu.memref_squeeze %dma_wait3A_304 : memref<1x125xi32, #tpu.memory_space<vmem>> -> memref<125xi32, #tpu.memory_space<vmem>>
      %dma_wait3A_306 = arith.constant 0 : i32
      %dma_wait3A_307 = arith.constant 0 : i32
      %dma_wait3A_308 = tpu.memref_slice %arg18[%dma_wait3A_306, %dma_wait3A_307] : memref<10240x32xf32, #tpu.memory_space<vmem_shared>> -> memref<10240x32xf32, #tpu.memory_space<vmem_shared>>
      tpu.wait_indirect_dma semaphore(%arg20 : memref<!tpu.dma_semaphore, #tpu.memory_space<semaphore_mem>>) src(%arg12 : memref<125x32xf32, #tpu.memory_space<vmem>>) dst(%dma_wait3A_308 : memref<10240x32xf32, #tpu.memory_space<vmem_shared>>)
      %dma_wait3A_309 = arith.constant 0 : i32
      %dma_wait3A_310 = tpu.memref_slice %arg8[%add3A_199, %dma_wait3A_309] : memref<80x125xi32, #tpu.memory_space<vmem>> -> memref<1x125xi32, #tpu.memory_space<vmem>>
      %dma_wait3A_311 = tpu.memref_squeeze %dma_wait3A_310 : memref<1x125xi32, #tpu.memory_space<vmem>> -> memref<125xi32, #tpu.memory_space<vmem>>
      %dma_wait3A_312 = arith.constant 0 : i32
      %dma_wait3A_313 = arith.constant 0 : i32
      %dma_wait3A_314 = tpu.memref_slice %arg18[%dma_wait3A_312, %dma_wait3A_313] : memref<10240x32xf32, #tpu.memory_space<vmem_shared>> -> memref<10240x32xf32, #tpu.memory_space<vmem_shared>>
      tpu.wait_indirect_dma semaphore(%arg20 : memref<!tpu.dma_semaphore, #tpu.memory_space<semaphore_mem>>) src(%arg13 : memref<125x32xf32, #tpu.memory_space<vmem>>) dst(%dma_wait3A_314 : memref<10240x32xf32, #tpu.memory_space<vmem_shared>>)
      %dma_wait3A_315 = arith.constant 0 : i32
      %dma_wait3A_316 = tpu.memref_slice %arg8[%add3A_218, %dma_wait3A_315] : memref<80x125xi32, #tpu.memory_space<vmem>> -> memref<1x125xi32, #tpu.memory_space<vmem>>
      %dma_wait3A_317 = tpu.memref_squeeze %dma_wait3A_316 : memref<1x125xi32, #tpu.memory_space<vmem>> -> memref<125xi32, #tpu.memory_space<vmem>>
      %dma_wait3A_318 = arith.constant 0 : i32
      %dma_wait3A_319 = arith.constant 0 : i32
      %dma_wait3A_320 = tpu.memref_slice %arg18[%dma_wait3A_318, %dma_wait3A_319] : memref<10240x32xf32, #tpu.memory_space<vmem_shared>> -> memref<10240x32xf32, #tpu.memory_space<vmem_shared>>
      tpu.wait_indirect_dma semaphore(%arg20 : memref<!tpu.dma_semaphore, #tpu.memory_space<semaphore_mem>>) src(%arg14 : memref<125x32xf32, #tpu.memory_space<vmem>>) dst(%dma_wait3A_320 : memref<10240x32xf32, #tpu.memory_space<vmem_shared>>)
      %dma_wait3A_321 = arith.constant 0 : i32
      %dma_wait3A_322 = tpu.memref_slice %arg8[%add3A_237, %dma_wait3A_321] : memref<80x125xi32, #tpu.memory_space<vmem>> -> memref<1x125xi32, #tpu.memory_space<vmem>>
      %dma_wait3A_323 = tpu.memref_squeeze %dma_wait3A_322 : memref<1x125xi32, #tpu.memory_space<vmem>> -> memref<125xi32, #tpu.memory_space<vmem>>
      %dma_wait3A_324 = arith.constant 0 : i32
      %dma_wait3A_325 = arith.constant 0 : i32
      %dma_wait3A_326 = tpu.memref_slice %arg18[%dma_wait3A_324, %dma_wait3A_325] : memref<10240x32xf32, #tpu.memory_space<vmem_shared>> -> memref<10240x32xf32, #tpu.memory_space<vmem_shared>>
      tpu.wait_indirect_dma semaphore(%arg20 : memref<!tpu.dma_semaphore, #tpu.memory_space<semaphore_mem>>) src(%arg15 : memref<125x32xf32, #tpu.memory_space<vmem>>) dst(%dma_wait3A_326 : memref<10240x32xf32, #tpu.memory_space<vmem_shared>>)
      %dma_wait3A_327 = arith.constant 0 : i32
      %dma_wait3A_328 = tpu.memref_slice %arg8[%add3A_256, %dma_wait3A_327] : memref<80x125xi32, #tpu.memory_space<vmem>> -> memref<1x125xi32, #tpu.memory_space<vmem>>
      %dma_wait3A_329 = tpu.memref_squeeze %dma_wait3A_328 : memref<1x125xi32, #tpu.memory_space<vmem>> -> memref<125xi32, #tpu.memory_space<vmem>>
      %dma_wait3A_330 = arith.constant 0 : i32
      %dma_wait3A_331 = arith.constant 0 : i32
      %dma_wait3A_332 = tpu.memref_slice %arg18[%dma_wait3A_330, %dma_wait3A_331] : memref<10240x32xf32, #tpu.memory_space<vmem_shared>> -> memref<10240x32xf32, #tpu.memory_space<vmem_shared>>
      tpu.wait_indirect_dma semaphore(%arg20 : memref<!tpu.dma_semaphore, #tpu.memory_space<semaphore_mem>>) src(%arg16 : memref<125x32xf32, #tpu.memory_space<vmem>>) dst(%dma_wait3A_332 : memref<10240x32xf32, #tpu.memory_space<vmem_shared>>)
      %dma_wait3A_333 = arith.constant 0 : i32
      %dma_wait3A_334 = tpu.memref_slice %arg8[%add3A_275, %dma_wait3A_333] : memref<80x125xi32, #tpu.memory_space<vmem>> -> memref<1x125xi32, #tpu.memory_space<vmem>>
      %dma_wait3A_335 = tpu.memref_squeeze %dma_wait3A_334 : memref<1x125xi32, #tpu.memory_space<vmem>> -> memref<125xi32, #tpu.memory_space<vmem>>
      %dma_wait3A_336 = arith.constant 0 : i32
      %dma_wait3A_337 = arith.constant 0 : i32
      %dma_wait3A_338 = tpu.memref_slice %arg18[%dma_wait3A_336, %dma_wait3A_337] : memref<10240x32xf32, #tpu.memory_space<vmem_shared>> -> memref<10240x32xf32, #tpu.memory_space<vmem_shared>>
      tpu.wait_indirect_dma semaphore(%arg20 : memref<!tpu.dma_semaphore, #tpu.memory_space<semaphore_mem>>) src(%arg17 : memref<125x32xf32, #tpu.memory_space<vmem>>) dst(%dma_wait3A_338 : memref<10240x32xf32, #tpu.memory_space<vmem_shared>>)
      %scan3A_339 = arith.constant 0 : i32
      scf.yield %scan3A_339 : i32
    }
    %scan3A_52 = arith.constant 10 : i32
    %scan3A_53 = arith.constant 0 : i32
    %scan3A_54 = arith.constant 1 : i32
    %barrier3A_55 = arith.constant 0 : index
    tpu.barrier barrier_id(%barrier3A_55)
    %mul3A_56 = arith.constant 640 : i32
    %mul3A_57 = arith.muli %arg1, %mul3A_56 : i32
    %mul3A_58 = arith.constant 640 : i32
    %mul3A_59 = arith.muli %arg1, %mul3A_58 : i32
    "tpu.region"() ({
      %run_scoped3A = tpu.sem_alloc : memref<!tpu.dma_semaphore, #tpu.memory_space<semaphore_mem>>
      %dma_start3A = arith.constant 0 : i32
      %dma_start3A_60 = tpu.memref_slice %arg6[%arg0, %mul3A_59, %dma_start3A] : memref<2x10240x32xf32, #tpu.memory_space<hbm>> -> memref<1x640x32xf32, #tpu.memory_space<hbm>>
      %dma_start3A_61 = tpu.memref_squeeze %dma_start3A_60 : memref<1x640x32xf32, #tpu.memory_space<hbm>> -> memref<640x32xf32, #tpu.memory_space<hbm>>
      %dma_start3A_62 = arith.constant 0 : i32
      %dma_start3A_63 = tpu.memref_slice %arg18[%mul3A_57, %dma_start3A_62] : memref<10240x32xf32, #tpu.memory_space<vmem_shared>> -> memref<640x32xf32, #tpu.memory_space<vmem_shared>>
      tpu.enqueue_dma source(%dma_start3A_63 : memref<640x32xf32, #tpu.memory_space<vmem_shared>>) target(%dma_start3A_61 : memref<640x32xf32, #tpu.memory_space<hbm>>) target_semaphore(%run_scoped3A : memref<!tpu.dma_semaphore, #tpu.memory_space<semaphore_mem>>)
      %dma_wait3A = arith.constant 0 : i32
      %dma_wait3A_64 = tpu.memref_slice %arg6[%arg0, %mul3A_59, %dma_wait3A] : memref<2x10240x32xf32, #tpu.memory_space<hbm>> -> memref<1x640x32xf32, #tpu.memory_space<hbm>>
      %dma_wait3A_65 = tpu.memref_squeeze %dma_wait3A_64 : memref<1x640x32xf32, #tpu.memory_space<hbm>> -> memref<640x32xf32, #tpu.memory_space<hbm>>
      %dma_wait3A_66 = arith.constant 0 : i32
      %dma_wait3A_67 = tpu.memref_slice %arg18[%mul3A_57, %dma_wait3A_66] : memref<10240x32xf32, #tpu.memory_space<vmem_shared>> -> memref<640x32xf32, #tpu.memory_space<vmem_shared>>
      tpu.wait_dma2 semaphore(%run_scoped3A : memref<!tpu.dma_semaphore, #tpu.memory_space<semaphore_mem>>) src(%dma_wait3A_67 : memref<640x32xf32, #tpu.memory_space<vmem_shared>>) dst(%dma_wait3A_65 : memref<640x32xf32, #tpu.memory_space<hbm>>)
      tpu.yield
    }) : () -> ()
    return
  }
}

#map = affine_map<(d0, d1) -> (0, 0)>
#map1 = affine_map<(d0, d1) -> (0, 0, 0)>
module attributes {stable_mosaic.version = 14 : i64} {
  func.func @_acc_body(%arg0: i32, %arg1: i32, %arg2: memref<10000x128xf32, #tpu.memory_space<hbm>>, %arg3: memref<2560x125xi32, #tpu.memory_space<hbm>>, %arg4: memref<2560x125xi32, #tpu.memory_space<hbm>>, %arg5: memref<2560x125xf32, #tpu.memory_space<hbm>>, %arg6: memref<2x10240x128xf32, #tpu.memory_space<hbm>>, %arg7: memref<40x125xi32, #tpu.memory_space<vmem>>, %arg8: memref<40x125xi32, #tpu.memory_space<vmem>>, %arg9: memref<40x125xf32, #tpu.memory_space<vmem>>, %arg10: memref<125x128xf32, #tpu.memory_space<vmem>>, %arg11: memref<125x128xf32, #tpu.memory_space<vmem>>, %arg12: memref<10240x128xf32, #tpu.memory_space<vmem_shared>>, %arg13: memref<!tpu.dma_semaphore, #tpu.memory_space<semaphore_mem>>, %arg14: memref<!tpu.dma_semaphore, #tpu.memory_space<semaphore_mem>>) attributes {dimension_semantics = [#tpu.dimension_semantics<core_parallel>, #tpu.dimension_semantics<subcore_parallel>], iteration_bounds = array<i64: 2, 16>, scalar_prefetch = 0 : i64, scratch_operands = 8 : i64, tpu.core_type = #tpu.core_type<sc_vector_subcore>, window_params = [{transform_indices = #map}, {transform_indices = #map}, {transform_indices = #map}, {transform_indices = #map}, {transform_indices = #map1}]} {
    %scan3A = arith.constant 0 : i32
    %scan3A_0 = arith.constant 0 : i32
    %scan3A_1 = arith.constant 80 : i32
    %scan3A_2 = arith.addi %scan3A_0, %scan3A_1 : i32
    %scan3A_3 = arith.constant 1 : i32
    %scan3A_4 = scf.for %scan3A_48 = %scan3A_0 to %scan3A_2 step %scan3A_3 iter_args(%scan3A_49 = %scan3A) -> (i32)  : i32 {
      %broadcast_in_dim3A = arith.constant 0.000000e+00 : f32
      %broadcast_in_dim3A_50 = vector.broadcast %broadcast_in_dim3A : f32 to vector<16xf32>
      %swap3A = arith.index_cast %scan3A_48 : i32 to index
      %swap3A_51 = arith.constant 0 : index
      %swap3A_52 = tpu.vector_load %arg10[%swap3A, %swap3A_51] {strides = array<i32>} : memref<125x128xf32, #tpu.memory_space<vmem>>, vector<16xf32>,
      tpu.vector_store %arg10[%swap3A, %swap3A_51], %broadcast_in_dim3A_50 {strides = array<i32>} : memref<125x128xf32, #tpu.memory_space<vmem>>, vector<16xf32>,
      %broadcast_in_dim3A_53 = arith.constant 0.000000e+00 : f32
      %broadcast_in_dim3A_54 = vector.broadcast %broadcast_in_dim3A_53 : f32 to vector<16xf32>
      %swap3A_55 = arith.index_cast %scan3A_48 : i32 to index
      %swap3A_56 = arith.constant 16 : index
      %swap3A_57 = tpu.vector_load %arg10[%swap3A_55, %swap3A_56] {strides = array<i32>} : memref<125x128xf32, #tpu.memory_space<vmem>>, vector<16xf32>,
      tpu.vector_store %arg10[%swap3A_55, %swap3A_56], %broadcast_in_dim3A_54 {strides = array<i32>} : memref<125x128xf32, #tpu.memory_space<vmem>>, vector<16xf32>,
      %broadcast_in_dim3A_58 = arith.constant 0.000000e+00 : f32
      %broadcast_in_dim3A_59 = vector.broadcast %broadcast_in_dim3A_58 : f32 to vector<16xf32>
      %swap3A_60 = arith.index_cast %scan3A_48 : i32 to index
      %swap3A_61 = arith.constant 32 : index
      %swap3A_62 = tpu.vector_load %arg10[%swap3A_60, %swap3A_61] {strides = array<i32>} : memref<125x128xf32, #tpu.memory_space<vmem>>, vector<16xf32>,
      tpu.vector_store %arg10[%swap3A_60, %swap3A_61], %broadcast_in_dim3A_59 {strides = array<i32>} : memref<125x128xf32, #tpu.memory_space<vmem>>, vector<16xf32>,
      %broadcast_in_dim3A_63 = arith.constant 0.000000e+00 : f32
      %broadcast_in_dim3A_64 = vector.broadcast %broadcast_in_dim3A_63 : f32 to vector<16xf32>
      %swap3A_65 = arith.index_cast %scan3A_48 : i32 to index
      %swap3A_66 = arith.constant 48 : index
      %swap3A_67 = tpu.vector_load %arg10[%swap3A_65, %swap3A_66] {strides = array<i32>} : memref<125x128xf32, #tpu.memory_space<vmem>>, vector<16xf32>,
      tpu.vector_store %arg10[%swap3A_65, %swap3A_66], %broadcast_in_dim3A_64 {strides = array<i32>} : memref<125x128xf32, #tpu.memory_space<vmem>>, vector<16xf32>,
      %broadcast_in_dim3A_68 = arith.constant 0.000000e+00 : f32
      %broadcast_in_dim3A_69 = vector.broadcast %broadcast_in_dim3A_68 : f32 to vector<16xf32>
      %swap3A_70 = arith.index_cast %scan3A_48 : i32 to index
      %swap3A_71 = arith.constant 64 : index
      %swap3A_72 = tpu.vector_load %arg10[%swap3A_70, %swap3A_71] {strides = array<i32>} : memref<125x128xf32, #tpu.memory_space<vmem>>, vector<16xf32>,
      tpu.vector_store %arg10[%swap3A_70, %swap3A_71], %broadcast_in_dim3A_69 {strides = array<i32>} : memref<125x128xf32, #tpu.memory_space<vmem>>, vector<16xf32>,
      %broadcast_in_dim3A_73 = arith.constant 0.000000e+00 : f32
      %broadcast_in_dim3A_74 = vector.broadcast %broadcast_in_dim3A_73 : f32 to vector<16xf32>
      %swap3A_75 = arith.index_cast %scan3A_48 : i32 to index
      %swap3A_76 = arith.constant 80 : index
      %swap3A_77 = tpu.vector_load %arg10[%swap3A_75, %swap3A_76] {strides = array<i32>} : memref<125x128xf32, #tpu.memory_space<vmem>>, vector<16xf32>,
      tpu.vector_store %arg10[%swap3A_75, %swap3A_76], %broadcast_in_dim3A_74 {strides = array<i32>} : memref<125x128xf32, #tpu.memory_space<vmem>>, vector<16xf32>,
      %broadcast_in_dim3A_78 = arith.constant 0.000000e+00 : f32
      %broadcast_in_dim3A_79 = vector.broadcast %broadcast_in_dim3A_78 : f32 to vector<16xf32>
      %swap3A_80 = arith.index_cast %scan3A_48 : i32 to index
      %swap3A_81 = arith.constant 96 : index
      %swap3A_82 = tpu.vector_load %arg10[%swap3A_80, %swap3A_81] {strides = array<i32>} : memref<125x128xf32, #tpu.memory_space<vmem>>, vector<16xf32>,
      tpu.vector_store %arg10[%swap3A_80, %swap3A_81], %broadcast_in_dim3A_79 {strides = array<i32>} : memref<125x128xf32, #tpu.memory_space<vmem>>, vector<16xf32>,
      %broadcast_in_dim3A_83 = arith.constant 0.000000e+00 : f32
      %broadcast_in_dim3A_84 = vector.broadcast %broadcast_in_dim3A_83 : f32 to vector<16xf32>
      %swap3A_85 = arith.index_cast %scan3A_48 : i32 to index
      %swap3A_86 = arith.constant 112 : index
      %swap3A_87 = tpu.vector_load %arg10[%swap3A_85, %swap3A_86] {strides = array<i32>} : memref<125x128xf32, #tpu.memory_space<vmem>>, vector<16xf32>,
      tpu.vector_store %arg10[%swap3A_85, %swap3A_86], %broadcast_in_dim3A_84 {strides = array<i32>} : memref<125x128xf32, #tpu.memory_space<vmem>>, vector<16xf32>,
      %scan3A_88 = arith.constant 0 : i32
      scf.yield %scan3A_88 : i32
    }
    %scan3A_5 = arith.constant 80 : i32
    %mul3A = arith.constant 640 : i32
    %mul3A_6 = arith.muli %arg1, %mul3A : i32
    %add3A = arith.constant 0 : i32
    %add3A_7 = arith.addi %mul3A_6, %add3A : i32
    "tpu.region"() ({
      %run_scoped3A = tpu.sem_alloc : memref<!tpu.dma_semaphore, #tpu.memory_space<semaphore_mem>>
      %dma_start3A = arith.constant 0 : i32
      %dma_start3A_48 = arith.constant 0 : i32
      %dma_start3A_49 = tpu.memref_slice %arg10[%dma_start3A, %dma_start3A_48] : memref<125x128xf32, #tpu.memory_space<vmem>> -> memref<80x128xf32, #tpu.memory_space<vmem>>
      %dma_start3A_50 = arith.constant 0 : i32
      %dma_start3A_51 = tpu.memref_slice %arg12[%add3A_7, %dma_start3A_50] : memref<10240x128xf32, #tpu.memory_space<vmem_shared>> -> memref<80x128xf32, #tpu.memory_space<vmem_shared>>
      %dma_start3A_52 = arith.constant 0 : i32
      %dma_start3A_53 = tpu.memref_slice %arg12[%add3A_7, %dma_start3A_52] : memref<10240x128xf32, #tpu.memory_space<vmem_shared>> -> memref<80x128xf32, #tpu.memory_space<vmem_shared>>
      %dma_start3A_54 = arith.constant 0 : i32
      %dma_start3A_55 = arith.constant 0 : i32
      %dma_start3A_56 = tpu.memref_slice %arg10[%dma_start3A_54, %dma_start3A_55] : memref<125x128xf32, #tpu.memory_space<vmem>> -> memref<80x128xf32, #tpu.memory_space<vmem>>
      tpu.enqueue_dma source(%dma_start3A_56 : memref<80x128xf32, #tpu.memory_space<vmem>>) target(%dma_start3A_53 : memref<80x128xf32, #tpu.memory_space<vmem_shared>>) target_semaphore(%run_scoped3A : memref<!tpu.dma_semaphore, #tpu.memory_space<semaphore_mem>>)
      %dma_wait3A = arith.constant 0 : i32
      %dma_wait3A_57 = arith.constant 0 : i32
      %dma_wait3A_58 = tpu.memref_slice %arg10[%dma_wait3A, %dma_wait3A_57] : memref<125x128xf32, #tpu.memory_space<vmem>> -> memref<80x128xf32, #tpu.memory_space<vmem>>
      %dma_wait3A_59 = arith.constant 0 : i32
      %dma_wait3A_60 = tpu.memref_slice %arg12[%add3A_7, %dma_wait3A_59] : memref<10240x128xf32, #tpu.memory_space<vmem_shared>> -> memref<80x128xf32, #tpu.memory_space<vmem_shared>>
      %dma_wait3A_61 = arith.constant 0 : i32
      %dma_wait3A_62 = tpu.memref_slice %arg12[%add3A_7, %dma_wait3A_61] : memref<10240x128xf32, #tpu.memory_space<vmem_shared>> -> memref<80x128xf32, #tpu.memory_space<vmem_shared>>
      %dma_wait3A_63 = arith.constant 0 : i32
      %dma_wait3A_64 = arith.constant 0 : i32
      %dma_wait3A_65 = tpu.memref_slice %arg10[%dma_wait3A_63, %dma_wait3A_64] : memref<125x128xf32, #tpu.memory_space<vmem>> -> memref<80x128xf32, #tpu.memory_space<vmem>>
      tpu.wait_dma2 semaphore(%run_scoped3A : memref<!tpu.dma_semaphore, #tpu.memory_space<semaphore_mem>>) src(%dma_wait3A_65 : memref<80x128xf32, #tpu.memory_space<vmem>>) dst(%dma_wait3A_62 : memref<80x128xf32, #tpu.memory_space<vmem_shared>>)
      tpu.yield
    }) : () -> ()
    %mul3A_8 = arith.constant 640 : i32
    %mul3A_9 = arith.muli %arg1, %mul3A_8 : i32
    %add3A_10 = arith.constant 80 : i32
    %add3A_11 = arith.addi %mul3A_9, %add3A_10 : i32
    "tpu.region"() ({
      %run_scoped3A = tpu.sem_alloc : memref<!tpu.dma_semaphore, #tpu.memory_space<semaphore_mem>>
      %dma_start3A = arith.constant 0 : i32
      %dma_start3A_48 = arith.constant 0 : i32
      %dma_start3A_49 = tpu.memref_slice %arg10[%dma_start3A, %dma_start3A_48] : memref<125x128xf32, #tpu.memory_space<vmem>> -> memref<80x128xf32, #tpu.memory_space<vmem>>
      %dma_start3A_50 = arith.constant 0 : i32
      %dma_start3A_51 = tpu.memref_slice %arg12[%add3A_11, %dma_start3A_50] : memref<10240x128xf32, #tpu.memory_space<vmem_shared>> -> memref<80x128xf32, #tpu.memory_space<vmem_shared>>
      %dma_start3A_52 = arith.constant 0 : i32
      %dma_start3A_53 = tpu.memref_slice %arg12[%add3A_11, %dma_start3A_52] : memref<10240x128xf32, #tpu.memory_space<vmem_shared>> -> memref<80x128xf32, #tpu.memory_space<vmem_shared>>
      %dma_start3A_54 = arith.constant 0 : i32
      %dma_start3A_55 = arith.constant 0 : i32
      %dma_start3A_56 = tpu.memref_slice %arg10[%dma_start3A_54, %dma_start3A_55] : memref<125x128xf32, #tpu.memory_space<vmem>> -> memref<80x128xf32, #tpu.memory_space<vmem>>
      tpu.enqueue_dma source(%dma_start3A_56 : memref<80x128xf32, #tpu.memory_space<vmem>>) target(%dma_start3A_53 : memref<80x128xf32, #tpu.memory_space<vmem_shared>>) target_semaphore(%run_scoped3A : memref<!tpu.dma_semaphore, #tpu.memory_space<semaphore_mem>>)
      %dma_wait3A = arith.constant 0 : i32
      %dma_wait3A_57 = arith.constant 0 : i32
      %dma_wait3A_58 = tpu.memref_slice %arg10[%dma_wait3A, %dma_wait3A_57] : memref<125x128xf32, #tpu.memory_space<vmem>> -> memref<80x128xf32, #tpu.memory_space<vmem>>
      %dma_wait3A_59 = arith.constant 0 : i32
      %dma_wait3A_60 = tpu.memref_slice %arg12[%add3A_11, %dma_wait3A_59] : memref<10240x128xf32, #tpu.memory_space<vmem_shared>> -> memref<80x128xf32, #tpu.memory_space<vmem_shared>>
      %dma_wait3A_61 = arith.constant 0 : i32
      %dma_wait3A_62 = tpu.memref_slice %arg12[%add3A_11, %dma_wait3A_61] : memref<10240x128xf32, #tpu.memory_space<vmem_shared>> -> memref<80x128xf32, #tpu.memory_space<vmem_shared>>
      %dma_wait3A_63 = arith.constant 0 : i32
      %dma_wait3A_64 = arith.constant 0 : i32
      %dma_wait3A_65 = tpu.memref_slice %arg10[%dma_wait3A_63, %dma_wait3A_64] : memref<125x128xf32, #tpu.memory_space<vmem>> -> memref<80x128xf32, #tpu.memory_space<vmem>>
      tpu.wait_dma2 semaphore(%run_scoped3A : memref<!tpu.dma_semaphore, #tpu.memory_space<semaphore_mem>>) src(%dma_wait3A_65 : memref<80x128xf32, #tpu.memory_space<vmem>>) dst(%dma_wait3A_62 : memref<80x128xf32, #tpu.memory_space<vmem_shared>>)
      tpu.yield
    }) : () -> ()
    %mul3A_12 = arith.constant 640 : i32
    %mul3A_13 = arith.muli %arg1, %mul3A_12 : i32
    %add3A_14 = arith.constant 160 : i32
    %add3A_15 = arith.addi %mul3A_13, %add3A_14 : i32
    "tpu.region"() ({
      %run_scoped3A = tpu.sem_alloc : memref<!tpu.dma_semaphore, #tpu.memory_space<semaphore_mem>>
      %dma_start3A = arith.constant 0 : i32
      %dma_start3A_48 = arith.constant 0 : i32
      %dma_start3A_49 = tpu.memref_slice %arg10[%dma_start3A, %dma_start3A_48] : memref<125x128xf32, #tpu.memory_space<vmem>> -> memref<80x128xf32, #tpu.memory_space<vmem>>
      %dma_start3A_50 = arith.constant 0 : i32
      %dma_start3A_51 = tpu.memref_slice %arg12[%add3A_15, %dma_start3A_50] : memref<10240x128xf32, #tpu.memory_space<vmem_shared>> -> memref<80x128xf32, #tpu.memory_space<vmem_shared>>
      %dma_start3A_52 = arith.constant 0 : i32
      %dma_start3A_53 = tpu.memref_slice %arg12[%add3A_15, %dma_start3A_52] : memref<10240x128xf32, #tpu.memory_space<vmem_shared>> -> memref<80x128xf32, #tpu.memory_space<vmem_shared>>
      %dma_start3A_54 = arith.constant 0 : i32
      %dma_start3A_55 = arith.constant 0 : i32
      %dma_start3A_56 = tpu.memref_slice %arg10[%dma_start3A_54, %dma_start3A_55] : memref<125x128xf32, #tpu.memory_space<vmem>> -> memref<80x128xf32, #tpu.memory_space<vmem>>
      tpu.enqueue_dma source(%dma_start3A_56 : memref<80x128xf32, #tpu.memory_space<vmem>>) target(%dma_start3A_53 : memref<80x128xf32, #tpu.memory_space<vmem_shared>>) target_semaphore(%run_scoped3A : memref<!tpu.dma_semaphore, #tpu.memory_space<semaphore_mem>>)
      %dma_wait3A = arith.constant 0 : i32
      %dma_wait3A_57 = arith.constant 0 : i32
      %dma_wait3A_58 = tpu.memref_slice %arg10[%dma_wait3A, %dma_wait3A_57] : memref<125x128xf32, #tpu.memory_space<vmem>> -> memref<80x128xf32, #tpu.memory_space<vmem>>
      %dma_wait3A_59 = arith.constant 0 : i32
      %dma_wait3A_60 = tpu.memref_slice %arg12[%add3A_15, %dma_wait3A_59] : memref<10240x128xf32, #tpu.memory_space<vmem_shared>> -> memref<80x128xf32, #tpu.memory_space<vmem_shared>>
      %dma_wait3A_61 = arith.constant 0 : i32
      %dma_wait3A_62 = tpu.memref_slice %arg12[%add3A_15, %dma_wait3A_61] : memref<10240x128xf32, #tpu.memory_space<vmem_shared>> -> memref<80x128xf32, #tpu.memory_space<vmem_shared>>
      %dma_wait3A_63 = arith.constant 0 : i32
      %dma_wait3A_64 = arith.constant 0 : i32
      %dma_wait3A_65 = tpu.memref_slice %arg10[%dma_wait3A_63, %dma_wait3A_64] : memref<125x128xf32, #tpu.memory_space<vmem>> -> memref<80x128xf32, #tpu.memory_space<vmem>>
      tpu.wait_dma2 semaphore(%run_scoped3A : memref<!tpu.dma_semaphore, #tpu.memory_space<semaphore_mem>>) src(%dma_wait3A_65 : memref<80x128xf32, #tpu.memory_space<vmem>>) dst(%dma_wait3A_62 : memref<80x128xf32, #tpu.memory_space<vmem_shared>>)
      tpu.yield
    }) : () -> ()
    %mul3A_16 = arith.constant 640 : i32
    %mul3A_17 = arith.muli %arg1, %mul3A_16 : i32
    %add3A_18 = arith.constant 240 : i32
    %add3A_19 = arith.addi %mul3A_17, %add3A_18 : i32
    "tpu.region"() ({
      %run_scoped3A = tpu.sem_alloc : memref<!tpu.dma_semaphore, #tpu.memory_space<semaphore_mem>>
      %dma_start3A = arith.constant 0 : i32
      %dma_start3A_48 = arith.constant 0 : i32
      %dma_start3A_49 = tpu.memref_slice %arg10[%dma_start3A, %dma_start3A_48] : memref<125x128xf32, #tpu.memory_space<vmem>> -> memref<80x128xf32, #tpu.memory_space<vmem>>
      %dma_start3A_50 = arith.constant 0 : i32
      %dma_start3A_51 = tpu.memref_slice %arg12[%add3A_19, %dma_start3A_50] : memref<10240x128xf32, #tpu.memory_space<vmem_shared>> -> memref<80x128xf32, #tpu.memory_space<vmem_shared>>
      %dma_start3A_52 = arith.constant 0 : i32
      %dma_start3A_53 = tpu.memref_slice %arg12[%add3A_19, %dma_start3A_52] : memref<10240x128xf32, #tpu.memory_space<vmem_shared>> -> memref<80x128xf32, #tpu.memory_space<vmem_shared>>
      %dma_start3A_54 = arith.constant 0 : i32
      %dma_start3A_55 = arith.constant 0 : i32
      %dma_start3A_56 = tpu.memref_slice %arg10[%dma_start3A_54, %dma_start3A_55] : memref<125x128xf32, #tpu.memory_space<vmem>> -> memref<80x128xf32, #tpu.memory_space<vmem>>
      tpu.enqueue_dma source(%dma_start3A_56 : memref<80x128xf32, #tpu.memory_space<vmem>>) target(%dma_start3A_53 : memref<80x128xf32, #tpu.memory_space<vmem_shared>>) target_semaphore(%run_scoped3A : memref<!tpu.dma_semaphore, #tpu.memory_space<semaphore_mem>>)
      %dma_wait3A = arith.constant 0 : i32
      %dma_wait3A_57 = arith.constant 0 : i32
      %dma_wait3A_58 = tpu.memref_slice %arg10[%dma_wait3A, %dma_wait3A_57] : memref<125x128xf32, #tpu.memory_space<vmem>> -> memref<80x128xf32, #tpu.memory_space<vmem>>
      %dma_wait3A_59 = arith.constant 0 : i32
      %dma_wait3A_60 = tpu.memref_slice %arg12[%add3A_19, %dma_wait3A_59] : memref<10240x128xf32, #tpu.memory_space<vmem_shared>> -> memref<80x128xf32, #tpu.memory_space<vmem_shared>>
      %dma_wait3A_61 = arith.constant 0 : i32
      %dma_wait3A_62 = tpu.memref_slice %arg12[%add3A_19, %dma_wait3A_61] : memref<10240x128xf32, #tpu.memory_space<vmem_shared>> -> memref<80x128xf32, #tpu.memory_space<vmem_shared>>
      %dma_wait3A_63 = arith.constant 0 : i32
      %dma_wait3A_64 = arith.constant 0 : i32
      %dma_wait3A_65 = tpu.memref_slice %arg10[%dma_wait3A_63, %dma_wait3A_64] : memref<125x128xf32, #tpu.memory_space<vmem>> -> memref<80x128xf32, #tpu.memory_space<vmem>>
      tpu.wait_dma2 semaphore(%run_scoped3A : memref<!tpu.dma_semaphore, #tpu.memory_space<semaphore_mem>>) src(%dma_wait3A_65 : memref<80x128xf32, #tpu.memory_space<vmem>>) dst(%dma_wait3A_62 : memref<80x128xf32, #tpu.memory_space<vmem_shared>>)
      tpu.yield
    }) : () -> ()
    %mul3A_20 = arith.constant 640 : i32
    %mul3A_21 = arith.muli %arg1, %mul3A_20 : i32
    %add3A_22 = arith.constant 320 : i32
    %add3A_23 = arith.addi %mul3A_21, %add3A_22 : i32
    "tpu.region"() ({
      %run_scoped3A = tpu.sem_alloc : memref<!tpu.dma_semaphore, #tpu.memory_space<semaphore_mem>>
      %dma_start3A = arith.constant 0 : i32
      %dma_start3A_48 = arith.constant 0 : i32
      %dma_start3A_49 = tpu.memref_slice %arg10[%dma_start3A, %dma_start3A_48] : memref<125x128xf32, #tpu.memory_space<vmem>> -> memref<80x128xf32, #tpu.memory_space<vmem>>
      %dma_start3A_50 = arith.constant 0 : i32
      %dma_start3A_51 = tpu.memref_slice %arg12[%add3A_23, %dma_start3A_50] : memref<10240x128xf32, #tpu.memory_space<vmem_shared>> -> memref<80x128xf32, #tpu.memory_space<vmem_shared>>
      %dma_start3A_52 = arith.constant 0 : i32
      %dma_start3A_53 = tpu.memref_slice %arg12[%add3A_23, %dma_start3A_52] : memref<10240x128xf32, #tpu.memory_space<vmem_shared>> -> memref<80x128xf32, #tpu.memory_space<vmem_shared>>
      %dma_start3A_54 = arith.constant 0 : i32
      %dma_start3A_55 = arith.constant 0 : i32
      %dma_start3A_56 = tpu.memref_slice %arg10[%dma_start3A_54, %dma_start3A_55] : memref<125x128xf32, #tpu.memory_space<vmem>> -> memref<80x128xf32, #tpu.memory_space<vmem>>
      tpu.enqueue_dma source(%dma_start3A_56 : memref<80x128xf32, #tpu.memory_space<vmem>>) target(%dma_start3A_53 : memref<80x128xf32, #tpu.memory_space<vmem_shared>>) target_semaphore(%run_scoped3A : memref<!tpu.dma_semaphore, #tpu.memory_space<semaphore_mem>>)
      %dma_wait3A = arith.constant 0 : i32
      %dma_wait3A_57 = arith.constant 0 : i32
      %dma_wait3A_58 = tpu.memref_slice %arg10[%dma_wait3A, %dma_wait3A_57] : memref<125x128xf32, #tpu.memory_space<vmem>> -> memref<80x128xf32, #tpu.memory_space<vmem>>
      %dma_wait3A_59 = arith.constant 0 : i32
      %dma_wait3A_60 = tpu.memref_slice %arg12[%add3A_23, %dma_wait3A_59] : memref<10240x128xf32, #tpu.memory_space<vmem_shared>> -> memref<80x128xf32, #tpu.memory_space<vmem_shared>>
      %dma_wait3A_61 = arith.constant 0 : i32
      %dma_wait3A_62 = tpu.memref_slice %arg12[%add3A_23, %dma_wait3A_61] : memref<10240x128xf32, #tpu.memory_space<vmem_shared>> -> memref<80x128xf32, #tpu.memory_space<vmem_shared>>
      %dma_wait3A_63 = arith.constant 0 : i32
      %dma_wait3A_64 = arith.constant 0 : i32
      %dma_wait3A_65 = tpu.memref_slice %arg10[%dma_wait3A_63, %dma_wait3A_64] : memref<125x128xf32, #tpu.memory_space<vmem>> -> memref<80x128xf32, #tpu.memory_space<vmem>>
      tpu.wait_dma2 semaphore(%run_scoped3A : memref<!tpu.dma_semaphore, #tpu.memory_space<semaphore_mem>>) src(%dma_wait3A_65 : memref<80x128xf32, #tpu.memory_space<vmem>>) dst(%dma_wait3A_62 : memref<80x128xf32, #tpu.memory_space<vmem_shared>>)
      tpu.yield
    }) : () -> ()
    %mul3A_24 = arith.constant 640 : i32
    %mul3A_25 = arith.muli %arg1, %mul3A_24 : i32
    %add3A_26 = arith.constant 400 : i32
    %add3A_27 = arith.addi %mul3A_25, %add3A_26 : i32
    "tpu.region"() ({
      %run_scoped3A = tpu.sem_alloc : memref<!tpu.dma_semaphore, #tpu.memory_space<semaphore_mem>>
      %dma_start3A = arith.constant 0 : i32
      %dma_start3A_48 = arith.constant 0 : i32
      %dma_start3A_49 = tpu.memref_slice %arg10[%dma_start3A, %dma_start3A_48] : memref<125x128xf32, #tpu.memory_space<vmem>> -> memref<80x128xf32, #tpu.memory_space<vmem>>
      %dma_start3A_50 = arith.constant 0 : i32
      %dma_start3A_51 = tpu.memref_slice %arg12[%add3A_27, %dma_start3A_50] : memref<10240x128xf32, #tpu.memory_space<vmem_shared>> -> memref<80x128xf32, #tpu.memory_space<vmem_shared>>
      %dma_start3A_52 = arith.constant 0 : i32
      %dma_start3A_53 = tpu.memref_slice %arg12[%add3A_27, %dma_start3A_52] : memref<10240x128xf32, #tpu.memory_space<vmem_shared>> -> memref<80x128xf32, #tpu.memory_space<vmem_shared>>
      %dma_start3A_54 = arith.constant 0 : i32
      %dma_start3A_55 = arith.constant 0 : i32
      %dma_start3A_56 = tpu.memref_slice %arg10[%dma_start3A_54, %dma_start3A_55] : memref<125x128xf32, #tpu.memory_space<vmem>> -> memref<80x128xf32, #tpu.memory_space<vmem>>
      tpu.enqueue_dma source(%dma_start3A_56 : memref<80x128xf32, #tpu.memory_space<vmem>>) target(%dma_start3A_53 : memref<80x128xf32, #tpu.memory_space<vmem_shared>>) target_semaphore(%run_scoped3A : memref<!tpu.dma_semaphore, #tpu.memory_space<semaphore_mem>>)
      %dma_wait3A = arith.constant 0 : i32
      %dma_wait3A_57 = arith.constant 0 : i32
      %dma_wait3A_58 = tpu.memref_slice %arg10[%dma_wait3A, %dma_wait3A_57] : memref<125x128xf32, #tpu.memory_space<vmem>> -> memref<80x128xf32, #tpu.memory_space<vmem>>
      %dma_wait3A_59 = arith.constant 0 : i32
      %dma_wait3A_60 = tpu.memref_slice %arg12[%add3A_27, %dma_wait3A_59] : memref<10240x128xf32, #tpu.memory_space<vmem_shared>> -> memref<80x128xf32, #tpu.memory_space<vmem_shared>>
      %dma_wait3A_61 = arith.constant 0 : i32
      %dma_wait3A_62 = tpu.memref_slice %arg12[%add3A_27, %dma_wait3A_61] : memref<10240x128xf32, #tpu.memory_space<vmem_shared>> -> memref<80x128xf32, #tpu.memory_space<vmem_shared>>
      %dma_wait3A_63 = arith.constant 0 : i32
      %dma_wait3A_64 = arith.constant 0 : i32
      %dma_wait3A_65 = tpu.memref_slice %arg10[%dma_wait3A_63, %dma_wait3A_64] : memref<125x128xf32, #tpu.memory_space<vmem>> -> memref<80x128xf32, #tpu.memory_space<vmem>>
      tpu.wait_dma2 semaphore(%run_scoped3A : memref<!tpu.dma_semaphore, #tpu.memory_space<semaphore_mem>>) src(%dma_wait3A_65 : memref<80x128xf32, #tpu.memory_space<vmem>>) dst(%dma_wait3A_62 : memref<80x128xf32, #tpu.memory_space<vmem_shared>>)
      tpu.yield
    }) : () -> ()
    %mul3A_28 = arith.constant 640 : i32
    %mul3A_29 = arith.muli %arg1, %mul3A_28 : i32
    %add3A_30 = arith.constant 480 : i32
    %add3A_31 = arith.addi %mul3A_29, %add3A_30 : i32
    "tpu.region"() ({
      %run_scoped3A = tpu.sem_alloc : memref<!tpu.dma_semaphore, #tpu.memory_space<semaphore_mem>>
      %dma_start3A = arith.constant 0 : i32
      %dma_start3A_48 = arith.constant 0 : i32
      %dma_start3A_49 = tpu.memref_slice %arg10[%dma_start3A, %dma_start3A_48] : memref<125x128xf32, #tpu.memory_space<vmem>> -> memref<80x128xf32, #tpu.memory_space<vmem>>
      %dma_start3A_50 = arith.constant 0 : i32
      %dma_start3A_51 = tpu.memref_slice %arg12[%add3A_31, %dma_start3A_50] : memref<10240x128xf32, #tpu.memory_space<vmem_shared>> -> memref<80x128xf32, #tpu.memory_space<vmem_shared>>
      %dma_start3A_52 = arith.constant 0 : i32
      %dma_start3A_53 = tpu.memref_slice %arg12[%add3A_31, %dma_start3A_52] : memref<10240x128xf32, #tpu.memory_space<vmem_shared>> -> memref<80x128xf32, #tpu.memory_space<vmem_shared>>
      %dma_start3A_54 = arith.constant 0 : i32
      %dma_start3A_55 = arith.constant 0 : i32
      %dma_start3A_56 = tpu.memref_slice %arg10[%dma_start3A_54, %dma_start3A_55] : memref<125x128xf32, #tpu.memory_space<vmem>> -> memref<80x128xf32, #tpu.memory_space<vmem>>
      tpu.enqueue_dma source(%dma_start3A_56 : memref<80x128xf32, #tpu.memory_space<vmem>>) target(%dma_start3A_53 : memref<80x128xf32, #tpu.memory_space<vmem_shared>>) target_semaphore(%run_scoped3A : memref<!tpu.dma_semaphore, #tpu.memory_space<semaphore_mem>>)
      %dma_wait3A = arith.constant 0 : i32
      %dma_wait3A_57 = arith.constant 0 : i32
      %dma_wait3A_58 = tpu.memref_slice %arg10[%dma_wait3A, %dma_wait3A_57] : memref<125x128xf32, #tpu.memory_space<vmem>> -> memref<80x128xf32, #tpu.memory_space<vmem>>
      %dma_wait3A_59 = arith.constant 0 : i32
      %dma_wait3A_60 = tpu.memref_slice %arg12[%add3A_31, %dma_wait3A_59] : memref<10240x128xf32, #tpu.memory_space<vmem_shared>> -> memref<80x128xf32, #tpu.memory_space<vmem_shared>>
      %dma_wait3A_61 = arith.constant 0 : i32
      %dma_wait3A_62 = tpu.memref_slice %arg12[%add3A_31, %dma_wait3A_61] : memref<10240x128xf32, #tpu.memory_space<vmem_shared>> -> memref<80x128xf32, #tpu.memory_space<vmem_shared>>
      %dma_wait3A_63 = arith.constant 0 : i32
      %dma_wait3A_64 = arith.constant 0 : i32
      %dma_wait3A_65 = tpu.memref_slice %arg10[%dma_wait3A_63, %dma_wait3A_64] : memref<125x128xf32, #tpu.memory_space<vmem>> -> memref<80x128xf32, #tpu.memory_space<vmem>>
      tpu.wait_dma2 semaphore(%run_scoped3A : memref<!tpu.dma_semaphore, #tpu.memory_space<semaphore_mem>>) src(%dma_wait3A_65 : memref<80x128xf32, #tpu.memory_space<vmem>>) dst(%dma_wait3A_62 : memref<80x128xf32, #tpu.memory_space<vmem_shared>>)
      tpu.yield
    }) : () -> ()
    %mul3A_32 = arith.constant 640 : i32
    %mul3A_33 = arith.muli %arg1, %mul3A_32 : i32
    %add3A_34 = arith.constant 560 : i32
    %add3A_35 = arith.addi %mul3A_33, %add3A_34 : i32
    "tpu.region"() ({
      %run_scoped3A = tpu.sem_alloc : memref<!tpu.dma_semaphore, #tpu.memory_space<semaphore_mem>>
      %dma_start3A = arith.constant 0 : i32
      %dma_start3A_48 = arith.constant 0 : i32
      %dma_start3A_49 = tpu.memref_slice %arg10[%dma_start3A, %dma_start3A_48] : memref<125x128xf32, #tpu.memory_space<vmem>> -> memref<80x128xf32, #tpu.memory_space<vmem>>
      %dma_start3A_50 = arith.constant 0 : i32
      %dma_start3A_51 = tpu.memref_slice %arg12[%add3A_35, %dma_start3A_50] : memref<10240x128xf32, #tpu.memory_space<vmem_shared>> -> memref<80x128xf32, #tpu.memory_space<vmem_shared>>
      %dma_start3A_52 = arith.constant 0 : i32
      %dma_start3A_53 = tpu.memref_slice %arg12[%add3A_35, %dma_start3A_52] : memref<10240x128xf32, #tpu.memory_space<vmem_shared>> -> memref<80x128xf32, #tpu.memory_space<vmem_shared>>
      %dma_start3A_54 = arith.constant 0 : i32
      %dma_start3A_55 = arith.constant 0 : i32
      %dma_start3A_56 = tpu.memref_slice %arg10[%dma_start3A_54, %dma_start3A_55] : memref<125x128xf32, #tpu.memory_space<vmem>> -> memref<80x128xf32, #tpu.memory_space<vmem>>
      tpu.enqueue_dma source(%dma_start3A_56 : memref<80x128xf32, #tpu.memory_space<vmem>>) target(%dma_start3A_53 : memref<80x128xf32, #tpu.memory_space<vmem_shared>>) target_semaphore(%run_scoped3A : memref<!tpu.dma_semaphore, #tpu.memory_space<semaphore_mem>>)
      %dma_wait3A = arith.constant 0 : i32
      %dma_wait3A_57 = arith.constant 0 : i32
      %dma_wait3A_58 = tpu.memref_slice %arg10[%dma_wait3A, %dma_wait3A_57] : memref<125x128xf32, #tpu.memory_space<vmem>> -> memref<80x128xf32, #tpu.memory_space<vmem>>
      %dma_wait3A_59 = arith.constant 0 : i32
      %dma_wait3A_60 = tpu.memref_slice %arg12[%add3A_35, %dma_wait3A_59] : memref<10240x128xf32, #tpu.memory_space<vmem_shared>> -> memref<80x128xf32, #tpu.memory_space<vmem_shared>>
      %dma_wait3A_61 = arith.constant 0 : i32
      %dma_wait3A_62 = tpu.memref_slice %arg12[%add3A_35, %dma_wait3A_61] : memref<10240x128xf32, #tpu.memory_space<vmem_shared>> -> memref<80x128xf32, #tpu.memory_space<vmem_shared>>
      %dma_wait3A_63 = arith.constant 0 : i32
      %dma_wait3A_64 = arith.constant 0 : i32
      %dma_wait3A_65 = tpu.memref_slice %arg10[%dma_wait3A_63, %dma_wait3A_64] : memref<125x128xf32, #tpu.memory_space<vmem>> -> memref<80x128xf32, #tpu.memory_space<vmem>>
      tpu.wait_dma2 semaphore(%run_scoped3A : memref<!tpu.dma_semaphore, #tpu.memory_space<semaphore_mem>>) src(%dma_wait3A_65 : memref<80x128xf32, #tpu.memory_space<vmem>>) dst(%dma_wait3A_62 : memref<80x128xf32, #tpu.memory_space<vmem_shared>>)
      tpu.yield
    }) : () -> ()
    %barrier3A = arith.constant 0 : index
    tpu.barrier barrier_id(%barrier3A)
    %scan3A_36 = arith.constant 0 : i32
    %scan3A_37 = arith.constant 0 : i32
    %scan3A_38 = arith.constant 2 : i32
    %scan3A_39 = arith.addi %scan3A_37, %scan3A_38 : i32
    %scan3A_40 = arith.constant 1 : i32
    %scan3A_41 = scf.for %scan3A_48 = %scan3A_37 to %scan3A_39 step %scan3A_40 iter_args(%scan3A_49 = %scan3A_36) -> (i32)  : i32 {
      %mul3A_50 = arith.constant 16 : i32
      %mul3A_51 = arith.muli %arg0, %mul3A_50 : i32
      %add3A_52 = arith.addi %mul3A_51, %arg1 : i32
      %mul3A_53 = arith.constant 80 : i32
      %mul3A_54 = arith.muli %add3A_52, %mul3A_53 : i32
      %mul3A_55 = arith.constant 40 : i32
      %mul3A_56 = arith.muli %scan3A_48, %mul3A_55 : i32
      %add3A_57 = arith.addi %mul3A_54, %mul3A_56 : i32
      "tpu.region"() ({
        %run_scoped3A = tpu.sem_alloc : memref<!tpu.dma_semaphore, #tpu.memory_space<semaphore_mem>>
        %dma_start3A = arith.constant 0 : i32
        %dma_start3A_66 = tpu.memref_slice %arg3[%add3A_57, %dma_start3A] : memref<2560x125xi32, #tpu.memory_space<hbm>> -> memref<40x125xi32, #tpu.memory_space<hbm>>
        %dma_start3A_67 = arith.constant 0 : i32
        %dma_start3A_68 = tpu.memref_slice %arg3[%add3A_57, %dma_start3A_67] : memref<2560x125xi32, #tpu.memory_space<hbm>> -> memref<40x125xi32, #tpu.memory_space<hbm>>
        tpu.enqueue_dma source(%dma_start3A_68 : memref<40x125xi32, #tpu.memory_space<hbm>>) target(%arg7 : memref<40x125xi32, #tpu.memory_space<vmem>>) target_semaphore(%run_scoped3A : memref<!tpu.dma_semaphore, #tpu.memory_space<semaphore_mem>>)
        %dma_wait3A = arith.constant 0 : i32
        %dma_wait3A_69 = tpu.memref_slice %arg3[%add3A_57, %dma_wait3A] : memref<2560x125xi32, #tpu.memory_space<hbm>> -> memref<40x125xi32, #tpu.memory_space<hbm>>
        %dma_wait3A_70 = arith.constant 0 : i32
        %dma_wait3A_71 = tpu.memref_slice %arg3[%add3A_57, %dma_wait3A_70] : memref<2560x125xi32, #tpu.memory_space<hbm>> -> memref<40x125xi32, #tpu.memory_space<hbm>>
        tpu.wait_dma2 semaphore(%run_scoped3A : memref<!tpu.dma_semaphore, #tpu.memory_space<semaphore_mem>>) src(%dma_wait3A_71 : memref<40x125xi32, #tpu.memory_space<hbm>>) dst(%arg7 : memref<40x125xi32, #tpu.memory_space<vmem>>)
        tpu.yield
      }) : () -> ()
      "tpu.region"() ({
        %run_scoped3A = tpu.sem_alloc : memref<!tpu.dma_semaphore, #tpu.memory_space<semaphore_mem>>
        %dma_start3A = arith.constant 0 : i32
        %dma_start3A_66 = tpu.memref_slice %arg4[%add3A_57, %dma_start3A] : memref<2560x125xi32, #tpu.memory_space<hbm>> -> memref<40x125xi32, #tpu.memory_space<hbm>>
        %dma_start3A_67 = arith.constant 0 : i32
        %dma_start3A_68 = tpu.memref_slice %arg4[%add3A_57, %dma_start3A_67] : memref<2560x125xi32, #tpu.memory_space<hbm>> -> memref<40x125xi32, #tpu.memory_space<hbm>>
        tpu.enqueue_dma source(%dma_start3A_68 : memref<40x125xi32, #tpu.memory_space<hbm>>) target(%arg8 : memref<40x125xi32, #tpu.memory_space<vmem>>) target_semaphore(%run_scoped3A : memref<!tpu.dma_semaphore, #tpu.memory_space<semaphore_mem>>)
        %dma_wait3A = arith.constant 0 : i32
        %dma_wait3A_69 = tpu.memref_slice %arg4[%add3A_57, %dma_wait3A] : memref<2560x125xi32, #tpu.memory_space<hbm>> -> memref<40x125xi32, #tpu.memory_space<hbm>>
        %dma_wait3A_70 = arith.constant 0 : i32
        %dma_wait3A_71 = tpu.memref_slice %arg4[%add3A_57, %dma_wait3A_70] : memref<2560x125xi32, #tpu.memory_space<hbm>> -> memref<40x125xi32, #tpu.memory_space<hbm>>
        tpu.wait_dma2 semaphore(%run_scoped3A : memref<!tpu.dma_semaphore, #tpu.memory_space<semaphore_mem>>) src(%dma_wait3A_71 : memref<40x125xi32, #tpu.memory_space<hbm>>) dst(%arg8 : memref<40x125xi32, #tpu.memory_space<vmem>>)
        tpu.yield
      }) : () -> ()
      "tpu.region"() ({
        %run_scoped3A = tpu.sem_alloc : memref<!tpu.dma_semaphore, #tpu.memory_space<semaphore_mem>>
        %dma_start3A = arith.constant 0 : i32
        %dma_start3A_66 = tpu.memref_slice %arg5[%add3A_57, %dma_start3A] : memref<2560x125xf32, #tpu.memory_space<hbm>> -> memref<40x125xf32, #tpu.memory_space<hbm>>
        %dma_start3A_67 = arith.constant 0 : i32
        %dma_start3A_68 = tpu.memref_slice %arg5[%add3A_57, %dma_start3A_67] : memref<2560x125xf32, #tpu.memory_space<hbm>> -> memref<40x125xf32, #tpu.memory_space<hbm>>
        tpu.enqueue_dma source(%dma_start3A_68 : memref<40x125xf32, #tpu.memory_space<hbm>>) target(%arg9 : memref<40x125xf32, #tpu.memory_space<vmem>>) target_semaphore(%run_scoped3A : memref<!tpu.dma_semaphore, #tpu.memory_space<semaphore_mem>>)
        %dma_wait3A = arith.constant 0 : i32
        %dma_wait3A_69 = tpu.memref_slice %arg5[%add3A_57, %dma_wait3A] : memref<2560x125xf32, #tpu.memory_space<hbm>> -> memref<40x125xf32, #tpu.memory_space<hbm>>
        %dma_wait3A_70 = arith.constant 0 : i32
        %dma_wait3A_71 = tpu.memref_slice %arg5[%add3A_57, %dma_wait3A_70] : memref<2560x125xf32, #tpu.memory_space<hbm>> -> memref<40x125xf32, #tpu.memory_space<hbm>>
        tpu.wait_dma2 semaphore(%run_scoped3A : memref<!tpu.dma_semaphore, #tpu.memory_space<semaphore_mem>>) src(%dma_wait3A_71 : memref<40x125xf32, #tpu.memory_space<hbm>>) dst(%arg9 : memref<40x125xf32, #tpu.memory_space<vmem>>)
        tpu.yield
      }) : () -> ()
      %scan3A_58 = arith.constant 0 : i32
      %scan3A_59 = arith.constant 0 : i32
      %scan3A_60 = arith.constant 20 : i32
      %scan3A_61 = arith.addi %scan3A_59, %scan3A_60 : i32
      %scan3A_62 = arith.constant 1 : i32
      %scan3A_63 = scf.for %scan3A_66 = %scan3A_59 to %scan3A_61 step %scan3A_62 iter_args(%scan3A_67 = %scan3A_58) -> (i32)  : i32 {
        %mul3A_68 = arith.constant 2 : i32
        %mul3A_69 = arith.muli %scan3A_66, %mul3A_68 : i32
        %add3A_70 = arith.constant 0 : i32
        %add3A_71 = arith.addi %mul3A_69, %add3A_70 : i32
        %dma_start3A = arith.constant 0 : i32
        %dma_start3A_72 = tpu.memref_slice %arg7[%add3A_71, %dma_start3A] : memref<40x125xi32, #tpu.memory_space<vmem>> -> memref<1x125xi32, #tpu.memory_space<vmem>>
        %dma_start3A_73 = tpu.memref_squeeze %dma_start3A_72 : memref<1x125xi32, #tpu.memory_space<vmem>> -> memref<125xi32, #tpu.memory_space<vmem>>
        %dma_start3A_74 = arith.constant 0 : i32
        %dma_start3A_75 = arith.constant 0 : i32
        %dma_start3A_76 = tpu.memref_slice %arg2[%dma_start3A_74, %dma_start3A_75] : memref<10000x128xf32, #tpu.memory_space<hbm>> -> memref<10000x128xf32, #tpu.memory_space<hbm>>
        tpu.enqueue_indirect_dma source(%dma_start3A_76 : memref<10000x128xf32, #tpu.memory_space<hbm>>) target(%arg10 : memref<125x128xf32, #tpu.memory_space<vmem>>) offsets(%dma_start3A_73 : memref<125xi32, #tpu.memory_space<vmem>>) semaphore(%arg13 : memref<!tpu.dma_semaphore, #tpu.memory_space<semaphore_mem>>)
        %mul3A_77 = arith.constant 2 : i32
        %mul3A_78 = arith.muli %scan3A_66, %mul3A_77 : i32
        %add3A_79 = arith.constant 1 : i32
        %add3A_80 = arith.addi %mul3A_78, %add3A_79 : i32
        %dma_start3A_81 = arith.constant 0 : i32
        %dma_start3A_82 = tpu.memref_slice %arg7[%add3A_80, %dma_start3A_81] : memref<40x125xi32, #tpu.memory_space<vmem>> -> memref<1x125xi32, #tpu.memory_space<vmem>>
        %dma_start3A_83 = tpu.memref_squeeze %dma_start3A_82 : memref<1x125xi32, #tpu.memory_space<vmem>> -> memref<125xi32, #tpu.memory_space<vmem>>
        %dma_start3A_84 = arith.constant 0 : i32
        %dma_start3A_85 = arith.constant 0 : i32
        %dma_start3A_86 = tpu.memref_slice %arg2[%dma_start3A_84, %dma_start3A_85] : memref<10000x128xf32, #tpu.memory_space<hbm>> -> memref<10000x128xf32, #tpu.memory_space<hbm>>
        tpu.enqueue_indirect_dma source(%dma_start3A_86 : memref<10000x128xf32, #tpu.memory_space<hbm>>) target(%arg11 : memref<125x128xf32, #tpu.memory_space<vmem>>) offsets(%dma_start3A_83 : memref<125xi32, #tpu.memory_space<vmem>>) semaphore(%arg13 : memref<!tpu.dma_semaphore, #tpu.memory_space<semaphore_mem>>)
        %mul3A_87 = arith.constant 2 : i32
        %mul3A_88 = arith.muli %scan3A_66, %mul3A_87 : i32
        %add3A_89 = arith.constant 0 : i32
        %add3A_90 = arith.addi %mul3A_88, %add3A_89 : i32
        %dma_wait3A = arith.constant 0 : i32
        %dma_wait3A_91 = tpu.memref_slice %arg7[%add3A_71, %dma_wait3A] : memref<40x125xi32, #tpu.memory_space<vmem>> -> memref<1x125xi32, #tpu.memory_space<vmem>>
        %dma_wait3A_92 = tpu.memref_squeeze %dma_wait3A_91 : memref<1x125xi32, #tpu.memory_space<vmem>> -> memref<125xi32, #tpu.memory_space<vmem>>
        %dma_wait3A_93 = arith.constant 0 : i32
        %dma_wait3A_94 = arith.constant 0 : i32
        %dma_wait3A_95 = tpu.memref_slice %arg2[%dma_wait3A_93, %dma_wait3A_94] : memref<10000x128xf32, #tpu.memory_space<hbm>> -> memref<10000x128xf32, #tpu.memory_space<hbm>>
        tpu.wait_indirect_dma semaphore(%arg13 : memref<!tpu.dma_semaphore, #tpu.memory_space<semaphore_mem>>) src(%dma_wait3A_95 : memref<10000x128xf32, #tpu.memory_space<hbm>>) dst(%arg10 : memref<125x128xf32, #tpu.memory_space<vmem>>)
        %parallel_loop3A = arith.constant 0 : i32
        %parallel_loop3A_96 = arith.constant 125 : i32
        %parallel_loop3A_97 = arith.constant 1 : i32
        scf.for %parallel_loop3A_136 = %parallel_loop3A to %parallel_loop3A_96 step %parallel_loop3A_97  : i32 {
          %parallel_loop3A_137 = arith.constant 0 : i32
          %parallel_loop3A_138 = vector.broadcast %parallel_loop3A_137 : i32 to vector<16xi32>
          %parallel_loop3A_139 = vector.broadcast %add3A_90 : i32 to vector<16xi32>
          %parallel_loop3A_140 = arith.addi %parallel_loop3A_138, %parallel_loop3A_139 : vector<16xi32>
          %parallel_loop3A_141 = arith.constant 0 : i32
          %parallel_loop3A_142 = vector.broadcast %parallel_loop3A_141 : i32 to vector<16xi32>
          %parallel_loop3A_143 = vector.broadcast %parallel_loop3A_136 : i32 to vector<16xi32>
          %parallel_loop3A_144 = arith.addi %parallel_loop3A_142, %parallel_loop3A_143 : vector<16xi32>
          %parallel_loop3A_145 = tpu.vector_load_idx %arg9[%parallel_loop3A_140, %parallel_loop3A_144] : memref<40x125xf32, #tpu.memory_space<vmem>>[vector<16xi32>, vector<16xi32>], vector<16xf32>,
          %parallel_loop3A_146 = arith.index_cast %parallel_loop3A_136 : i32 to index
          %parallel_loop3A_147 = arith.constant 0 : index
          %parallel_loop3A_148 = tpu.vector_load %arg10[%parallel_loop3A_146, %parallel_loop3A_147] {strides = array<i32>} : memref<125x128xf32, #tpu.memory_space<vmem>>, vector<16xf32>,
          %parallel_loop3A_149 = arith.mulf %parallel_loop3A_148, %parallel_loop3A_145 : vector<16xf32>
          %parallel_loop3A_150 = arith.index_cast %parallel_loop3A_136 : i32 to index
          %parallel_loop3A_151 = arith.constant 0 : index
          %parallel_loop3A_152 = tpu.vector_load %arg10[%parallel_loop3A_150, %parallel_loop3A_151] {strides = array<i32>} : memref<125x128xf32, #tpu.memory_space<vmem>>, vector<16xf32>,
          tpu.vector_store %arg10[%parallel_loop3A_150, %parallel_loop3A_151], %parallel_loop3A_149 {strides = array<i32>} : memref<125x128xf32, #tpu.memory_space<vmem>>, vector<16xf32>,
          %parallel_loop3A_153 = arith.index_cast %parallel_loop3A_136 : i32 to index
          %parallel_loop3A_154 = arith.constant 16 : index
          %parallel_loop3A_155 = tpu.vector_load %arg10[%parallel_loop3A_153, %parallel_loop3A_154] {strides = array<i32>} : memref<125x128xf32, #tpu.memory_space<vmem>>, vector<16xf32>,
          %parallel_loop3A_156 = arith.mulf %parallel_loop3A_155, %parallel_loop3A_145 : vector<16xf32>
          %parallel_loop3A_157 = arith.index_cast %parallel_loop3A_136 : i32 to index
          %parallel_loop3A_158 = arith.constant 16 : index
          %parallel_loop3A_159 = tpu.vector_load %arg10[%parallel_loop3A_157, %parallel_loop3A_158] {strides = array<i32>} : memref<125x128xf32, #tpu.memory_space<vmem>>, vector<16xf32>,
          tpu.vector_store %arg10[%parallel_loop3A_157, %parallel_loop3A_158], %parallel_loop3A_156 {strides = array<i32>} : memref<125x128xf32, #tpu.memory_space<vmem>>, vector<16xf32>,
          %parallel_loop3A_160 = arith.index_cast %parallel_loop3A_136 : i32 to index
          %parallel_loop3A_161 = arith.constant 32 : index
          %parallel_loop3A_162 = tpu.vector_load %arg10[%parallel_loop3A_160, %parallel_loop3A_161] {strides = array<i32>} : memref<125x128xf32, #tpu.memory_space<vmem>>, vector<16xf32>,
          %parallel_loop3A_163 = arith.mulf %parallel_loop3A_162, %parallel_loop3A_145 : vector<16xf32>
          %parallel_loop3A_164 = arith.index_cast %parallel_loop3A_136 : i32 to index
          %parallel_loop3A_165 = arith.constant 32 : index
          %parallel_loop3A_166 = tpu.vector_load %arg10[%parallel_loop3A_164, %parallel_loop3A_165] {strides = array<i32>} : memref<125x128xf32, #tpu.memory_space<vmem>>, vector<16xf32>,
          tpu.vector_store %arg10[%parallel_loop3A_164, %parallel_loop3A_165], %parallel_loop3A_163 {strides = array<i32>} : memref<125x128xf32, #tpu.memory_space<vmem>>, vector<16xf32>,
          %parallel_loop3A_167 = arith.index_cast %parallel_loop3A_136 : i32 to index
          %parallel_loop3A_168 = arith.constant 48 : index
          %parallel_loop3A_169 = tpu.vector_load %arg10[%parallel_loop3A_167, %parallel_loop3A_168] {strides = array<i32>} : memref<125x128xf32, #tpu.memory_space<vmem>>, vector<16xf32>,
          %parallel_loop3A_170 = arith.mulf %parallel_loop3A_169, %parallel_loop3A_145 : vector<16xf32>
          %parallel_loop3A_171 = arith.index_cast %parallel_loop3A_136 : i32 to index
          %parallel_loop3A_172 = arith.constant 48 : index
          %parallel_loop3A_173 = tpu.vector_load %arg10[%parallel_loop3A_171, %parallel_loop3A_172] {strides = array<i32>} : memref<125x128xf32, #tpu.memory_space<vmem>>, vector<16xf32>,
          tpu.vector_store %arg10[%parallel_loop3A_171, %parallel_loop3A_172], %parallel_loop3A_170 {strides = array<i32>} : memref<125x128xf32, #tpu.memory_space<vmem>>, vector<16xf32>,
          %parallel_loop3A_174 = arith.index_cast %parallel_loop3A_136 : i32 to index
          %parallel_loop3A_175 = arith.constant 64 : index
          %parallel_loop3A_176 = tpu.vector_load %arg10[%parallel_loop3A_174, %parallel_loop3A_175] {strides = array<i32>} : memref<125x128xf32, #tpu.memory_space<vmem>>, vector<16xf32>,
          %parallel_loop3A_177 = arith.mulf %parallel_loop3A_176, %parallel_loop3A_145 : vector<16xf32>
          %parallel_loop3A_178 = arith.index_cast %parallel_loop3A_136 : i32 to index
          %parallel_loop3A_179 = arith.constant 64 : index
          %parallel_loop3A_180 = tpu.vector_load %arg10[%parallel_loop3A_178, %parallel_loop3A_179] {strides = array<i32>} : memref<125x128xf32, #tpu.memory_space<vmem>>, vector<16xf32>,
          tpu.vector_store %arg10[%parallel_loop3A_178, %parallel_loop3A_179], %parallel_loop3A_177 {strides = array<i32>} : memref<125x128xf32, #tpu.memory_space<vmem>>, vector<16xf32>,
          %parallel_loop3A_181 = arith.index_cast %parallel_loop3A_136 : i32 to index
          %parallel_loop3A_182 = arith.constant 80 : index
          %parallel_loop3A_183 = tpu.vector_load %arg10[%parallel_loop3A_181, %parallel_loop3A_182] {strides = array<i32>} : memref<125x128xf32, #tpu.memory_space<vmem>>, vector<16xf32>,
          %parallel_loop3A_184 = arith.mulf %parallel_loop3A_183, %parallel_loop3A_145 : vector<16xf32>
          %parallel_loop3A_185 = arith.index_cast %parallel_loop3A_136 : i32 to index
          %parallel_loop3A_186 = arith.constant 80 : index
          %parallel_loop3A_187 = tpu.vector_load %arg10[%parallel_loop3A_185, %parallel_loop3A_186] {strides = array<i32>} : memref<125x128xf32, #tpu.memory_space<vmem>>, vector<16xf32>,
          tpu.vector_store %arg10[%parallel_loop3A_185, %parallel_loop3A_186], %parallel_loop3A_184 {strides = array<i32>} : memref<125x128xf32, #tpu.memory_space<vmem>>, vector<16xf32>,
          %parallel_loop3A_188 = arith.index_cast %parallel_loop3A_136 : i32 to index
          %parallel_loop3A_189 = arith.constant 96 : index
          %parallel_loop3A_190 = tpu.vector_load %arg10[%parallel_loop3A_188, %parallel_loop3A_189] {strides = array<i32>} : memref<125x128xf32, #tpu.memory_space<vmem>>, vector<16xf32>,
          %parallel_loop3A_191 = arith.mulf %parallel_loop3A_190, %parallel_loop3A_145 : vector<16xf32>
          %parallel_loop3A_192 = arith.index_cast %parallel_loop3A_136 : i32 to index
          %parallel_loop3A_193 = arith.constant 96 : index
          %parallel_loop3A_194 = tpu.vector_load %arg10[%parallel_loop3A_192, %parallel_loop3A_193] {strides = array<i32>} : memref<125x128xf32, #tpu.memory_space<vmem>>, vector<16xf32>,
          tpu.vector_store %arg10[%parallel_loop3A_192, %parallel_loop3A_193], %parallel_loop3A_191 {strides = array<i32>} : memref<125x128xf32, #tpu.memory_space<vmem>>, vector<16xf32>,
          %parallel_loop3A_195 = arith.index_cast %parallel_loop3A_136 : i32 to index
          %parallel_loop3A_196 = arith.constant 112 : index
          %parallel_loop3A_197 = tpu.vector_load %arg10[%parallel_loop3A_195, %parallel_loop3A_196] {strides = array<i32>} : memref<125x128xf32, #tpu.memory_space<vmem>>, vector<16xf32>,
          %parallel_loop3A_198 = arith.mulf %parallel_loop3A_197, %parallel_loop3A_145 : vector<16xf32>
          %parallel_loop3A_199 = arith.index_cast %parallel_loop3A_136 : i32 to index
          %parallel_loop3A_200 = arith.constant 112 : index
          %parallel_loop3A_201 = tpu.vector_load %arg10[%parallel_loop3A_199, %parallel_loop3A_200] {strides = array<i32>} : memref<125x128xf32, #tpu.memory_space<vmem>>, vector<16xf32>,
          tpu.vector_store %arg10[%parallel_loop3A_199, %parallel_loop3A_200], %parallel_loop3A_198 {strides = array<i32>} : memref<125x128xf32, #tpu.memory_space<vmem>>, vector<16xf32>,
        } {sc.loop_unroll_factor = 5 : i64, sc.parallel_access}
        %dma_start3A_98 = arith.constant 0 : i32
        %dma_start3A_99 = tpu.memref_slice %arg8[%add3A_90, %dma_start3A_98] : memref<40x125xi32, #tpu.memory_space<vmem>> -> memref<1x125xi32, #tpu.memory_space<vmem>>
        %dma_start3A_100 = tpu.memref_squeeze %dma_start3A_99 : memref<1x125xi32, #tpu.memory_space<vmem>> -> memref<125xi32, #tpu.memory_space<vmem>>
        %dma_start3A_101 = arith.constant 0 : i32
        %dma_start3A_102 = arith.constant 0 : i32
        %dma_start3A_103 = tpu.memref_slice %arg12[%dma_start3A_101, %dma_start3A_102] : memref<10240x128xf32, #tpu.memory_space<vmem_shared>> -> memref<10240x128xf32, #tpu.memory_space<vmem_shared>>
        tpu.enqueue_indirect_dma source(%arg10 : memref<125x128xf32, #tpu.memory_space<vmem>>) target(%dma_start3A_103 : memref<10240x128xf32, #tpu.memory_space<vmem_shared>>) offsets(%dma_start3A_100 : memref<125xi32, #tpu.memory_space<vmem>>) semaphore(%arg14 : memref<!tpu.dma_semaphore, #tpu.memory_space<semaphore_mem>>) {add = true}
        %mul3A_104 = arith.constant 2 : i32
        %mul3A_105 = arith.muli %scan3A_66, %mul3A_104 : i32
        %add3A_106 = arith.constant 1 : i32
        %add3A_107 = arith.addi %mul3A_105, %add3A_106 : i32
        %dma_wait3A_108 = arith.constant 0 : i32
        %dma_wait3A_109 = tpu.memref_slice %arg7[%add3A_80, %dma_wait3A_108] : memref<40x125xi32, #tpu.memory_space<vmem>> -> memref<1x125xi32, #tpu.memory_space<vmem>>
        %dma_wait3A_110 = tpu.memref_squeeze %dma_wait3A_109 : memref<1x125xi32, #tpu.memory_space<vmem>> -> memref<125xi32, #tpu.memory_space<vmem>>
        %dma_wait3A_111 = arith.constant 0 : i32
        %dma_wait3A_112 = arith.constant 0 : i32
        %dma_wait3A_113 = tpu.memref_slice %arg2[%dma_wait3A_111, %dma_wait3A_112] : memref<10000x128xf32, #tpu.memory_space<hbm>> -> memref<10000x128xf32, #tpu.memory_space<hbm>>
        tpu.wait_indirect_dma semaphore(%arg13 : memref<!tpu.dma_semaphore, #tpu.memory_space<semaphore_mem>>) src(%dma_wait3A_113 : memref<10000x128xf32, #tpu.memory_space<hbm>>) dst(%arg11 : memref<125x128xf32, #tpu.memory_space<vmem>>)
        %parallel_loop3A_114 = arith.constant 0 : i32
        %parallel_loop3A_115 = arith.constant 125 : i32
        %parallel_loop3A_116 = arith.constant 1 : i32
        scf.for %parallel_loop3A_136 = %parallel_loop3A_114 to %parallel_loop3A_115 step %parallel_loop3A_116  : i32 {
          %parallel_loop3A_137 = arith.constant 0 : i32
          %parallel_loop3A_138 = vector.broadcast %parallel_loop3A_137 : i32 to vector<16xi32>
          %parallel_loop3A_139 = vector.broadcast %add3A_107 : i32 to vector<16xi32>
          %parallel_loop3A_140 = arith.addi %parallel_loop3A_138, %parallel_loop3A_139 : vector<16xi32>
          %parallel_loop3A_141 = arith.constant 0 : i32
          %parallel_loop3A_142 = vector.broadcast %parallel_loop3A_141 : i32 to vector<16xi32>
          %parallel_loop3A_143 = vector.broadcast %parallel_loop3A_136 : i32 to vector<16xi32>
          %parallel_loop3A_144 = arith.addi %parallel_loop3A_142, %parallel_loop3A_143 : vector<16xi32>
          %parallel_loop3A_145 = tpu.vector_load_idx %arg9[%parallel_loop3A_140, %parallel_loop3A_144] : memref<40x125xf32, #tpu.memory_space<vmem>>[vector<16xi32>, vector<16xi32>], vector<16xf32>,
          %parallel_loop3A_146 = arith.index_cast %parallel_loop3A_136 : i32 to index
          %parallel_loop3A_147 = arith.constant 0 : index
          %parallel_loop3A_148 = tpu.vector_load %arg11[%parallel_loop3A_146, %parallel_loop3A_147] {strides = array<i32>} : memref<125x128xf32, #tpu.memory_space<vmem>>, vector<16xf32>,
          %parallel_loop3A_149 = arith.mulf %parallel_loop3A_148, %parallel_loop3A_145 : vector<16xf32>
          %parallel_loop3A_150 = arith.index_cast %parallel_loop3A_136 : i32 to index
          %parallel_loop3A_151 = arith.constant 0 : index
          %parallel_loop3A_152 = tpu.vector_load %arg11[%parallel_loop3A_150, %parallel_loop3A_151] {strides = array<i32>} : memref<125x128xf32, #tpu.memory_space<vmem>>, vector<16xf32>,
          tpu.vector_store %arg11[%parallel_loop3A_150, %parallel_loop3A_151], %parallel_loop3A_149 {strides = array<i32>} : memref<125x128xf32, #tpu.memory_space<vmem>>, vector<16xf32>,
          %parallel_loop3A_153 = arith.index_cast %parallel_loop3A_136 : i32 to index
          %parallel_loop3A_154 = arith.constant 16 : index
          %parallel_loop3A_155 = tpu.vector_load %arg11[%parallel_loop3A_153, %parallel_loop3A_154] {strides = array<i32>} : memref<125x128xf32, #tpu.memory_space<vmem>>, vector<16xf32>,
          %parallel_loop3A_156 = arith.mulf %parallel_loop3A_155, %parallel_loop3A_145 : vector<16xf32>
          %parallel_loop3A_157 = arith.index_cast %parallel_loop3A_136 : i32 to index
          %parallel_loop3A_158 = arith.constant 16 : index
          %parallel_loop3A_159 = tpu.vector_load %arg11[%parallel_loop3A_157, %parallel_loop3A_158] {strides = array<i32>} : memref<125x128xf32, #tpu.memory_space<vmem>>, vector<16xf32>,
          tpu.vector_store %arg11[%parallel_loop3A_157, %parallel_loop3A_158], %parallel_loop3A_156 {strides = array<i32>} : memref<125x128xf32, #tpu.memory_space<vmem>>, vector<16xf32>,
          %parallel_loop3A_160 = arith.index_cast %parallel_loop3A_136 : i32 to index
          %parallel_loop3A_161 = arith.constant 32 : index
          %parallel_loop3A_162 = tpu.vector_load %arg11[%parallel_loop3A_160, %parallel_loop3A_161] {strides = array<i32>} : memref<125x128xf32, #tpu.memory_space<vmem>>, vector<16xf32>,
          %parallel_loop3A_163 = arith.mulf %parallel_loop3A_162, %parallel_loop3A_145 : vector<16xf32>
          %parallel_loop3A_164 = arith.index_cast %parallel_loop3A_136 : i32 to index
          %parallel_loop3A_165 = arith.constant 32 : index
          %parallel_loop3A_166 = tpu.vector_load %arg11[%parallel_loop3A_164, %parallel_loop3A_165] {strides = array<i32>} : memref<125x128xf32, #tpu.memory_space<vmem>>, vector<16xf32>,
          tpu.vector_store %arg11[%parallel_loop3A_164, %parallel_loop3A_165], %parallel_loop3A_163 {strides = array<i32>} : memref<125x128xf32, #tpu.memory_space<vmem>>, vector<16xf32>,
          %parallel_loop3A_167 = arith.index_cast %parallel_loop3A_136 : i32 to index
          %parallel_loop3A_168 = arith.constant 48 : index
          %parallel_loop3A_169 = tpu.vector_load %arg11[%parallel_loop3A_167, %parallel_loop3A_168] {strides = array<i32>} : memref<125x128xf32, #tpu.memory_space<vmem>>, vector<16xf32>,
          %parallel_loop3A_170 = arith.mulf %parallel_loop3A_169, %parallel_loop3A_145 : vector<16xf32>
          %parallel_loop3A_171 = arith.index_cast %parallel_loop3A_136 : i32 to index
          %parallel_loop3A_172 = arith.constant 48 : index
          %parallel_loop3A_173 = tpu.vector_load %arg11[%parallel_loop3A_171, %parallel_loop3A_172] {strides = array<i32>} : memref<125x128xf32, #tpu.memory_space<vmem>>, vector<16xf32>,
          tpu.vector_store %arg11[%parallel_loop3A_171, %parallel_loop3A_172], %parallel_loop3A_170 {strides = array<i32>} : memref<125x128xf32, #tpu.memory_space<vmem>>, vector<16xf32>,
          %parallel_loop3A_174 = arith.index_cast %parallel_loop3A_136 : i32 to index
          %parallel_loop3A_175 = arith.constant 64 : index
          %parallel_loop3A_176 = tpu.vector_load %arg11[%parallel_loop3A_174, %parallel_loop3A_175] {strides = array<i32>} : memref<125x128xf32, #tpu.memory_space<vmem>>, vector<16xf32>,
          %parallel_loop3A_177 = arith.mulf %parallel_loop3A_176, %parallel_loop3A_145 : vector<16xf32>
          %parallel_loop3A_178 = arith.index_cast %parallel_loop3A_136 : i32 to index
          %parallel_loop3A_179 = arith.constant 64 : index
          %parallel_loop3A_180 = tpu.vector_load %arg11[%parallel_loop3A_178, %parallel_loop3A_179] {strides = array<i32>} : memref<125x128xf32, #tpu.memory_space<vmem>>, vector<16xf32>,
          tpu.vector_store %arg11[%parallel_loop3A_178, %parallel_loop3A_179], %parallel_loop3A_177 {strides = array<i32>} : memref<125x128xf32, #tpu.memory_space<vmem>>, vector<16xf32>,
          %parallel_loop3A_181 = arith.index_cast %parallel_loop3A_136 : i32 to index
          %parallel_loop3A_182 = arith.constant 80 : index
          %parallel_loop3A_183 = tpu.vector_load %arg11[%parallel_loop3A_181, %parallel_loop3A_182] {strides = array<i32>} : memref<125x128xf32, #tpu.memory_space<vmem>>, vector<16xf32>,
          %parallel_loop3A_184 = arith.mulf %parallel_loop3A_183, %parallel_loop3A_145 : vector<16xf32>
          %parallel_loop3A_185 = arith.index_cast %parallel_loop3A_136 : i32 to index
          %parallel_loop3A_186 = arith.constant 80 : index
          %parallel_loop3A_187 = tpu.vector_load %arg11[%parallel_loop3A_185, %parallel_loop3A_186] {strides = array<i32>} : memref<125x128xf32, #tpu.memory_space<vmem>>, vector<16xf32>,
          tpu.vector_store %arg11[%parallel_loop3A_185, %parallel_loop3A_186], %parallel_loop3A_184 {strides = array<i32>} : memref<125x128xf32, #tpu.memory_space<vmem>>, vector<16xf32>,
          %parallel_loop3A_188 = arith.index_cast %parallel_loop3A_136 : i32 to index
          %parallel_loop3A_189 = arith.constant 96 : index
          %parallel_loop3A_190 = tpu.vector_load %arg11[%parallel_loop3A_188, %parallel_loop3A_189] {strides = array<i32>} : memref<125x128xf32, #tpu.memory_space<vmem>>, vector<16xf32>,
          %parallel_loop3A_191 = arith.mulf %parallel_loop3A_190, %parallel_loop3A_145 : vector<16xf32>
          %parallel_loop3A_192 = arith.index_cast %parallel_loop3A_136 : i32 to index
          %parallel_loop3A_193 = arith.constant 96 : index
          %parallel_loop3A_194 = tpu.vector_load %arg11[%parallel_loop3A_192, %parallel_loop3A_193] {strides = array<i32>} : memref<125x128xf32, #tpu.memory_space<vmem>>, vector<16xf32>,
          tpu.vector_store %arg11[%parallel_loop3A_192, %parallel_loop3A_193], %parallel_loop3A_191 {strides = array<i32>} : memref<125x128xf32, #tpu.memory_space<vmem>>, vector<16xf32>,
          %parallel_loop3A_195 = arith.index_cast %parallel_loop3A_136 : i32 to index
          %parallel_loop3A_196 = arith.constant 112 : index
          %parallel_loop3A_197 = tpu.vector_load %arg11[%parallel_loop3A_195, %parallel_loop3A_196] {strides = array<i32>} : memref<125x128xf32, #tpu.memory_space<vmem>>, vector<16xf32>,
          %parallel_loop3A_198 = arith.mulf %parallel_loop3A_197, %parallel_loop3A_145 : vector<16xf32>
          %parallel_loop3A_199 = arith.index_cast %parallel_loop3A_136 : i32 to index
          %parallel_loop3A_200 = arith.constant 112 : index
          %parallel_loop3A_201 = tpu.vector_load %arg11[%parallel_loop3A_199, %parallel_loop3A_200] {strides = array<i32>} : memref<125x128xf32, #tpu.memory_space<vmem>>, vector<16xf32>,
          tpu.vector_store %arg11[%parallel_loop3A_199, %parallel_loop3A_200], %parallel_loop3A_198 {strides = array<i32>} : memref<125x128xf32, #tpu.memory_space<vmem>>, vector<16xf32>,
        } {sc.loop_unroll_factor = 5 : i64, sc.parallel_access}
        %dma_start3A_117 = arith.constant 0 : i32
        %dma_start3A_118 = tpu.memref_slice %arg8[%add3A_107, %dma_start3A_117] : memref<40x125xi32, #tpu.memory_space<vmem>> -> memref<1x125xi32, #tpu.memory_space<vmem>>
        %dma_start3A_119 = tpu.memref_squeeze %dma_start3A_118 : memref<1x125xi32, #tpu.memory_space<vmem>> -> memref<125xi32, #tpu.memory_space<vmem>>
        %dma_start3A_120 = arith.constant 0 : i32
        %dma_start3A_121 = arith.constant 0 : i32
        %dma_start3A_122 = tpu.memref_slice %arg12[%dma_start3A_120, %dma_start3A_121] : memref<10240x128xf32, #tpu.memory_space<vmem_shared>> -> memref<10240x128xf32, #tpu.memory_space<vmem_shared>>
        tpu.enqueue_indirect_dma source(%arg11 : memref<125x128xf32, #tpu.memory_space<vmem>>) target(%dma_start3A_122 : memref<10240x128xf32, #tpu.memory_space<vmem_shared>>) offsets(%dma_start3A_119 : memref<125xi32, #tpu.memory_space<vmem>>) semaphore(%arg14 : memref<!tpu.dma_semaphore, #tpu.memory_space<semaphore_mem>>) {add = true}
        %dma_wait3A_123 = arith.constant 0 : i32
        %dma_wait3A_124 = tpu.memref_slice %arg8[%add3A_90, %dma_wait3A_123] : memref<40x125xi32, #tpu.memory_space<vmem>> -> memref<1x125xi32, #tpu.memory_space<vmem>>
        %dma_wait3A_125 = tpu.memref_squeeze %dma_wait3A_124 : memref<1x125xi32, #tpu.memory_space<vmem>> -> memref<125xi32, #tpu.memory_space<vmem>>
        %dma_wait3A_126 = arith.constant 0 : i32
        %dma_wait3A_127 = arith.constant 0 : i32
        %dma_wait3A_128 = tpu.memref_slice %arg12[%dma_wait3A_126, %dma_wait3A_127] : memref<10240x128xf32, #tpu.memory_space<vmem_shared>> -> memref<10240x128xf32, #tpu.memory_space<vmem_shared>>
        tpu.wait_indirect_dma semaphore(%arg14 : memref<!tpu.dma_semaphore, #tpu.memory_space<semaphore_mem>>) src(%arg10 : memref<125x128xf32, #tpu.memory_space<vmem>>) dst(%dma_wait3A_128 : memref<10240x128xf32, #tpu.memory_space<vmem_shared>>)
        %dma_wait3A_129 = arith.constant 0 : i32
        %dma_wait3A_130 = tpu.memref_slice %arg8[%add3A_107, %dma_wait3A_129] : memref<40x125xi32, #tpu.memory_space<vmem>> -> memref<1x125xi32, #tpu.memory_space<vmem>>
        %dma_wait3A_131 = tpu.memref_squeeze %dma_wait3A_130 : memref<1x125xi32, #tpu.memory_space<vmem>> -> memref<125xi32, #tpu.memory_space<vmem>>
        %dma_wait3A_132 = arith.constant 0 : i32
        %dma_wait3A_133 = arith.constant 0 : i32
        %dma_wait3A_134 = tpu.memref_slice %arg12[%dma_wait3A_132, %dma_wait3A_133] : memref<10240x128xf32, #tpu.memory_space<vmem_shared>> -> memref<10240x128xf32, #tpu.memory_space<vmem_shared>>
        tpu.wait_indirect_dma semaphore(%arg14 : memref<!tpu.dma_semaphore, #tpu.memory_space<semaphore_mem>>) src(%arg11 : memref<125x128xf32, #tpu.memory_space<vmem>>) dst(%dma_wait3A_134 : memref<10240x128xf32, #tpu.memory_space<vmem_shared>>)
        %scan3A_135 = arith.constant 0 : i32
        scf.yield %scan3A_135 : i32
      }
      %scan3A_64 = arith.constant 20 : i32
      %scan3A_65 = arith.constant 0 : i32
      scf.yield %scan3A_65 : i32
    }
    %scan3A_42 = arith.constant 2 : i32
    %barrier3A_43 = arith.constant 0 : index
    tpu.barrier barrier_id(%barrier3A_43)
    %mul3A_44 = arith.constant 640 : i32
    %mul3A_45 = arith.muli %arg1, %mul3A_44 : i32
    %mul3A_46 = arith.constant 640 : i32
    %mul3A_47 = arith.muli %arg1, %mul3A_46 : i32
    "tpu.region"() ({
      %run_scoped3A = tpu.sem_alloc : memref<!tpu.dma_semaphore, #tpu.memory_space<semaphore_mem>>
      %dma_start3A = arith.constant 0 : i32
      %dma_start3A_48 = tpu.memref_slice %arg6[%arg0, %mul3A_47, %dma_start3A] : memref<2x10240x128xf32, #tpu.memory_space<hbm>> -> memref<1x640x128xf32, #tpu.memory_space<hbm>>
      %dma_start3A_49 = tpu.memref_squeeze %dma_start3A_48 : memref<1x640x128xf32, #tpu.memory_space<hbm>> -> memref<640x128xf32, #tpu.memory_space<hbm>>
      %dma_start3A_50 = arith.constant 0 : i32
      %dma_start3A_51 = tpu.memref_slice %arg12[%mul3A_45, %dma_start3A_50] : memref<10240x128xf32, #tpu.memory_space<vmem_shared>> -> memref<640x128xf32, #tpu.memory_space<vmem_shared>>
      tpu.enqueue_dma source(%dma_start3A_51 : memref<640x128xf32, #tpu.memory_space<vmem_shared>>) target(%dma_start3A_49 : memref<640x128xf32, #tpu.memory_space<hbm>>) target_semaphore(%run_scoped3A : memref<!tpu.dma_semaphore, #tpu.memory_space<semaphore_mem>>)
      %dma_wait3A = arith.constant 0 : i32
      %dma_wait3A_52 = tpu.memref_slice %arg6[%arg0, %mul3A_47, %dma_wait3A] : memref<2x10240x128xf32, #tpu.memory_space<hbm>> -> memref<1x640x128xf32, #tpu.memory_space<hbm>>
      %dma_wait3A_53 = tpu.memref_squeeze %dma_wait3A_52 : memref<1x640x128xf32, #tpu.memory_space<hbm>> -> memref<640x128xf32, #tpu.memory_space<hbm>>
      %dma_wait3A_54 = arith.constant 0 : i32
      %dma_wait3A_55 = tpu.memref_slice %arg12[%mul3A_45, %dma_wait3A_54] : memref<10240x128xf32, #tpu.memory_space<vmem_shared>> -> memref<640x128xf32, #tpu.memory_space<vmem_shared>>
      tpu.wait_dma2 semaphore(%run_scoped3A : memref<!tpu.dma_semaphore, #tpu.memory_space<semaphore_mem>>) src(%dma_wait3A_55 : memref<640x128xf32, #tpu.memory_space<vmem_shared>>) dst(%dma_wait3A_53 : memref<640x128xf32, #tpu.memory_space<hbm>>)
      tpu.yield
    }) : () -> ()
    return
  }
}

module attributes {stable_mosaic.version = 14 : i64} {
  func.func @_mm1_k(%arg0: i32, %arg1: memref<1000x128xf32, #tpu.memory_space<vmem>>, %arg2: memref<128x128xf32, #tpu.memory_space<vmem>>, %arg3: memref<1000x2xf32, #tpu.memory_space<vmem>>, %arg4: memref<1000x128xf32, #tpu.memory_space<vmem>>, %arg5: memref<1000x1xf32, #tpu.memory_space<vmem>>) attributes {dimension_semantics = [#tpu.dimension_semantics<arbitrary>], iteration_bounds = array<i64: 10>, scalar_prefetch = 0 : i64, scratch_operands = 0 : i64, tpu.core_type = #tpu.core_type<tc>, window_params = [{transform_indices = @transform_0, window_bounds = array<i64: 1000, 128>}, {pipeline_mode = #tpu.pipeline_mode<synchronous>, transform_indices = @transform_1, window_bounds = array<i64: 128, 128>}, {transform_indices = @transform_2, window_bounds = array<i64: 1000, 2>}, {transform_indices = @transform_3, window_bounds = array<i64: 1000, 128>}, {transform_indices = @transform_4, window_bounds = array<i64: 1000, 1>}]} {
    %get3A = arith.constant 0 : index
    %get3A_0 = arith.constant 0 : index
    %get3A_1 = vector.load %arg3[%get3A, %get3A_0] : memref<1000x2xf32, #tpu.memory_space<vmem>>, vector<1000x1xf32>
    %get3A_2 = vector.shape_cast %get3A_1 : vector<1000x1xf32> to vector<1000xf32>
    %get3A_3 = arith.constant 0 : index
    %get3A_4 = arith.constant 1 : index
    %get3A_5 = vector.load %arg3[%get3A_3, %get3A_4] : memref<1000x2xf32, #tpu.memory_space<vmem>>, vector<1000x1xf32>
    %get3A_6 = vector.shape_cast %get3A_5 : vector<1000x1xf32> to vector<1000xf32>
    %add3A = arith.addf %get3A_2, %get3A_6 : vector<1000xf32>
    %add3A_7 = arith.constant 1.000000e+00 : f32
    %add3A_8 = vector.broadcast %add3A_7 : f32 to vector<1000xf32>
    %add3A_9 = arith.addf %add3A, %add3A_8 : vector<1000xf32>
    %rsqrt3A = math.rsqrt %add3A_9 : vector<1000xf32>
    %broadcast_in_dim3A = vector.shape_cast %rsqrt3A : vector<1000xf32> to vector<1000x1xf32>
    %get3A_10 = arith.constant 0 : index
    %get3A_11 = arith.constant 0 : index
    %get3A_12 = vector.load %arg1[%get3A_10, %get3A_11] : memref<1000x128xf32, #tpu.memory_space<vmem>>, vector<1000x128xf32>
    %get3A_13 = arith.constant 0 : index
    %get3A_14 = arith.constant 0 : index
    %get3A_15 = vector.load %arg2[%get3A_13, %get3A_14] : memref<128x128xf32, #tpu.memory_space<vmem>>, vector<128x128xf32>
    %dot_general3A = arith.constant dense<0.000000e+00> : vector<1000x128xf32>
    %dot_general3A_16 = tpu.matmul %get3A_12, %get3A_15, %dot_general3A {dimension_numbers = #tpu.dot_dimension_numbers<[1], [0], [0], [1], [0, 0, 1, 1], [], []>, transpose_lhs_hint = false} : vector<1000x128xf32>, vector<128x128xf32>, vector<1000x128xf32> -> vector<1000x128xf32>
    %mul3A = vector.broadcast %broadcast_in_dim3A : vector<1000x1xf32> to vector<1000x128xf32>
    %mul3A_17 = arith.mulf %dot_general3A_16, %mul3A : vector<1000x128xf32>
    %swap3A = arith.constant 0 : index
    %swap3A_18 = arith.constant 0 : index
    %swap3A_19 = vector.load %arg4[%swap3A, %swap3A_18] : memref<1000x128xf32, #tpu.memory_space<vmem>>, vector<1000x128xf32>
    tpu.vector_store %arg4[%swap3A, %swap3A_18], %mul3A_17 {strides = array<i32>} : memref<1000x128xf32, #tpu.memory_space<vmem>>, vector<1000x128xf32>,
    %swap3A_20 = arith.constant 0 : index
    %swap3A_21 = arith.constant 0 : index
    %swap3A_22 = vector.load %arg5[%swap3A_20, %swap3A_21] : memref<1000x1xf32, #tpu.memory_space<vmem>>, vector<1000x1xf32>
    tpu.vector_store %arg5[%swap3A_20, %swap3A_21], %broadcast_in_dim3A {strides = array<i32>} : memref<1000x1xf32, #tpu.memory_space<vmem>>, vector<1000x1xf32>,
    return
  }
  func.func @transform_0(%arg0: i32) -> (i32, i32) {
    %c0_i32 = arith.constant 0 : i32
    %c0_i32_0 = arith.constant 0 : i32
    return %arg0, %c0_i32 : i32, i32
  }
  func.func @transform_1(%arg0: i32) -> (i32, i32) {
    %c0_i32 = arith.constant 0 : i32
    %c0_i32_0 = arith.constant 0 : i32
    %c0_i32_1 = arith.constant 0 : i32
    return %c0_i32, %c0_i32_0 : i32, i32
  }
  func.func @transform_2(%arg0: i32) -> (i32, i32) {
    %c0_i32 = arith.constant 0 : i32
    %c0_i32_0 = arith.constant 0 : i32
    return %arg0, %c0_i32 : i32, i32
  }
  func.func @transform_3(%arg0: i32) -> (i32, i32) {
    %c0_i32 = arith.constant 0 : i32
    %c0_i32_0 = arith.constant 0 : i32
    return %arg0, %c0_i32 : i32, i32
  }
  func.func @transform_4(%arg0: i32) -> (i32, i32) {
    %c0_i32 = arith.constant 0 : i32
    %c0_i32_0 = arith.constant 0 : i32
    return %arg0, %c0_i32 : i32, i32
  }
}

module attributes {stable_mosaic.version = 14 : i64} {
  func.func @_mm2_k(%arg0: i32, %arg1: memref<2x1000x128xf32, #tpu.memory_space<vmem>>, %arg2: memref<1000x128xf32, #tpu.memory_space<vmem>>, %arg3: memref<1000x1xf32, #tpu.memory_space<vmem>>, %arg4: memref<1x128xf32, #tpu.memory_space<vmem>>, %arg5: memref<128x32xf32, #tpu.memory_space<vmem>>, %arg6: memref<1000x32xf32, #tpu.memory_space<vmem>>) attributes {dimension_semantics = [#tpu.dimension_semantics<arbitrary>], iteration_bounds = array<i64: 10>, scalar_prefetch = 0 : i64, scratch_operands = 0 : i64, tpu.core_type = #tpu.core_type<tc>, window_params = [{transform_indices = @transform_0, window_bounds = array<i64: 2, 1000, 128>}, {transform_indices = @transform_1, window_bounds = array<i64: 1000, 128>}, {transform_indices = @transform_2, window_bounds = array<i64: 1000, 1>}, {pipeline_mode = #tpu.pipeline_mode<synchronous>, transform_indices = @transform_3, window_bounds = array<i64: 1, 128>}, {pipeline_mode = #tpu.pipeline_mode<synchronous>, transform_indices = @transform_4, window_bounds = array<i64: 128, 32>}, {transform_indices = @transform_5, window_bounds = array<i64: 1000, 32>}]} {
    %get3A = arith.constant 0 : index
    %get3A_0 = arith.constant 0 : index
    %get3A_1 = vector.load %arg3[%get3A, %get3A_0] : memref<1000x1xf32, #tpu.memory_space<vmem>>, vector<1000x1xf32>
    %get3A_2 = arith.constant 0 : index
    %get3A_3 = arith.constant 0 : index
    %get3A_4 = arith.constant 0 : index
    %get3A_5 = vector.load %arg1[%get3A_2, %get3A_3, %get3A_4] : memref<2x1000x128xf32, #tpu.memory_space<vmem>>, vector<1x1000x128xf32>
    %get3A_6 = vector.shape_cast %get3A_5 : vector<1x1000x128xf32> to vector<1000x128xf32>
    %get3A_7 = arith.constant 1 : index
    %get3A_8 = arith.constant 0 : index
    %get3A_9 = arith.constant 0 : index
    %get3A_10 = vector.load %arg1[%get3A_7, %get3A_8, %get3A_9] : memref<2x1000x128xf32, #tpu.memory_space<vmem>>, vector<1x1000x128xf32>
    %get3A_11 = vector.shape_cast %get3A_10 : vector<1x1000x128xf32> to vector<1000x128xf32>
    %add3A = arith.addf %get3A_6, %get3A_11 : vector<1000x128xf32>
    %get3A_12 = arith.constant 0 : index
    %get3A_13 = arith.constant 0 : index
    %get3A_14 = vector.load %arg2[%get3A_12, %get3A_13] : memref<1000x128xf32, #tpu.memory_space<vmem>>, vector<1000x128xf32>
    %add3A_15 = arith.addf %add3A, %get3A_14 : vector<1000x128xf32>
    %mul3A = vector.broadcast %get3A_1 : vector<1000x1xf32> to vector<1000x128xf32>
    %mul3A_16 = arith.mulf %mul3A, %add3A_15 : vector<1000x128xf32>
    %get3A_17 = arith.constant 0 : index
    %get3A_18 = arith.constant 0 : index
    %get3A_19 = vector.load %arg4[%get3A_17, %get3A_18] : memref<1x128xf32, #tpu.memory_space<vmem>>, vector<1x128xf32>
    %add3A_20 = vector.broadcast %get3A_19 : vector<1x128xf32> to vector<1000x128xf32>
    %add3A_21 = arith.addf %mul3A_16, %add3A_20 : vector<1000x128xf32>
    %max3A = arith.constant 0.000000e+00 : f32
    %max3A_22 = vector.broadcast %max3A : f32 to vector<1000x128xf32>
    %max3A_23 = arith.maximumf %add3A_21, %max3A_22 : vector<1000x128xf32>
    %get3A_24 = arith.constant 0 : index
    %get3A_25 = arith.constant 0 : index
    %get3A_26 = vector.load %arg5[%get3A_24, %get3A_25] : memref<128x32xf32, #tpu.memory_space<vmem>>, vector<128x32xf32>
    %dot_general3A = arith.constant dense<0.000000e+00> : vector<1000x32xf32>
    %dot_general3A_27 = tpu.matmul %max3A_23, %get3A_26, %dot_general3A {dimension_numbers = #tpu.dot_dimension_numbers<[1], [0], [0], [1], [0, 0, 1, 1], [], []>, transpose_lhs_hint = false} : vector<1000x128xf32>, vector<128x32xf32>, vector<1000x32xf32> -> vector<1000x32xf32>
    %get3A_28 = arith.constant 0 : index
    %get3A_29 = arith.constant 0 : index
    %get3A_30 = vector.load %arg3[%get3A_28, %get3A_29] : memref<1000x1xf32, #tpu.memory_space<vmem>>, vector<1000x1xf32>
    %mul3A_31 = vector.broadcast %get3A_30 : vector<1000x1xf32> to vector<1000x32xf32>
    %mul3A_32 = arith.mulf %dot_general3A_27, %mul3A_31 : vector<1000x32xf32>
    %swap3A = arith.constant 0 : index
    %swap3A_33 = arith.constant 0 : index
    %swap3A_34 = vector.load %arg6[%swap3A, %swap3A_33] : memref<1000x32xf32, #tpu.memory_space<vmem>>, vector<1000x32xf32>
    tpu.vector_store %arg6[%swap3A, %swap3A_33], %mul3A_32 {strides = array<i32>} : memref<1000x32xf32, #tpu.memory_space<vmem>>, vector<1000x32xf32>,
    return
  }
  func.func @transform_0(%arg0: i32) -> (i32, i32, i32) {
    %c0_i32 = arith.constant 0 : i32
    %c0_i32_0 = arith.constant 0 : i32
    %c0_i32_1 = arith.constant 0 : i32
    return %c0_i32, %arg0, %c0_i32_0 : i32, i32, i32
  }
  func.func @transform_1(%arg0: i32) -> (i32, i32) {
    %c0_i32 = arith.constant 0 : i32
    %c0_i32_0 = arith.constant 0 : i32
    return %arg0, %c0_i32 : i32, i32
  }
  func.func @transform_2(%arg0: i32) -> (i32, i32) {
    %c0_i32 = arith.constant 0 : i32
    %c0_i32_0 = arith.constant 0 : i32
    return %arg0, %c0_i32 : i32, i32
  }
  func.func @transform_3(%arg0: i32) -> (i32, i32) {
    %c0_i32 = arith.constant 0 : i32
    %c0_i32_0 = arith.constant 0 : i32
    %c0_i32_1 = arith.constant 0 : i32
    return %c0_i32, %c0_i32_0 : i32, i32
  }
  func.func @transform_4(%arg0: i32) -> (i32, i32) {
    %c0_i32 = arith.constant 0 : i32
    %c0_i32_0 = arith.constant 0 : i32
    %c0_i32_1 = arith.constant 0 : i32
    return %c0_i32, %c0_i32_0 : i32, i32
  }
  func.func @transform_5(%arg0: i32) -> (i32, i32) {
    %c0_i32 = arith.constant 0 : i32
    %c0_i32_0 = arith.constant 0 : i32
    return %arg0, %c0_i32 : i32, i32
  }
}

module attributes {stable_mosaic.version = 14 : i64} {
  func.func @_soft_k(%arg0: i32, %arg1: memref<2x1000x32xf32, #tpu.memory_space<vmem>>, %arg2: memref<1000x32xf32, #tpu.memory_space<vmem>>, %arg3: memref<1000x1xf32, #tpu.memory_space<vmem>>, %arg4: memref<1x32xf32, #tpu.memory_space<vmem>>, %arg5: memref<1000x32xf32, #tpu.memory_space<vmem>>) attributes {dimension_semantics = [#tpu.dimension_semantics<arbitrary>], iteration_bounds = array<i64: 10>, scalar_prefetch = 0 : i64, scratch_operands = 0 : i64, tpu.core_type = #tpu.core_type<tc>, window_params = [{transform_indices = @transform_0, window_bounds = array<i64: 2, 1000, 32>}, {transform_indices = @transform_1, window_bounds = array<i64: 1000, 32>}, {transform_indices = @transform_2, window_bounds = array<i64: 1000, 1>}, {pipeline_mode = #tpu.pipeline_mode<synchronous>, transform_indices = @transform_3, window_bounds = array<i64: 1, 32>}, {transform_indices = @transform_4, window_bounds = array<i64: 1000, 32>}]} {
    %get3A = arith.constant 0 : index
    %get3A_0 = arith.constant 0 : index
    %get3A_1 = vector.load %arg3[%get3A, %get3A_0] : memref<1000x1xf32, #tpu.memory_space<vmem>>, vector<1000x1xf32>
    %get3A_2 = arith.constant 0 : index
    %get3A_3 = arith.constant 0 : index
    %get3A_4 = arith.constant 0 : index
    %get3A_5 = vector.load %arg1[%get3A_2, %get3A_3, %get3A_4] : memref<2x1000x32xf32, #tpu.memory_space<vmem>>, vector<1x1000x32xf32>
    %get3A_6 = vector.shape_cast %get3A_5 : vector<1x1000x32xf32> to vector<1000x32xf32>
    %get3A_7 = arith.constant 1 : index
    %get3A_8 = arith.constant 0 : index
    %get3A_9 = arith.constant 0 : index
    %get3A_10 = vector.load %arg1[%get3A_7, %get3A_8, %get3A_9] : memref<2x1000x32xf32, #tpu.memory_space<vmem>>, vector<1x1000x32xf32>
    %get3A_11 = vector.shape_cast %get3A_10 : vector<1x1000x32xf32> to vector<1000x32xf32>
    %add3A = arith.addf %get3A_6, %get3A_11 : vector<1000x32xf32>
    %get3A_12 = arith.constant 0 : index
    %get3A_13 = arith.constant 0 : index
    %get3A_14 = vector.load %arg2[%get3A_12, %get3A_13] : memref<1000x32xf32, #tpu.memory_space<vmem>>, vector<1000x32xf32>
    %add3A_15 = arith.addf %add3A, %get3A_14 : vector<1000x32xf32>
    %mul3A = vector.broadcast %get3A_1 : vector<1000x1xf32> to vector<1000x32xf32>
    %mul3A_16 = arith.mulf %mul3A, %add3A_15 : vector<1000x32xf32>
    %get3A_17 = arith.constant 0 : index
    %get3A_18 = arith.constant 0 : index
    %get3A_19 = vector.load %arg4[%get3A_17, %get3A_18] : memref<1x32xf32, #tpu.memory_space<vmem>>, vector<1x32xf32>
    %add3A_20 = vector.broadcast %get3A_19 : vector<1x32xf32> to vector<1000x32xf32>
    %add3A_21 = arith.addf %mul3A_16, %add3A_20 : vector<1000x32xf32>
    %reduce_max3A = arith.constant dense<0xFF800000> : vector<1000xf32>
    %reduce_max3A_22 = vector.multi_reduction <maximumf>, %add3A_21, %reduce_max3A [1] : vector<1000x32xf32> to vector<1000xf32>
    %broadcast_in_dim3A = vector.shape_cast %reduce_max3A_22 : vector<1000xf32> to vector<1000x1xf32>
    %sub3A = vector.broadcast %broadcast_in_dim3A : vector<1000x1xf32> to vector<1000x32xf32>
    %sub3A_23 = arith.subf %add3A_21, %sub3A : vector<1000x32xf32>
    %exp3A = math.exp %sub3A_23 : vector<1000x32xf32>
    %reduce_sum3A = arith.constant dense<0.000000e+00> : vector<1000xf32>
    %reduce_sum3A_24 = vector.multi_reduction <add>, %exp3A, %reduce_sum3A [1] : vector<1000x32xf32> to vector<1000xf32>
    %broadcast_in_dim3A_25 = vector.shape_cast %reduce_sum3A_24 : vector<1000xf32> to vector<1000x1xf32>
    %div3A = vector.broadcast %broadcast_in_dim3A_25 : vector<1000x1xf32> to vector<1000x32xf32>
    %div3A_26 = arith.divf %exp3A, %div3A : vector<1000x32xf32>
    %swap3A = arith.constant 0 : index
    %swap3A_27 = arith.constant 0 : index
    %swap3A_28 = vector.load %arg5[%swap3A, %swap3A_27] : memref<1000x32xf32, #tpu.memory_space<vmem>>, vector<1000x32xf32>
    tpu.vector_store %arg5[%swap3A, %swap3A_27], %div3A_26 {strides = array<i32>} : memref<1000x32xf32, #tpu.memory_space<vmem>>, vector<1000x32xf32>,
    return
  }
  func.func @transform_0(%arg0: i32) -> (i32, i32, i32) {
    %c0_i32 = arith.constant 0 : i32
    %c0_i32_0 = arith.constant 0 : i32
    %c0_i32_1 = arith.constant 0 : i32
    return %c0_i32, %arg0, %c0_i32_0 : i32, i32, i32
  }
  func.func @transform_1(%arg0: i32) -> (i32, i32) {
    %c0_i32 = arith.constant 0 : i32
    %c0_i32_0 = arith.constant 0 : i32
    return %arg0, %c0_i32 : i32, i32
  }
  func.func @transform_2(%arg0: i32) -> (i32, i32) {
    %c0_i32 = arith.constant 0 : i32
    %c0_i32_0 = arith.constant 0 : i32
    return %arg0, %c0_i32 : i32, i32
  }
  func.func @transform_3(%arg0: i32) -> (i32, i32) {
    %c0_i32 = arith.constant 0 : i32
    %c0_i32_0 = arith.constant 0 : i32
    %c0_i32_1 = arith.constant 0 : i32
    return %c0_i32, %c0_i32_0 : i32, i32
  }
  func.func @transform_4(%arg0: i32) -> (i32, i32) {
    %c0_i32 = arith.constant 0 : i32
    %c0_i32_0 = arith.constant 0 : i32
    return %arg0, %c0_i32 : i32, i32
  }
}

</mosaic_0001>

<sc_bundles>
// kernel: kernel.11.cloned.1.call-start
scs
__scs_entry_jumppad:
0x0: {  	(pc) =	sbr.rel $0x88, $3  }
0x1: {  	(tag) =	ssettag $0x0;
	lr =	simm.s32 $0x1  }
0x2: {  	[smem:$0x3F99] =	sst lr;
	_ =	strace $0xD0000000  }
0x3: {  	_ = 	snop  }
0x4: {  	_ = 	snop  }
0x5: {  	_ = 	snop  }
0x6: {  	_ = 	snop  }
0x7: {  	_ = 	snop  }
__scs_overlays_trampoline_lowered:
0x8: {  	[smem:$0x3FA8] =	sst s0  }
0x9: {  	[smem:$0x3FA9] =	sst s1  }
0xa: {  	[smem:$0x3FAA] =	sst s2  }
0xb: {  	[smem:$0x3FAB] =	sst s3  }
0xc: {  	[smem:$0x3FAC] =	sst s4  }
0xd: {  	[smem:$0x3FAD] =	sst s5  }
0xe: {  	[smem:$0x3FAE] =	sst s6  }
0xf: {  	[smem:$0x3FAF] =	sst s7  }
0x10: {  	[smem:$0x3FB0] =	sst s8  }
0x11: {  	[smem:$0x3FB1] =	sst s9;
	s0 =	simm.s32 @!p0 $0x0  }
0x12: {  	s1 =	sld [smem:$0x3F97];
	s0 =	simm.s32 @p0 $0x1  }
0x13: {  	[smem:$0x3FB2] =	sst s0;
	s0 =	simm.s32 @!p1 $0x0  }
0x14: {  	s2 =	sld [smem:$0x3F96];
	s0 =	simm.s32 @p1 $0x1  }
0x15: {  	[smem:$0x3FB3] =	sst s0;
	s0 =	simm.s32 @!p2 $0x0  }
0x16: {  	s3 =	sld [smem:$0x3FDB];
	s0 =	simm.s32 @p2 $0x1  }
0x17: {  	s4 =	simm.s32 $0x1BF5;
	[smem:$0x3FB5] =	sst s0  }
0x18: {  	s0 =	sld [smem:$0x3F98];
	_ =	swait.ge [sflag:s4], $0x0  }
0x19: {  	s7 =	sld [smem:$0x3F99]  }
0x1a: {  	s8 =	sadd.s32 $0xFFFFE003, lr  }
0x1b: {  	s9 =	sadd.s32 $0xFFFFFEF7, lr;
	s5 =	simm.s32 $0xFFFFFFFF;
	p2 =	slt.u32 s8, $0xFFFFF086  }
0x1c: {  	p1 =	slt.u32 s9, $0xF7A;
	s5 =	simm.s32 @!p2 $0x0  }
0x1d: {  	s5 =	simm.s32 @p1 $0x1;
	p0 =	seq.s32 s7, s2  }
0x1e: {  	s7 =	smul.u32 @!p0 $0xF7A, s2;
	p2 =	seq.s32 @!p0 s5, $0x0  }
0x1f: {  	s9 =	smul.u32 $0xF7A, s1;
	s8 =	simm.s32 @!p0 $0x1BF5;
	p2 =	por !p2, p0  }
0x20: {  	[sflag:s8] =	ssyncset.s32 @!p0 $0xFFFFF086;
	s6 =	sadd.s32 @!p0 s3, s7;
	s7 =	simm.s32 @!p0 $0x108  }
0x21: {  	s3 =	sadd.s32 s3, s9;
	s6 =	sadd.s32 @!p0 $0x88, s6;
	s7 =	simm.s32 @p2 $0x1082  }
0x22: {  	[simem:s7], [sflag:s8] =	dma.local @!p0 [hbm:s6], $0xF7A  }
0x23: {  	s9 =	sor.u32 $0xD0000000, s2;
	s6 =	simm.s32 $0x108;
	_ =	swait.ge @!p0 [sflag:s8], $0x0  }
0x24: {  	s3 =	sadd.s32 $0x88, s3;
	s6 =	simm.s32 @!p1 $0x1082;
	[sflag:s4] =	ssyncset.s32 $0xFFFFF086  }
0x25: {  	[simem:s6], [sflag:s4] =	dma.local [hbm:s3], $0xF7A  }
0x26: {  	[smem:$0x3F99] =	sst s1;
	(tag) =	ssettag s2;
	_ =	strace s9  }
0x27: {  	s1 =	sld [smem:$0x3FA9]  }
0x28: {  	s2 =	sld [smem:$0x3FAA]  }
0x29: {  	s4 =	sld [smem:$0x3FAC]  }
0x2a: {  	p0 =	seq.s32 s5, $0x0;
	s5 =	sld [smem:$0x3FAD]  }
0x2b: {  	s6 =	sld [smem:$0x3FAE]  }
0x2c: {  	s7 =	sld [smem:$0x3FAF]  }
0x2d: {  	s3 =	simm.s32 $0x108;
	s8 =	sld [smem:$0x3FB0]  }
0x2e: {  	s3 =	simm.s32 @!p0 $0x1082;
	s9 =	sld [smem:$0x3FB1]  }
0x2f: {  	lr =	sadd.s32 s0, s3;
	s0 =	sld [smem:$0x3FA8]  }
0x30: {  	s3 =	sld [smem:$0x3FAB]  }
0x31: {  	[smem:$0x3FB4] =	sst s10  }
0x32: {  	s10 =	sld [smem:$0x3FB2];
	_ =	sdelay $0x3  }
0x33: {  	p0 =	seq.s32 s10, $0x1;
	s10 =	sld [smem:$0x3FB4];
	_ =	sdelay $0x3  }
0x34: {  	[smem:$0x3FB4] =	sst s10  }
0x35: {  	s10 =	sld [smem:$0x3FB3];
	_ =	sdelay $0x3  }
0x36: {  	p1 =	seq.s32 s10, $0x1;
	s10 =	sld [smem:$0x3FB4];
	_ =	sdelay $0x3  }
0x37: {  	[smem:$0x3FB4] =	sst s10  }
0x38: {  	s10 =	sld [smem:$0x3FB5]  }
0x39: {  	_ = 	snop;
	(pc) =	sbr.ind lr, $3  }
0x3a: {  	_ = 	snop  }
0x3b: {  	_ = 	snop  }
0x3c: {  	p2 =	seq.s32 s10, $0x1;
	s10 =	sld [smem:$0x3FB4]  }
0x3d: {  	_ =	shalt  }
0x3e: {  	_ =	shalt  }
0x3f: {  	_ =	shalt  }
0x40: {  	_ =	shalt  }
0x41: {  	_ =	shalt  }
0x42: {  	_ =	shalt  }
0x43: {  	_ =	shalt  }
0x44: {  	_ =	shalt  }
0x45: {  	_ =	shalt  }
0x46: {  	_ =	shalt  }
0x47: {  	_ =	shalt  }
0x48: {  	_ =	shalt  }
0x49: {  	_ =	shalt  }
0x4a: {  	_ =	shalt  }
0x4b: {  	_ =	shalt  }
0x4c: {  	_ =	shalt  }
0x4d: {  	_ =	shalt  }
0x4e: {  	_ =	shalt  }
0x4f: {  	_ =	shalt  }
0x50: {  	_ =	shalt  }
0x51: {  	_ =	shalt  }
0x52: {  	_ =	shalt  }
0x53: {  	_ =	shalt  }
0x54: {  	_ =	shalt  }
0x55: {  	_ =	shalt  }
0x56: {  	_ =	shalt  }
0x57: {  	_ =	shalt  }
0x58: {  	_ =	shalt  }
0x59: {  	_ =	shalt  }
0x5a: {  	_ =	shalt  }
0x5b: {  	_ =	shalt  }
0x5c: {  	_ =	shalt  }
0x5d: {  	_ =	shalt  }
0x5e: {  	_ =	shalt  }
0x5f: {  	_ =	shalt  }
0x60: {  	_ =	shalt  }
0x61: {  	_ =	shalt  }
0x62: {  	_ =	shalt  }
0x63: {  	_ =	shalt  }
0x64: {  	_ =	shalt  }
0x65: {  	_ =	shalt  }
0x66: {  	_ =	shalt  }
0x67: {  	_ =	shalt  }
0x68: {  	_ =	shalt  }
0x69: {  	_ =	shalt  }
0x6a: {  	_ =	shalt  }
0x6b: {  	_ =	shalt  }
0x6c: {  	_ =	shalt  }
0x6d: {  	_ =	shalt  }
0x6e: {  	_ =	shalt  }
0x6f: {  	_ =	shalt  }
0x70: {  	_ =	shalt  }
0x71: {  	_ =	shalt  }
0x72: {  	_ =	shalt  }
0x73: {  	_ =	shalt  }
0x74: {  	_ =	shalt  }
0x75: {  	_ =	shalt  }
0x76: {  	_ =	shalt  }
0x77: {  	_ =	shalt  }
0x78: {  	_ =	shalt  }
0x79: {  	_ =	shalt  }
0x7a: {  	_ =	shalt  }
0x7b: {  	_ =	shalt  }
0x7c: {  	_ =	shalt  }
0x7d: {  	_ =	shalt  }
0x7e: {  	_ =	shalt  }
0x7f: {  	_ =	shalt  }
0x80: {  	_ =	shalt  }
0x81: {  	_ =	shalt  }
0x82: {  	_ =	shalt  }
0x83: {  	_ =	shalt  }
0x84: {  	_ =	shalt  }
0x85: {  	_ =	shalt  }
0x86: {  	_ =	shalt  }
0x87: {  	_ =	shalt  }
.Lfunc_end0:
.L_simem_size_0:
called_computation.1_lowered:
.L_overlay_start_0:
0x88: {  	s2 =	sld [smem:$0x3FD9]  }
0x89: {  	s3 =	sld [smem:$0x3FFE];
	_ =	sdelay $0x1  }
0x8a: {  	s1 =	srdreg.scid  }
0x8b: {  	s0 =	sand.u32 $0x1, s1  }
0x8c: {  	s16 =	sshll.u32 s0, $0xA;
	s2 =	sadd.s32 s3, s2  }
0x8d: {  	s2 =	sadd.s32 s2, s16  }
0x8e: {  	[smem:$0x3FC0] =	sst s2  }
0x8f: {  	_ = 	snop  }
0x90: {  	(tm) =	ssettm $0x1  }
0x91: {  	s17 =	sld [smem:$0x3FFB];
	_ =	sdelay $0x3  }
0x92: {  	_ =	strace s17  }
0x93: {  	s2 =	sld [smem:$0x3FFC];
	_ =	sdelay $0x3  }
0x94: {  	_ =	strace s2  }
0x95: {  	s2 =	sld [smem:$0x3FFD];
	_ =	sdelay $0x3  }
0x96: {  	_ =	strace s2  }
0x97: {  	_ =	strace $0x8FFFFFFF  }
0x98: {  	s18 =	sld [smem:$0x3FDB];
	_ =	sdelay $0x1  }
0x99: {  	s19 =	simm.s32 $_scs_section_size  }
0x9a: {  	s4 =	simm.s32 $_size__tile_overlayer_lowered;
	s5 =	simm.s32 $_tile_overlayer_lowered  }
0x9b: {  	s22 =	simm.s32 $0x1BFF;
	s21 =	sshll.u32 s5, $0x1;
	s2 =	sadd.s32 s19, s18  }
0x9c: {  	s6 =	simm.s32 $0x0;
	s20 =	sshll.u32 s4, $0x1;
	s4 =	sadd.s32 s21, s2  }
0x9d: {  	[timem:s6], [sflag:s22] =	dma.local [hbm:s4], s20  }
0x9e: {  	_ =	swait.ge [sflag:s22], s20  }
0x9f: {  	s3 =	ssub.s32 $0x0, s20;
	[sflag:s22] =	ssyncset.done $0x0  }
0xa0: {  	[sflag:s22] =	ssyncadd.s32 s3;
	_ =	sdelay $0x1  }
0xa1: {  	s23 =	simm.s32 $0x1B8B  }
0xa2: {  	_ =	swait.ge [sflag:s23], $0x1  }
0xa3: {  	[sflag:s23] =	ssyncset.done $0x0  }
0xa4: {  	s25 =	simm.s32 $0x1B8E;
	s24 =	sld [smem:$0x3FFE];
	[sflag:s23] =	ssyncadd.s32 $0xFFFFFFFF  }
0xa5: {  	s26 =	simm.s32 $execute0_lowered;
	[smem:$0x3FD2] =	sst s25  }
0xa6: {  	s4 =	sshll.u32 s26, $0x1;
	_ =	strace $0x80000049;
	[dreg:$0x1] =	wrdreg $0xFFFFFFFF  }
0xa7: {  	s28 =	simm.s32 $_size_execute0_lowered;
	s2 =	sadd.s32 s2, s4;
	[dreg:$0x0] =	wrdreg $0x0  }
0xa8: {  	s4 =	sshll.u32 s28, $0x1;
	[dreg:$0x2] =	wrdreg s2  }
0xa9: {  	[dreg:$0x3] =	wrdreg s4  }
0xaa: {  	[dreg:$0x4] =	wrdreg $0xC0  }
0xab: {  	_ =	task [dreg:s6], $0x5FFFF  }
0xac: {  	[dreg:$0x1] =	wrdreg $0xFFFFFFFF  }
0xad: {  	[dreg:$0x0] =	wrdreg $0x60  }
0xae: {  	[dreg:$0x2] =	wrdreg s24  }
0xaf: {  	[dreg:$0x3] =	wrdreg $0xB9000  }
0xb0: {  	[dreg:$0x4] =	wrdreg $0x9  }
0xb1: {  	_ =	task.clear_ibuf [dreg:s6], $0x5FFFF;
	_ =	strace $0x90000049  }
0xb2: {  	s29 =	simm.s32 $0x9;
	_ =	strace $0x8000004B  }
0xb3: {  	_ =	swait.ge [sflag:s29], $0x1  }
0xb4: {  	[sflag:s29] =	ssyncadd.s32 $0xFFFFFFFF  }
0xb5: {  	_ =	strace $0x9000004B  }
0xb6: {  	_ =	sfence  }
0xb7: {  	s30 =	sld [smem:$0x0];
	_ =	sdelay $0x2  }
0xb8: {  	s31 =	sshll.u32 s1, $0xD;
	s1 =	sshrl.u32 s1, $0x2  }
0xb9: {  	s3 =	sand.u32 $0x4000, s31;
	s1 =	sadd.s32 s1, s30  }
0xba: {  	s0 =	sor.u32 s3, s0;
	s1 =	sshll.u32 s1, $0x11  }
0xbb: {  	s0 =	sor.u32 s1, s0  }
0xbc: {  	s0 =	sadd.s32 $0x8F2B, s0  }
0xbd: {  	[sflag:s0] =	ssyncadd.remote.s32 $0x1  }
0xbe: {  	_ =	sfence.sel $0xFFFF  }
0xbf: {  	[dreg:$0x0] =	wrdreg $0xFFFFFFFF;
	(pc) =	sbr.abs _section_cstart, $3  }
0xc0: {  	[dreg:$0x1] =	wrdreg $0xFFFFFFFF  }
0xc1: {  	_ =	task.clear_ibuf [dreg:s6], $0x2FFFF;
	_ =	strace $0x9FFFFFFF  }
0xc2: {  	(tm) =	ssettm $0x7FFFFFFF  }
0xc3: {  	_ =	shalt  }
tec
execute0_lowered:
.L_overlay_start_1:
0x0: {  	(tag) =	ssettag $0x1  }
0x1: {  	s0 =	rddreg [dreg:$0x0]  }
0x2: {  	s2 =	rddreg [dreg:$0x1];
	s3 =	simm.s32 $0x0  }
0x3: {  	s1 =	srdreg.scid;
	s15 =	stileid.u32;
	s19 =	simm.s32 $0x3C00  }
0x4: {  	s20 =	simm.s32 $0x3;
	s21 =	simm.s32 $0x1400;
	s22 =	simm.s32 $0x2800  }
0x5: {  	s23 =	simm.s32 $0x7D;
	s24 =	simm.s32 $0x7A80;
	s25 =	simm.s32 $0x1  }
0x6: {  	s28 =	simm.s32 $0x0;
	[smem:$0x7FF] =	sst s3;
	s1 =	sand.u32 $0x1, s1  }
0x7: {  	s8 =	smul.u32 $0x14000, s15;
	s4 =	sadd.s32 $0x20400, s0;
	s5 =	sadd.s32 $0x16400, s0  }
0x8: {  	s6 =	sadd.s32 $0xC200, s0;
	s10 =	smul.u32 $0x50000, s15;
	s7 =	sadd.s32 $0x2200, s0  }
0x9: {  	_ =	strace $0x8000004A;
	s9 =	smul.u32 $0x140000, s1;
	s11 =	ssub.s32 $0x2, s1  }
0xa: {  	s1 =	sshll.u32 s1, $0x4;
	s12 =	sshrl.u32 s11, $0x1;
	s10 =	sshrl.u32 s10, $0x2  }
0xb: {  	s1 =	sor.u32 s15, s1;
	s9 =	sadd.s32 s8, s9;
	s26 =	ssub.s32 s11, s12  }
0xc: {  	s10 =	sadd.s32 s10, s2;
	s8 =	sadd.s32 s8, s2;
	s16 =	smul.u32 $0x50, s1  }
0xd: {  	s9 =	sshrl.u32 s9, $0x3;
	s29 =	sadd.s32 $0x2800, s10;
	s30 =	sadd.s32 $0x5000, s10  }
0xe: {  	s31 =	sadd.s32 $0x7800, s10;
	s12 =	sadd.s32 $0xA000, s10;
	s13 =	sadd.s32 $0xC800, s10  }
0xf: {  	s14 =	sadd.s32 $0xF000, s10;
	s15 =	sadd.s32 $0x11800, s10;
	[dreg:$0x3] =	wrdreg s29  }
0x10: {  	s18 =	smax.u32 s26, $0x1;
	s0 =	sadd.s32 s9, s0;
	[dreg:$0x4] =	wrdreg s30  }
0x11: {  	v0 =	vimm.f32 $0.0e+00;
	s26 =	simm.s32 $0x2;
	[dreg:$0x5] =	wrdreg s31;
	s17 =	sadd.s32 $0x47600, s0  }
.LBB2_1:
0x12: {  	s0 =	simm.s32 $0x0;
	s1 =	simm.s32 $0x200  }
.LBB2_2:
0x13: {  	p0 =	sne.s32 s1, $0x9E00;
	[tilespmem:s0+$0x3C70] =	vst v0  }
0x14: {  	[tilespmem:s0+$0x3C00] =	vst v0  }
0x15: {  	[tilespmem:s0+$0x3C10] =	vst v0  }
.Ltmp0:
0x16: {  	[tilespmem:s0+$0x3C20] =	vst v0;
	(pc) =	sbr.rel @p0 .LBB2_2-.Ltmp0, $4  }
0x17: {  	[tilespmem:s0+$0x3C30] =	vst v0  }
0x18: {  	[tilespmem:s0+$0x3C40] =	vst v0  }
0x19: {  	[tilespmem:s0+$0x3C50] =	vst v0  }
0x1a: {  	[tilespmem:s0+$0x3C60] =	vst v0;
	s0 =	sshra.s32 s1, $0x2;
	s1 =	sadd.s32 $0x200, s1  }
0x1b: {  	[tilespmem:s0+$0x3C70] =	vst v0  }
0x1c: {  	[tilespmem:s0+$0x3C00] =	vst v0  }
0x1d: {  	[tilespmem:s0+$0x3C10] =	vst v0  }
0x1e: {  	[tilespmem:s0+$0x3C20] =	vst v0  }
0x1f: {  	[tilespmem:s0+$0x3C30] =	vst v0  }
0x20: {  	[tilespmem:s0+$0x3C40] =	vst v0  }
0x21: {  	[tilespmem:s0+$0x3C50] =	vst v0  }
0x22: {  	[tilespmem:s0+$0x3C60] =	vst v0  }
0x23: {  	[spmem:s8] =	stream.linear.scatter [tilespmem:s19], [sflag:$0x3], $0x2800, $0x38;
	[tilespmem:$0x1F900] =	vst v63  }
0x24: {  	_ =	swait.ge [sflag:s20], $0x2800  }
0x25: {  	[sflag:s20] =	ssyncset.done $0x0  }
0x26: {  	s29 =	rddreg [dreg:$0x3];
	[sflag:s20] =	ssyncadd.s32 $0xFFFFD800  }
0x27: {  	[spmem:s29] =	stream.linear.scatter [tilespmem:s19], [sflag:$0x3], $0x2800, $0x38;
	[tilespmem:$0x1F900] =	vst v63  }
0x28: {  	_ =	swait.ge [sflag:s20], $0x2800  }
0x29: {  	[sflag:s20] =	ssyncset.done $0x0  }
0x2a: {  	s30 =	rddreg [dreg:$0x4];
	[sflag:s20] =	ssyncadd.s32 $0xFFFFD800  }
0x2b: {  	[spmem:s30] =	stream.linear.scatter [tilespmem:s19], [sflag:$0x3], $0x2800, $0x38;
	[tilespmem:$0x1F900] =	vst v63  }
0x2c: {  	_ =	swait.ge [sflag:s20], $0x2800  }
0x2d: {  	[sflag:s20] =	ssyncset.done $0x0  }
0x2e: {  	s31 =	rddreg [dreg:$0x5];
	[sflag:s20] =	ssyncadd.s32 $0xFFFFD800  }
0x2f: {  	[spmem:s31] =	stream.linear.scatter [tilespmem:s19], [sflag:$0x3], $0x2800, $0x38;
	[tilespmem:$0x1F900] =	vst v63  }
0x30: {  	_ =	swait.ge [sflag:s20], $0x2800  }
0x31: {  	[sflag:s20] =	ssyncset.done $0x0  }
0x32: {  	[sflag:s20] =	ssyncadd.s32 $0xFFFFD800  }
0x33: {  	[spmem:s12] =	stream.linear.scatter [tilespmem:s19], [sflag:$0x3], $0x2800, $0x38;
	[tilespmem:$0x1F900] =	vst v63  }
0x34: {  	_ =	swait.ge [sflag:s20], $0x2800  }
0x35: {  	[sflag:s20] =	ssyncset.done $0x0  }
0x36: {  	[sflag:s20] =	ssyncadd.s32 $0xFFFFD800  }
0x37: {  	[spmem:s13] =	stream.linear.scatter [tilespmem:s19], [sflag:$0x3], $0x2800, $0x38;
	[tilespmem:$0x1F900] =	vst v63  }
0x38: {  	_ =	swait.ge [sflag:s20], $0x2800  }
0x39: {  	[sflag:s20] =	ssyncset.done $0x0  }
0x3a: {  	[sflag:s20] =	ssyncadd.s32 $0xFFFFD800  }
0x3b: {  	[spmem:s14] =	stream.linear.scatter [tilespmem:s19], [sflag:$0x3], $0x2800, $0x38;
	[tilespmem:$0x1F900] =	vst v63  }
0x3c: {  	_ =	swait.ge [sflag:s20], $0x2800  }
0x3d: {  	[sflag:s20] =	ssyncset.done $0x0  }
0x3e: {  	[sflag:s20] =	ssyncadd.s32 $0xFFFFD800  }
0x3f: {  	[spmem:s15] =	stream.linear.scatter [tilespmem:s19], [sflag:$0x3], $0x2800, $0x38;
	[tilespmem:$0x1F900] =	vst v63  }
0x40: {  	_ =	swait.ge [sflag:s20], $0x2800  }
0x41: {  	[sflag:s20] =	ssyncset.done $0x0  }
0x42: {  	[sflag:s20] =	ssyncadd.s32 $0xFFFFD800  }
0x43: {  	p1 =	por $0x1, $0x1;
	s0 =	simm.s32 $0x0;
	[bflag:$0x0] =	sbarrier.arrive $0xFFFF  }
.LBB2_4:
0x44: {  	s0 =	sadd.s32 s16, s0  }
0x45: {  	s0 =	sshll.u32 s0, $0x4  }
0x46: {  	s1 =	sadd.s32 s5, s0  }
0x47: {  	[tilespmem:s28], [sflag:$0x3] =	stream.linear.gather [hbm4b:s1+s28], $0x1400, $0x38;
	[tilespmem:$0x1F900] =	vst v63  }
0x48: {  	_ =	swait.ge [sflag:s20], $0x1400  }
0x49: {  	[sflag:s20] =	ssyncset.done $0x0  }
0x4a: {  	s31 =	sadd.s32 s6, s0;
	[sflag:s20] =	ssyncadd.s32 $0xFFFFEC00  }
0x4b: {  	[tilespmem:s21], [sflag:$0x3] =	stream.linear.gather [hbm4b:s31+s28], $0x1400, $0x38;
	[tilespmem:$0x1F900] =	vst v63  }
0x4c: {  	_ =	swait.ge [sflag:s20], $0x1400  }
0x4d: {  	[sflag:s20] =	ssyncset.done $0x0  }
0x4e: {  	s0 =	sadd.s32 s7, s0;
	[sflag:s20] =	ssyncadd.s32 $0xFFFFEC00  }
0x4f: {  	[tilespmem:s22], [sflag:$0x3] =	stream.linear.gather [hbm4b:s0+s28], $0x1400, $0x38;
	[tilespmem:$0x1F900] =	vst v63  }
0x50: {  	_ =	swait.ge [sflag:s20], $0x1400  }
0x51: {  	[sflag:s20] =	ssyncset.done $0x0  }
0x52: {  	p0 =	por p1, p1;
	s29 =	simm.s32 $0x0;
	[sflag:s20] =	ssyncadd.s32 $0xFFFFEC00  }
.LBB2_5:
0x53: {  	s0 =	simm.s32 $0x0  }
0x54: {  	s31 =	sshll.u32 s29, $0x8;
	s1 =	simm.s32 $0x4;
	v1 =	vmov s0  }
0x55: {  	s9 =	sshllo.u32 s29, $0x1;
	v2 =	vmov s31;
	v3 =	vmov s1;
	v1 =	vand.u32 $0x7F, v1  }
0x56: {  	[tilespmem:s19], [sflag:$0x1] =	stream.indirect.gather [hbm4b:s4+s23], $0x80, s31, s23, $0xb8;
	v3 =	vand.u32 $0xFF, v3;
	v1 =	vor.u32 v2, v1;
	[tilespmem:$0x1F900] =	vst v63  }
0x57: {  	s30 =	sshll.u32 s9, $0x7;
	v3 =	vor.u32 v2, v3;
	v1 =	vbroadcast v1, $0x0  }
0x58: {  	[tilespmem:s24], [sflag:$0x1] =	stream.indirect.gather [hbm4b:s4+s23], $0x80, s30, s23, $0xb8;
	v3 =	vbroadcast v3, $0x0;
	[tilespmem:$0x1F900] =	vst v63  }
0x59: {  	_ =	swait.ge [sflag:s25], $0x3E80  }
0x5a: {  	[sflag:s25] =	ssyncset.done $0x0  }
0x5b: {  	s0 =	simm.s32 $0x3D40;
	[sflag:s25] =	ssyncadd.s32 $0xFFFFC180  }
0x5c: {  	s1 =	simm.s32 $0x1;
	v6 =	vld [tilespmem:s0+$0xFFFFFEC0]  }
0x5d: {  	v5 =	vmov s1;
	v4 =	vld.idx.msk [tilespmem:v1+s22+$0x0], $0xffff  }
0x5e: {  	v1 =	vld.idx.msk [tilespmem:v3+s22+$0x0], $0xffff;
	v3 =	vand.u32 $0xFF, v5  }
0x5f: {  	v7 =	vld [tilespmem:s0+$0xFFFFFED0];
	v3 =	vor.u32 v2, v3  }
0x60: {  	v5 =	vld [tilespmem:s0+$0x130];
	v3 =	vbroadcast v3, $0x0  }
0x61: {  	v8 =	vld [tilespmem:s0+$0xFFFFFEE0]  }
0x62: {  	v9 =	vld [tilespmem:s0+$0xFFFFFEF0]  }
0x63: {  	v10 =	vld [tilespmem:s0+$0xFFFFFF00]  }
0x64: {  	s10 =	simm.s32 $0x2;
	v11 =	vld [tilespmem:s0+$0xFFFFFF10]  }
0x65: {  	v13 =	vmov s10;
	v12 =	vld [tilespmem:s0+$0xFFFFFF20];
	v5 =	vmul.f32 v5, v1  }
0x66: {  	v6 =	vmul.f32 v6, v4;
	v14 =	vld.idx.msk [tilespmem:v3+s22+$0x0], $0xffff;
	v3 =	vand.u32 $0xFF, v13  }
0x67: {  	v15 =	vld [tilespmem:s0+$0xFFFFFF50];
	[tilespmem:s0+$0x130] =	vst v5;
	v5 =	vmul.f32 v8, v4;
	v3 =	vor.u32 v2, v3  }
0x68: {  	v7 =	vmul.f32 v7, v4;
	[tilespmem:s0+$0xFFFFFEC0] =	vst v6;
	v13 =	vld [tilespmem:s0+$0xFFFFFF40];
	v3 =	vbroadcast v3, $0x0  }
0x69: {  	v6 =	vld [tilespmem:s0+$0xFFFFFF30];
	[tilespmem:s0+$0xFFFFFEE0] =	vst v5;
	v5 =	vmul.f32 v10, v4  }
0x6a: {  	v11 =	vmul.f32 v11, v4;
	v8 =	vld [tilespmem:s0+$0xFFFFFF60];
	[tilespmem:s0+$0xFFFFFED0] =	vst v7  }
0x6b: {  	v7 =	vmul.f32 v9, v4;
	[tilespmem:s0+$0xFFFFFF00] =	vst v5;
	v5 =	vld [tilespmem:s0+$0xFFFFFFA0]  }
0x6c: {  	v9 =	vld [tilespmem:s0+$0xFFFFFF70];
	[tilespmem:s0+$0xFFFFFF10] =	vst v11  }
0x6d: {  	v11 =	vld [tilespmem:s0+$0xFFFFFFC0];
	[tilespmem:s0+$0xFFFFFEF0] =	vst v7;
	v7 =	vmul.f32 v13, v14  }
0x6e: {  	v16 =	vld.idx.msk [tilespmem:v3+s22+$0x0], $0xffff;
	v3 =	vmul.f32 v12, v4  }
0x6f: {  	s11 =	simm.s32 $0x3;
	v10 =	vld [tilespmem:s0+$0xFFFFFF80];
	[tilespmem:s0+$0xFFFFFF40] =	vst v7;
	v4 =	vmul.f32 v6, v4  }
0x70: {  	v7 =	vmov s11;
	v6 =	vld [tilespmem:s0+$0xFFFFFFB0];
	v5 =	vmul.f32 v5, v14;
	[tilespmem:s0+$0xFFFFFF20] =	vst v3  }
0x71: {  	v13 =	vld [tilespmem:s0+$0xFFFFFF90];
	v7 =	vand.u32 $0xFF, v7;
	v3 =	vmul.f32 v15, v14;
	[tilespmem:s0+$0xFFFFFF30] =	vst v4  }
0x72: {  	v12 =	vld [tilespmem:s0+$0x0];
	v7 =	vor.u32 v2, v7;
	v4 =	vmul.f32 v8, v14;
	[tilespmem:s0+$0xFFFFFFA0] =	vst v5  }
0x73: {  	v7 =	vbroadcast v7, $0x0;
	v5 =	vld [tilespmem:s0+$0x30];
	[tilespmem:s0+$0xFFFFFF50] =	vst v3;
	v3 =	vmul.f32 v9, v14  }
0x74: {  	v8 =	vld [tilespmem:s0+$0xFFFFFFD0];
	[tilespmem:s0+$0xFFFFFF60] =	vst v4;
	v4 =	vmul.f32 v10, v14  }
0x75: {  	v9 =	vld [tilespmem:s0+$0xFFFFFFE0];
	v6 =	vmul.f32 v6, v14;
	[tilespmem:s0+$0xFFFFFF70] =	vst v3  }
0x76: {  	v10 =	vld [tilespmem:s0+$0xFFFFFFF0];
	v3 =	vmul.f32 v13, v14;
	[tilespmem:s0+$0xFFFFFF80] =	vst v4  }
0x77: {  	v4 =	vmul.f32 v11, v16;
	v11 =	vld [tilespmem:s0+$0x10];
	[tilespmem:s0+$0xFFFFFFB0] =	vst v6  }
0x78: {  	v13 =	vld [tilespmem:s0+$0x20];
	v14 =	vmul.f32 v5, v16;
	[tilespmem:s0+$0xFFFFFF90] =	vst v3  }
0x79: {  	v3 =	vld.idx.msk [tilespmem:v7+s22+$0x0], $0xffff;
	[tilespmem:s0+$0xFFFFFFC0] =	vst v4;
	v4 =	vmul.f32 v8, v16  }
0x7a: {  	v7 =	vld [tilespmem:s0+$0x40];
	v6 =	vmul.f32 v9, v16;
	[tilespmem:s0+$0x30] =	vst v14  }
0x7b: {  	v8 =	vld [tilespmem:s0+$0x50];
	[tilespmem:s0+$0xFFFFFFD0] =	vst v4;
	v4 =	vmul.f32 v10, v16  }
0x7c: {  	s11 =	simm.s32 $0x7;
	v9 =	vld [tilespmem:s0+$0x60];
	[tilespmem:s0+$0xFFFFFFE0] =	vst v6;
	v6 =	vmul.f32 v12, v16  }
0x7d: {  	s9 =	simm.s32 $0x5;
	v15 =	vmov s11;
	v10 =	vld [tilespmem:s0+$0x70];
	[tilespmem:s0+$0xFFFFFFF0] =	vst v4;
	v4 =	vmul.f32 v11, v16  }
0x7e: {  	v14 =	vand.u32 $0xFF, v15;
	v12 =	vld [tilespmem:s0+$0x80];
	v11 =	vmov s9;
	[tilespmem:s0+$0x0] =	vst v6;
	v6 =	vmul.f32 v13, v16  }
0x7f: {  	s10 =	simm.s32 $0x6;
	v14 =	vor.u32 v2, v14;
	s9 =	simm.s32 $0x8;
	v11 =	vand.u32 $0x7F, v11;
	v7 =	vmul.f32 v7, v3;
	[tilespmem:s0+$0x10] =	vst v4;
	v4 =	vld [tilespmem:s0+$0x90]  }
0x80: {  	v5 =	vld [tilespmem:s0+$0xA0];
	v13 =	vmov s10;
	v63 =	vmov s9;
	v8 =	vmul.f32 v8, v3;
	[tilespmem:s0+$0x20] =	vst v6  }
0x81: {  	v15 =	vand.u32 $0xFF, v63;
	v9 =	vmul.f32 v9, v3;
	[tilespmem:s0+$0x40] =	vst v7;
	v6 =	vor.u32 v2, v11;
	v7 =	vld [tilespmem:s0+$0xB0]  }
0x82: {  	v11 =	vand.u32 $0xFF, v13;
	[tilespmem:s0+$0x50] =	vst v8;
	v10 =	vmul.f32 v10, v3;
	v8 =	vld [tilespmem:s0+$0xC0];
	v6 =	vbroadcast v6, $0x0  }
0x83: {  	s1 =	simm.s32 $0x3D40;
	s10 =	simm.s32 $0x9;
	s9 =	simm.s32 $0xA;
	v13 =	vor.u32 v2, v11;
	v11 =	vor.u32 v2, v15;
	[tilespmem:s0+$0x60] =	vst v9;
	v12 =	vmul.f32 v12, v3;
	v9 =	vld [tilespmem:s0+$0xD0]  }
.LBB2_6:
0x84: {  	p1 =	slt.u32 s9, $0x78;
	v13 =	vbroadcast v13, $0x0;
	v15 =	vmov s10;
	[tilespmem:s0+$0x70] =	vst v10;
	v4 =	vmul.f32 v4, v3;
	v10 =	vld [tilespmem:s0+$0xE0]  }
0x85: {  	v14 =	vbroadcast v14, $0x0;
	v15 =	vand.u32 $0xFF, v15;
	[tilespmem:s0+$0x80] =	vst v12;
	v5 =	vmul.f32 v5, v3;
	v12 =	vld [tilespmem:s0+$0xF0]  }
0x86: {  	v11 =	vbroadcast v11, $0x0;
	v15 =	vor.u32 v2, v15;
	[tilespmem:s0+$0x90] =	vst v4;
	v3 =	vmul.f32 v7, v3;
	v4 =	vld [tilespmem:s0+$0x100]  }
0x87: {  	v7 =	vbroadcast v15, $0x0;
	[tilespmem:s0+$0xA0] =	vst v5;
	v5 =	vmul.f32 v8, v1;
	v8 =	vld [tilespmem:s0+$0x110]  }
0x88: {  	[tilespmem:s0+$0xB0] =	vst v3;
	v3 =	vmul.f32 v9, v1;
	v9 =	vld [tilespmem:s0+$0x120]  }
0x89: {  	v6 =	vld.idx.msk [tilespmem:v6+s22+$0x0], $0xffff;
	[tilespmem:s0+$0xC0] =	vst v5;
	v5 =	vmul.f32 v10, v1  }
0x8a: {  	v10 =	vld.idx.msk [tilespmem:v13+s22+$0x0], $0xffff;
	[tilespmem:s0+$0xD0] =	vst v3;
	v12 =	vmul.f32 v12, v1  }
0x8b: {  	v13 =	vld.idx.msk [tilespmem:v14+s22+$0x0], $0xffff;
	[tilespmem:s0+$0xE0] =	vst v5;
	v4 =	vmul.f32 v4, v1  }
0x8c: {  	v3 =	vld.idx.msk [tilespmem:v11+s22+$0x0], $0xffff;
	[tilespmem:s0+$0xF0] =	vst v12;
	v5 =	vmul.f32 v8, v1  }
0x8d: {  	s0 =	sadd.s32 $0x280, s0;
	[tilespmem:s1+$0x100] =	vst v4;
	v4 =	vmul.f32 v9, v1;
	v1 =	vld.idx.msk [tilespmem:v7+s22+$0x0], $0xffff  }
0x8e: {  	v7 =	vld [tilespmem:s0+$0x130];
	[tilespmem:s1+$0x110] =	vst v5  }
0x8f: {  	v5 =	vld [tilespmem:s0+$0xFFFFFEC0];
	[tilespmem:s1+$0x120] =	vst v4;
	s1 =	smov.u32 s0  }
0x90: {  	v4 =	vld [tilespmem:s0+$0xFFFFFED0]  }
0x91: {  	v8 =	vld [tilespmem:s0+$0xFFFFFEE0]  }
0x92: {  	v9 =	vld [tilespmem:s0+$0xFFFFFEF0]  }
0x93: {  	v11 =	vld [tilespmem:s0+$0xFFFFFF00];
	v7 =	vmul.f32 v7, v1  }
0x94: {  	v5 =	vmul.f32 v5, v6;
	v12 =	vld [tilespmem:s0+$0xFFFFFF10]  }
0x95: {  	v4 =	vmul.f32 v4, v6;
	v14 =	vld [tilespmem:s0+$0xFFFFFF20];
	[tilespmem:s0+$0x130] =	vst v7  }
0x96: {  	[tilespmem:s0+$0xFFFFFEC0] =	vst v5;
	v5 =	vmul.f32 v8, v6;
	v7 =	vld [tilespmem:s0+$0xFFFFFF30]  }
0x97: {  	[tilespmem:s0+$0xFFFFFED0] =	vst v4;
	v4 =	vmul.f32 v9, v6;
	v8 =	vld [tilespmem:s0+$0xFFFFFF40]  }
0x98: {  	[tilespmem:s0+$0xFFFFFEE0] =	vst v5;
	v5 =	vmul.f32 v11, v6;
	v9 =	vld [tilespmem:s0+$0xFFFFFF50]  }
0x99: {  	[tilespmem:s0+$0xFFFFFEF0] =	vst v4;
	v4 =	vmul.f32 v12, v6;
	v11 =	vld [tilespmem:s0+$0xFFFFFF60]  }
0x9a: {  	[tilespmem:s0+$0xFFFFFF00] =	vst v5;
	v5 =	vmul.f32 v14, v6;
	v12 =	vld [tilespmem:s0+$0xFFFFFF70]  }
0x9b: {  	[tilespmem:s0+$0xFFFFFF10] =	vst v4;
	v4 =	vmul.f32 v7, v6;
	v6 =	vld [tilespmem:s0+$0xFFFFFF80]  }
0x9c: {  	[tilespmem:s0+$0xFFFFFF20] =	vst v5;
	v5 =	vmul.f32 v8, v10;
	v7 =	vld [tilespmem:s0+$0xFFFFFF90]  }
0x9d: {  	[tilespmem:s0+$0xFFFFFF30] =	vst v4;
	v4 =	vmul.f32 v9, v10;
	v8 =	vld [tilespmem:s0+$0xFFFFFFA0]  }
0x9e: {  	[tilespmem:s0+$0xFFFFFF40] =	vst v5;
	v5 =	vmul.f32 v11, v10;
	v9 =	vld [tilespmem:s0+$0xFFFFFFB0]  }
0x9f: {  	[tilespmem:s0+$0xFFFFFF50] =	vst v4;
	v4 =	vmul.f32 v12, v10;
	v11 =	vld [tilespmem:s0+$0xFFFFFFC0]  }
0xa0: {  	[tilespmem:s0+$0xFFFFFF60] =	vst v5;
	v5 =	vmul.f32 v6, v10;
	v6 =	vld [tilespmem:s0+$0xFFFFFFD0]  }
0xa1: {  	[tilespmem:s0+$0xFFFFFF70] =	vst v4;
	v4 =	vmul.f32 v7, v10;
	v7 =	vld [tilespmem:s0+$0xFFFFFFE0]  }
0xa2: {  	[tilespmem:s0+$0xFFFFFF80] =	vst v5;
	v5 =	vmul.f32 v8, v10;
	v8 =	vld [tilespmem:s0+$0xFFFFFFF0]  }
0xa3: {  	[tilespmem:s0+$0xFFFFFF90] =	vst v4;
	v4 =	vmul.f32 v9, v10;
	v9 =	vld [tilespmem:s0+$0x0]  }
0xa4: {  	[tilespmem:s0+$0xFFFFFFA0] =	vst v5;
	v5 =	vmul.f32 v11, v13;
	v10 =	vld [tilespmem:s0+$0x10]  }
0xa5: {  	[tilespmem:s0+$0xFFFFFFB0] =	vst v4;
	v4 =	vmul.f32 v6, v13;
	v6 =	vld [tilespmem:s0+$0x20]  }
0xa6: {  	[tilespmem:s0+$0xFFFFFFC0] =	vst v5;
	v5 =	vmul.f32 v7, v13;
	v7 =	vld [tilespmem:s0+$0x30]  }
0xa7: {  	[tilespmem:s0+$0xFFFFFFD0] =	vst v4;
	v4 =	vmul.f32 v8, v13;
	v8 =	vld [tilespmem:s0+$0x40]  }
0xa8: {  	[tilespmem:s0+$0xFFFFFFE0] =	vst v5;
	v5 =	vmul.f32 v9, v13;
	v9 =	vld [tilespmem:s0+$0x50]  }
0xa9: {  	[tilespmem:s0+$0xFFFFFFF0] =	vst v4;
	v4 =	vmul.f32 v10, v13;
	v10 =	vld [tilespmem:s0+$0x60]  }
0xaa: {  	s10 =	sadd.s32 $0x1, s9;
	v11 =	vmov s9;
	[tilespmem:s0+$0x0] =	vst v5;
	v5 =	vmul.f32 v6, v13;
	v12 =	vld [tilespmem:s0+$0x70]  }
0xab: {  	s11 =	sadd.s32 $0x3, s9;
	v6 =	vand.u32 $0x7F, v11;
	v11 =	vmov s10;
	s10 =	sadd.s32 $0x2, s9;
	[tilespmem:s0+$0x10] =	vst v4;
	v7 =	vmul.f32 v7, v13;
	v15 =	vld [tilespmem:s0+$0x80]  }
.Ltmp1:
0xac: {  	v14 =	vmov s11;
	v13 =	vmov s10;
	[tilespmem:s0+$0x20] =	vst v5;
	v8 =	vmul.f32 v8, v3;
	v4 =	vld [tilespmem:s0+$0x90];
	(pc) =	sbr.rel @p1 .LBB2_6-.Ltmp1, $4  }
0xad: {  	v6 =	vor.u32 v2, v6;
	v11 =	vand.u32 $0xFF, v11;
	[tilespmem:s0+$0x30] =	vst v7;
	v9 =	vmul.f32 v9, v3;
	v5 =	vld [tilespmem:s0+$0xA0]  }
0xae: {  	v17 =	vand.u32 $0xFF, v14;
	v16 =	vand.u32 $0xFF, v13;
	[tilespmem:s0+$0x40] =	vst v8;
	v18 =	vmul.f32 v10, v3;
	v7 =	vld [tilespmem:s0+$0xB0]  }
0xaf: {  	v6 =	vbroadcast v6, $0x0;
	v13 =	vor.u32 v2, v11;
	[tilespmem:s0+$0x50] =	vst v9;
	v10 =	vmul.f32 v12, v3;
	v8 =	vld [tilespmem:s0+$0xC0]  }
0xb0: {  	s10 =	sadd.s32 $0x4, s9;
	s9 =	sadd.s32 $0x5, s9;
	v11 =	vor.u32 v2, v17;
	v14 =	vor.u32 v2, v16;
	[tilespmem:s0+$0x60] =	vst v18;
	v12 =	vmul.f32 v15, v3;
	v9 =	vld [tilespmem:s0+$0xD0]  }
0xb1: {  	v16 =	vld [tilespmem:s0+$0xE0]  }
0xb2: {  	v15 =	vmov s10;
	v17 =	vld [tilespmem:s0+$0xF0]  }
0xb3: {  	v18 =	vld [tilespmem:s0+$0x110];
	v15 =	vand.u32 $0xFF, v15  }
0xb4: {  	v13 =	vbroadcast v13, $0x0;
	v19 =	vld [tilespmem:s0+$0x120];
	v2 =	vor.u32 v2, v15  }
0xb5: {  	[tilespmem:s0+$0x70] =	vst v10;
	v6 =	vld.idx.msk [tilespmem:v6+s22+$0x0], $0xffff;
	s9 =	sadd.s32 $0x280, s0;
	v5 =	vmul.f32 v5, v3;
	v2 =	vbroadcast v2, $0x0  }
0xb6: {  	v11 =	vbroadcast v11, $0x0;
	v4 =	vmul.f32 v4, v3;
	[tilespmem:s0+$0x80] =	vst v12;
	v12 =	vld [tilespmem:s9+$0xFFFFFEE0]  }
0xb7: {  	v15 =	vld [tilespmem:s0+$0x100];
	[tilespmem:s0+$0xA0] =	vst v5;
	v5 =	vmul.f32 v8, v1  }
0xb8: {  	v14 =	vbroadcast v14, $0x0;
	[tilespmem:s0+$0x90] =	vst v4;
	v8 =	vmul.f32 v9, v1;
	v9 =	vld [tilespmem:s9+$0xFFFFFEC0]  }
0xb9: {  	v3 =	vmul.f32 v7, v3;
	[tilespmem:s0+$0xC0] =	vst v5;
	v5 =	vld [tilespmem:s9+$0x130]  }
0xba: {  	v10 =	vld.idx.msk [tilespmem:v13+s22+$0x0], $0xffff;
	[tilespmem:s0+$0xD0] =	vst v8;
	v8 =	vmul.f32 v17, v1  }
0xbb: {  	[tilespmem:s0+$0xB0] =	vst v3;
	v3 =	vld.idx.msk [tilespmem:v2+s22+$0x0], $0xffff;
	v2 =	vmul.f32 v16, v1  }
0xbc: {  	v7 =	vld.idx.msk [tilespmem:v11+s22+$0x0], $0xffff;
	[tilespmem:s0+$0xF0] =	vst v8;
	v8 =	vmul.f32 v18, v1  }
0xbd: {  	v11 =	vld [tilespmem:s9+$0xFFFFFED0];
	[tilespmem:s0+$0xE0] =	vst v2;
	v2 =	vmul.f32 v15, v1  }
0xbe: {  	v4 =	vld.idx.msk [tilespmem:v14+s22+$0x0], $0xffff;
	v1 =	vmul.f32 v19, v1;
	[tilespmem:s1+$0x110] =	vst v8  }
0xbf: {  	[tilespmem:s1+$0x100] =	vst v2;
	v2 =	vld [tilespmem:s9+$0xFFFFFEF0]  }
0xc0: {  	v8 =	vld [tilespmem:s9+$0xFFFFFF00];
	[tilespmem:s1+$0x120] =	vst v1;
	v1 =	vmul.f32 v9, v6  }
0xc1: {  	v9 =	vld [tilespmem:s9+$0xFFFFFF10];
	v5 =	vmul.f32 v5, v3  }
0xc2: {  	v13 =	vld [tilespmem:s9+$0xFFFFFF20];
	v11 =	vmul.f32 v11, v6;
	[tilespmem:s9+$0xFFFFFEC0] =	vst v1  }
0xc3: {  	v1 =	vmul.f32 v12, v6;
	[tilespmem:s9+$0x130] =	vst v5;
	v5 =	vld [tilespmem:s9+$0xFFFFFF30]  }
0xc4: {  	[tilespmem:s9+$0xFFFFFED0] =	vst v11;
	v11 =	vld [tilespmem:s9+$0xFFFFFF40];
	v2 =	vmul.f32 v2, v6  }
0xc5: {  	[tilespmem:s9+$0xFFFFFEE0] =	vst v1;
	v1 =	vmul.f32 v8, v6;
	v8 =	vld [tilespmem:s9+$0xFFFFFF50]  }
0xc6: {  	[tilespmem:s9+$0xFFFFFEF0] =	vst v2;
	v2 =	vmul.f32 v9, v6;
	v9 =	vld [tilespmem:s9+$0xFFFFFF60]  }
0xc7: {  	v12 =	vld [tilespmem:s9+$0xFFFFFF70];
	[tilespmem:s9+$0xFFFFFF00] =	vst v1;
	v1 =	vmul.f32 v13, v6  }
0xc8: {  	[tilespmem:s9+$0xFFFFFF10] =	vst v2;
	v2 =	vmul.f32 v5, v6;
	v5 =	vld [tilespmem:s9+$0xFFFFFF80]  }
0xc9: {  	[tilespmem:s9+$0xFFFFFF20] =	vst v1;
	v1 =	vmul.f32 v11, v10;
	v6 =	vld [tilespmem:s9+$0xFFFFFF90]  }
0xca: {  	[tilespmem:s9+$0xFFFFFF30] =	vst v2;
	v2 =	vmul.f32 v8, v10;
	v8 =	vld [tilespmem:s9+$0xFFFFFFA0]  }
0xcb: {  	[tilespmem:s9+$0xFFFFFF40] =	vst v1;
	v1 =	vmul.f32 v9, v10;
	v9 =	vld [tilespmem:s9+$0xFFFFFFB0]  }
0xcc: {  	v11 =	vld [tilespmem:s9+$0xFFFFFFC0];
	[tilespmem:s9+$0xFFFFFF50] =	vst v2;
	v2 =	vmul.f32 v12, v10  }
0xcd: {  	[tilespmem:s9+$0xFFFFFF60] =	vst v1;
	v1 =	vmul.f32 v5, v10;
	v5 =	vld [tilespmem:s9+$0xFFFFFFD0]  }
0xce: {  	[tilespmem:s9+$0xFFFFFF70] =	vst v2;
	v2 =	vmul.f32 v6, v10;
	v6 =	vld [tilespmem:s9+$0xFFFFFFE0]  }
0xcf: {  	[tilespmem:s9+$0xFFFFFF80] =	vst v1;
	v1 =	vmul.f32 v8, v10;
	v8 =	vld [tilespmem:s9+$0xFFFFFFF0]  }
0xd0: {  	[tilespmem:s9+$0xFFFFFF90] =	vst v2;
	v2 =	vmul.f32 v9, v10;
	v9 =	vld [tilespmem:s9+$0x0]  }
0xd1: {  	v10 =	vld [tilespmem:s9+$0x10];
	[tilespmem:s9+$0xFFFFFFA0] =	vst v1;
	v1 =	vmul.f32 v11, v4  }
0xd2: {  	[tilespmem:s9+$0xFFFFFFB0] =	vst v2;
	v2 =	vmul.f32 v5, v4;
	v5 =	vld [tilespmem:s9+$0x20]  }
0xd3: {  	[tilespmem:s9+$0xFFFFFFC0] =	vst v1;
	v1 =	vmul.f32 v6, v4;
	v6 =	vld [tilespmem:s9+$0x30]  }
0xd4: {  	[tilespmem:s9+$0xFFFFFFD0] =	vst v2;
	v2 =	vmul.f32 v8, v4;
	v8 =	vld [tilespmem:s9+$0x40]  }
0xd5: {  	[tilespmem:s9+$0xFFFFFFE0] =	vst v1;
	v1 =	vmul.f32 v9, v4;
	v9 =	vld [tilespmem:s9+$0x50]  }
0xd6: {  	[tilespmem:s9+$0xFFFFFFF0] =	vst v2;
	v2 =	vmul.f32 v10, v4;
	v10 =	vld [tilespmem:s9+$0x60]  }
0xd7: {  	[tilespmem:s9+$0x0] =	vst v1;
	v1 =	vmul.f32 v5, v4;
	v5 =	vld [tilespmem:s9+$0x70]  }
0xd8: {  	[tilespmem:s9+$0x10] =	vst v2;
	v2 =	vmul.f32 v6, v4;
	v4 =	vld [tilespmem:s9+$0x80]  }
0xd9: {  	v6 =	vld [tilespmem:s9+$0x90];
	[tilespmem:s9+$0x20] =	vst v1;
	v1 =	vmul.f32 v8, v7  }
0xda: {  	v8 =	vld [tilespmem:s9+$0xA0];
	[tilespmem:s9+$0x30] =	vst v2;
	v2 =	vmul.f32 v9, v7  }
0xdb: {  	v9 =	vld [tilespmem:s9+$0xB0];
	[tilespmem:s9+$0x40] =	vst v1;
	v1 =	vmul.f32 v10, v7  }
0xdc: {  	[tilespmem:s9+$0x50] =	vst v2;
	v2 =	vmul.f32 v5, v7;
	v5 =	vld [tilespmem:s9+$0xC0]  }
0xdd: {  	[tilespmem:s9+$0x60] =	vst v1;
	v1 =	vmul.f32 v4, v7;
	v4 =	vld [tilespmem:s9+$0xD0]  }
0xde: {  	[tilespmem:s9+$0x70] =	vst v2;
	v2 =	vmul.f32 v6, v7;
	v6 =	vld [tilespmem:s9+$0xE0]  }
0xdf: {  	[tilespmem:s9+$0x80] =	vst v1;
	v1 =	vmul.f32 v8, v7;
	v8 =	vld [tilespmem:s9+$0xF0]  }
0xe0: {  	[tilespmem:s9+$0x90] =	vst v2;
	v2 =	vmul.f32 v9, v7;
	v7 =	vld [tilespmem:s9+$0x100]  }
0xe1: {  	[tilespmem:s9+$0xA0] =	vst v1;
	v1 =	vmul.f32 v5, v3;
	v5 =	vld [tilespmem:s9+$0x110]  }
0xe2: {  	[tilespmem:s9+$0xB0] =	vst v2;
	v2 =	vmul.f32 v4, v3;
	v4 =	vld [tilespmem:s9+$0x120]  }
0xe3: {  	[tilespmem:s9+$0xC0] =	vst v1;
	v1 =	vmul.f32 v6, v3  }
0xe4: {  	s10 =	simm.s32 $0x0;
	[tilespmem:s9+$0xD0] =	vst v2;
	v2 =	vmul.f32 v8, v3  }
0xe5: {  	v6 =	vmov s10;
	[tilespmem:s9+$0xE0] =	vst v1;
	v1 =	vmul.f32 v7, v3  }
0xe6: {  	v6 =	vand.u32 $0x7F, v6;
	[tilespmem:s9+$0xF0] =	vst v2;
	v5 =	vmul.f32 v5, v3;
	v2 =	vmov s30  }
0xe7: {  	[tilespmem:s9+$0x100] =	vst v1;
	v1 =	vmul.f32 v4, v3;
	v3 =	vor.u32 v2, v6  }
0xe8: {  	[tilespmem:s9+$0x110] =	vst v5;
	v3 =	vbroadcast v3, $0x0  }
0xe9: {  	s1 =	sadd.s32 $0x1400, s31;
	[tilespmem:s9+$0x120] =	vst v1  }
0xea: {  	[spmem:s2] =	stream.indirect.scatter.add.f32 [tilespmem:s19], [sflag:$0x2], $0x80, s1, s23, $0xb8;
	[tilespmem:$0x1F900] =	vst v63  }
0xeb: {  	s11 =	simm.s32 $0x4;
	_ =	swait.ge [sflag:s25], $0x3E80  }
0xec: {  	v4 =	vmov s11;
	[sflag:s25] =	ssyncset.done $0x0  }
0xed: {  	v5 =	vand.u32 $0xF8, v4;
	[sflag:s25] =	ssyncadd.s32 $0xFFFFC180  }
0xee: {  	s31 =	simm.s32 $0x7BC0;
	v1 =	vand.u32 $0x7, v4;
	v4 =	vadd.s32 v2, v5;
	s9 =	simm.s32 $0x1;
	v3 =	vld.idx.msk [tilespmem:v3+s22+$0x0], $0xffff  }
0xef: {  	v1 =	vor.u32 v1, v4;
	v4 =	vmov s9;
	v5 =	vld [tilespmem:s31+$0x130]  }
0xf0: {  	v6 =	vand.u32 $0xF8, v4;
	v7 =	vld [tilespmem:s31+$0xFFFFFEC0]  }
0xf1: {  	v4 =	vand.u32 $0x7, v4;
	v6 =	vadd.s32 v2, v6;
	v8 =	vld [tilespmem:s31+$0xFFFFFED0]  }
0xf2: {  	v4 =	vor.u32 v4, v6;
	v6 =	vld [tilespmem:s31+$0xFFFFFEE0]  }
0xf3: {  	v9 =	vld [tilespmem:s31+$0xFFFFFEF0]  }
0xf4: {  	v10 =	vld [tilespmem:s31+$0xFFFFFF00]  }
0xf5: {  	v11 =	vld [tilespmem:s31+$0xFFFFFF10]  }
0xf6: {  	v12 =	vld [tilespmem:s31+$0xFFFFFF20]  }
0xf7: {  	v1 =	vld.idx.msk [tilespmem:v1+s22+$0x0], $0xffff  }
0xf8: {  	v13 =	vld [tilespmem:s31+$0xFFFFFF30];
	v7 =	vmul.f32 v7, v3  }
0xf9: {  	v15 =	vld [tilespmem:s31+$0xFFFFFF40];
	v8 =	vmul.f32 v8, v3  }
0xfa: {  	v4 =	vld.idx.msk [tilespmem:v4+s22+$0x0], $0xffff;
	v11 =	vmul.f32 v11, v3;
	[tilespmem:s31+$0xFFFFFEC0] =	vst v7  }
0xfb: {  	v16 =	vld [tilespmem:s31+$0xFFFFFF50];
	v12 =	vmul.f32 v12, v3;
	[tilespmem:s31+$0xFFFFFED0] =	vst v8  }
0xfc: {  	s10 =	simm.s32 $0x2;
	v5 =	vmul.f32 v5, v1;
	v8 =	vmul.f32 v9, v3;
	v9 =	vld [tilespmem:s31+$0xFFFFFF70];
	[tilespmem:s31+$0xFFFFFF10] =	vst v11  }
0xfd: {  	v7 =	vmov s10;
	v11 =	vld [tilespmem:s31+$0xFFFFFFB0];
	[tilespmem:s31+$0xFFFFFF20] =	vst v12  }
0xfe: {  	v14 =	vand.u32 $0xF8, v7;
	[tilespmem:s31+$0x130] =	vst v5;
	v5 =	vmul.f32 v6, v3;
	v6 =	vld [tilespmem:s31+$0xFFFFFF60]  }
0xff: {  	v7 =	vand.u32 $0x7, v7;
	v14 =	vadd.s32 v2, v14;
	[tilespmem:s31+$0xFFFFFEF0] =	vst v8;
	v8 =	vmul.f32 v15, v4;
	v15 =	vld [tilespmem:s31+$0xFFFFFFC0]  }
0x100: {  	v12 =	vmul.f32 v16, v4;
	v7 =	vor.u32 v7, v14;
	[tilespmem:s31+$0xFFFFFEE0] =	vst v5;
	v5 =	vmul.f32 v10, v3;
	v10 =	vld [tilespmem:s31+$0xFFFFFF80]  }
0x101: {  	s11 =	simm.s32 $0x3;
	v14 =	vld [tilespmem:s31+$0xFFFFFF90];
	[tilespmem:s31+$0xFFFFFF40] =	vst v8  }
0x102: {  	v3 =	vmul.f32 v13, v3;
	v8 =	vmov s11;
	[tilespmem:s31+$0xFFFFFF50] =	vst v12;
	v12 =	vld [tilespmem:s31+$0xFFFFFFE0]  }
0x103: {  	[tilespmem:s31+$0xFFFFFF00] =	vst v5;
	v5 =	vld [tilespmem:s31+$0xFFFFFFA0];
	v13 =	vand.u32 $0xF8, v8;
	v8 =	vand.u32 $0x7, v8  }
0x104: {  	[tilespmem:s31+$0xFFFFFF30] =	vst v3;
	v9 =	vmul.f32 v9, v4;
	v13 =	vadd.s32 v2, v13;
	v3 =	vmul.f32 v6, v4;
	v6 =	vld [tilespmem:s31+$0xFFFFFFD0]  }
0x105: {  	v8 =	vor.u32 v8, v13;
	v7 =	vld.idx.msk [tilespmem:v7+s22+$0x0], $0xffff  }
0x106: {  	[tilespmem:s31+$0xFFFFFF70] =	vst v9;
	v13 =	vld [tilespmem:s31+$0x0];
	v9 =	vmul.f32 v14, v4  }
0x107: {  	[tilespmem:s31+$0xFFFFFF60] =	vst v3;
	v3 =	vmul.f32 v10, v4;
	v10 =	vld [tilespmem:s31+$0xFFFFFFF0]  }
0x108: {  	v5 =	vmul.f32 v5, v4;
	[tilespmem:s31+$0xFFFFFF90] =	vst v9;
	v9 =	vld [tilespmem:s31+$0x20]  }
0x109: {  	[tilespmem:s31+$0xFFFFFF80] =	vst v3;
	v4 =	vmul.f32 v11, v4;
	v11 =	vld [tilespmem:s31+$0x60]  }
0x10a: {  	v3 =	vld.idx.msk [tilespmem:v8+s22+$0x0], $0xffff;
	[tilespmem:s31+$0xFFFFFFA0] =	vst v5;
	v14 =	vmul.f32 v15, v7  }
0x10b: {  	[tilespmem:s31+$0xFFFFFFB0] =	vst v4;
	v15 =	vld [tilespmem:s31+$0x10];
	v4 =	vmul.f32 v12, v7  }
0x10c: {  	v8 =	vld [tilespmem:s31+$0x40];
	v5 =	vmul.f32 v6, v7;
	[tilespmem:s31+$0xFFFFFFC0] =	vst v14  }
0x10d: {  	v6 =	vld [tilespmem:s31+$0x30];
	[tilespmem:s31+$0xFFFFFFE0] =	vst v4;
	v4 =	vmul.f32 v13, v7  }
0x10e: {  	s1 =	simm.s32 $0x5;
	v17 =	vld [tilespmem:s31+$0x90];
	[tilespmem:s31+$0xFFFFFFD0] =	vst v5;
	v5 =	vmul.f32 v10, v7  }
0x10f: {  	s9 =	simm.s32 $0x6;
	v12 =	vmov s1;
	v10 =	vld [tilespmem:s31+$0x50];
	[tilespmem:s31+$0x0] =	vst v4;
	v4 =	vmul.f32 v9, v7  }
0x110: {  	v12 =	vand.u32 $0x7F, v12;
	v13 =	vld [tilespmem:s31+$0x70];
	v14 =	vmov s9;
	[tilespmem:s31+$0xFFFFFFF0] =	vst v5;
	v5 =	vmul.f32 v15, v7  }
0x111: {  	v16 =	vld [tilespmem:s31+$0x80];
	v12 =	vor.u32 v2, v12;
	v18 =	vand.u32 $0x7, v14;
	v11 =	vmul.f32 v11, v3;
	[tilespmem:s31+$0x20] =	vst v4  }
0x112: {  	s10 =	simm.s32 $0x7;
	s11 =	simm.s32 $0x8;
	v14 =	vand.u32 $0xF8, v14;
	[tilespmem:s31+$0x10] =	vst v5;
	v5 =	vmul.f32 v8, v3;
	v8 =	vmul.f32 v6, v7  }
0x113: {  	v9 =	vmov s10;
	v14 =	vadd.s32 v2, v14;
	v15 =	vmov s11;
	v4 =	vld [tilespmem:s31+$0xA0];
	[tilespmem:s31+$0x60] =	vst v11  }
0x114: {  	v19 =	vand.u32 $0xF8, v9;
	v11 =	vor.u32 v18, v14;
	v10 =	vmul.f32 v10, v3;
	[tilespmem:s31+$0x30] =	vst v8;
	v8 =	vld [tilespmem:s31+$0xB0]  }
0x115: {  	v14 =	vmul.f32 v17, v3;
	v6 =	vand.u32 $0x7, v9;
	v20 =	vmul.f32 v13, v3;
	v9 =	vld [tilespmem:s31+$0xC0];
	[tilespmem:s31+$0x40] =	vst v5  }
0x116: {  	v13 =	vmul.f32 v16, v3;
	v5 =	vbroadcast v12, $0x0;
	v12 =	vand.u32 $0xF8, v15;
	[tilespmem:s31+$0x50] =	vst v10;
	v10 =	vld [tilespmem:s31+$0xD0]  }
0x117: {  	s0 =	simm.s32 $0x7BC0;
	s1 =	simm.s32 $0xA;
	s9 =	simm.s32 $0x9;
	v7 =	vand.u32 $0x7, v15;
	v15 =	vadd.s32 v2, v19;
	[tilespmem:s31+$0x70] =	vst v20;
	v16 =	vadd.s32 v2, v12;
	v12 =	vld [tilespmem:s31+$0xE0]  }
.LBB2_8:
0x118: {  	p1 =	slt.u32 s1, $0x78;
	v6 =	vor.u32 v6, v15;
	v15 =	vmov s9;
	[tilespmem:s31+$0x80] =	vst v13;
	v4 =	vmul.f32 v4, v3;
	v13 =	vld [tilespmem:s31+$0xF0]  }
0x119: {  	v7 =	vor.u32 v7, v16;
	v16 =	vand.u32 $0xF8, v15;
	[tilespmem:s31+$0x90] =	vst v14;
	v3 =	vmul.f32 v8, v3;
	v8 =	vld [tilespmem:s31+$0x100]  }
0x11a: {  	v14 =	vand.u32 $0x7, v15;
	v15 =	vadd.s32 v2, v16;
	[tilespmem:s31+$0xA0] =	vst v4;
	v4 =	vmul.f32 v9, v1;
	v9 =	vld [tilespmem:s31+$0x110]  }
0x11b: {  	v14 =	vor.u32 v14, v15;
	[tilespmem:s31+$0xB0] =	vst v3;
	v3 =	vmul.f32 v10, v1;
	v10 =	vld [tilespmem:s31+$0x120]  }
0x11c: {  	v5 =	vld.idx.msk [tilespmem:v5+s22+$0x0], $0xffff;
	[tilespmem:s31+$0xC0] =	vst v4;
	v12 =	vmul.f32 v12, v1  }
0x11d: {  	v11 =	vld.idx.msk [tilespmem:v11+s22+$0x0], $0xffff;
	[tilespmem:s31+$0xD0] =	vst v3;
	v13 =	vmul.f32 v13, v1  }
0x11e: {  	v4 =	vld.idx.msk [tilespmem:v6+s22+$0x0], $0xffff;
	[tilespmem:s31+$0xE0] =	vst v12;
	v6 =	vmul.f32 v8, v1  }
0x11f: {  	v3 =	vld.idx.msk [tilespmem:v7+s22+$0x0], $0xffff;
	[tilespmem:s31+$0xF0] =	vst v13;
	v7 =	vmul.f32 v9, v1  }
0x120: {  	s31 =	sadd.s32 $0x280, s31;
	[tilespmem:s0+$0x100] =	vst v6;
	v6 =	vmul.f32 v10, v1;
	v1 =	vld.idx.msk [tilespmem:v14+s22+$0x0], $0xffff  }
0x121: {  	v8 =	vld [tilespmem:s31+$0x130];
	[tilespmem:s0+$0x110] =	vst v7  }
0x122: {  	v7 =	vld [tilespmem:s31+$0xFFFFFEC0];
	[tilespmem:s0+$0x120] =	vst v6;
	s0 =	smov.u32 s31  }
0x123: {  	v6 =	vld [tilespmem:s31+$0xFFFFFED0]  }
0x124: {  	v9 =	vld [tilespmem:s31+$0xFFFFFEE0]  }
0x125: {  	v10 =	vld [tilespmem:s31+$0xFFFFFEF0]  }
0x126: {  	v12 =	vld [tilespmem:s31+$0xFFFFFF00];
	v8 =	vmul.f32 v8, v1  }
0x127: {  	v7 =	vmul.f32 v7, v5;
	v13 =	vld [tilespmem:s31+$0xFFFFFF10]  }
0x128: {  	v6 =	vmul.f32 v6, v5;
	v14 =	vld [tilespmem:s31+$0xFFFFFF20];
	[tilespmem:s31+$0x130] =	vst v8  }
0x129: {  	[tilespmem:s31+$0xFFFFFEC0] =	vst v7;
	v7 =	vmul.f32 v9, v5;
	v8 =	vld [tilespmem:s31+$0xFFFFFF30]  }
0x12a: {  	[tilespmem:s31+$0xFFFFFED0] =	vst v6;
	v6 =	vmul.f32 v10, v5;
	v9 =	vld [tilespmem:s31+$0xFFFFFF40]  }
0x12b: {  	[tilespmem:s31+$0xFFFFFEE0] =	vst v7;
	v7 =	vmul.f32 v12, v5;
	v10 =	vld [tilespmem:s31+$0xFFFFFF50]  }
0x12c: {  	[tilespmem:s31+$0xFFFFFEF0] =	vst v6;
	v6 =	vmul.f32 v13, v5;
	v12 =	vld [tilespmem:s31+$0xFFFFFF60]  }
0x12d: {  	[tilespmem:s31+$0xFFFFFF00] =	vst v7;
	v7 =	vmul.f32 v14, v5;
	v13 =	vld [tilespmem:s31+$0xFFFFFF70]  }
0x12e: {  	[tilespmem:s31+$0xFFFFFF10] =	vst v6;
	v5 =	vmul.f32 v8, v5;
	v6 =	vld [tilespmem:s31+$0xFFFFFF80]  }
0x12f: {  	[tilespmem:s31+$0xFFFFFF20] =	vst v7;
	v7 =	vmul.f32 v9, v11;
	v8 =	vld [tilespmem:s31+$0xFFFFFF90]  }
0x130: {  	[tilespmem:s31+$0xFFFFFF30] =	vst v5;
	v5 =	vmul.f32 v10, v11;
	v9 =	vld [tilespmem:s31+$0xFFFFFFA0]  }
0x131: {  	[tilespmem:s31+$0xFFFFFF40] =	vst v7;
	v7 =	vmul.f32 v12, v11;
	v10 =	vld [tilespmem:s31+$0xFFFFFFB0]  }
0x132: {  	[tilespmem:s31+$0xFFFFFF50] =	vst v5;
	v5 =	vmul.f32 v13, v11;
	v12 =	vld [tilespmem:s31+$0xFFFFFFC0]  }
0x133: {  	[tilespmem:s31+$0xFFFFFF60] =	vst v7;
	v6 =	vmul.f32 v6, v11;
	v7 =	vld [tilespmem:s31+$0xFFFFFFD0]  }
0x134: {  	[tilespmem:s31+$0xFFFFFF70] =	vst v5;
	v5 =	vmul.f32 v8, v11;
	v8 =	vld [tilespmem:s31+$0xFFFFFFE0]  }
0x135: {  	[tilespmem:s31+$0xFFFFFF80] =	vst v6;
	v6 =	vmul.f32 v9, v11;
	v9 =	vld [tilespmem:s31+$0xFFFFFFF0]  }
0x136: {  	[tilespmem:s31+$0xFFFFFF90] =	vst v5;
	v5 =	vmul.f32 v10, v11;
	v10 =	vld [tilespmem:s31+$0x0]  }
0x137: {  	[tilespmem:s31+$0xFFFFFFA0] =	vst v6;
	v6 =	vmul.f32 v12, v4;
	v11 =	vld [tilespmem:s31+$0x10]  }
0x138: {  	[tilespmem:s31+$0xFFFFFFB0] =	vst v5;
	v5 =	vmul.f32 v7, v4;
	v7 =	vld [tilespmem:s31+$0x20]  }
0x139: {  	[tilespmem:s31+$0xFFFFFFC0] =	vst v6;
	v6 =	vmul.f32 v8, v4;
	v8 =	vld [tilespmem:s31+$0x30]  }
0x13a: {  	[tilespmem:s31+$0xFFFFFFD0] =	vst v5;
	v5 =	vmul.f32 v9, v4;
	v9 =	vld [tilespmem:s31+$0x40]  }
0x13b: {  	[tilespmem:s31+$0xFFFFFFE0] =	vst v6;
	v6 =	vmul.f32 v10, v4;
	v10 =	vld [tilespmem:s31+$0x50]  }
0x13c: {  	s9 =	sadd.s32 $0x1, s1;
	v12 =	vmov s1;
	[tilespmem:s31+$0xFFFFFFF0] =	vst v5;
	v5 =	vmul.f32 v11, v4;
	v11 =	vld [tilespmem:s31+$0x60]  }
0x13d: {  	s10 =	sadd.s32 $0x3, s1;
	v13 =	vmov s9;
	s9 =	sadd.s32 $0x2, s1;
	v12 =	vand.u32 $0x7F, v12;
	[tilespmem:s31+$0x0] =	vst v6;
	v7 =	vmul.f32 v7, v4;
	v14 =	vld [tilespmem:s31+$0x70]  }
0x13e: {  	v16 =	vmov s10;
	v15 =	vmov s9;
	[tilespmem:s31+$0x10] =	vst v5;
	v4 =	vmul.f32 v8, v4;
	v17 =	vld [tilespmem:s31+$0x80]  }
0x13f: {  	v18 =	vand.u32 $0x7, v13;
	v6 =	vand.u32 $0x7, v15;
	[tilespmem:s31+$0x20] =	vst v7;
	v5 =	vmul.f32 v9, v3;
	v19 =	vld [tilespmem:s31+$0x90]  }
.Ltmp2:
0x140: {  	v9 =	vor.u32 v2, v12;
	v7 =	vand.u32 $0x7, v16;
	[tilespmem:s31+$0x30] =	vst v4;
	v10 =	vmul.f32 v10, v3;
	v4 =	vld [tilespmem:s31+$0xA0];
	(pc) =	sbr.rel @p1 .LBB2_8-.Ltmp2, $4  }
0x141: {  	v12 =	vand.u32 $0xF8, v13;
	v13 =	vand.u32 $0xF8, v15;
	[tilespmem:s31+$0x40] =	vst v5;
	v11 =	vmul.f32 v11, v3;
	v8 =	vld [tilespmem:s31+$0xB0]  }
0x142: {  	v16 =	vand.u32 $0xF8, v16;
	v5 =	vbroadcast v9, $0x0;
	[tilespmem:s31+$0x50] =	vst v10;
	v14 =	vmul.f32 v14, v3;
	v9 =	vld [tilespmem:s31+$0xC0]  }
0x143: {  	v12 =	vadd.s32 v2, v12;
	v15 =	vadd.s32 v2, v13;
	[tilespmem:s31+$0x60] =	vst v11;
	v13 =	vmul.f32 v17, v3;
	v10 =	vld [tilespmem:s31+$0xD0]  }
0x144: {  	s9 =	sadd.s32 $0x4, s1;
	s1 =	sadd.s32 $0x5, s1;
	v16 =	vadd.s32 v2, v16;
	v11 =	vor.u32 v18, v12;
	[tilespmem:s31+$0x70] =	vst v14;
	v14 =	vmul.f32 v19, v3;
	v12 =	vld [tilespmem:s31+$0xE0]  }
0x145: {  	v18 =	vld [tilespmem:s31+$0xF0]  }
0x146: {  	v19 =	vld [tilespmem:s31+$0x100]  }
0x147: {  	v63 =	vld [tilespmem:s31+$0x110]  }
0x148: {  	v20 =	vld [tilespmem:s31+$0x120]  }
0x149: {  	v5 =	vld.idx.msk [tilespmem:v5+s22+$0x0], $0xffff  }
0x14a: {  	[tilespmem:s31+$0x80] =	vst v13;
	v4 =	vmul.f32 v4, v3;
	v11 =	vld.idx.msk [tilespmem:v11+s22+$0x0], $0xffff;
	s1 =	sadd.s32 $0x280, s31  }
0x14b: {  	[tilespmem:s31+$0x90] =	vst v14;
	v3 =	vmul.f32 v8, v3;
	v23 =	vld [tilespmem:s1+$0x130]  }
0x14c: {  	v24 =	vld [tilespmem:s1+$0xFFFFFEC0];
	[tilespmem:s31+$0xA0] =	vst v4;
	v21 =	vmul.f32 v9, v1  }
0x14d: {  	v26 =	vld [tilespmem:s1+$0xFFFFFED0];
	[tilespmem:s31+$0xB0] =	vst v3;
	v3 =	vmul.f32 v10, v1  }
0x14e: {  	v17 =	vmov s9;
	v27 =	vld [tilespmem:s1+$0xFFFFFEE0];
	[tilespmem:s31+$0xC0] =	vst v21;
	v22 =	vmul.f32 v12, v1  }
0x14f: {  	v61 =	vand.u32 $0xF8, v17;
	v28 =	vld [tilespmem:s1+$0xFFFFFEF0];
	[tilespmem:s31+$0xD0] =	vst v3;
	v3 =	vmul.f32 v18, v1  }
0x150: {  	v62 =	vand.u32 $0x7, v17;
	v29 =	vld [tilespmem:s1+$0xFFFFFF10];
	v2 =	vadd.s32 v2, v61;
	v25 =	vmul.f32 v19, v1;
	[tilespmem:s31+$0xE0] =	vst v22  }
0x151: {  	v30 =	vld [tilespmem:s1+$0xFFFFFF20];
	v2 =	vor.u32 v62, v2;
	[tilespmem:s31+$0xF0] =	vst v3;
	v3 =	vmul.f32 v63, v1  }
0x152: {  	v31 =	vld [tilespmem:s1+$0xFFFFFF30];
	v1 =	vmul.f32 v20, v1;
	[tilespmem:s0+$0x100] =	vst v25  }
0x153: {  	v10 =	vmul.f32 v26, v5;
	[tilespmem:s0+$0x110] =	vst v3;
	v3 =	vld [tilespmem:s1+$0xFFFFFF00]  }
0x154: {  	v32 =	vld [tilespmem:s1+$0xFFFFFF40];
	[tilespmem:s0+$0x120] =	vst v1;
	v1 =	vmul.f32 v24, v5  }
0x155: {  	v34 =	vld [tilespmem:s1+$0xFFFFFF60];
	v4 =	vmul.f32 v28, v5;
	[tilespmem:s1+$0xFFFFFED0] =	vst v10  }
0x156: {  	v2 =	vld.idx.msk [tilespmem:v2+s22+$0x0], $0xffff;
	[tilespmem:s1+$0xFFFFFEC0] =	vst v1;
	v1 =	vmul.f32 v27, v5  }
0x157: {  	v35 =	vld [tilespmem:s1+$0xFFFFFF70];
	v33 =	vmul.f32 v29, v5;
	[tilespmem:s1+$0xFFFFFEF0] =	vst v4  }
0x158: {  	[tilespmem:s1+$0xFFFFFEE0] =	vst v1;
	v1 =	vmul.f32 v3, v5;
	v3 =	vld [tilespmem:s1+$0xFFFFFF50]  }
0x159: {  	v37 =	vld [tilespmem:s1+$0xFFFFFF80];
	v36 =	vmul.f32 v31, v5;
	[tilespmem:s1+$0xFFFFFF10] =	vst v33  }
0x15a: {  	v6 =	vor.u32 v6, v15;
	v38 =	vld [tilespmem:s1+$0xFFFFFF90];
	[tilespmem:s1+$0xFFFFFF00] =	vst v1;
	v1 =	vmul.f32 v30, v5  }
0x15b: {  	v39 =	vld [tilespmem:s1+$0xFFFFFFA0];
	[tilespmem:s1+$0xFFFFFF30] =	vst v36;
	v8 =	vmul.f32 v23, v2  }
0x15c: {  	v40 =	vld [tilespmem:s1+$0xFFFFFFB0];
	[tilespmem:s1+$0xFFFFFF20] =	vst v1;
	v1 =	vmul.f32 v32, v11  }
0x15d: {  	v41 =	vld [tilespmem:s1+$0xFFFFFFC0];
	[tilespmem:s1+$0x130] =	vst v8;
	v3 =	vmul.f32 v3, v11  }
0x15e: {  	v42 =	vld [tilespmem:s1+$0xFFFFFFD0];
	[tilespmem:s1+$0xFFFFFF40] =	vst v1;
	v1 =	vmul.f32 v34, v11  }
0x15f: {  	v6 =	vld.idx.msk [tilespmem:v6+s22+$0x0], $0xffff;
	[tilespmem:s1+$0xFFFFFF50] =	vst v3;
	v3 =	vmul.f32 v35, v11  }
0x160: {  	v43 =	vld [tilespmem:s1+$0xFFFFFFE0];
	[tilespmem:s1+$0xFFFFFF60] =	vst v1;
	v1 =	vmul.f32 v37, v11  }
0x161: {  	v44 =	vld [tilespmem:s1+$0xFFFFFFF0];
	[tilespmem:s1+$0xFFFFFF70] =	vst v3;
	v3 =	vmul.f32 v38, v11  }
0x162: {  	v7 =	vor.u32 v7, v16;
	v45 =	vld [tilespmem:s1+$0x0];
	[tilespmem:s1+$0xFFFFFF80] =	vst v1;
	v1 =	vmul.f32 v39, v11  }
0x163: {  	v46 =	vld [tilespmem:s1+$0x10];
	[tilespmem:s1+$0xFFFFFF90] =	vst v3;
	v3 =	vmul.f32 v40, v11  }
0x164: {  	v47 =	vld [tilespmem:s1+$0x20];
	[tilespmem:s1+$0xFFFFFFA0] =	vst v1;
	v1 =	vmul.f32 v41, v6  }
0x165: {  	v48 =	vld [tilespmem:s1+$0x30];
	[tilespmem:s1+$0xFFFFFFB0] =	vst v3;
	v3 =	vmul.f32 v42, v6  }
0x166: {  	v49 =	vld [tilespmem:s1+$0x40];
	[tilespmem:s1+$0xFFFFFFC0] =	vst v1;
	v1 =	vmul.f32 v43, v6  }
0x167: {  	v7 =	vld.idx.msk [tilespmem:v7+s22+$0x0], $0xffff;
	[tilespmem:s1+$0xFFFFFFD0] =	vst v3;
	v3 =	vmul.f32 v44, v6  }
0x168: {  	v50 =	vld [tilespmem:s1+$0x50];
	[tilespmem:s1+$0xFFFFFFE0] =	vst v1;
	v1 =	vmul.f32 v45, v6  }
0x169: {  	v51 =	vld [tilespmem:s1+$0x60];
	[tilespmem:s1+$0xFFFFFFF0] =	vst v3;
	v3 =	vmul.f32 v46, v6  }
0x16a: {  	v52 =	vld [tilespmem:s1+$0x70];
	[tilespmem:s1+$0x0] =	vst v1;
	v1 =	vmul.f32 v47, v6  }
0x16b: {  	v53 =	vld [tilespmem:s1+$0x80];
	[tilespmem:s1+$0x10] =	vst v3;
	v3 =	vmul.f32 v48, v6  }
0x16c: {  	v54 =	vld [tilespmem:s1+$0x90];
	[tilespmem:s1+$0x20] =	vst v1;
	v1 =	vmul.f32 v49, v7  }
0x16d: {  	v55 =	vld [tilespmem:s1+$0xA0];
	[tilespmem:s1+$0x30] =	vst v3;
	v3 =	vmul.f32 v50, v7  }
0x16e: {  	v56 =	vld [tilespmem:s1+$0xB0];
	[tilespmem:s1+$0x40] =	vst v1;
	v1 =	vmul.f32 v51, v7  }
0x16f: {  	v57 =	vld [tilespmem:s1+$0xC0];
	[tilespmem:s1+$0x50] =	vst v3;
	v3 =	vmul.f32 v52, v7  }
0x170: {  	v58 =	vld [tilespmem:s1+$0xD0];
	[tilespmem:s1+$0x60] =	vst v1;
	v1 =	vmul.f32 v53, v7  }
0x171: {  	v59 =	vld [tilespmem:s1+$0xE0];
	[tilespmem:s1+$0x70] =	vst v3;
	v3 =	vmul.f32 v54, v7  }
0x172: {  	v60 =	vld [tilespmem:s1+$0xF0];
	[tilespmem:s1+$0x80] =	vst v1;
	v1 =	vmul.f32 v55, v7  }
0x173: {  	v61 =	vld [tilespmem:s1+$0x100];
	[tilespmem:s1+$0x90] =	vst v3;
	v3 =	vmul.f32 v56, v7  }
0x174: {  	v62 =	vld [tilespmem:s1+$0x110];
	[tilespmem:s1+$0xA0] =	vst v1;
	v1 =	vmul.f32 v57, v2  }
0x175: {  	v63 =	vld [tilespmem:s1+$0x120];
	[tilespmem:s1+$0xB0] =	vst v3;
	v3 =	vmul.f32 v58, v2  }
0x176: {  	[tilespmem:s1+$0xC0] =	vst v1;
	v1 =	vmul.f32 v59, v2  }
0x177: {  	[tilespmem:s1+$0xD0] =	vst v3;
	v3 =	vmul.f32 v60, v2  }
0x178: {  	[tilespmem:s1+$0xE0] =	vst v1;
	v1 =	vmul.f32 v61, v2  }
0x179: {  	[tilespmem:s1+$0xF0] =	vst v3;
	v3 =	vmul.f32 v62, v2  }
0x17a: {  	[tilespmem:s1+$0x100] =	vst v1;
	v1 =	vmul.f32 v63, v2  }
0x17b: {  	[tilespmem:s1+$0x110] =	vst v3  }
0x17c: {  	s29 =	sadd.s32 $0x1, s29;
	s31 =	sadd.s32 $0x1400, s30;
	[tilespmem:s1+$0x120] =	vst v1  }
0x17d: {  	[spmem:s2] =	stream.indirect.scatter.add.f32 [tilespmem:s24], [sflag:$0x2], $0x80, s31, s23, $0xb8;
	[tilespmem:$0x1F900] =	vst v63  }
0x17e: {  	p1 =	sne.s32 s29, $0x14;
	_ =	swait.ge [sflag:s26], $0x3E80  }
.Ltmp3:
0x17f: {  	[sflag:s26] =	ssyncset.done $0x0;
	(pc) =	sbr.rel @p1 .LBB2_5-.Ltmp3, $4  }
0x180: {  	[sflag:s26] =	ssyncadd.s32 $0xFFFFC180  }
0x181: {  	_ =	swait.ge [sflag:s26], $0x3E80  }
0x182: {  	[sflag:s26] =	ssyncset.done $0x0  }
0x183: {  	[sflag:s26] =	ssyncadd.s32 $0xFFFFC180  }
.Ltmp4:
0x184: {  	(pc) =	sbr.rel @p0 .LBB2_4-.Ltmp4, $2  }
0x185: {  	_ =	sdelay $0x2  }
0x186: {  	s0 =	simm.s32 $0x28;
	p1 =	por $0x0, $0x0  }
0x187: {  	s0 =	stileid.u32;
	s3 =	sadd.s32 $0x1, s3  }
0x188: {  	[bflag:$0x0] =	sbarrier.arrive $0xFFFF;
	s0 =	sshll.u32 s0, $0x6;
	p0 =	sne.s32 s3, s18  }
.Ltmp5:
0x189: {  	s1 =	sshrl.u32 s8, $0x3;
	s0 =	sor.u32 $0x1C03, s0;
	(pc) =	sbr.rel @p0 .LBB2_1-.Ltmp5, $4  }
0x18a: {  	[hbm:s17], [sflag:s0] =	dma.local [spmem:s1], $0x2800  }
0x18b: {  	_ =	swait.ge [sflag:s20], $0x2800  }
0x18c: {  	[sflag:s20] =	ssyncset.done $0x0  }
0x18d: {  	[sflag:s20] =	ssyncadd.s32 $0xFFFFD800  }
0x18e: {  	_ =	sfence.sel $0x180000  }
0x18f: {  	[bflag:$0x0] =	sbarrier.arrive $0xFFFF  }
0x190: {  	_ =	strace $0x9000004A  }
0x191: {  	s0 =	stileid.u32;
	[bflag:$0x2] =	sbarrier.arrive $0xFFFF  }
0x192: {  	p0 =	sne.s32 s0, $0x0;
	s0 =	rddreg [dreg:$0x2]  }
0x193: {  	s0 =	sadd.s32 @!p0 $0x100000, s0  }
0x194: {  	[sflag:s0] =	ssyncadd.tile.s32 @!p0 $0x1;
	_ =	shalt  }
.Lfunc_end2:
_tile_overlayer_lowered:
.L_overlay_start_2:
0x195: {  	(tag) =	ssettag $0x2  }
0x196: {  	s0 =	rddreg [dreg:$0x0];
	s2 =	stileid.u32  }
0x197: {  	s1 =	rddreg [dreg:$0x1];
	p0 =	sne.s32 s2, $0x0  }
0x198: {  	s3 =	rddreg [dreg:$0x2];
	[bflag:$0x3] =	sbarrier.arrive $0xFFFF;
	s2 =	simm.s32 @!p0 $0x1C03  }
0x199: {  	[timem:s3], [sflag:s2] =	dma.local @!p0 [hbm:s0], s1  }
0x19a: {  	s0 =	simm.s32 @!p0 $0x3  }
0x19b: {  	_ =	swait.ge @!p0 [sflag:s0], s1  }
0x19c: {  	s1 =	ssub.s32 @!p0 $0x0, s1;
	[sflag:s0] =	ssyncset.done @!p0 $0x0  }
0x19d: {  	[sflag:s0] =	ssyncadd.s32 @!p0 s1  }
0x19e: {  	[bflag:$0x3] =	sbarrier.arrive $0xFFFF  }
0x19f: {  	_ =	shalt  }

// kernel: kernel.14.cloned.1.call-start
scs
__scs_entry_jumppad:
0x0: {  	(pc) =	sbr.rel $0x88, $3  }
0x1: {  	(tag) =	ssettag $0x0;
	lr =	simm.s32 $0x1  }
0x2: {  	[smem:$0x3F99] =	sst lr;
	_ =	strace $0xD0000000  }
0x3: {  	_ = 	snop  }
0x4: {  	_ = 	snop  }
0x5: {  	_ = 	snop  }
0x6: {  	_ = 	snop  }
0x7: {  	_ = 	snop  }
__scs_overlays_trampoline_lowered:
0x8: {  	[smem:$0x3FA8] =	sst s0  }
0x9: {  	[smem:$0x3FA9] =	sst s1  }
0xa: {  	[smem:$0x3FAA] =	sst s2  }
0xb: {  	[smem:$0x3FAB] =	sst s3  }
0xc: {  	[smem:$0x3FAC] =	sst s4  }
0xd: {  	[smem:$0x3FAD] =	sst s5  }
0xe: {  	[smem:$0x3FAE] =	sst s6  }
0xf: {  	[smem:$0x3FAF] =	sst s7  }
0x10: {  	[smem:$0x3FB0] =	sst s8  }
0x11: {  	[smem:$0x3FB1] =	sst s9;
	s0 =	simm.s32 @!p0 $0x0  }
0x12: {  	s1 =	sld [smem:$0x3F97];
	s0 =	simm.s32 @p0 $0x1  }
0x13: {  	[smem:$0x3FB2] =	sst s0;
	s0 =	simm.s32 @!p1 $0x0  }
0x14: {  	s2 =	sld [smem:$0x3F96];
	s0 =	simm.s32 @p1 $0x1  }
0x15: {  	[smem:$0x3FB3] =	sst s0;
	s0 =	simm.s32 @!p2 $0x0  }
0x16: {  	s3 =	sld [smem:$0x3FDB];
	s0 =	simm.s32 @p2 $0x1  }
0x17: {  	s4 =	simm.s32 $0x1BF5;
	[smem:$0x3FB5] =	sst s0  }
0x18: {  	s0 =	sld [smem:$0x3F98];
	_ =	swait.ge [sflag:s4], $0x0  }
0x19: {  	s7 =	sld [smem:$0x3F99]  }
0x1a: {  	s8 =	sadd.s32 $0xFFFFE003, lr  }
0x1b: {  	s9 =	sadd.s32 $0xFFFFFEF7, lr;
	s5 =	simm.s32 $0xFFFFFFFF;
	p2 =	slt.u32 s8, $0xFFFFF086  }
0x1c: {  	p1 =	slt.u32 s9, $0xF7A;
	s5 =	simm.s32 @!p2 $0x0  }
0x1d: {  	s5 =	simm.s32 @p1 $0x1;
	p0 =	seq.s32 s7, s2  }
0x1e: {  	s7 =	smul.u32 @!p0 $0xF7A, s2;
	p2 =	seq.s32 @!p0 s5, $0x0  }
0x1f: {  	s9 =	smul.u32 $0xF7A, s1;
	s8 =	simm.s32 @!p0 $0x1BF5;
	p2 =	por !p2, p0  }
0x20: {  	[sflag:s8] =	ssyncset.s32 @!p0 $0xFFFFF086;
	s6 =	sadd.s32 @!p0 s3, s7;
	s7 =	simm.s32 @!p0 $0x108  }
0x21: {  	s3 =	sadd.s32 s3, s9;
	s6 =	sadd.s32 @!p0 $0x88, s6;
	s7 =	simm.s32 @p2 $0x1082  }
0x22: {  	[simem:s7], [sflag:s8] =	dma.local @!p0 [hbm:s6], $0xF7A  }
0x23: {  	s9 =	sor.u32 $0xD0000000, s2;
	s6 =	simm.s32 $0x108;
	_ =	swait.ge @!p0 [sflag:s8], $0x0  }
0x24: {  	s3 =	sadd.s32 $0x88, s3;
	s6 =	simm.s32 @!p1 $0x1082;
	[sflag:s4] =	ssyncset.s32 $0xFFFFF086  }
0x25: {  	[simem:s6], [sflag:s4] =	dma.local [hbm:s3], $0xF7A  }
0x26: {  	[smem:$0x3F99] =	sst s1;
	(tag) =	ssettag s2;
	_ =	strace s9  }
0x27: {  	s1 =	sld [smem:$0x3FA9]  }
0x28: {  	s2 =	sld [smem:$0x3FAA]  }
0x29: {  	s4 =	sld [smem:$0x3FAC]  }
0x2a: {  	p0 =	seq.s32 s5, $0x0;
	s5 =	sld [smem:$0x3FAD]  }
0x2b: {  	s6 =	sld [smem:$0x3FAE]  }
0x2c: {  	s7 =	sld [smem:$0x3FAF]  }
0x2d: {  	s3 =	simm.s32 $0x108;
	s8 =	sld [smem:$0x3FB0]  }
0x2e: {  	s3 =	simm.s32 @!p0 $0x1082;
	s9 =	sld [smem:$0x3FB1]  }
0x2f: {  	lr =	sadd.s32 s0, s3;
	s0 =	sld [smem:$0x3FA8]  }
0x30: {  	s3 =	sld [smem:$0x3FAB]  }
0x31: {  	[smem:$0x3FB4] =	sst s10  }
0x32: {  	s10 =	sld [smem:$0x3FB2];
	_ =	sdelay $0x3  }
0x33: {  	p0 =	seq.s32 s10, $0x1;
	s10 =	sld [smem:$0x3FB4];
	_ =	sdelay $0x3  }
0x34: {  	[smem:$0x3FB4] =	sst s10  }
0x35: {  	s10 =	sld [smem:$0x3FB3];
	_ =	sdelay $0x3  }
0x36: {  	p1 =	seq.s32 s10, $0x1;
	s10 =	sld [smem:$0x3FB4];
	_ =	sdelay $0x3  }
0x37: {  	[smem:$0x3FB4] =	sst s10  }
0x38: {  	s10 =	sld [smem:$0x3FB5]  }
0x39: {  	_ = 	snop;
	(pc) =	sbr.ind lr, $3  }
0x3a: {  	_ = 	snop  }
0x3b: {  	_ = 	snop  }
0x3c: {  	p2 =	seq.s32 s10, $0x1;
	s10 =	sld [smem:$0x3FB4]  }
0x3d: {  	_ =	shalt  }
0x3e: {  	_ =	shalt  }
0x3f: {  	_ =	shalt  }
0x40: {  	_ =	shalt  }
0x41: {  	_ =	shalt  }
0x42: {  	_ =	shalt  }
0x43: {  	_ =	shalt  }
0x44: {  	_ =	shalt  }
0x45: {  	_ =	shalt  }
0x46: {  	_ =	shalt  }
0x47: {  	_ =	shalt  }
0x48: {  	_ =	shalt  }
0x49: {  	_ =	shalt  }
0x4a: {  	_ =	shalt  }
0x4b: {  	_ =	shalt  }
0x4c: {  	_ =	shalt  }
0x4d: {  	_ =	shalt  }
0x4e: {  	_ =	shalt  }
0x4f: {  	_ =	shalt  }
0x50: {  	_ =	shalt  }
0x51: {  	_ =	shalt  }
0x52: {  	_ =	shalt  }
0x53: {  	_ =	shalt  }
0x54: {  	_ =	shalt  }
0x55: {  	_ =	shalt  }
0x56: {  	_ =	shalt  }
0x57: {  	_ =	shalt  }
0x58: {  	_ =	shalt  }
0x59: {  	_ =	shalt  }
0x5a: {  	_ =	shalt  }
0x5b: {  	_ =	shalt  }
0x5c: {  	_ =	shalt  }
0x5d: {  	_ =	shalt  }
0x5e: {  	_ =	shalt  }
0x5f: {  	_ =	shalt  }
0x60: {  	_ =	shalt  }
0x61: {  	_ =	shalt  }
0x62: {  	_ =	shalt  }
0x63: {  	_ =	shalt  }
0x64: {  	_ =	shalt  }
0x65: {  	_ =	shalt  }
0x66: {  	_ =	shalt  }
0x67: {  	_ =	shalt  }
0x68: {  	_ =	shalt  }
0x69: {  	_ =	shalt  }
0x6a: {  	_ =	shalt  }
0x6b: {  	_ =	shalt  }
0x6c: {  	_ =	shalt  }
0x6d: {  	_ =	shalt  }
0x6e: {  	_ =	shalt  }
0x6f: {  	_ =	shalt  }
0x70: {  	_ =	shalt  }
0x71: {  	_ =	shalt  }
0x72: {  	_ =	shalt  }
0x73: {  	_ =	shalt  }
0x74: {  	_ =	shalt  }
0x75: {  	_ =	shalt  }
0x76: {  	_ =	shalt  }
0x77: {  	_ =	shalt  }
0x78: {  	_ =	shalt  }
0x79: {  	_ =	shalt  }
0x7a: {  	_ =	shalt  }
0x7b: {  	_ =	shalt  }
0x7c: {  	_ =	shalt  }
0x7d: {  	_ =	shalt  }
0x7e: {  	_ =	shalt  }
0x7f: {  	_ =	shalt  }
0x80: {  	_ =	shalt  }
0x81: {  	_ =	shalt  }
0x82: {  	_ =	shalt  }
0x83: {  	_ =	shalt  }
0x84: {  	_ =	shalt  }
0x85: {  	_ =	shalt  }
0x86: {  	_ =	shalt  }
0x87: {  	_ =	shalt  }
.Lfunc_end0:
.L_simem_size_0:
called_computation.2_lowered:
.L_overlay_start_0:
0x88: {  	s2 =	sld [smem:$0x3FD9]  }
0x89: {  	s3 =	sld [smem:$0x3FFE];
	_ =	sdelay $0x1  }
0x8a: {  	s1 =	srdreg.scid  }
0x8b: {  	s0 =	sand.u32 $0x1, s1  }
0x8c: {  	s17 =	sshll.u32 s0, $0xA;
	s2 =	sadd.s32 s3, s2  }
0x8d: {  	s2 =	sadd.s32 s2, s17  }
0x8e: {  	[smem:$0x3FC0] =	sst s2  }
0x8f: {  	_ = 	snop  }
0x90: {  	s2 =	sld [smem:$0x3FD0];
	(tm) =	ssettm $0x1  }
0x91: {  	s18 =	sld [smem:$0x3FFB];
	_ =	sdelay $0x3  }
0x92: {  	_ =	strace s18  }
0x93: {  	s3 =	sld [smem:$0x3FFC];
	_ =	sdelay $0x3  }
0x94: {  	_ =	strace s3  }
0x95: {  	s3 =	sld [smem:$0x3FFD];
	_ =	sdelay $0x3  }
0x96: {  	_ =	strace s3  }
0x97: {  	_ =	strace $0x8FFFFFFF  }
0x98: {  	s19 =	sld [smem:$0x3FDB];
	_ =	sdelay $0x1  }
0x99: {  	s4 =	simm.s32 $_scs_section_size  }
0x9a: {  	s5 =	simm.s32 $_size__tile_overlayer_lowered;
	s6 =	simm.s32 $_tile_overlayer_lowered  }
0x9b: {  	s22 =	simm.s32 $0x1BFF;
	s21 =	sshll.u32 s6, $0x1;
	s3 =	sadd.s32 s4, s19  }
0x9c: {  	s7 =	simm.s32 $0x0;
	s20 =	sshll.u32 s5, $0x1;
	s5 =	sadd.s32 s21, s3  }
0x9d: {  	[timem:s7], [sflag:s22] =	dma.local [hbm:s5], s20  }
0x9e: {  	_ =	swait.ge [sflag:s22], s20  }
0x9f: {  	s4 =	ssub.s32 $0x0, s20;
	[sflag:s22] =	ssyncset.done $0x0  }
0xa0: {  	[sflag:s22] =	ssyncadd.s32 s4;
	_ =	sdelay $0x1  }
0xa1: {  	s23 =	simm.s32 $0x1B8B  }
0xa2: {  	_ =	swait.ge [sflag:s23], $0x1  }
0xa3: {  	[sflag:s23] =	ssyncset.done $0x0  }
0xa4: {  	s25 =	simm.s32 $0x1B8E;
	s24 =	sld [smem:$0x3FFE];
	[sflag:s23] =	ssyncadd.s32 $0xFFFFFFFF  }
0xa5: {  	s26 =	simm.s32 $execute0_lowered;
	[smem:$0x3FD2] =	sst s25  }
0xa6: {  	s5 =	sshll.u32 s26, $0x1;
	_ =	strace $0x8000004C;
	[dreg:$0x1] =	wrdreg $0xFFFFFFFF  }
0xa7: {  	s28 =	simm.s32 $_size_execute0_lowered;
	s3 =	sadd.s32 s3, s5;
	[dreg:$0x0] =	wrdreg $0x0  }
0xa8: {  	s5 =	sshll.u32 s28, $0x1;
	[dreg:$0x2] =	wrdreg s3  }
0xa9: {  	[dreg:$0x3] =	wrdreg s5  }
0xaa: {  	[dreg:$0x4] =	wrdreg $0xC0  }
0xab: {  	_ =	task [dreg:s7], $0x5FFFF  }
0xac: {  	[dreg:$0x1] =	wrdreg $0xFFFFFFFF  }
0xad: {  	[dreg:$0x0] =	wrdreg $0x60  }
0xae: {  	[dreg:$0x2] =	wrdreg s2  }
0xaf: {  	[dreg:$0x3] =	wrdreg s24  }
0xb0: {  	[dreg:$0x4] =	wrdreg $0xF5000  }
0xb1: {  	[dreg:$0x5] =	wrdreg $0x9  }
0xb2: {  	_ =	task.clear_ibuf [dreg:s7], $0x6FFFF;
	_ =	strace $0x9000004C  }
0xb3: {  	s29 =	simm.s32 $0x9;
	_ =	strace $0x8000004E  }
0xb4: {  	_ =	swait.ge [sflag:s29], $0x1  }
0xb5: {  	[sflag:s29] =	ssyncadd.s32 $0xFFFFFFFF  }
0xb6: {  	_ =	strace $0x9000004E  }
0xb7: {  	_ =	sfence  }
0xb8: {  	s30 =	sld [smem:$0x0];
	_ =	sdelay $0x2  }
0xb9: {  	s31 =	sshll.u32 s1, $0xD;
	s1 =	sshrl.u32 s1, $0x2  }
0xba: {  	s3 =	sand.u32 $0x4000, s31;
	s1 =	sadd.s32 s1, s30  }
0xbb: {  	s0 =	sor.u32 s3, s0;
	s1 =	sshll.u32 s1, $0x11  }
0xbc: {  	s0 =	sor.u32 s1, s0  }
0xbd: {  	s0 =	sadd.s32 $0x8F2B, s0  }
0xbe: {  	[sflag:s0] =	ssyncadd.remote.s32 $0x1  }
0xbf: {  	_ =	sfence.sel $0xFFFF  }
0xc0: {  	[dreg:$0x0] =	wrdreg $0xFFFFFFFF;
	(pc) =	sbr.abs _section_cstart, $3  }
0xc1: {  	[dreg:$0x1] =	wrdreg $0xFFFFFFFF  }
0xc2: {  	_ =	task.clear_ibuf [dreg:s7], $0x2FFFF;
	_ =	strace $0x9FFFFFFF  }
0xc3: {  	(tm) =	ssettm $0x7FFFFFFF  }
tec
execute0_lowered:
.L_overlay_start_1:
0x0: {  	(tag) =	ssettag $0x1  }
0x1: {  	s0 =	srdreg.scid;
	s1 =	rddreg [dreg:$0x0]  }
0x2: {  	s8 =	stileid.u32;
	s5 =	rddreg [dreg:$0x1]  }
0x3: {  	s4 =	simm.s32 $0x0;
	s0 =	sand.u32 $0x1, s0;
	s6 =	smul.u32 $0x5000, s8  }
0x4: {  	[smem:$0x7FF] =	sst s4;
	s2 =	sshll.u32 s0, $0x4;
	s7 =	smul.u32 $0x50000, s0  }
0x5: {  	s0 =	ssub.s32 $0x2, s0;
	s2 =	sor.u32 s8, s2;
	s8 =	smul.u32 $0x14000, s8  }
0x6: {  	s3 =	rddreg [dreg:$0x2];
	_ =	strace $0x8000004D;
	s9 =	sshrl.u32 s0, $0x1  }
0x7: {  	s0 =	ssub.s32 s0, s9;
	s9 =	sadd.s32 s6, s3;
	s8 =	sshrl.u32 s8, $0x2  }
0x8: {  	s0 =	smax.u32 s0, $0x1;
	[dreg:$0x4] =	wrdreg s9;
	s8 =	sadd.s32 s8, s3  }
0x9: {  	[dreg:$0x10] =	wrdreg s0;
	s17 =	sadd.s32 $0xA00, s8  }
0xa: {  	s18 =	sadd.s32 $0x1400, s8;
	[dreg:$0x5] =	wrdreg s17  }
0xb: {  	s19 =	sadd.s32 $0x1E00, s8;
	[dreg:$0x6] =	wrdreg s18  }
0xc: {  	s28 =	simm.s32 $0xC620;
	s20 =	sadd.s32 $0x2800, s8;
	[dreg:$0x7] =	wrdreg s19  }
0xd: {  	s2 =	smul.u32 $0x500, s2;
	s21 =	sadd.s32 $0x3200, s8;
	[dreg:$0x8] =	wrdreg s20  }
0xe: {  	s29 =	simm.s32 $0xD5C0;
	s22 =	sadd.s32 $0x3C00, s8;
	[dreg:$0x9] =	wrdreg s21  }
0xf: {  	s2 =	sadd.s32 s2, s5;
	s23 =	sadd.s32 $0x4600, s8;
	[dreg:$0xa] =	wrdreg s22  }
0x10: {  	s7 =	sadd.s32 s6, s7;
	s24 =	sadd.s32 $0x16400, s2;
	[dreg:$0xb] =	wrdreg s23  }
0x11: {  	s7 =	sshrl.u32 s7, $0x3;
	s25 =	sadd.s32 $0xC200, s2;
	[dreg:$0xc] =	wrdreg s24  }
0x12: {  	s7 =	sadd.s32 s7, s5;
	s2 =	sadd.s32 $0x2200, s2;
	[dreg:$0xd] =	wrdreg s25  }
0x13: {  	s30 =	simm.s32 $0xE560;
	s26 =	sadd.s32 $0x20400, s7;
	[dreg:$0xe] =	wrdreg s2  }
0x14: {  	s31 =	simm.s32 $0x1;
	[dreg:$0xf] =	wrdreg s26;
	s18 =	simm.s32 $0x7800  }
0x15: {  	s19 =	simm.s32 $0x3;
	s21 =	simm.s32 $0x5000;
	s22 =	simm.s32 $0x7D  }
0x16: {  	s23 =	simm.s32 $0x87A0;
	s24 =	simm.s32 $0x9740;
	s25 =	simm.s32 $0xA6E0  }
0x17: {  	v0 =	vimm.f32 $0.0e+00;
	s26 =	simm.s32 $0xB680;
	s2 =	simm.s32 $0x2;
	s20 =	simm.s32 $0x0  }
.LBB2_1:
0x18: {  	s0 =	simm.s32 $0x80;
	s6 =	simm.s32 $0x0  }
.LBB2_2:
0x19: {  	p0 =	sne.s32 s0, $0x2780;
	[tilespmem:s6+$0x7800] =	vst v0;
	s7 =	smov.u32 s0;
	s0 =	sadd.s32 $0x80, s0  }
.Ltmp0:
0x1a: {  	[tilespmem:s6+$0x7810] =	vst v0;
	(pc) =	sbr.rel @p0 .LBB2_2-.Ltmp0, $2  }
0x1b: {  	_ =	sdelay $0x2  }
0x1c: {  	s6 =	sshra.s32 s7, $0x2  }
0x1d: {  	[tilespmem:s6+$0x7800] =	vst v0  }
0x1e: {  	[tilespmem:s6+$0x7810] =	vst v0  }
0x1f: {  	[spmem:s9] =	stream.linear.scatter [tilespmem:s18], [sflag:$0x3], $0xA00, $0x38;
	[tilespmem:$0x14500] =	vst v63  }
0x20: {  	_ =	swait.ge [sflag:s19], $0xA00  }
0x21: {  	[sflag:s19] =	ssyncset.done $0x0  }
0x22: {  	s0 =	rddreg [dreg:$0x5];
	[sflag:s19] =	ssyncadd.s32 $0xFFFFF600  }
0x23: {  	[spmem:s0] =	stream.linear.scatter [tilespmem:s18], [sflag:$0x3], $0xA00, $0x38;
	[tilespmem:$0x14500] =	vst v63  }
0x24: {  	_ =	swait.ge [sflag:s19], $0xA00  }
0x25: {  	[sflag:s19] =	ssyncset.done $0x0  }
0x26: {  	s9 =	rddreg [dreg:$0x6];
	[sflag:s19] =	ssyncadd.s32 $0xFFFFF600  }
0x27: {  	[spmem:s9] =	stream.linear.scatter [tilespmem:s18], [sflag:$0x3], $0xA00, $0x38;
	[tilespmem:$0x14500] =	vst v63  }
0x28: {  	_ =	swait.ge [sflag:s19], $0xA00  }
0x29: {  	[sflag:s19] =	ssyncset.done $0x0  }
0x2a: {  	s10 =	rddreg [dreg:$0x7];
	[sflag:s19] =	ssyncadd.s32 $0xFFFFF600  }
0x2b: {  	[spmem:s10] =	stream.linear.scatter [tilespmem:s18], [sflag:$0x3], $0xA00, $0x38;
	[tilespmem:$0x14500] =	vst v63  }
0x2c: {  	_ =	swait.ge [sflag:s19], $0xA00  }
0x2d: {  	[sflag:s19] =	ssyncset.done $0x0  }
0x2e: {  	s11 =	rddreg [dreg:$0x8];
	[sflag:s19] =	ssyncadd.s32 $0xFFFFF600  }
0x2f: {  	[spmem:s11] =	stream.linear.scatter [tilespmem:s18], [sflag:$0x3], $0xA00, $0x38;
	[tilespmem:$0x14500] =	vst v63  }
0x30: {  	_ =	swait.ge [sflag:s19], $0xA00  }
0x31: {  	[sflag:s19] =	ssyncset.done $0x0  }
0x32: {  	s12 =	rddreg [dreg:$0x9];
	[sflag:s19] =	ssyncadd.s32 $0xFFFFF600  }
0x33: {  	[spmem:s12] =	stream.linear.scatter [tilespmem:s18], [sflag:$0x3], $0xA00, $0x38;
	[tilespmem:$0x14500] =	vst v63  }
0x34: {  	_ =	swait.ge [sflag:s19], $0xA00  }
0x35: {  	[sflag:s19] =	ssyncset.done $0x0  }
0x36: {  	s13 =	rddreg [dreg:$0xa];
	[sflag:s19] =	ssyncadd.s32 $0xFFFFF600  }
0x37: {  	[spmem:s13] =	stream.linear.scatter [tilespmem:s18], [sflag:$0x3], $0xA00, $0x38;
	[tilespmem:$0x14500] =	vst v63  }
0x38: {  	_ =	swait.ge [sflag:s19], $0xA00  }
0x39: {  	[sflag:s19] =	ssyncset.done $0x0  }
0x3a: {  	s14 =	rddreg [dreg:$0xb];
	[sflag:s19] =	ssyncadd.s32 $0xFFFFF600  }
0x3b: {  	[spmem:s14] =	stream.linear.scatter [tilespmem:s18], [sflag:$0x3], $0xA00, $0x38;
	[tilespmem:$0x14500] =	vst v63  }
0x3c: {  	_ =	swait.ge [sflag:s19], $0xA00  }
0x3d: {  	[sflag:s19] =	ssyncset.done $0x0  }
0x3e: {  	[sflag:s19] =	ssyncadd.s32 $0xFFFFF600  }
0x3f: {  	[bflag:$0x0] =	sbarrier.arrive $0xFFFF  }
0x40: {  	s15 =	rddreg [dreg:$0xc]  }
0x41: {  	[tilespmem:s20], [sflag:$0x3] =	stream.linear.gather [hbm4b:s15+s20], $0x2800, $0x38;
	[tilespmem:$0x14500] =	vst v63  }
0x42: {  	_ =	swait.ge [sflag:s19], $0x2800  }
0x43: {  	[sflag:s19] =	ssyncset.done $0x0  }
0x44: {  	s5 =	simm.s32 $0x2800;
	s16 =	rddreg [dreg:$0xd];
	[sflag:s19] =	ssyncadd.s32 $0xFFFFD800  }
0x45: {  	[tilespmem:s5], [sflag:$0x3] =	stream.linear.gather [hbm4b:s16+s20], $0x2800, $0x38;
	[tilespmem:$0x14500] =	vst v63  }
0x46: {  	_ =	swait.ge [sflag:s19], $0x2800  }
0x47: {  	[sflag:s19] =	ssyncset.done $0x0  }
0x48: {  	s17 =	rddreg [dreg:$0xe];
	[sflag:s19] =	ssyncadd.s32 $0xFFFFD800  }
0x49: {  	[tilespmem:s21], [sflag:$0x3] =	stream.linear.gather [hbm4b:s17+s20], $0x2800, $0x38;
	[tilespmem:$0x14500] =	vst v63  }
0x4a: {  	_ =	swait.ge [sflag:s19], $0x2800  }
0x4b: {  	[sflag:s19] =	ssyncset.done $0x0  }
0x4c: {  	s0 =	simm.s32 $0x0;
	[sflag:s19] =	ssyncadd.s32 $0xFFFFD800  }
.LBB2_4:
0x4d: {  	s6 =	sshll.u32 s0, $0x3;
	s13 =	sshll.u32 s0, $0xA  }
0x4e: {  	[tilespmem:s18], [sflag:$0x1] =	stream.indirect.gather [hbm4b:s1+s22], $0x20, s13, s22, $0xb8;
	[tilespmem:$0x14500] =	vst v63  }
0x4f: {  	s7 =	sor.u32 $0x1, s6  }
0x50: {  	s16 =	sor.u32 $0x2, s6;
	s12 =	sshll.u32 s7, $0x7  }
0x51: {  	[tilespmem:s23], [sflag:$0x1] =	stream.indirect.gather [hbm4b:s1+s22], $0x20, s12, s22, $0xb8;
	[tilespmem:$0x14500] =	vst v63  }
0x52: {  	s17 =	sor.u32 $0x3, s6;
	s11 =	sshll.u32 s16, $0x7  }
0x53: {  	[tilespmem:s24], [sflag:$0x1] =	stream.indirect.gather [hbm4b:s1+s22], $0x20, s11, s22, $0xb8;
	[tilespmem:$0x14500] =	vst v63  }
0x54: {  	s14 =	simm.s32 $0x1;
	s5 =	sor.u32 $0x4, s6;
	s10 =	sshll.u32 s17, $0x7  }
0x55: {  	[tilespmem:s25], [sflag:$0x1] =	stream.indirect.gather [hbm4b:s1+s22], $0x20, s10, s22, $0xb8;
	[tilespmem:$0x14500] =	vst v63  }
0x56: {  	s15 =	simm.s32 $0x2;
	s8 =	sor.u32 $0x5, s6;
	s9 =	sshll.u32 s5, $0x7  }
0x57: {  	v2 =	vmov s20;
	[tilespmem:s26], [sflag:$0x1] =	stream.indirect.gather [hbm4b:s1+s22], $0x20, s9, s22, $0xb8;
	[tilespmem:$0x14500] =	vst v63  }
0x58: {  	s6 =	sor.u32 $0x6, s6;
	v1 =	vmov s13;
	v2 =	vand.u32 $0x7F, v2;
	v3 =	vmov s14;
	s14 =	simm.s32 $0x3;
	s8 =	sshll.u32 s8, $0x7  }
0x59: {  	v4 =	vmov s15;
	v2 =	vor.u32 v1, v2;
	[tilespmem:s28], [sflag:$0x1] =	stream.indirect.gather [hbm4b:s1+s22], $0x20, s8, s22, $0xb8;
	[tilespmem:$0x14500] =	vst v63  }
0x5a: {  	s15 =	sshllo.u32 s0, $0x3;
	s7 =	sshll.u32 s6, $0x7;
	v3 =	vand.u32 $0xFF, v3;
	v5 =	vmov s14;
	v4 =	vand.u32 $0xFF, v4;
	s16 =	simm.s32 $0x4  }
0x5b: {  	v2 =	vbroadcast v2, $0x0;
	v5 =	vand.u32 $0xFF, v5;
	v3 =	vor.u32 v1, v3;
	[tilespmem:s29], [sflag:$0x1] =	stream.indirect.gather [hbm4b:s1+s22], $0x20, s7, s22, $0xb8;
	[tilespmem:$0x14500] =	vst v63  }
0x5c: {  	s6 =	sshll.u32 s15, $0x7;
	v4 =	vor.u32 v1, v4;
	v6 =	vmov s16;
	v3 =	vbroadcast v3, $0x0  }
0x5d: {  	v5 =	vor.u32 v1, v5;
	v4 =	vbroadcast v4, $0x0;
	v6 =	vand.u32 $0xFF, v6;
	[tilespmem:s30], [sflag:$0x1] =	stream.indirect.gather [hbm4b:s1+s22], $0x20, s6, s22, $0xb8;
	[tilespmem:$0x14500] =	vst v63  }
0x5e: {  	v7 =	vbroadcast v5, $0x0;
	v5 =	vor.u32 v1, v6;
	_ =	swait.ge [sflag:s31], $0xFA0  }
0x5f: {  	v8 =	vbroadcast v5, $0x0;
	[sflag:s31] =	ssyncset.done $0x0  }
0x60: {  	[sflag:s31] =	ssyncadd.s32 $0xFFFFF060  }
0x61: {  	v6 =	vld.idx.msk [tilespmem:v2+s21+$0x0], $0xffff  }
0x62: {  	v5 =	vld.idx.msk [tilespmem:v3+s21+$0x0], $0xffff  }
0x63: {  	v4 =	vld.idx.msk [tilespmem:v4+s21+$0x0], $0xffff  }
0x64: {  	v3 =	vld.idx.msk [tilespmem:v7+s21+$0x0], $0xffff  }
0x65: {  	s14 =	simm.s32 $0x7850;
	s17 =	simm.s32 $0x5;
	v2 =	vld.idx.msk [tilespmem:v8+s21+$0x0], $0xffff  }
0x66: {  	s5 =	simm.s32 $0x6;
	s16 =	simm.s32 $0x7;
	v7 =	vmov s17;
	v11 =	vld [tilespmem:s14+$0x40]  }
0x67: {  	v9 =	vmov s5;
	v10 =	vmov s16;
	s17 =	simm.s32 $0x8;
	v8 =	vand.u32 $0x7F, v7;
	v7 =	vld [tilespmem:s14+$0xFFFFFFB0]  }
0x68: {  	v12 =	vand.u32 $0xFF, v9;
	v14 =	vand.u32 $0xFF, v10;
	v9 =	vld [tilespmem:s14+$0xFFFFFFC0];
	v13 =	vmov s17  }
0x69: {  	v15 =	vor.u32 v1, v12;
	v10 =	vld [tilespmem:s14+$0xFFFFFFD0];
	v8 =	vor.u32 v1, v8;
	v13 =	vand.u32 $0xFF, v13  }
0x6a: {  	s15 =	simm.s32 $0x7850;
	s16 =	simm.s32 $0xA;
	v14 =	vor.u32 v1, v14;
	v12 =	vld [tilespmem:s14+$0xFFFFFFE0];
	s17 =	simm.s32 $0x9;
	v8 =	vbroadcast v8, $0x0;
	v13 =	vor.u32 v1, v13  }
.LBB2_5:
0x6b: {  	p0 =	slt.u32 s16, $0x78;
	v15 =	vbroadcast v15, $0x0;
	v16 =	vmov s17;
	v17 =	vld [tilespmem:s14+$0xFFFFFFF0];
	v11 =	vmul.f32 v11, v2  }
0x6c: {  	v14 =	vbroadcast v14, $0x0;
	v16 =	vand.u32 $0xFF, v16;
	v7 =	vmul.f32 v7, v6;
	v18 =	vld [tilespmem:s14+$0x0]  }
0x6d: {  	v13 =	vbroadcast v13, $0x0;
	v16 =	vor.u32 v1, v16;
	v6 =	vmul.f32 v9, v6;
	v9 =	vld [tilespmem:s14+$0x10];
	[tilespmem:s14+$0x40] =	vst v11  }
0x6e: {  	v11 =	vbroadcast v16, $0x0;
	[tilespmem:s14+$0xFFFFFFB0] =	vst v7;
	v7 =	vmul.f32 v10, v5;
	v10 =	vld [tilespmem:s14+$0x20]  }
0x6f: {  	[tilespmem:s14+$0xFFFFFFC0] =	vst v6;
	v12 =	vmul.f32 v12, v5;
	v16 =	vld [tilespmem:s14+$0x30]  }
0x70: {  	v6 =	vld.idx.msk [tilespmem:v8+s21+$0x0], $0xffff;
	[tilespmem:s14+$0xFFFFFFD0] =	vst v7;
	v7 =	vmul.f32 v17, v4  }
0x71: {  	v5 =	vld.idx.msk [tilespmem:v15+s21+$0x0], $0xffff;
	[tilespmem:s14+$0xFFFFFFE0] =	vst v12;
	v8 =	vmul.f32 v18, v4  }
0x72: {  	v4 =	vld.idx.msk [tilespmem:v14+s21+$0x0], $0xffff;
	[tilespmem:s14+$0xFFFFFFF0] =	vst v7;
	v7 =	vmul.f32 v9, v3  }
0x73: {  	[tilespmem:s14+$0x0] =	vst v8;
	v8 =	vmul.f32 v10, v3;
	v3 =	vld.idx.msk [tilespmem:v13+s21+$0x0], $0xffff  }
0x74: {  	s14 =	sadd.s32 $0xA0, s14;
	[tilespmem:s15+$0x10] =	vst v7;
	v9 =	vmul.f32 v16, v2;
	v2 =	vld.idx.msk [tilespmem:v11+s21+$0x0], $0xffff  }
.Ltmp1:
0x75: {  	s17 =	sadd.s32 $0x1, s16;
	s5 =	sadd.s32 $0x2, s16;
	v7 =	vmov s16;
	v11 =	vld [tilespmem:s14+$0x40];
	[tilespmem:s15+$0x20] =	vst v8;
	(pc) =	sbr.rel @p0 .LBB2_5-.Ltmp1, $4  }
0x76: {  	v12 =	vmov s5;
	s5 =	sadd.s32 $0x3, s16;
	v10 =	vmov s17;
	v8 =	vand.u32 $0x7F, v7;
	v7 =	vld [tilespmem:s14+$0xFFFFFFB0];
	[tilespmem:s15+$0x30] =	vst v9;
	s15 =	smov.u32 s14  }
0x77: {  	v13 =	vand.u32 $0xFF, v10;
	v10 =	vmov s5;
	v8 =	vor.u32 v1, v8;
	v9 =	vld [tilespmem:s14+$0xFFFFFFC0]  }
0x78: {  	v12 =	vand.u32 $0xFF, v12;
	v16 =	vand.u32 $0xFF, v10;
	v8 =	vbroadcast v8, $0x0;
	v10 =	vld [tilespmem:s14+$0xFFFFFFD0]  }
0x79: {  	v14 =	vor.u32 v1, v12;
	s17 =	sadd.s32 $0x4, s16;
	s16 =	sadd.s32 $0x5, s16;
	v15 =	vor.u32 v1, v13;
	v13 =	vor.u32 v1, v16;
	v12 =	vld [tilespmem:s14+$0xFFFFFFE0]  }
0x7a: {  	_ = 	snop  }
0x7b: {  	v17 =	vld [tilespmem:s14+$0xFFFFFFF0]  }
0x7c: {  	v18 =	vld [tilespmem:s14+$0x0]  }
0x7d: {  	v16 =	vmov s17;
	v19 =	vld [tilespmem:s14+$0x30]  }
0x7e: {  	v11 =	vmul.f32 v11, v2;
	v8 =	vld.idx.msk [tilespmem:v8+s21+$0x0], $0xffff;
	v16 =	vand.u32 $0xFF, v16  }
0x7f: {  	v15 =	vbroadcast v15, $0x0;
	v1 =	vor.u32 v1, v16;
	v16 =	vld [tilespmem:s14+$0x10]  }
0x80: {  	v14 =	vbroadcast v14, $0x0;
	s16 =	sadd.s32 $0xA0, s14;
	v7 =	vmul.f32 v7, v6;
	[tilespmem:s14+$0x40] =	vst v11;
	v11 =	vld [tilespmem:s14+$0x20]  }
0x81: {  	v13 =	vbroadcast v13, $0x0;
	v6 =	vmul.f32 v9, v6;
	v9 =	vld [tilespmem:s16+$0x40]  }
0x82: {  	[tilespmem:s14+$0xFFFFFFB0] =	vst v7;
	v7 =	vmul.f32 v10, v5;
	v10 =	vld [tilespmem:s16+$0xFFFFFFB0]  }
0x83: {  	v1 =	vbroadcast v1, $0x0;
	[tilespmem:s14+$0xFFFFFFC0] =	vst v6;
	v6 =	vld [tilespmem:s16+$0xFFFFFFC0]  }
0x84: {  	v5 =	vmul.f32 v12, v5;
	v12 =	vld [tilespmem:s16+$0xFFFFFFD0]  }
0x85: {  	v15 =	vld.idx.msk [tilespmem:v15+s21+$0x0], $0xffff  }
0x86: {  	[tilespmem:s14+$0xFFFFFFD0] =	vst v7;
	v7 =	vmul.f32 v17, v4;
	v14 =	vld.idx.msk [tilespmem:v14+s21+$0x0], $0xffff  }
0x87: {  	v4 =	vmul.f32 v18, v4;
	v13 =	vld.idx.msk [tilespmem:v13+s21+$0x0], $0xffff;
	[tilespmem:s14+$0xFFFFFFE0] =	vst v5  }
0x88: {  	v2 =	vmul.f32 v19, v2;
	v5 =	vld [tilespmem:s16+$0xFFFFFFE0];
	[tilespmem:s14+$0xFFFFFFF0] =	vst v7  }
0x89: {  	v7 =	vmul.f32 v16, v3;
	[tilespmem:s14+$0x0] =	vst v4;
	v1 =	vld.idx.msk [tilespmem:v1+s21+$0x0], $0xffff  }
0x8a: {  	v3 =	vmul.f32 v11, v3;
	v4 =	vld [tilespmem:s16+$0x0];
	[tilespmem:s15+$0x30] =	vst v2  }
0x8b: {  	v16 =	vld [tilespmem:s16+$0xFFFFFFF0];
	v2 =	vmul.f32 v10, v8;
	[tilespmem:s15+$0x10] =	vst v7  }
0x8c: {  	v10 =	vld [tilespmem:s16+$0x30];
	[tilespmem:s15+$0x20] =	vst v3;
	v6 =	vmul.f32 v6, v8  }
0x8d: {  	v7 =	vld [tilespmem:s16+$0x10];
	[tilespmem:s16+$0xFFFFFFB0] =	vst v2;
	v2 =	vmul.f32 v12, v15  }
0x8e: {  	[tilespmem:s16+$0xFFFFFFC0] =	vst v6;
	v3 =	vmul.f32 v9, v1;
	v9 =	vld [tilespmem:s16+$0x20]  }
0x8f: {  	[tilespmem:s16+$0xFFFFFFD0] =	vst v2;
	v2 =	vmul.f32 v4, v14  }
0x90: {  	s14 =	simm.s32 $0x2;
	[tilespmem:s16+$0x40] =	vst v3;
	v3 =	vmul.f32 v5, v15  }
0x91: {  	v8 =	vmov s14;
	[tilespmem:s16+$0x0] =	vst v2;
	v5 =	vmul.f32 v16, v14  }
0x92: {  	s5 =	simm.s32 $0x0;
	s17 =	simm.s32 $0x1;
	v4 =	vmul.f32 v7, v13;
	v6 =	vmul.f32 v10, v1;
	v1 =	vmov s12;
	[tilespmem:s16+$0xFFFFFFE0] =	vst v3  }
0x93: {  	v7 =	vmov s17;
	[tilespmem:s16+$0xFFFFFFF0] =	vst v5;
	v5 =	vmov s5;
	v3 =	vmul.f32 v9, v13  }
0x94: {  	s15 =	simm.s32 $0x3;
	[tilespmem:s16+$0x10] =	vst v4;
	v2 =	vand.u32 $0x7F, v5;
	v5 =	vand.u32 $0x7, v7;
	v7 =	vand.u32 $0xF8, v7  }
0x95: {  	v4 =	vmov s15;
	[tilespmem:s16+$0x30] =	vst v6;
	v6 =	vand.u32 $0xF8, v8;
	v7 =	vadd.s32 v1, v7  }
0x96: {  	s17 =	simm.s32 $0x4;
	v6 =	vadd.s32 v1, v6;
	v9 =	vand.u32 $0x7, v8;
	[tilespmem:s16+$0x20] =	vst v3;
	s16 =	sadd.s32 $0x2800, s13;
	v5 =	vor.u32 v5, v7  }
0x97: {  	v2 =	vor.u32 v1, v2;
	v8 =	vor.u32 v9, v6;
	v3 =	vand.u32 $0x7, v4;
	[spmem:s3] =	stream.indirect.scatter.add.f32 [tilespmem:s18], [sflag:$0x2], $0x20, s16, s22, $0xb8;
	[tilespmem:$0x14500] =	vst v63  }
0x98: {  	v2 =	vbroadcast v2, $0x0;
	v4 =	vand.u32 $0xF8, v4;
	v7 =	vmov s17;
	_ =	swait.ge [sflag:s31], $0xFA0  }
0x99: {  	v4 =	vadd.s32 v1, v4;
	v6 =	vand.u32 $0xF8, v7;
	[sflag:s31] =	ssyncset.done $0x0  }
0x9a: {  	v3 =	vor.u32 v3, v4;
	v4 =	vand.u32 $0x7, v7;
	v6 =	vadd.s32 v1, v6;
	[sflag:s31] =	ssyncadd.s32 $0xFFFFF060  }
0x9b: {  	v7 =	vor.u32 v4, v6;
	v5 =	vld.idx.msk [tilespmem:v5+s21+$0x0], $0xffff  }
0x9c: {  	s13 =	simm.s32 $0x87F0;
	v4 =	vld.idx.msk [tilespmem:v8+s21+$0x0], $0xffff  }
0x9d: {  	v18 =	vld [tilespmem:s13+$0x40]  }
0x9e: {  	s15 =	simm.s32 $0x6;
	v6 =	vld.idx.msk [tilespmem:v2+s21+$0x0], $0xffff  }
0x9f: {  	v9 =	vmov s15;
	v2 =	vld.idx.msk [tilespmem:v3+s21+$0x0], $0xffff  }
0xa0: {  	s14 =	simm.s32 $0x5;
	s17 =	simm.s32 $0x8;
	v12 =	vand.u32 $0x7, v9;
	v9 =	vand.u32 $0xF8, v9;
	s16 =	simm.s32 $0x7;
	v3 =	vld.idx.msk [tilespmem:v7+s21+$0x0], $0xffff  }
0xa1: {  	v13 =	vmov s17;
	v11 =	vmov s16;
	v8 =	vmov s14;
	v7 =	vld [tilespmem:s13+$0xFFFFFFB0]  }
0xa2: {  	v14 =	vand.u32 $0x7, v13;
	v19 =	vand.u32 $0xF8, v13;
	v10 =	vld [tilespmem:s13+$0xFFFFFFC0];
	v8 =	vand.u32 $0x7F, v8  }
0xa3: {  	v13 =	vadd.s32 v1, v9;
	v15 =	vand.u32 $0x7, v11;
	v16 =	vor.u32 v1, v8;
	v8 =	vld [tilespmem:s13+$0xFFFFFFD0]  }
0xa4: {  	v17 =	vand.u32 $0xF8, v11;
	v13 =	vor.u32 v12, v13;
	v9 =	vld [tilespmem:s13+$0xFFFFFFE0];
	v11 =	vbroadcast v16, $0x0  }
0xa5: {  	s15 =	simm.s32 $0xA;
	s16 =	simm.s32 $0x9;
	v17 =	vadd.s32 v1, v17;
	v12 =	vld [tilespmem:s13+$0xFFFFFFF0];
	s14 =	simm.s32 $0x87F0;
	v16 =	vadd.s32 v1, v19;
	v18 =	vmul.f32 v18, v3  }
.LBB2_7:
0xa6: {  	p0 =	slt.u32 s15, $0x78;
	v15 =	vor.u32 v15, v17;
	v17 =	vmov s16;
	v7 =	vmul.f32 v7, v6;
	v19 =	vld [tilespmem:s13+$0x0]  }
0xa7: {  	v14 =	vor.u32 v14, v16;
	v16 =	vand.u32 $0xF8, v17;
	v6 =	vmul.f32 v10, v6;
	v10 =	vld [tilespmem:s13+$0x10];
	[tilespmem:s13+$0x40] =	vst v18  }
0xa8: {  	v17 =	vand.u32 $0x7, v17;
	v16 =	vadd.s32 v1, v16;
	[tilespmem:s13+$0xFFFFFFB0] =	vst v7;
	v7 =	vmul.f32 v8, v5;
	v8 =	vld [tilespmem:s13+$0x20]  }
0xa9: {  	v16 =	vor.u32 v17, v16;
	[tilespmem:s13+$0xFFFFFFC0] =	vst v6;
	v9 =	vmul.f32 v9, v5;
	v17 =	vld [tilespmem:s13+$0x30]  }
0xaa: {  	v6 =	vld.idx.msk [tilespmem:v11+s21+$0x0], $0xffff;
	[tilespmem:s13+$0xFFFFFFD0] =	vst v7;
	v7 =	vmul.f32 v12, v4  }
0xab: {  	v5 =	vld.idx.msk [tilespmem:v13+s21+$0x0], $0xffff;
	[tilespmem:s13+$0xFFFFFFE0] =	vst v9;
	v9 =	vmul.f32 v19, v4  }
0xac: {  	v4 =	vld.idx.msk [tilespmem:v15+s21+$0x0], $0xffff;
	[tilespmem:s13+$0xFFFFFFF0] =	vst v7;
	v7 =	vmul.f32 v10, v2  }
0xad: {  	[tilespmem:s13+$0x0] =	vst v9;
	v8 =	vmul.f32 v8, v2;
	v2 =	vld.idx.msk [tilespmem:v14+s21+$0x0], $0xffff  }
0xae: {  	s5 =	sadd.s32 $0x1, s15;
	v9 =	vmov s15;
	s13 =	sadd.s32 $0xA0, s13;
	[tilespmem:s14+$0x10] =	vst v7;
	v10 =	vmul.f32 v17, v3;
	v3 =	vld.idx.msk [tilespmem:v16+s21+$0x0], $0xffff  }
0xaf: {  	s16 =	sadd.s32 $0x3, s15;
	v11 =	vmov s5;
	s5 =	sadd.s32 $0x2, s15;
	v9 =	vand.u32 $0x7F, v9;
	v18 =	vld [tilespmem:s13+$0x40];
	[tilespmem:s14+$0x20] =	vst v8  }
.Ltmp2:
0xb0: {  	v12 =	vand.u32 $0x7, v11;
	v13 =	vmov s16;
	v8 =	vmov s5;
	v7 =	vld [tilespmem:s13+$0xFFFFFFB0];
	[tilespmem:s14+$0x30] =	vst v10;
	s14 =	smov.u32 s13;
	(pc) =	sbr.rel @p0 .LBB2_7-.Ltmp2, $4  }
0xb1: {  	v14 =	vand.u32 $0x7, v13;
	v9 =	vor.u32 v1, v9;
	v15 =	vand.u32 $0x7, v8;
	v10 =	vld [tilespmem:s13+$0xFFFFFFC0]  }
0xb2: {  	v19 =	vand.u32 $0xF8, v13;
	v16 =	vand.u32 $0xF8, v11;
	v17 =	vand.u32 $0xF8, v8;
	v8 =	vld [tilespmem:s13+$0xFFFFFFD0]  }
0xb3: {  	v13 =	vadd.s32 v1, v16;
	v11 =	vbroadcast v9, $0x0;
	v17 =	vadd.s32 v1, v17;
	v9 =	vld [tilespmem:s13+$0xFFFFFFE0]  }
0xb4: {  	s16 =	sadd.s32 $0x4, s15;
	s15 =	sadd.s32 $0x5, s15;
	v16 =	vadd.s32 v1, v19;
	v13 =	vor.u32 v12, v13;
	v12 =	vld [tilespmem:s13+$0xFFFFFFF0];
	v18 =	vmul.f32 v18, v3  }
0xb5: {  	_ =	sdelay $0x1  }
0xb6: {  	v20 =	vld [tilespmem:s13+$0x0]  }
0xb7: {  	v21 =	vld [tilespmem:s13+$0x10]  }
0xb8: {  	v11 =	vld.idx.msk [tilespmem:v11+s21+$0x0], $0xffff  }
0xb9: {  	v19 =	vmov s16;
	v15 =	vor.u32 v15, v17;
	v13 =	vld.idx.msk [tilespmem:v13+s21+$0x0], $0xffff;
	s15 =	sadd.s32 $0xA0, s13  }
0xba: {  	v7 =	vmul.f32 v7, v6;
	v17 =	vand.u32 $0xF8, v19;
	v6 =	vmul.f32 v10, v6;
	v10 =	vld [tilespmem:s15+$0xFFFFFFE0]  }
0xbb: {  	v14 =	vor.u32 v14, v16;
	v16 =	vand.u32 $0x7, v19;
	v1 =	vadd.s32 v1, v17;
	v17 =	vld [tilespmem:s13+$0x20]  }
0xbc: {  	[tilespmem:s13+$0xFFFFFFB0] =	vst v7;
	v7 =	vmul.f32 v8, v5;
	v8 =	vld [tilespmem:s15+$0x40];
	v1 =	vor.u32 v16, v1  }
0xbd: {  	[tilespmem:s13+$0x40] =	vst v18;
	v16 =	vld [tilespmem:s13+$0x30]  }
0xbe: {  	[tilespmem:s13+$0xFFFFFFC0] =	vst v6;
	v5 =	vmul.f32 v9, v5;
	v6 =	vld [tilespmem:s15+$0xFFFFFFB0]  }
0xbf: {  	v9 =	vld [tilespmem:s15+$0xFFFFFFC0];
	[tilespmem:s13+$0xFFFFFFD0] =	vst v7;
	v7 =	vmul.f32 v12, v4  }
0xc0: {  	v15 =	vld.idx.msk [tilespmem:v15+s21+$0x0], $0xffff;
	[tilespmem:s13+$0xFFFFFFE0] =	vst v5;
	v4 =	vmul.f32 v20, v4  }
0xc1: {  	[tilespmem:s13+$0xFFFFFFF0] =	vst v7;
	v7 =	vmul.f32 v21, v2;
	v1 =	vld.idx.msk [tilespmem:v1+s21+$0x0], $0xffff  }
0xc2: {  	v5 =	vld [tilespmem:s15+$0xFFFFFFD0];
	[tilespmem:s13+$0x0] =	vst v4;
	v2 =	vmul.f32 v17, v2  }
0xc3: {  	v14 =	vld.idx.msk [tilespmem:v14+s21+$0x0], $0xffff;
	[tilespmem:s14+$0x10] =	vst v7;
	v3 =	vmul.f32 v16, v3  }
0xc4: {  	v4 =	vld [tilespmem:s15+$0xFFFFFFF0];
	v9 =	vmul.f32 v9, v11;
	[tilespmem:s14+$0x20] =	vst v2  }
0xc5: {  	v7 =	vld [tilespmem:s15+$0x0];
	[tilespmem:s14+$0x30] =	vst v3;
	v3 =	vmul.f32 v6, v11  }
0xc6: {  	v6 =	vld [tilespmem:s15+$0x20];
	[tilespmem:s15+$0xFFFFFFC0] =	vst v9;
	v2 =	vmul.f32 v8, v1  }
0xc7: {  	[tilespmem:s15+$0xFFFFFFB0] =	vst v3;
	v3 =	vmul.f32 v5, v13;
	v8 =	vld [tilespmem:s15+$0x10]  }
0xc8: {  	v5 =	vmul.f32 v10, v13;
	[tilespmem:s15+$0x40] =	vst v2;
	v2 =	vld [tilespmem:s15+$0x30]  }
0xc9: {  	s5 =	simm.s32 $0x0;
	[tilespmem:s15+$0xFFFFFFD0] =	vst v3;
	v3 =	vmul.f32 v4, v15  }
0xca: {  	v4 =	vmul.f32 v7, v15;
	[tilespmem:s15+$0xFFFFFFE0] =	vst v5;
	v7 =	vmov s5  }
0xcb: {  	s16 =	simm.s32 $0x2;
	s14 =	simm.s32 $0x1;
	v6 =	vmul.f32 v6, v14;
	[tilespmem:s15+$0xFFFFFFF0] =	vst v3;
	v3 =	vand.u32 $0x7F, v7  }
0xcc: {  	[tilespmem:s15+$0x0] =	vst v4;
	v4 =	vmov s14;
	v7 =	vmov s16;
	v5 =	vmul.f32 v8, v14  }
0xcd: {  	s17 =	simm.s32 $0x3;
	v4 =	vand.u32 $0xFF, v4;
	[tilespmem:s15+$0x20] =	vst v6;
	v2 =	vmul.f32 v2, v1;
	v1 =	vmov s11  }
0xce: {  	v6 =	vand.u32 $0xFF, v7;
	[tilespmem:s15+$0x10] =	vst v5;
	v5 =	vmov s17;
	v3 =	vor.u32 v1, v3  }
0xcf: {  	s12 =	sadd.s32 $0x2800, s12;
	s13 =	simm.s32 $0x4;
	v5 =	vand.u32 $0xFF, v5;
	v4 =	vor.u32 v1, v4;
	v3 =	vbroadcast v3, $0x0;
	[tilespmem:s15+$0x30] =	vst v2  }
0xd0: {  	v2 =	vor.u32 v1, v6;
	v4 =	vbroadcast v4, $0x0;
	v6 =	vmov s13;
	[spmem:s3] =	stream.indirect.scatter.add.f32 [tilespmem:s23], [sflag:$0x2], $0x20, s12, s22, $0xb8;
	[tilespmem:$0x14500] =	vst v63  }
0xd1: {  	v5 =	vor.u32 v1, v5;
	v2 =	vbroadcast v2, $0x0;
	v6 =	vand.u32 $0xFF, v6;
	_ =	swait.ge [sflag:s31], $0xFA0  }
0xd2: {  	v7 =	vbroadcast v5, $0x0;
	v5 =	vor.u32 v1, v6;
	[sflag:s31] =	ssyncset.done $0x0  }
0xd3: {  	s12 =	simm.s32 $0x9790;
	v8 =	vbroadcast v5, $0x0;
	[sflag:s31] =	ssyncadd.s32 $0xFFFFF060  }
0xd4: {  	v11 =	vld [tilespmem:s12+$0x40]  }
0xd5: {  	v6 =	vld.idx.msk [tilespmem:v3+s21+$0x0], $0xffff  }
0xd6: {  	v5 =	vld.idx.msk [tilespmem:v4+s21+$0x0], $0xffff  }
0xd7: {  	v4 =	vld.idx.msk [tilespmem:v2+s21+$0x0], $0xffff  }
0xd8: {  	s14 =	simm.s32 $0x5;
	v3 =	vld.idx.msk [tilespmem:v7+s21+$0x0], $0xffff  }
0xd9: {  	s16 =	simm.s32 $0x7;
	s15 =	simm.s32 $0x6;
	v7 =	vmov s14;
	v2 =	vld.idx.msk [tilespmem:v8+s21+$0x0], $0xffff  }
0xda: {  	v10 =	vmov s16;
	s17 =	simm.s32 $0x8;
	v9 =	vmov s15;
	v8 =	vand.u32 $0x7F, v7;
	v7 =	vld [tilespmem:s12+$0xFFFFFFB0]  }
0xdb: {  	v14 =	vand.u32 $0xFF, v10;
	v13 =	vmov s17;
	v12 =	vand.u32 $0xFF, v9;
	v9 =	vld [tilespmem:s12+$0xFFFFFFC0]  }
0xdc: {  	v14 =	vor.u32 v1, v14;
	v13 =	vand.u32 $0xFF, v13;
	v10 =	vld [tilespmem:s12+$0xFFFFFFD0];
	v8 =	vor.u32 v1, v8  }
0xdd: {  	s13 =	simm.s32 $0x9790;
	v13 =	vor.u32 v1, v13;
	s15 =	simm.s32 $0x9;
	v15 =	vor.u32 v1, v12;
	v12 =	vld [tilespmem:s12+$0xFFFFFFE0];
	s14 =	simm.s32 $0xA;
	v8 =	vbroadcast v8, $0x0  }
.LBB2_9:
0xde: {  	p0 =	slt.u32 s14, $0x78;
	v15 =	vbroadcast v15, $0x0;
	v16 =	vmov s15;
	v17 =	vld [tilespmem:s12+$0xFFFFFFF0];
	v11 =	vmul.f32 v11, v2  }
0xdf: {  	v14 =	vbroadcast v14, $0x0;
	v16 =	vand.u32 $0xFF, v16;
	v7 =	vmul.f32 v7, v6;
	v18 =	vld [tilespmem:s12+$0x0]  }
0xe0: {  	v13 =	vbroadcast v13, $0x0;
	v16 =	vor.u32 v1, v16;
	v6 =	vmul.f32 v9, v6;
	v9 =	vld [tilespmem:s12+$0x10];
	[tilespmem:s12+$0x40] =	vst v11  }
0xe1: {  	v11 =	vbroadcast v16, $0x0;
	[tilespmem:s12+$0xFFFFFFB0] =	vst v7;
	v7 =	vmul.f32 v10, v5;
	v10 =	vld [tilespmem:s12+$0x20]  }
0xe2: {  	[tilespmem:s12+$0xFFFFFFC0] =	vst v6;
	v12 =	vmul.f32 v12, v5;
	v16 =	vld [tilespmem:s12+$0x30]  }
0xe3: {  	v6 =	vld.idx.msk [tilespmem:v8+s21+$0x0], $0xffff;
	[tilespmem:s12+$0xFFFFFFD0] =	vst v7;
	v7 =	vmul.f32 v17, v4  }
0xe4: {  	v5 =	vld.idx.msk [tilespmem:v15+s21+$0x0], $0xffff;
	[tilespmem:s12+$0xFFFFFFE0] =	vst v12;
	v8 =	vmul.f32 v18, v4  }
0xe5: {  	v4 =	vld.idx.msk [tilespmem:v14+s21+$0x0], $0xffff;
	[tilespmem:s12+$0xFFFFFFF0] =	vst v7;
	v7 =	vmul.f32 v9, v3  }
0xe6: {  	[tilespmem:s12+$0x0] =	vst v8;
	v8 =	vmul.f32 v10, v3;
	v3 =	vld.idx.msk [tilespmem:v13+s21+$0x0], $0xffff  }
0xe7: {  	s12 =	sadd.s32 $0xA0, s12;
	[tilespmem:s13+$0x10] =	vst v7;
	v9 =	vmul.f32 v16, v2;
	v2 =	vld.idx.msk [tilespmem:v11+s21+$0x0], $0xffff  }
.Ltmp3:
0xe8: {  	s5 =	sadd.s32 $0x1, s14;
	s15 =	sadd.s32 $0x2, s14;
	v7 =	vmov s14;
	v11 =	vld [tilespmem:s12+$0x40];
	[tilespmem:s13+$0x20] =	vst v8;
	(pc) =	sbr.rel @p0 .LBB2_9-.Ltmp3, $4  }
0xe9: {  	v12 =	vmov s15;
	v10 =	vmov s5;
	s5 =	sadd.s32 $0x3, s14;
	v8 =	vand.u32 $0x7F, v7;
	v7 =	vld [tilespmem:s12+$0xFFFFFFB0];
	[tilespmem:s13+$0x30] =	vst v9;
	s13 =	smov.u32 s12  }
0xea: {  	v13 =	vand.u32 $0xFF, v10;
	v10 =	vmov s5;
	v8 =	vor.u32 v1, v8;
	v9 =	vld [tilespmem:s12+$0xFFFFFFC0]  }
0xeb: {  	v12 =	vand.u32 $0xFF, v12;
	v16 =	vand.u32 $0xFF, v10;
	v8 =	vbroadcast v8, $0x0;
	v10 =	vld [tilespmem:s12+$0xFFFFFFD0]  }
0xec: {  	s15 =	sadd.s32 $0x4, s14;
	v14 =	vor.u32 v1, v12;
	s14 =	sadd.s32 $0x5, s14;
	v15 =	vor.u32 v1, v13;
	v13 =	vor.u32 v1, v16;
	v12 =	vld [tilespmem:s12+$0xFFFFFFE0]  }
0xed: {  	_ = 	snop  }
0xee: {  	v17 =	vld [tilespmem:s12+$0xFFFFFFF0]  }
0xef: {  	v18 =	vld [tilespmem:s12+$0x0]  }
0xf0: {  	v16 =	vmov s15;
	v19 =	vld [tilespmem:s12+$0x30]  }
0xf1: {  	v11 =	vmul.f32 v11, v2;
	v8 =	vld.idx.msk [tilespmem:v8+s21+$0x0], $0xffff;
	v16 =	vand.u32 $0xFF, v16  }
0xf2: {  	v15 =	vbroadcast v15, $0x0;
	v1 =	vor.u32 v1, v16;
	v16 =	vld [tilespmem:s12+$0x10]  }
0xf3: {  	v14 =	vbroadcast v14, $0x0;
	s14 =	sadd.s32 $0xA0, s12;
	v7 =	vmul.f32 v7, v6;
	[tilespmem:s12+$0x40] =	vst v11;
	v11 =	vld [tilespmem:s12+$0x20]  }
0xf4: {  	v13 =	vbroadcast v13, $0x0;
	v6 =	vmul.f32 v9, v6;
	v9 =	vld [tilespmem:s14+$0x40]  }
0xf5: {  	[tilespmem:s12+$0xFFFFFFB0] =	vst v7;
	v7 =	vmul.f32 v10, v5;
	v10 =	vld [tilespmem:s14+$0xFFFFFFB0]  }
0xf6: {  	v1 =	vbroadcast v1, $0x0;
	[tilespmem:s12+$0xFFFFFFC0] =	vst v6;
	v6 =	vld [tilespmem:s14+$0xFFFFFFC0]  }
0xf7: {  	v5 =	vmul.f32 v12, v5;
	v12 =	vld [tilespmem:s14+$0xFFFFFFD0]  }
0xf8: {  	v15 =	vld.idx.msk [tilespmem:v15+s21+$0x0], $0xffff  }
0xf9: {  	[tilespmem:s12+$0xFFFFFFD0] =	vst v7;
	v7 =	vmul.f32 v17, v4;
	v14 =	vld.idx.msk [tilespmem:v14+s21+$0x0], $0xffff  }
0xfa: {  	v4 =	vmul.f32 v18, v4;
	v13 =	vld.idx.msk [tilespmem:v13+s21+$0x0], $0xffff;
	[tilespmem:s12+$0xFFFFFFE0] =	vst v5  }
0xfb: {  	v2 =	vmul.f32 v19, v2;
	v5 =	vld [tilespmem:s14+$0xFFFFFFE0];
	[tilespmem:s12+$0xFFFFFFF0] =	vst v7  }
0xfc: {  	v7 =	vmul.f32 v16, v3;
	[tilespmem:s12+$0x0] =	vst v4;
	v1 =	vld.idx.msk [tilespmem:v1+s21+$0x0], $0xffff  }
0xfd: {  	v3 =	vmul.f32 v11, v3;
	v4 =	vld [tilespmem:s14+$0x0];
	[tilespmem:s13+$0x30] =	vst v2  }
0xfe: {  	v16 =	vld [tilespmem:s14+$0xFFFFFFF0];
	v2 =	vmul.f32 v10, v8;
	[tilespmem:s13+$0x10] =	vst v7  }
0xff: {  	v10 =	vld [tilespmem:s14+$0x30];
	[tilespmem:s13+$0x20] =	vst v3;
	v6 =	vmul.f32 v6, v8  }
0x100: {  	v7 =	vld [tilespmem:s14+$0x10];
	[tilespmem:s14+$0xFFFFFFB0] =	vst v2;
	v2 =	vmul.f32 v12, v15  }
0x101: {  	[tilespmem:s14+$0xFFFFFFC0] =	vst v6;
	v3 =	vmul.f32 v9, v1;
	v9 =	vld [tilespmem:s14+$0x20]  }
0x102: {  	[tilespmem:s14+$0xFFFFFFD0] =	vst v2;
	v2 =	vmul.f32 v4, v14  }
0x103: {  	s16 =	simm.s32 $0x2;
	[tilespmem:s14+$0x40] =	vst v3;
	v3 =	vmul.f32 v5, v15  }
0x104: {  	v8 =	vmov s16;
	[tilespmem:s14+$0x0] =	vst v2;
	v5 =	vmul.f32 v16, v14  }
0x105: {  	s5 =	simm.s32 $0x0;
	s15 =	simm.s32 $0x1;
	v4 =	vmul.f32 v7, v13;
	v6 =	vmul.f32 v10, v1;
	v1 =	vmov s10;
	[tilespmem:s14+$0xFFFFFFE0] =	vst v3  }
0x106: {  	v7 =	vmov s15;
	[tilespmem:s14+$0xFFFFFFF0] =	vst v5;
	v5 =	vmov s5;
	v3 =	vmul.f32 v9, v13  }
0x107: {  	s17 =	simm.s32 $0x3;
	[tilespmem:s14+$0x10] =	vst v4;
	v2 =	vand.u32 $0x7F, v5;
	v5 =	vand.u32 $0x7, v7;
	v7 =	vand.u32 $0xF8, v7  }
0x108: {  	v4 =	vmov s17;
	[tilespmem:s14+$0x30] =	vst v6;
	v6 =	vand.u32 $0xF8, v8;
	v7 =	vadd.s32 v1, v7  }
0x109: {  	s12 =	sadd.s32 $0x2800, s11;
	s13 =	simm.s32 $0x4;
	v6 =	vadd.s32 v1, v6;
	v9 =	vand.u32 $0x7, v8;
	[tilespmem:s14+$0x20] =	vst v3;
	v5 =	vor.u32 v5, v7  }
0x10a: {  	v2 =	vor.u32 v1, v2;
	v8 =	vor.u32 v9, v6;
	v3 =	vand.u32 $0x7, v4;
	[spmem:s3] =	stream.indirect.scatter.add.f32 [tilespmem:s24], [sflag:$0x2], $0x20, s12, s22, $0xb8;
	[tilespmem:$0x14500] =	vst v63  }
0x10b: {  	v2 =	vbroadcast v2, $0x0;
	v4 =	vand.u32 $0xF8, v4;
	v7 =	vmov s13;
	_ =	swait.ge [sflag:s31], $0xFA0  }
0x10c: {  	v4 =	vadd.s32 v1, v4;
	v6 =	vand.u32 $0xF8, v7;
	[sflag:s31] =	ssyncset.done $0x0  }
0x10d: {  	v3 =	vor.u32 v3, v4;
	v4 =	vand.u32 $0x7, v7;
	v6 =	vadd.s32 v1, v6;
	[sflag:s31] =	ssyncadd.s32 $0xFFFFF060  }
0x10e: {  	v7 =	vor.u32 v4, v6;
	v5 =	vld.idx.msk [tilespmem:v5+s21+$0x0], $0xffff  }
0x10f: {  	s11 =	simm.s32 $0xA730;
	v4 =	vld.idx.msk [tilespmem:v8+s21+$0x0], $0xffff  }
0x110: {  	s16 =	simm.s32 $0x7;
	v18 =	vld [tilespmem:s11+$0x40]  }
0x111: {  	v11 =	vmov s16;
	v6 =	vld.idx.msk [tilespmem:v2+s21+$0x0], $0xffff  }
0x112: {  	v17 =	vand.u32 $0xF8, v11;
	v2 =	vld.idx.msk [tilespmem:v3+s21+$0x0], $0xffff  }
0x113: {  	v17 =	vadd.s32 v1, v17;
	s17 =	simm.s32 $0x8;
	s14 =	simm.s32 $0x5;
	v3 =	vld.idx.msk [tilespmem:v7+s21+$0x0], $0xffff  }
0x114: {  	s15 =	simm.s32 $0x6;
	v15 =	vand.u32 $0x7, v11;
	v13 =	vmov s17;
	v8 =	vmov s14;
	v7 =	vld [tilespmem:s11+$0xFFFFFFB0]  }
0x115: {  	v9 =	vmov s15;
	v14 =	vand.u32 $0x7, v13;
	v10 =	vld [tilespmem:s11+$0xFFFFFFC0];
	v8 =	vand.u32 $0x7F, v8  }
0x116: {  	v12 =	vand.u32 $0x7, v9;
	v9 =	vand.u32 $0xF8, v9;
	v16 =	vor.u32 v1, v8;
	v8 =	vld [tilespmem:s11+$0xFFFFFFD0]  }
0x117: {  	v19 =	vand.u32 $0xF8, v13;
	v13 =	vadd.s32 v1, v9;
	v9 =	vld [tilespmem:s11+$0xFFFFFFE0];
	v11 =	vbroadcast v16, $0x0  }
0x118: {  	s13 =	simm.s32 $0xA;
	s12 =	simm.s32 $0xA730;
	v13 =	vor.u32 v12, v13;
	s14 =	simm.s32 $0x9;
	v12 =	vld [tilespmem:s11+$0xFFFFFFF0];
	v16 =	vadd.s32 v1, v19;
	v18 =	vmul.f32 v18, v3  }
.LBB2_11:
0x119: {  	p0 =	slt.u32 s13, $0x78;
	v15 =	vor.u32 v15, v17;
	v17 =	vmov s14;
	v7 =	vmul.f32 v7, v6;
	v19 =	vld [tilespmem:s11+$0x0]  }
0x11a: {  	v14 =	vor.u32 v14, v16;
	v16 =	vand.u32 $0xF8, v17;
	v6 =	vmul.f32 v10, v6;
	v10 =	vld [tilespmem:s11+$0x10];
	[tilespmem:s11+$0x40] =	vst v18  }
0x11b: {  	v17 =	vand.u32 $0x7, v17;
	v16 =	vadd.s32 v1, v16;
	[tilespmem:s11+$0xFFFFFFB0] =	vst v7;
	v7 =	vmul.f32 v8, v5;
	v8 =	vld [tilespmem:s11+$0x20]  }
0x11c: {  	v16 =	vor.u32 v17, v16;
	[tilespmem:s11+$0xFFFFFFC0] =	vst v6;
	v9 =	vmul.f32 v9, v5;
	v17 =	vld [tilespmem:s11+$0x30]  }
0x11d: {  	v6 =	vld.idx.msk [tilespmem:v11+s21+$0x0], $0xffff;
	[tilespmem:s11+$0xFFFFFFD0] =	vst v7;
	v7 =	vmul.f32 v12, v4  }
0x11e: {  	v5 =	vld.idx.msk [tilespmem:v13+s21+$0x0], $0xffff;
	[tilespmem:s11+$0xFFFFFFE0] =	vst v9;
	v9 =	vmul.f32 v19, v4  }
0x11f: {  	v4 =	vld.idx.msk [tilespmem:v15+s21+$0x0], $0xffff;
	[tilespmem:s11+$0xFFFFFFF0] =	vst v7;
	v7 =	vmul.f32 v10, v2  }
0x120: {  	[tilespmem:s11+$0x0] =	vst v9;
	v8 =	vmul.f32 v8, v2;
	v2 =	vld.idx.msk [tilespmem:v14+s21+$0x0], $0xffff  }
0x121: {  	s5 =	sadd.s32 $0x1, s13;
	v9 =	vmov s13;
	s11 =	sadd.s32 $0xA0, s11;
	[tilespmem:s12+$0x10] =	vst v7;
	v10 =	vmul.f32 v17, v3;
	v3 =	vld.idx.msk [tilespmem:v16+s21+$0x0], $0xffff  }
0x122: {  	s14 =	sadd.s32 $0x3, s13;
	v11 =	vmov s5;
	s5 =	sadd.s32 $0x2, s13;
	v9 =	vand.u32 $0x7F, v9;
	v18 =	vld [tilespmem:s11+$0x40];
	[tilespmem:s12+$0x20] =	vst v8  }
.Ltmp4:
0x123: {  	v12 =	vand.u32 $0x7, v11;
	v13 =	vmov s14;
	v8 =	vmov s5;
	v7 =	vld [tilespmem:s11+$0xFFFFFFB0];
	[tilespmem:s12+$0x30] =	vst v10;
	s12 =	smov.u32 s11;
	(pc) =	sbr.rel @p0 .LBB2_11-.Ltmp4, $4  }
0x124: {  	v14 =	vand.u32 $0x7, v13;
	v9 =	vor.u32 v1, v9;
	v15 =	vand.u32 $0x7, v8;
	v10 =	vld [tilespmem:s11+$0xFFFFFFC0]  }
0x125: {  	v19 =	vand.u32 $0xF8, v13;
	v16 =	vand.u32 $0xF8, v11;
	v17 =	vand.u32 $0xF8, v8;
	v8 =	vld [tilespmem:s11+$0xFFFFFFD0]  }
0x126: {  	v13 =	vadd.s32 v1, v16;
	v11 =	vbroadcast v9, $0x0;
	v17 =	vadd.s32 v1, v17;
	v9 =	vld [tilespmem:s11+$0xFFFFFFE0]  }
0x127: {  	s14 =	sadd.s32 $0x4, s13;
	s13 =	sadd.s32 $0x5, s13;
	v16 =	vadd.s32 v1, v19;
	v13 =	vor.u32 v12, v13;
	v12 =	vld [tilespmem:s11+$0xFFFFFFF0];
	v18 =	vmul.f32 v18, v3  }
0x128: {  	_ =	sdelay $0x1  }
0x129: {  	v20 =	vld [tilespmem:s11+$0x0]  }
0x12a: {  	v21 =	vld [tilespmem:s11+$0x10]  }
0x12b: {  	v11 =	vld.idx.msk [tilespmem:v11+s21+$0x0], $0xffff  }
0x12c: {  	v19 =	vmov s14;
	v15 =	vor.u32 v15, v17;
	v13 =	vld.idx.msk [tilespmem:v13+s21+$0x0], $0xffff;
	s13 =	sadd.s32 $0xA0, s11  }
0x12d: {  	v7 =	vmul.f32 v7, v6;
	v17 =	vand.u32 $0xF8, v19;
	v6 =	vmul.f32 v10, v6;
	v10 =	vld [tilespmem:s13+$0xFFFFFFE0]  }
0x12e: {  	v14 =	vor.u32 v14, v16;
	v16 =	vand.u32 $0x7, v19;
	v1 =	vadd.s32 v1, v17;
	v17 =	vld [tilespmem:s11+$0x20]  }
0x12f: {  	[tilespmem:s11+$0xFFFFFFB0] =	vst v7;
	v7 =	vmul.f32 v8, v5;
	v8 =	vld [tilespmem:s13+$0x40];
	v1 =	vor.u32 v16, v1  }
0x130: {  	[tilespmem:s11+$0x40] =	vst v18;
	v16 =	vld [tilespmem:s11+$0x30]  }
0x131: {  	[tilespmem:s11+$0xFFFFFFC0] =	vst v6;
	v5 =	vmul.f32 v9, v5;
	v6 =	vld [tilespmem:s13+$0xFFFFFFB0]  }
0x132: {  	v9 =	vld [tilespmem:s13+$0xFFFFFFC0];
	[tilespmem:s11+$0xFFFFFFD0] =	vst v7;
	v7 =	vmul.f32 v12, v4  }
0x133: {  	v15 =	vld.idx.msk [tilespmem:v15+s21+$0x0], $0xffff;
	[tilespmem:s11+$0xFFFFFFE0] =	vst v5;
	v4 =	vmul.f32 v20, v4  }
0x134: {  	[tilespmem:s11+$0xFFFFFFF0] =	vst v7;
	v7 =	vmul.f32 v21, v2;
	v1 =	vld.idx.msk [tilespmem:v1+s21+$0x0], $0xffff  }
0x135: {  	v5 =	vld [tilespmem:s13+$0xFFFFFFD0];
	[tilespmem:s11+$0x0] =	vst v4;
	v2 =	vmul.f32 v17, v2  }
0x136: {  	v14 =	vld.idx.msk [tilespmem:v14+s21+$0x0], $0xffff;
	[tilespmem:s12+$0x10] =	vst v7;
	v3 =	vmul.f32 v16, v3  }
0x137: {  	v4 =	vld [tilespmem:s13+$0xFFFFFFF0];
	v9 =	vmul.f32 v9, v11;
	[tilespmem:s12+$0x20] =	vst v2  }
0x138: {  	v7 =	vld [tilespmem:s13+$0x0];
	[tilespmem:s12+$0x30] =	vst v3;
	v3 =	vmul.f32 v6, v11  }
0x139: {  	v6 =	vld [tilespmem:s13+$0x20];
	[tilespmem:s13+$0xFFFFFFC0] =	vst v9;
	v2 =	vmul.f32 v8, v1  }
0x13a: {  	[tilespmem:s13+$0xFFFFFFB0] =	vst v3;
	v3 =	vmul.f32 v5, v13;
	v8 =	vld [tilespmem:s13+$0x10]  }
0x13b: {  	v5 =	vmul.f32 v10, v13;
	[tilespmem:s13+$0x40] =	vst v2;
	v2 =	vld [tilespmem:s13+$0x30]  }
0x13c: {  	s5 =	simm.s32 $0x0;
	[tilespmem:s13+$0xFFFFFFD0] =	vst v3;
	v3 =	vmul.f32 v4, v15  }
0x13d: {  	v4 =	vmul.f32 v7, v15;
	[tilespmem:s13+$0xFFFFFFE0] =	vst v5;
	v7 =	vmov s5  }
0x13e: {  	s16 =	simm.s32 $0x1;
	s17 =	simm.s32 $0x2;
	v6 =	vmul.f32 v6, v14;
	[tilespmem:s13+$0xFFFFFFF0] =	vst v3;
	v3 =	vand.u32 $0x7F, v7  }
0x13f: {  	[tilespmem:s13+$0x0] =	vst v4;
	v4 =	vmov s16;
	v7 =	vmov s17;
	v5 =	vmul.f32 v8, v14  }
0x140: {  	s11 =	simm.s32 $0x3;
	v4 =	vand.u32 $0xFF, v4;
	[tilespmem:s13+$0x20] =	vst v6;
	v2 =	vmul.f32 v2, v1;
	v1 =	vmov s9  }
0x141: {  	v6 =	vand.u32 $0xFF, v7;
	[tilespmem:s13+$0x10] =	vst v5;
	v5 =	vmov s11;
	v3 =	vor.u32 v1, v3  }
0x142: {  	s10 =	sadd.s32 $0x2800, s10;
	s12 =	simm.s32 $0x4;
	v5 =	vand.u32 $0xFF, v5;
	v4 =	vor.u32 v1, v4;
	v3 =	vbroadcast v3, $0x0;
	[tilespmem:s13+$0x30] =	vst v2  }
0x143: {  	v2 =	vor.u32 v1, v6;
	v4 =	vbroadcast v4, $0x0;
	v6 =	vmov s12;
	[spmem:s3] =	stream.indirect.scatter.add.f32 [tilespmem:s25], [sflag:$0x2], $0x20, s10, s22, $0xb8;
	[tilespmem:$0x14500] =	vst v63  }
0x144: {  	v5 =	vor.u32 v1, v5;
	v2 =	vbroadcast v2, $0x0;
	v6 =	vand.u32 $0xFF, v6;
	_ =	swait.ge [sflag:s31], $0xFA0  }
0x145: {  	v7 =	vbroadcast v5, $0x0;
	v5 =	vor.u32 v1, v6;
	[sflag:s31] =	ssyncset.done $0x0  }
0x146: {  	s10 =	simm.s32 $0xB6D0;
	v8 =	vbroadcast v5, $0x0;
	[sflag:s31] =	ssyncadd.s32 $0xFFFFF060  }
0x147: {  	v11 =	vld [tilespmem:s10+$0x40]  }
0x148: {  	v6 =	vld.idx.msk [tilespmem:v3+s21+$0x0], $0xffff  }
0x149: {  	v5 =	vld.idx.msk [tilespmem:v4+s21+$0x0], $0xffff  }
0x14a: {  	v4 =	vld.idx.msk [tilespmem:v2+s21+$0x0], $0xffff  }
0x14b: {  	s14 =	simm.s32 $0x5;
	v3 =	vld.idx.msk [tilespmem:v7+s21+$0x0], $0xffff  }
0x14c: {  	s15 =	simm.s32 $0x6;
	s16 =	simm.s32 $0x7;
	v7 =	vmov s14;
	v2 =	vld.idx.msk [tilespmem:v8+s21+$0x0], $0xffff  }
0x14d: {  	v9 =	vmov s15;
	s17 =	simm.s32 $0x8;
	v10 =	vmov s16;
	v8 =	vand.u32 $0x7F, v7;
	v7 =	vld [tilespmem:s10+$0xFFFFFFB0]  }
0x14e: {  	v12 =	vand.u32 $0xFF, v9;
	v13 =	vmov s17;
	v14 =	vand.u32 $0xFF, v10;
	v9 =	vld [tilespmem:s10+$0xFFFFFFC0]  }
0x14f: {  	v13 =	vand.u32 $0xFF, v13;
	v15 =	vor.u32 v1, v12;
	v10 =	vld [tilespmem:s10+$0xFFFFFFD0];
	v8 =	vor.u32 v1, v8  }
0x150: {  	s11 =	simm.s32 $0xB6D0;
	v14 =	vor.u32 v1, v14;
	v13 =	vor.u32 v1, v13;
	s13 =	simm.s32 $0x9;
	s12 =	simm.s32 $0xA;
	v12 =	vld [tilespmem:s10+$0xFFFFFFE0];
	v8 =	vbroadcast v8, $0x0  }
.LBB2_13:
0x151: {  	p0 =	slt.u32 s12, $0x78;
	v15 =	vbroadcast v15, $0x0;
	v16 =	vmov s13;
	v17 =	vld [tilespmem:s10+$0xFFFFFFF0];
	v11 =	vmul.f32 v11, v2  }
0x152: {  	v14 =	vbroadcast v14, $0x0;
	v16 =	vand.u32 $0xFF, v16;
	v7 =	vmul.f32 v7, v6;
	v18 =	vld [tilespmem:s10+$0x0]  }
0x153: {  	v13 =	vbroadcast v13, $0x0;
	v16 =	vor.u32 v1, v16;
	v6 =	vmul.f32 v9, v6;
	v9 =	vld [tilespmem:s10+$0x10];
	[tilespmem:s10+$0x40] =	vst v11  }
0x154: {  	v11 =	vbroadcast v16, $0x0;
	[tilespmem:s10+$0xFFFFFFB0] =	vst v7;
	v7 =	vmul.f32 v10, v5;
	v10 =	vld [tilespmem:s10+$0x20]  }
0x155: {  	[tilespmem:s10+$0xFFFFFFC0] =	vst v6;
	v12 =	vmul.f32 v12, v5;
	v16 =	vld [tilespmem:s10+$0x30]  }
0x156: {  	v6 =	vld.idx.msk [tilespmem:v8+s21+$0x0], $0xffff;
	[tilespmem:s10+$0xFFFFFFD0] =	vst v7;
	v7 =	vmul.f32 v17, v4  }
0x157: {  	v5 =	vld.idx.msk [tilespmem:v15+s21+$0x0], $0xffff;
	[tilespmem:s10+$0xFFFFFFE0] =	vst v12;
	v8 =	vmul.f32 v18, v4  }
0x158: {  	v4 =	vld.idx.msk [tilespmem:v14+s21+$0x0], $0xffff;
	[tilespmem:s10+$0xFFFFFFF0] =	vst v7;
	v7 =	vmul.f32 v9, v3  }
0x159: {  	[tilespmem:s10+$0x0] =	vst v8;
	v8 =	vmul.f32 v10, v3;
	v3 =	vld.idx.msk [tilespmem:v13+s21+$0x0], $0xffff  }
0x15a: {  	s10 =	sadd.s32 $0xA0, s10;
	[tilespmem:s11+$0x10] =	vst v7;
	v9 =	vmul.f32 v16, v2;
	v2 =	vld.idx.msk [tilespmem:v11+s21+$0x0], $0xffff  }
.Ltmp5:
0x15b: {  	s5 =	sadd.s32 $0x1, s12;
	s13 =	sadd.s32 $0x2, s12;
	v7 =	vmov s12;
	v11 =	vld [tilespmem:s10+$0x40];
	[tilespmem:s11+$0x20] =	vst v8;
	(pc) =	sbr.rel @p0 .LBB2_13-.Ltmp5, $4  }
0x15c: {  	v12 =	vmov s13;
	v10 =	vmov s5;
	s5 =	sadd.s32 $0x3, s12;
	v8 =	vand.u32 $0x7F, v7;
	v7 =	vld [tilespmem:s10+$0xFFFFFFB0];
	[tilespmem:s11+$0x30] =	vst v9;
	s11 =	smov.u32 s10  }
0x15d: {  	v13 =	vand.u32 $0xFF, v10;
	v10 =	vmov s5;
	v8 =	vor.u32 v1, v8;
	v9 =	vld [tilespmem:s10+$0xFFFFFFC0]  }
0x15e: {  	v12 =	vand.u32 $0xFF, v12;
	v16 =	vand.u32 $0xFF, v10;
	v8 =	vbroadcast v8, $0x0;
	v10 =	vld [tilespmem:s10+$0xFFFFFFD0]  }
0x15f: {  	s13 =	sadd.s32 $0x4, s12;
	v14 =	vor.u32 v1, v12;
	s12 =	sadd.s32 $0x5, s12;
	v15 =	vor.u32 v1, v13;
	v13 =	vor.u32 v1, v16;
	v12 =	vld [tilespmem:s10+$0xFFFFFFE0]  }
0x160: {  	_ = 	snop  }
0x161: {  	v17 =	vld [tilespmem:s10+$0xFFFFFFF0]  }
0x162: {  	v18 =	vld [tilespmem:s10+$0x0]  }
0x163: {  	v16 =	vmov s13;
	v19 =	vld [tilespmem:s10+$0x30]  }
0x164: {  	v11 =	vmul.f32 v11, v2;
	v8 =	vld.idx.msk [tilespmem:v8+s21+$0x0], $0xffff;
	v16 =	vand.u32 $0xFF, v16  }
0x165: {  	v15 =	vbroadcast v15, $0x0;
	v1 =	vor.u32 v1, v16;
	v16 =	vld [tilespmem:s10+$0x10]  }
0x166: {  	v14 =	vbroadcast v14, $0x0;
	s12 =	sadd.s32 $0xA0, s10;
	v7 =	vmul.f32 v7, v6;
	[tilespmem:s10+$0x40] =	vst v11;
	v11 =	vld [tilespmem:s10+$0x20]  }
0x167: {  	v13 =	vbroadcast v13, $0x0;
	v6 =	vmul.f32 v9, v6;
	v9 =	vld [tilespmem:s12+$0x40]  }
0x168: {  	[tilespmem:s10+$0xFFFFFFB0] =	vst v7;
	v7 =	vmul.f32 v10, v5;
	v10 =	vld [tilespmem:s12+$0xFFFFFFB0]  }
0x169: {  	v1 =	vbroadcast v1, $0x0;
	[tilespmem:s10+$0xFFFFFFC0] =	vst v6;
	v6 =	vld [tilespmem:s12+$0xFFFFFFC0]  }
0x16a: {  	v5 =	vmul.f32 v12, v5;
	v12 =	vld [tilespmem:s12+$0xFFFFFFD0]  }
0x16b: {  	v15 =	vld.idx.msk [tilespmem:v15+s21+$0x0], $0xffff  }
0x16c: {  	[tilespmem:s10+$0xFFFFFFD0] =	vst v7;
	v7 =	vmul.f32 v17, v4;
	v14 =	vld.idx.msk [tilespmem:v14+s21+$0x0], $0xffff  }
0x16d: {  	v4 =	vmul.f32 v18, v4;
	v13 =	vld.idx.msk [tilespmem:v13+s21+$0x0], $0xffff;
	[tilespmem:s10+$0xFFFFFFE0] =	vst v5  }
0x16e: {  	v2 =	vmul.f32 v19, v2;
	v5 =	vld [tilespmem:s12+$0xFFFFFFE0];
	[tilespmem:s10+$0xFFFFFFF0] =	vst v7  }
0x16f: {  	v7 =	vmul.f32 v16, v3;
	[tilespmem:s10+$0x0] =	vst v4;
	v1 =	vld.idx.msk [tilespmem:v1+s21+$0x0], $0xffff  }
0x170: {  	v3 =	vmul.f32 v11, v3;
	v4 =	vld [tilespmem:s12+$0x0];
	[tilespmem:s11+$0x30] =	vst v2  }
0x171: {  	v16 =	vld [tilespmem:s12+$0xFFFFFFF0];
	v2 =	vmul.f32 v10, v8;
	[tilespmem:s11+$0x10] =	vst v7  }
0x172: {  	v10 =	vld [tilespmem:s12+$0x30];
	[tilespmem:s11+$0x20] =	vst v3;
	v6 =	vmul.f32 v6, v8  }
0x173: {  	v7 =	vld [tilespmem:s12+$0x10];
	[tilespmem:s12+$0xFFFFFFB0] =	vst v2;
	v2 =	vmul.f32 v12, v15  }
0x174: {  	[tilespmem:s12+$0xFFFFFFC0] =	vst v6;
	v3 =	vmul.f32 v9, v1;
	v9 =	vld [tilespmem:s12+$0x20]  }
0x175: {  	[tilespmem:s12+$0xFFFFFFD0] =	vst v2;
	v2 =	vmul.f32 v4, v14  }
0x176: {  	s10 =	simm.s32 $0x2;
	[tilespmem:s12+$0x40] =	vst v3;
	v3 =	vmul.f32 v5, v15  }
0x177: {  	v8 =	vmov s10;
	[tilespmem:s12+$0x0] =	vst v2;
	v5 =	vmul.f32 v16, v14  }
0x178: {  	s5 =	simm.s32 $0x0;
	s17 =	simm.s32 $0x1;
	v4 =	vmul.f32 v7, v13;
	v6 =	vmul.f32 v10, v1;
	v1 =	vmov s8;
	[tilespmem:s12+$0xFFFFFFE0] =	vst v3  }
0x179: {  	v7 =	vmov s17;
	[tilespmem:s12+$0xFFFFFFF0] =	vst v5;
	v5 =	vmov s5;
	v3 =	vmul.f32 v9, v13  }
0x17a: {  	s11 =	simm.s32 $0x3;
	[tilespmem:s12+$0x10] =	vst v4;
	v2 =	vand.u32 $0x7F, v5;
	v5 =	vand.u32 $0x7, v7;
	v7 =	vand.u32 $0xF8, v7  }
0x17b: {  	v4 =	vmov s11;
	[tilespmem:s12+$0x30] =	vst v6;
	v6 =	vand.u32 $0xF8, v8;
	v7 =	vadd.s32 v1, v7  }
0x17c: {  	s13 =	simm.s32 $0x4;
	v6 =	vadd.s32 v1, v6;
	v9 =	vand.u32 $0x7, v8;
	[tilespmem:s12+$0x20] =	vst v3;
	s12 =	sadd.s32 $0x2800, s9;
	v5 =	vor.u32 v5, v7  }
0x17d: {  	v2 =	vor.u32 v1, v2;
	v8 =	vor.u32 v9, v6;
	v3 =	vand.u32 $0x7, v4;
	[spmem:s3] =	stream.indirect.scatter.add.f32 [tilespmem:s26], [sflag:$0x2], $0x20, s12, s22, $0xb8;
	[tilespmem:$0x14500] =	vst v63  }
0x17e: {  	v2 =	vbroadcast v2, $0x0;
	v4 =	vand.u32 $0xF8, v4;
	v7 =	vmov s13;
	_ =	swait.ge [sflag:s31], $0xFA0  }
0x17f: {  	v4 =	vadd.s32 v1, v4;
	v6 =	vand.u32 $0xF8, v7;
	[sflag:s31] =	ssyncset.done $0x0  }
0x180: {  	v3 =	vor.u32 v3, v4;
	v4 =	vand.u32 $0x7, v7;
	v6 =	vadd.s32 v1, v6;
	[sflag:s31] =	ssyncadd.s32 $0xFFFFF060  }
0x181: {  	v7 =	vor.u32 v4, v6;
	v5 =	vld.idx.msk [tilespmem:v5+s21+$0x0], $0xffff  }
0x182: {  	s9 =	simm.s32 $0xC670;
	v4 =	vld.idx.msk [tilespmem:v8+s21+$0x0], $0xffff  }
0x183: {  	s16 =	simm.s32 $0x7;
	v18 =	vld [tilespmem:s9+$0x40]  }
0x184: {  	v11 =	vmov s16;
	v6 =	vld.idx.msk [tilespmem:v2+s21+$0x0], $0xffff  }
0x185: {  	v17 =	vand.u32 $0xF8, v11;
	v2 =	vld.idx.msk [tilespmem:v3+s21+$0x0], $0xffff  }
0x186: {  	s14 =	simm.s32 $0x5;
	s17 =	simm.s32 $0x8;
	v17 =	vadd.s32 v1, v17;
	v3 =	vld.idx.msk [tilespmem:v7+s21+$0x0], $0xffff  }
0x187: {  	s15 =	simm.s32 $0x6;
	v15 =	vand.u32 $0x7, v11;
	v13 =	vmov s17;
	v8 =	vmov s14;
	v7 =	vld [tilespmem:s9+$0xFFFFFFB0]  }
0x188: {  	v9 =	vmov s15;
	v14 =	vand.u32 $0x7, v13;
	v10 =	vld [tilespmem:s9+$0xFFFFFFC0];
	v8 =	vand.u32 $0x7F, v8  }
0x189: {  	v12 =	vand.u32 $0x7, v9;
	v9 =	vand.u32 $0xF8, v9;
	v16 =	vor.u32 v1, v8;
	v8 =	vld [tilespmem:s9+$0xFFFFFFD0]  }
0x18a: {  	v19 =	vand.u32 $0xF8, v13;
	v13 =	vadd.s32 v1, v9;
	v9 =	vld [tilespmem:s9+$0xFFFFFFE0];
	v11 =	vbroadcast v16, $0x0  }
0x18b: {  	s10 =	simm.s32 $0xC670;
	s11 =	simm.s32 $0xA;
	s12 =	simm.s32 $0x9;
	v13 =	vor.u32 v12, v13;
	v12 =	vld [tilespmem:s9+$0xFFFFFFF0];
	v16 =	vadd.s32 v1, v19;
	v18 =	vmul.f32 v18, v3  }
.LBB2_15:
0x18c: {  	p0 =	slt.u32 s11, $0x78;
	v15 =	vor.u32 v15, v17;
	v17 =	vmov s12;
	v7 =	vmul.f32 v7, v6;
	v19 =	vld [tilespmem:s9+$0x0]  }
0x18d: {  	v14 =	vor.u32 v14, v16;
	v16 =	vand.u32 $0xF8, v17;
	v6 =	vmul.f32 v10, v6;
	v10 =	vld [tilespmem:s9+$0x10];
	[tilespmem:s9+$0x40] =	vst v18  }
0x18e: {  	v17 =	vand.u32 $0x7, v17;
	v16 =	vadd.s32 v1, v16;
	[tilespmem:s9+$0xFFFFFFB0] =	vst v7;
	v7 =	vmul.f32 v8, v5;
	v8 =	vld [tilespmem:s9+$0x20]  }
0x18f: {  	v16 =	vor.u32 v17, v16;
	[tilespmem:s9+$0xFFFFFFC0] =	vst v6;
	v9 =	vmul.f32 v9, v5;
	v17 =	vld [tilespmem:s9+$0x30]  }
0x190: {  	v6 =	vld.idx.msk [tilespmem:v11+s21+$0x0], $0xffff;
	[tilespmem:s9+$0xFFFFFFD0] =	vst v7;
	v7 =	vmul.f32 v12, v4  }
0x191: {  	v5 =	vld.idx.msk [tilespmem:v13+s21+$0x0], $0xffff;
	[tilespmem:s9+$0xFFFFFFE0] =	vst v9;
	v9 =	vmul.f32 v19, v4  }
0x192: {  	v4 =	vld.idx.msk [tilespmem:v15+s21+$0x0], $0xffff;
	[tilespmem:s9+$0xFFFFFFF0] =	vst v7;
	v7 =	vmul.f32 v10, v2  }
0x193: {  	[tilespmem:s9+$0x0] =	vst v9;
	v8 =	vmul.f32 v8, v2;
	v2 =	vld.idx.msk [tilespmem:v14+s21+$0x0], $0xffff  }
0x194: {  	s5 =	sadd.s32 $0x1, s11;
	v9 =	vmov s11;
	s9 =	sadd.s32 $0xA0, s9;
	[tilespmem:s10+$0x10] =	vst v7;
	v10 =	vmul.f32 v17, v3;
	v3 =	vld.idx.msk [tilespmem:v16+s21+$0x0], $0xffff  }
0x195: {  	s12 =	sadd.s32 $0x3, s11;
	v11 =	vmov s5;
	s5 =	sadd.s32 $0x2, s11;
	v9 =	vand.u32 $0x7F, v9;
	v18 =	vld [tilespmem:s9+$0x40];
	[tilespmem:s10+$0x20] =	vst v8  }
.Ltmp6:
0x196: {  	v12 =	vand.u32 $0x7, v11;
	v13 =	vmov s12;
	v8 =	vmov s5;
	v7 =	vld [tilespmem:s9+$0xFFFFFFB0];
	[tilespmem:s10+$0x30] =	vst v10;
	s10 =	smov.u32 s9;
	(pc) =	sbr.rel @p0 .LBB2_15-.Ltmp6, $4  }
0x197: {  	v14 =	vand.u32 $0x7, v13;
	v9 =	vor.u32 v1, v9;
	v15 =	vand.u32 $0x7, v8;
	v10 =	vld [tilespmem:s9+$0xFFFFFFC0]  }
0x198: {  	v19 =	vand.u32 $0xF8, v13;
	v16 =	vand.u32 $0xF8, v11;
	v17 =	vand.u32 $0xF8, v8;
	v8 =	vld [tilespmem:s9+$0xFFFFFFD0]  }
0x199: {  	v13 =	vadd.s32 v1, v16;
	v11 =	vbroadcast v9, $0x0;
	v17 =	vadd.s32 v1, v17;
	v9 =	vld [tilespmem:s9+$0xFFFFFFE0]  }
0x19a: {  	s12 =	sadd.s32 $0x4, s11;
	s11 =	sadd.s32 $0x5, s11;
	v16 =	vadd.s32 v1, v19;
	v13 =	vor.u32 v12, v13;
	v12 =	vld [tilespmem:s9+$0xFFFFFFF0];
	v18 =	vmul.f32 v18, v3  }
0x19b: {  	_ =	sdelay $0x1  }
0x19c: {  	v20 =	vld [tilespmem:s9+$0x0]  }
0x19d: {  	v21 =	vld [tilespmem:s9+$0x10]  }
0x19e: {  	v11 =	vld.idx.msk [tilespmem:v11+s21+$0x0], $0xffff  }
0x19f: {  	v19 =	vmov s12;
	v15 =	vor.u32 v15, v17;
	v13 =	vld.idx.msk [tilespmem:v13+s21+$0x0], $0xffff;
	s11 =	sadd.s32 $0xA0, s9  }
0x1a0: {  	v7 =	vmul.f32 v7, v6;
	v17 =	vand.u32 $0xF8, v19;
	v6 =	vmul.f32 v10, v6;
	v10 =	vld [tilespmem:s11+$0xFFFFFFE0]  }
0x1a1: {  	v14 =	vor.u32 v14, v16;
	v16 =	vand.u32 $0x7, v19;
	v1 =	vadd.s32 v1, v17;
	v17 =	vld [tilespmem:s9+$0x20]  }
0x1a2: {  	[tilespmem:s9+$0xFFFFFFB0] =	vst v7;
	v7 =	vmul.f32 v8, v5;
	v8 =	vld [tilespmem:s11+$0x40];
	v1 =	vor.u32 v16, v1  }
0x1a3: {  	[tilespmem:s9+$0x40] =	vst v18;
	v16 =	vld [tilespmem:s9+$0x30]  }
0x1a4: {  	[tilespmem:s9+$0xFFFFFFC0] =	vst v6;
	v5 =	vmul.f32 v9, v5;
	v6 =	vld [tilespmem:s11+$0xFFFFFFB0]  }
0x1a5: {  	v9 =	vld [tilespmem:s11+$0xFFFFFFC0];
	[tilespmem:s9+$0xFFFFFFD0] =	vst v7;
	v7 =	vmul.f32 v12, v4  }
0x1a6: {  	v15 =	vld.idx.msk [tilespmem:v15+s21+$0x0], $0xffff;
	[tilespmem:s9+$0xFFFFFFE0] =	vst v5;
	v4 =	vmul.f32 v20, v4  }
0x1a7: {  	[tilespmem:s9+$0xFFFFFFF0] =	vst v7;
	v7 =	vmul.f32 v21, v2;
	v1 =	vld.idx.msk [tilespmem:v1+s21+$0x0], $0xffff  }
0x1a8: {  	v5 =	vld [tilespmem:s11+$0xFFFFFFD0];
	[tilespmem:s9+$0x0] =	vst v4;
	v2 =	vmul.f32 v17, v2  }
0x1a9: {  	v14 =	vld.idx.msk [tilespmem:v14+s21+$0x0], $0xffff;
	[tilespmem:s10+$0x10] =	vst v7;
	v3 =	vmul.f32 v16, v3  }
0x1aa: {  	v4 =	vld [tilespmem:s11+$0xFFFFFFF0];
	v9 =	vmul.f32 v9, v11;
	[tilespmem:s10+$0x20] =	vst v2  }
0x1ab: {  	v7 =	vld [tilespmem:s11+$0x0];
	[tilespmem:s10+$0x30] =	vst v3;
	v3 =	vmul.f32 v6, v11  }
0x1ac: {  	v6 =	vld [tilespmem:s11+$0x20];
	[tilespmem:s11+$0xFFFFFFC0] =	vst v9;
	v2 =	vmul.f32 v8, v1  }
0x1ad: {  	[tilespmem:s11+$0xFFFFFFB0] =	vst v3;
	v3 =	vmul.f32 v5, v13;
	v8 =	vld [tilespmem:s11+$0x10]  }
0x1ae: {  	v5 =	vmul.f32 v10, v13;
	[tilespmem:s11+$0x40] =	vst v2;
	v2 =	vld [tilespmem:s11+$0x30]  }
0x1af: {  	s5 =	simm.s32 $0x0;
	[tilespmem:s11+$0xFFFFFFD0] =	vst v3;
	v3 =	vmul.f32 v4, v15  }
0x1b0: {  	v4 =	vmul.f32 v7, v15;
	[tilespmem:s11+$0xFFFFFFE0] =	vst v5;
	v7 =	vmov s5  }
0x1b1: {  	s9 =	simm.s32 $0x1;
	s10 =	simm.s32 $0x2;
	v6 =	vmul.f32 v6, v14;
	[tilespmem:s11+$0xFFFFFFF0] =	vst v3;
	v3 =	vand.u32 $0x7F, v7  }
0x1b2: {  	[tilespmem:s11+$0x0] =	vst v4;
	v4 =	vmov s9;
	v7 =	vmov s10;
	v5 =	vmul.f32 v8, v14  }
0x1b3: {  	s12 =	simm.s32 $0x3;
	v4 =	vand.u32 $0xFF, v4;
	[tilespmem:s11+$0x20] =	vst v6;
	v2 =	vmul.f32 v2, v1;
	v1 =	vmov s7  }
0x1b4: {  	v6 =	vand.u32 $0xFF, v7;
	[tilespmem:s11+$0x10] =	vst v5;
	v5 =	vmov s12;
	v3 =	vor.u32 v1, v3  }
0x1b5: {  	s13 =	simm.s32 $0x4;
	s8 =	sadd.s32 $0x2800, s8;
	v5 =	vand.u32 $0xFF, v5;
	v4 =	vor.u32 v1, v4;
	v3 =	vbroadcast v3, $0x0;
	[tilespmem:s11+$0x30] =	vst v2  }
0x1b6: {  	v2 =	vor.u32 v1, v6;
	v4 =	vbroadcast v4, $0x0;
	v6 =	vmov s13;
	[spmem:s3] =	stream.indirect.scatter.add.f32 [tilespmem:s28], [sflag:$0x2], $0x20, s8, s22, $0xb8;
	[tilespmem:$0x14500] =	vst v63  }
0x1b7: {  	v5 =	vor.u32 v1, v5;
	v2 =	vbroadcast v2, $0x0;
	v6 =	vand.u32 $0xFF, v6;
	_ =	swait.ge [sflag:s31], $0xFA0  }
0x1b8: {  	v7 =	vbroadcast v5, $0x0;
	v5 =	vor.u32 v1, v6;
	[sflag:s31] =	ssyncset.done $0x0  }
0x1b9: {  	s8 =	simm.s32 $0xD610;
	v8 =	vbroadcast v5, $0x0;
	[sflag:s31] =	ssyncadd.s32 $0xFFFFF060  }
0x1ba: {  	v11 =	vld [tilespmem:s8+$0x40]  }
0x1bb: {  	v6 =	vld.idx.msk [tilespmem:v3+s21+$0x0], $0xffff  }
0x1bc: {  	v5 =	vld.idx.msk [tilespmem:v4+s21+$0x0], $0xffff  }
0x1bd: {  	v4 =	vld.idx.msk [tilespmem:v2+s21+$0x0], $0xffff  }
0x1be: {  	s14 =	simm.s32 $0x5;
	v3 =	vld.idx.msk [tilespmem:v7+s21+$0x0], $0xffff  }
0x1bf: {  	s15 =	simm.s32 $0x6;
	s17 =	simm.s32 $0x8;
	v7 =	vmov s14;
	v2 =	vld.idx.msk [tilespmem:v8+s21+$0x0], $0xffff  }
0x1c0: {  	s16 =	simm.s32 $0x7;
	v9 =	vmov s15;
	v13 =	vmov s17;
	v8 =	vand.u32 $0x7F, v7;
	v7 =	vld [tilespmem:s8+$0xFFFFFFB0]  }
0x1c1: {  	v12 =	vand.u32 $0xFF, v9;
	v10 =	vmov s16;
	v13 =	vand.u32 $0xFF, v13;
	v9 =	vld [tilespmem:s8+$0xFFFFFFC0]  }
0x1c2: {  	v14 =	vand.u32 $0xFF, v10;
	v15 =	vor.u32 v1, v12;
	v10 =	vld [tilespmem:s8+$0xFFFFFFD0];
	v8 =	vor.u32 v1, v8  }
0x1c3: {  	s10 =	simm.s32 $0xA;
	s9 =	simm.s32 $0xD610;
	v14 =	vor.u32 v1, v14;
	v13 =	vor.u32 v1, v13;
	s11 =	simm.s32 $0x9;
	v12 =	vld [tilespmem:s8+$0xFFFFFFE0];
	v8 =	vbroadcast v8, $0x0  }
.LBB2_17:
0x1c4: {  	p0 =	slt.u32 s10, $0x78;
	v15 =	vbroadcast v15, $0x0;
	v16 =	vmov s11;
	v17 =	vld [tilespmem:s8+$0xFFFFFFF0];
	v11 =	vmul.f32 v11, v2  }
0x1c5: {  	v14 =	vbroadcast v14, $0x0;
	v16 =	vand.u32 $0xFF, v16;
	v7 =	vmul.f32 v7, v6;
	v18 =	vld [tilespmem:s8+$0x0]  }
0x1c6: {  	v13 =	vbroadcast v13, $0x0;
	v16 =	vor.u32 v1, v16;
	v6 =	vmul.f32 v9, v6;
	v9 =	vld [tilespmem:s8+$0x10];
	[tilespmem:s8+$0x40] =	vst v11  }
0x1c7: {  	v11 =	vbroadcast v16, $0x0;
	[tilespmem:s8+$0xFFFFFFB0] =	vst v7;
	v7 =	vmul.f32 v10, v5;
	v10 =	vld [tilespmem:s8+$0x20]  }
0x1c8: {  	[tilespmem:s8+$0xFFFFFFC0] =	vst v6;
	v12 =	vmul.f32 v12, v5;
	v16 =	vld [tilespmem:s8+$0x30]  }
0x1c9: {  	v6 =	vld.idx.msk [tilespmem:v8+s21+$0x0], $0xffff;
	[tilespmem:s8+$0xFFFFFFD0] =	vst v7;
	v7 =	vmul.f32 v17, v4  }
0x1ca: {  	v5 =	vld.idx.msk [tilespmem:v15+s21+$0x0], $0xffff;
	[tilespmem:s8+$0xFFFFFFE0] =	vst v12;
	v8 =	vmul.f32 v18, v4  }
0x1cb: {  	v4 =	vld.idx.msk [tilespmem:v14+s21+$0x0], $0xffff;
	[tilespmem:s8+$0xFFFFFFF0] =	vst v7;
	v7 =	vmul.f32 v9, v3  }
0x1cc: {  	[tilespmem:s8+$0x0] =	vst v8;
	v8 =	vmul.f32 v10, v3;
	v3 =	vld.idx.msk [tilespmem:v13+s21+$0x0], $0xffff  }
0x1cd: {  	s8 =	sadd.s32 $0xA0, s8;
	[tilespmem:s9+$0x10] =	vst v7;
	v9 =	vmul.f32 v16, v2;
	v2 =	vld.idx.msk [tilespmem:v11+s21+$0x0], $0xffff  }
.Ltmp7:
0x1ce: {  	s5 =	sadd.s32 $0x1, s10;
	s11 =	sadd.s32 $0x2, s10;
	v7 =	vmov s10;
	v11 =	vld [tilespmem:s8+$0x40];
	[tilespmem:s9+$0x20] =	vst v8;
	(pc) =	sbr.rel @p0 .LBB2_17-.Ltmp7, $4  }
0x1cf: {  	v12 =	vmov s11;
	v10 =	vmov s5;
	s5 =	sadd.s32 $0x3, s10;
	v8 =	vand.u32 $0x7F, v7;
	v7 =	vld [tilespmem:s8+$0xFFFFFFB0];
	[tilespmem:s9+$0x30] =	vst v9;
	s9 =	smov.u32 s8  }
0x1d0: {  	v13 =	vand.u32 $0xFF, v10;
	v10 =	vmov s5;
	v8 =	vor.u32 v1, v8;
	v9 =	vld [tilespmem:s8+$0xFFFFFFC0]  }
0x1d1: {  	v12 =	vand.u32 $0xFF, v12;
	v16 =	vand.u32 $0xFF, v10;
	v8 =	vbroadcast v8, $0x0;
	v10 =	vld [tilespmem:s8+$0xFFFFFFD0]  }
0x1d2: {  	s11 =	sadd.s32 $0x4, s10;
	v14 =	vor.u32 v1, v12;
	s10 =	sadd.s32 $0x5, s10;
	v15 =	vor.u32 v1, v13;
	v13 =	vor.u32 v1, v16;
	v12 =	vld [tilespmem:s8+$0xFFFFFFE0]  }
0x1d3: {  	_ = 	snop  }
0x1d4: {  	v17 =	vld [tilespmem:s8+$0xFFFFFFF0]  }
0x1d5: {  	v18 =	vld [tilespmem:s8+$0x0]  }
0x1d6: {  	v16 =	vmov s11;
	v19 =	vld [tilespmem:s8+$0x30]  }
0x1d7: {  	v11 =	vmul.f32 v11, v2;
	v8 =	vld.idx.msk [tilespmem:v8+s21+$0x0], $0xffff;
	v16 =	vand.u32 $0xFF, v16  }
0x1d8: {  	v15 =	vbroadcast v15, $0x0;
	v1 =	vor.u32 v1, v16;
	v16 =	vld [tilespmem:s8+$0x10]  }
0x1d9: {  	v14 =	vbroadcast v14, $0x0;
	s10 =	sadd.s32 $0xA0, s8;
	v7 =	vmul.f32 v7, v6;
	[tilespmem:s8+$0x40] =	vst v11;
	v11 =	vld [tilespmem:s8+$0x20]  }
0x1da: {  	v13 =	vbroadcast v13, $0x0;
	v6 =	vmul.f32 v9, v6;
	v9 =	vld [tilespmem:s10+$0x40]  }
0x1db: {  	[tilespmem:s8+$0xFFFFFFB0] =	vst v7;
	v7 =	vmul.f32 v10, v5;
	v10 =	vld [tilespmem:s10+$0xFFFFFFB0]  }
0x1dc: {  	v1 =	vbroadcast v1, $0x0;
	[tilespmem:s8+$0xFFFFFFC0] =	vst v6;
	v6 =	vld [tilespmem:s10+$0xFFFFFFC0]  }
0x1dd: {  	v5 =	vmul.f32 v12, v5;
	v12 =	vld [tilespmem:s10+$0xFFFFFFD0]  }
0x1de: {  	v15 =	vld.idx.msk [tilespmem:v15+s21+$0x0], $0xffff  }
0x1df: {  	[tilespmem:s8+$0xFFFFFFD0] =	vst v7;
	v7 =	vmul.f32 v17, v4;
	v14 =	vld.idx.msk [tilespmem:v14+s21+$0x0], $0xffff  }
0x1e0: {  	v4 =	vmul.f32 v18, v4;
	v13 =	vld.idx.msk [tilespmem:v13+s21+$0x0], $0xffff;
	[tilespmem:s8+$0xFFFFFFE0] =	vst v5  }
0x1e1: {  	v2 =	vmul.f32 v19, v2;
	v5 =	vld [tilespmem:s10+$0xFFFFFFE0];
	[tilespmem:s8+$0xFFFFFFF0] =	vst v7  }
0x1e2: {  	v7 =	vmul.f32 v16, v3;
	[tilespmem:s8+$0x0] =	vst v4;
	v1 =	vld.idx.msk [tilespmem:v1+s21+$0x0], $0xffff  }
0x1e3: {  	v3 =	vmul.f32 v11, v3;
	v4 =	vld [tilespmem:s10+$0x0];
	[tilespmem:s9+$0x30] =	vst v2  }
0x1e4: {  	v16 =	vld [tilespmem:s10+$0xFFFFFFF0];
	v2 =	vmul.f32 v10, v8;
	[tilespmem:s9+$0x10] =	vst v7  }
0x1e5: {  	v10 =	vld [tilespmem:s10+$0x30];
	[tilespmem:s9+$0x20] =	vst v3;
	v6 =	vmul.f32 v6, v8  }
0x1e6: {  	v7 =	vld [tilespmem:s10+$0x10];
	[tilespmem:s10+$0xFFFFFFB0] =	vst v2;
	v2 =	vmul.f32 v12, v15  }
0x1e7: {  	[tilespmem:s10+$0xFFFFFFC0] =	vst v6;
	v3 =	vmul.f32 v9, v1;
	v9 =	vld [tilespmem:s10+$0x20]  }
0x1e8: {  	[tilespmem:s10+$0xFFFFFFD0] =	vst v2;
	v2 =	vmul.f32 v4, v14  }
0x1e9: {  	s9 =	simm.s32 $0x2;
	[tilespmem:s10+$0x40] =	vst v3;
	v3 =	vmul.f32 v5, v15  }
0x1ea: {  	v8 =	vmov s9;
	[tilespmem:s10+$0x0] =	vst v2;
	v5 =	vmul.f32 v16, v14  }
0x1eb: {  	s5 =	simm.s32 $0x0;
	s17 =	simm.s32 $0x1;
	v4 =	vmul.f32 v7, v13;
	v6 =	vmul.f32 v10, v1;
	v1 =	vmov s6;
	[tilespmem:s10+$0xFFFFFFE0] =	vst v3  }
0x1ec: {  	v7 =	vmov s17;
	[tilespmem:s10+$0xFFFFFFF0] =	vst v5;
	v5 =	vmov s5;
	v3 =	vmul.f32 v9, v13  }
0x1ed: {  	s11 =	simm.s32 $0x3;
	[tilespmem:s10+$0x10] =	vst v4;
	v2 =	vand.u32 $0x7F, v5;
	v5 =	vand.u32 $0x7, v7;
	v7 =	vand.u32 $0xF8, v7  }
0x1ee: {  	v4 =	vmov s11;
	[tilespmem:s10+$0x30] =	vst v6;
	v6 =	vand.u32 $0xF8, v8;
	v7 =	vadd.s32 v1, v7  }
0x1ef: {  	s12 =	sadd.s32 $0x2800, s7;
	s13 =	simm.s32 $0x4;
	v6 =	vadd.s32 v1, v6;
	v9 =	vand.u32 $0x7, v8;
	[tilespmem:s10+$0x20] =	vst v3;
	v5 =	vor.u32 v5, v7  }
0x1f0: {  	v2 =	vor.u32 v1, v2;
	v8 =	vor.u32 v9, v6;
	v3 =	vand.u32 $0x7, v4;
	[spmem:s3] =	stream.indirect.scatter.add.f32 [tilespmem:s29], [sflag:$0x2], $0x20, s12, s22, $0xb8;
	[tilespmem:$0x14500] =	vst v63  }
0x1f1: {  	v2 =	vbroadcast v2, $0x0;
	v4 =	vand.u32 $0xF8, v4;
	v7 =	vmov s13;
	_ =	swait.ge [sflag:s31], $0xFA0  }
0x1f2: {  	v4 =	vadd.s32 v1, v4;
	v6 =	vand.u32 $0xF8, v7;
	[sflag:s31] =	ssyncset.done $0x0  }
0x1f3: {  	v3 =	vor.u32 v3, v4;
	v4 =	vand.u32 $0x7, v7;
	v6 =	vadd.s32 v1, v6;
	[sflag:s31] =	ssyncadd.s32 $0xFFFFF060  }
0x1f4: {  	v7 =	vor.u32 v4, v6;
	v5 =	vld.idx.msk [tilespmem:v5+s21+$0x0], $0xffff  }
0x1f5: {  	s7 =	simm.s32 $0xE5B0;
	v4 =	vld.idx.msk [tilespmem:v8+s21+$0x0], $0xffff  }
0x1f6: {  	v18 =	vld [tilespmem:s7+$0x40]  }
0x1f7: {  	s16 =	simm.s32 $0x7;
	v6 =	vld.idx.msk [tilespmem:v2+s21+$0x0], $0xffff  }
0x1f8: {  	s15 =	simm.s32 $0x6;
	v11 =	vmov s16;
	v2 =	vld.idx.msk [tilespmem:v3+s21+$0x0], $0xffff  }
0x1f9: {  	s14 =	simm.s32 $0x5;
	v17 =	vand.u32 $0xF8, v11;
	v10 =	vmov s15;
	v3 =	vld.idx.msk [tilespmem:v7+s21+$0x0], $0xffff  }
0x1fa: {  	s17 =	simm.s32 $0x8;
	v12 =	vand.u32 $0x7, v10;
	v10 =	vand.u32 $0xF8, v10;
	v8 =	vmov s14;
	v7 =	vld [tilespmem:s7+$0xFFFFFFB0]  }
0x1fb: {  	v17 =	vadd.s32 v1, v17;
	v13 =	vmov s17;
	v9 =	vld [tilespmem:s7+$0xFFFFFFC0];
	v8 =	vand.u32 $0x7F, v8  }
0x1fc: {  	v15 =	vand.u32 $0x7, v11;
	v14 =	vand.u32 $0x7, v13;
	v16 =	vor.u32 v1, v8;
	v8 =	vld [tilespmem:s7+$0xFFFFFFD0]  }
0x1fd: {  	v19 =	vand.u32 $0xF8, v13;
	v13 =	vadd.s32 v1, v10;
	v10 =	vld [tilespmem:s7+$0xFFFFFFE0];
	v11 =	vbroadcast v16, $0x0  }
0x1fe: {  	s8 =	simm.s32 $0xE5B0;
	s9 =	simm.s32 $0xA;
	v13 =	vor.u32 v12, v13;
	s10 =	simm.s32 $0x9;
	v12 =	vld [tilespmem:s7+$0xFFFFFFF0];
	v16 =	vadd.s32 v1, v19;
	v18 =	vmul.f32 v18, v3  }
.LBB2_19:
0x1ff: {  	p0 =	slt.u32 s9, $0x78;
	v15 =	vor.u32 v15, v17;
	v17 =	vmov s10;
	v7 =	vmul.f32 v7, v6;
	v19 =	vld [tilespmem:s7+$0x0]  }
0x200: {  	v14 =	vor.u32 v14, v16;
	v16 =	vand.u32 $0xF8, v17;
	v6 =	vmul.f32 v9, v6;
	v9 =	vld [tilespmem:s7+$0x10];
	[tilespmem:s7+$0x40] =	vst v18  }
0x201: {  	v17 =	vand.u32 $0x7, v17;
	v16 =	vadd.s32 v1, v16;
	[tilespmem:s7+$0xFFFFFFB0] =	vst v7;
	v7 =	vmul.f32 v8, v5;
	v8 =	vld [tilespmem:s7+$0x20]  }
0x202: {  	v16 =	vor.u32 v17, v16;
	[tilespmem:s7+$0xFFFFFFC0] =	vst v6;
	v10 =	vmul.f32 v10, v5;
	v17 =	vld [tilespmem:s7+$0x30]  }
0x203: {  	v6 =	vld.idx.msk [tilespmem:v11+s21+$0x0], $0xffff;
	[tilespmem:s7+$0xFFFFFFD0] =	vst v7;
	v7 =	vmul.f32 v12, v4  }
0x204: {  	v5 =	vld.idx.msk [tilespmem:v13+s21+$0x0], $0xffff;
	[tilespmem:s7+$0xFFFFFFE0] =	vst v10;
	v10 =	vmul.f32 v19, v4  }
0x205: {  	v4 =	vld.idx.msk [tilespmem:v15+s21+$0x0], $0xffff;
	[tilespmem:s7+$0xFFFFFFF0] =	vst v7;
	v7 =	vmul.f32 v9, v2  }
0x206: {  	[tilespmem:s7+$0x0] =	vst v10;
	v8 =	vmul.f32 v8, v2;
	v2 =	vld.idx.msk [tilespmem:v14+s21+$0x0], $0xffff  }
0x207: {  	s5 =	sadd.s32 $0x1, s9;
	v9 =	vmov s9;
	s7 =	sadd.s32 $0xA0, s7;
	[tilespmem:s8+$0x10] =	vst v7;
	v10 =	vmul.f32 v17, v3;
	v3 =	vld.idx.msk [tilespmem:v16+s21+$0x0], $0xffff  }
0x208: {  	s10 =	sadd.s32 $0x3, s9;
	v11 =	vmov s5;
	s5 =	sadd.s32 $0x2, s9;
	v9 =	vand.u32 $0x7F, v9;
	v18 =	vld [tilespmem:s7+$0x40];
	[tilespmem:s8+$0x20] =	vst v8  }
.Ltmp8:
0x209: {  	v12 =	vand.u32 $0x7, v11;
	v13 =	vmov s10;
	v8 =	vmov s5;
	v7 =	vld [tilespmem:s7+$0xFFFFFFB0];
	[tilespmem:s8+$0x30] =	vst v10;
	s8 =	smov.u32 s7;
	(pc) =	sbr.rel @p0 .LBB2_19-.Ltmp8, $4  }
0x20a: {  	v14 =	vand.u32 $0x7, v13;
	v10 =	vor.u32 v1, v9;
	v15 =	vand.u32 $0x7, v8;
	v9 =	vld [tilespmem:s7+$0xFFFFFFC0]  }
0x20b: {  	v19 =	vand.u32 $0xF8, v13;
	v16 =	vand.u32 $0xF8, v11;
	v17 =	vand.u32 $0xF8, v8;
	v8 =	vld [tilespmem:s7+$0xFFFFFFD0]  }
0x20c: {  	v13 =	vadd.s32 v1, v16;
	v11 =	vbroadcast v10, $0x0;
	v17 =	vadd.s32 v1, v17;
	v10 =	vld [tilespmem:s7+$0xFFFFFFE0]  }
0x20d: {  	s10 =	sadd.s32 $0x4, s9;
	s9 =	sadd.s32 $0x5, s9;
	v16 =	vadd.s32 v1, v19;
	v13 =	vor.u32 v12, v13;
	v12 =	vld [tilespmem:s7+$0xFFFFFFF0];
	v18 =	vmul.f32 v18, v3  }
0x20e: {  	v20 =	vld [tilespmem:s7+$0x0]  }
0x20f: {  	v21 =	vld [tilespmem:s7+$0x10]  }
0x210: {  	v45 =	vld [tilespmem:s7+$0x20]  }
0x211: {  	v46 =	vld [tilespmem:s7+$0x30]  }
0x212: {  	v11 =	vld.idx.msk [tilespmem:v11+s21+$0x0], $0xffff  }
0x213: {  	v7 =	vmul.f32 v7, v6;
	v13 =	vld.idx.msk [tilespmem:v13+s21+$0x0], $0xffff;
	s5 =	sadd.s32 $0xA0, s7  }
0x214: {  	[tilespmem:s7+$0x40] =	vst v18;
	v47 =	vmul.f32 v9, v6;
	v53 =	vld [tilespmem:s5+$0x40]  }
0x215: {  	v19 =	vmov s10;
	v55 =	vld [tilespmem:s5+$0xFFFFFFB0];
	[tilespmem:s7+$0xFFFFFFB0] =	vst v7;
	v49 =	vmul.f32 v8, v5  }
0x216: {  	v15 =	vor.u32 v15, v17;
	v43 =	vand.u32 $0xF8, v19;
	v57 =	vld [tilespmem:s5+$0xFFFFFFC0];
	[tilespmem:s7+$0xFFFFFFC0] =	vst v47;
	v51 =	vmul.f32 v10, v5  }
0x217: {  	v44 =	vand.u32 $0x7, v19;
	v58 =	vld [tilespmem:s5+$0xFFFFFFD0];
	v1 =	vadd.s32 v1, v43;
	[tilespmem:s7+$0xFFFFFFD0] =	vst v49;
	v52 =	vmul.f32 v12, v4  }
0x218: {  	v59 =	vld [tilespmem:s5+$0xFFFFFFE0];
	v1 =	vor.u32 v44, v1;
	[tilespmem:s7+$0xFFFFFFE0] =	vst v51;
	v54 =	vmul.f32 v20, v4  }
0x219: {  	v14 =	vor.u32 v14, v16;
	v60 =	vld [tilespmem:s5+$0x0];
	v56 =	vmul.f32 v21, v2;
	v2 =	vmul.f32 v45, v2;
	[tilespmem:s7+$0xFFFFFFF0] =	vst v52  }
0x21a: {  	v62 =	vld [tilespmem:s5+$0x20];
	v3 =	vmul.f32 v46, v3;
	[tilespmem:s7+$0x0] =	vst v54  }
0x21b: {  	v48 =	vld.idx.msk [tilespmem:v15+s21+$0x0], $0xffff;
	[tilespmem:s8+$0x20] =	vst v2  }
0x21c: {  	v2 =	vld [tilespmem:s5+$0xFFFFFFF0];
	[tilespmem:s8+$0x30] =	vst v3;
	v3 =	vmul.f32 v55, v11  }
0x21d: {  	v10 =	vmul.f32 v57, v11;
	[tilespmem:s8+$0x10] =	vst v56;
	v1 =	vld.idx.msk [tilespmem:v1+s21+$0x0], $0xffff  }
0x21e: {  	v50 =	vld.idx.msk [tilespmem:v14+s21+$0x0], $0xffff;
	[tilespmem:s5+$0xFFFFFFB0] =	vst v3;
	v3 =	vmul.f32 v58, v13  }
0x21f: {  	v63 =	vld [tilespmem:s5+$0x30];
	v6 =	vmul.f32 v59, v13;
	[tilespmem:s5+$0xFFFFFFC0] =	vst v10  }
0x220: {  	v61 =	vld [tilespmem:s5+$0x10];
	[tilespmem:s5+$0xFFFFFFD0] =	vst v3;
	v3 =	vmul.f32 v60, v48  }
0x221: {  	[tilespmem:s5+$0xFFFFFFE0] =	vst v6;
	v2 =	vmul.f32 v2, v48  }
0x222: {  	v7 =	vmul.f32 v53, v1;
	[tilespmem:s5+$0x0] =	vst v3  }
0x223: {  	v3 =	vmul.f32 v62, v50;
	[tilespmem:s5+$0xFFFFFFF0] =	vst v2  }
0x224: {  	v1 =	vmul.f32 v63, v1;
	[tilespmem:s5+$0x40] =	vst v7  }
0x225: {  	v2 =	vmul.f32 v61, v50;
	[tilespmem:s5+$0x20] =	vst v3  }
0x226: {  	[tilespmem:s5+$0x30] =	vst v1  }
0x227: {  	s17 =	sadd.s32 $0x2800, s6;
	[tilespmem:s5+$0x10] =	vst v2  }
0x228: {  	[spmem:s3] =	stream.indirect.scatter.add.f32 [tilespmem:s30], [sflag:$0x2], $0x20, s17, s22, $0xb8;
	[tilespmem:$0x14500] =	vst v63  }
0x229: {  	_ =	swait.ge [sflag:s2], $0xFA0  }
0x22a: {  	[sflag:s2] =	ssyncset.done $0x0  }
0x22b: {  	[sflag:s2] =	ssyncadd.s32 $0xFFFFF060  }
0x22c: {  	_ =	swait.ge [sflag:s2], $0xFA0  }
0x22d: {  	[sflag:s2] =	ssyncset.done $0x0  }
0x22e: {  	[sflag:s2] =	ssyncadd.s32 $0xFFFFF060  }
0x22f: {  	_ =	swait.ge [sflag:s2], $0xFA0  }
0x230: {  	[sflag:s2] =	ssyncset.done $0x0  }
0x231: {  	[sflag:s2] =	ssyncadd.s32 $0xFFFFF060  }
0x232: {  	_ =	swait.ge [sflag:s2], $0xFA0  }
0x233: {  	[sflag:s2] =	ssyncset.done $0x0  }
0x234: {  	[sflag:s2] =	ssyncadd.s32 $0xFFFFF060  }
0x235: {  	_ =	swait.ge [sflag:s2], $0xFA0  }
0x236: {  	[sflag:s2] =	ssyncset.done $0x0  }
0x237: {  	[sflag:s2] =	ssyncadd.s32 $0xFFFFF060  }
0x238: {  	_ =	swait.ge [sflag:s2], $0xFA0  }
0x239: {  	[sflag:s2] =	ssyncset.done $0x0  }
0x23a: {  	s0 =	sadd.s32 $0x1, s0;
	[sflag:s2] =	ssyncadd.s32 $0xFFFFF060  }
0x23b: {  	p0 =	sne.s32 s0, $0xA;
	_ =	swait.ge [sflag:s2], $0xFA0  }
.Ltmp9:
0x23c: {  	[sflag:s2] =	ssyncset.done $0x0;
	(pc) =	sbr.rel @p0 .LBB2_4-.Ltmp9, $4  }
0x23d: {  	[sflag:s2] =	ssyncadd.s32 $0xFFFFF060  }
0x23e: {  	_ =	swait.ge [sflag:s2], $0xFA0  }
0x23f: {  	[sflag:s2] =	ssyncset.done $0x0  }
0x240: {  	[sflag:s2] =	ssyncadd.s32 $0xFFFFF060  }
0x241: {  	s0 =	stileid.u32;
	[bflag:$0x0] =	sbarrier.arrive $0xFFFF  }
0x242: {  	s0 =	sshll.u32 s0, $0x6;
	s9 =	rddreg [dreg:$0x4]  }
0x243: {  	s6 =	rddreg [dreg:$0xf];
	s0 =	sor.u32 $0x1C03, s0;
	s5 =	sshrl.u32 s9, $0x3  }
0x244: {  	[hbm:s6], [sflag:s0] =	dma.local [spmem:s5], $0xA00  }
0x245: {  	_ =	swait.ge [sflag:s19], $0xA00  }
0x246: {  	s4 =	sadd.s32 $0x1, s4;
	s17 =	rddreg [dreg:$0x10]  }
0x247: {  	p0 =	sne.s32 s4, s17  }
.Ltmp10:
0x248: {  	_ = 	snop;
	(pc) =	sbr.rel @p0 .LBB2_1-.Ltmp10, $3  }
0x249: {  	_ =	sdelay $0x1  }
0x24a: {  	[sflag:s19] =	ssyncset.done $0x0  }
0x24b: {  	[sflag:s19] =	ssyncadd.s32 $0xFFFFF600  }
0x24c: {  	_ =	sfence.sel $0x180000  }
0x24d: {  	[bflag:$0x0] =	sbarrier.arrive $0xFFFF  }
0x24e: {  	_ =	strace $0x9000004D  }
0x24f: {  	s0 =	stileid.u32;
	[bflag:$0x2] =	sbarrier.arrive $0xFFFF  }
0x250: {  	p0 =	sne.s32 s0, $0x0;
	s0 =	rddreg [dreg:$0x3]  }
0x251: {  	s0 =	sadd.s32 @!p0 $0x100000, s0  }
0x252: {  	[sflag:s0] =	ssyncadd.tile.s32 @!p0 $0x1;
	_ =	shalt  }
.Lfunc_end2:
_tile_overlayer_lowered:
.L_overlay_start_2:
0x253: {  	(tag) =	ssettag $0x2  }
0x254: {  	s0 =	rddreg [dreg:$0x0];
	s2 =	stileid.u32  }
0x255: {  	s1 =	rddreg [dreg:$0x1];
	p0 =	sne.s32 s2, $0x0  }
0x256: {  	s3 =	rddreg [dreg:$0x2];
	[bflag:$0x3] =	sbarrier.arrive $0xFFFF;
	s2 =	simm.s32 @!p0 $0x1C03  }
0x257: {  	[timem:s3], [sflag:s2] =	dma.local @!p0 [hbm:s0], s1  }
0x258: {  	s0 =	simm.s32 @!p0 $0x3  }
0x259: {  	_ =	swait.ge @!p0 [sflag:s0], s1  }
0x25a: {  	s1 =	ssub.s32 @!p0 $0x0, s1;
	[sflag:s0] =	ssyncset.done @!p0 $0x0  }
0x25b: {  	[sflag:s0] =	ssyncadd.s32 @!p0 s1  }
0x25c: {  	[bflag:$0x3] =	sbarrier.arrive $0xFFFF  }
0x25d: {  	_ =	shalt  }

// kernel: kernel.8.cloned.1.call-start
scs
__scs_entry_jumppad:
0x0: {  	(pc) =	sbr.rel $0x88, $3  }
0x1: {  	(tag) =	ssettag $0x0;
	lr =	simm.s32 $0x1  }
0x2: {  	[smem:$0x3F99] =	sst lr;
	_ =	strace $0xD0000000  }
0x3: {  	_ = 	snop  }
0x4: {  	_ = 	snop  }
0x5: {  	_ = 	snop  }
0x6: {  	_ = 	snop  }
0x7: {  	_ = 	snop  }
__scs_overlays_trampoline_lowered:
0x8: {  	[smem:$0x3FA8] =	sst s0  }
0x9: {  	[smem:$0x3FA9] =	sst s1  }
0xa: {  	[smem:$0x3FAA] =	sst s2  }
0xb: {  	[smem:$0x3FAB] =	sst s3  }
0xc: {  	[smem:$0x3FAC] =	sst s4  }
0xd: {  	[smem:$0x3FAD] =	sst s5  }
0xe: {  	[smem:$0x3FAE] =	sst s6  }
0xf: {  	[smem:$0x3FAF] =	sst s7  }
0x10: {  	[smem:$0x3FB0] =	sst s8  }
0x11: {  	[smem:$0x3FB1] =	sst s9;
	s0 =	simm.s32 @!p0 $0x0  }
0x12: {  	s1 =	sld [smem:$0x3F97];
	s0 =	simm.s32 @p0 $0x1  }
0x13: {  	[smem:$0x3FB2] =	sst s0;
	s0 =	simm.s32 @!p1 $0x0  }
0x14: {  	s2 =	sld [smem:$0x3F96];
	s0 =	simm.s32 @p1 $0x1  }
0x15: {  	[smem:$0x3FB3] =	sst s0;
	s0 =	simm.s32 @!p2 $0x0  }
0x16: {  	s3 =	sld [smem:$0x3FDB];
	s0 =	simm.s32 @p2 $0x1  }
0x17: {  	s4 =	simm.s32 $0x1BF5;
	[smem:$0x3FB5] =	sst s0  }
0x18: {  	s0 =	sld [smem:$0x3F98];
	_ =	swait.ge [sflag:s4], $0x0  }
0x19: {  	s7 =	sld [smem:$0x3F99]  }
0x1a: {  	s8 =	sadd.s32 $0xFFFFE003, lr  }
0x1b: {  	s9 =	sadd.s32 $0xFFFFFEF7, lr;
	s5 =	simm.s32 $0xFFFFFFFF;
	p2 =	slt.u32 s8, $0xFFFFF086  }
0x1c: {  	p1 =	slt.u32 s9, $0xF7A;
	s5 =	simm.s32 @!p2 $0x0  }
0x1d: {  	s5 =	simm.s32 @p1 $0x1;
	p0 =	seq.s32 s7, s2  }
0x1e: {  	s7 =	smul.u32 @!p0 $0xF7A, s2;
	p2 =	seq.s32 @!p0 s5, $0x0  }
0x1f: {  	s9 =	smul.u32 $0xF7A, s1;
	s8 =	simm.s32 @!p0 $0x1BF5;
	p2 =	por !p2, p0  }
0x20: {  	[sflag:s8] =	ssyncset.s32 @!p0 $0xFFFFF086;
	s6 =	sadd.s32 @!p0 s3, s7;
	s7 =	simm.s32 @!p0 $0x108  }
0x21: {  	s3 =	sadd.s32 s3, s9;
	s6 =	sadd.s32 @!p0 $0x88, s6;
	s7 =	simm.s32 @p2 $0x1082  }
0x22: {  	[simem:s7], [sflag:s8] =	dma.local @!p0 [hbm:s6], $0xF7A  }
0x23: {  	s9 =	sor.u32 $0xD0000000, s2;
	s6 =	simm.s32 $0x108;
	_ =	swait.ge @!p0 [sflag:s8], $0x0  }
0x24: {  	s3 =	sadd.s32 $0x88, s3;
	s6 =	simm.s32 @!p1 $0x1082;
	[sflag:s4] =	ssyncset.s32 $0xFFFFF086  }
0x25: {  	[simem:s6], [sflag:s4] =	dma.local [hbm:s3], $0xF7A  }
0x26: {  	[smem:$0x3F99] =	sst s1;
	(tag) =	ssettag s2;
	_ =	strace s9  }
0x27: {  	s1 =	sld [smem:$0x3FA9]  }
0x28: {  	s2 =	sld [smem:$0x3FAA]  }
0x29: {  	s4 =	sld [smem:$0x3FAC]  }
0x2a: {  	p0 =	seq.s32 s5, $0x0;
	s5 =	sld [smem:$0x3FAD]  }
0x2b: {  	s6 =	sld [smem:$0x3FAE]  }
0x2c: {  	s7 =	sld [smem:$0x3FAF]  }
0x2d: {  	s3 =	simm.s32 $0x108;
	s8 =	sld [smem:$0x3FB0]  }
0x2e: {  	s3 =	simm.s32 @!p0 $0x1082;
	s9 =	sld [smem:$0x3FB1]  }
0x2f: {  	lr =	sadd.s32 s0, s3;
	s0 =	sld [smem:$0x3FA8]  }
0x30: {  	s3 =	sld [smem:$0x3FAB]  }
0x31: {  	[smem:$0x3FB4] =	sst s10  }
0x32: {  	s10 =	sld [smem:$0x3FB2];
	_ =	sdelay $0x3  }
0x33: {  	p0 =	seq.s32 s10, $0x1;
	s10 =	sld [smem:$0x3FB4];
	_ =	sdelay $0x3  }
0x34: {  	[smem:$0x3FB4] =	sst s10  }
0x35: {  	s10 =	sld [smem:$0x3FB3];
	_ =	sdelay $0x3  }
0x36: {  	p1 =	seq.s32 s10, $0x1;
	s10 =	sld [smem:$0x3FB4];
	_ =	sdelay $0x3  }
0x37: {  	[smem:$0x3FB4] =	sst s10  }
0x38: {  	s10 =	sld [smem:$0x3FB5]  }
0x39: {  	_ = 	snop;
	(pc) =	sbr.ind lr, $3  }
0x3a: {  	_ = 	snop  }
0x3b: {  	_ = 	snop  }
0x3c: {  	p2 =	seq.s32 s10, $0x1;
	s10 =	sld [smem:$0x3FB4]  }
0x3d: {  	_ =	shalt  }
0x3e: {  	_ =	shalt  }
0x3f: {  	_ =	shalt  }
0x40: {  	_ =	shalt  }
0x41: {  	_ =	shalt  }
0x42: {  	_ =	shalt  }
0x43: {  	_ =	shalt  }
0x44: {  	_ =	shalt  }
0x45: {  	_ =	shalt  }
0x46: {  	_ =	shalt  }
0x47: {  	_ =	shalt  }
0x48: {  	_ =	shalt  }
0x49: {  	_ =	shalt  }
0x4a: {  	_ =	shalt  }
0x4b: {  	_ =	shalt  }
0x4c: {  	_ =	shalt  }
0x4d: {  	_ =	shalt  }
0x4e: {  	_ =	shalt  }
0x4f: {  	_ =	shalt  }
0x50: {  	_ =	shalt  }
0x51: {  	_ =	shalt  }
0x52: {  	_ =	shalt  }
0x53: {  	_ =	shalt  }
0x54: {  	_ =	shalt  }
0x55: {  	_ =	shalt  }
0x56: {  	_ =	shalt  }
0x57: {  	_ =	shalt  }
0x58: {  	_ =	shalt  }
0x59: {  	_ =	shalt  }
0x5a: {  	_ =	shalt  }
0x5b: {  	_ =	shalt  }
0x5c: {  	_ =	shalt  }
0x5d: {  	_ =	shalt  }
0x5e: {  	_ =	shalt  }
0x5f: {  	_ =	shalt  }
0x60: {  	_ =	shalt  }
0x61: {  	_ =	shalt  }
0x62: {  	_ =	shalt  }
0x63: {  	_ =	shalt  }
0x64: {  	_ =	shalt  }
0x65: {  	_ =	shalt  }
0x66: {  	_ =	shalt  }
0x67: {  	_ =	shalt  }
0x68: {  	_ =	shalt  }
0x69: {  	_ =	shalt  }
0x6a: {  	_ =	shalt  }
0x6b: {  	_ =	shalt  }
0x6c: {  	_ =	shalt  }
0x6d: {  	_ =	shalt  }
0x6e: {  	_ =	shalt  }
0x6f: {  	_ =	shalt  }
0x70: {  	_ =	shalt  }
0x71: {  	_ =	shalt  }
0x72: {  	_ =	shalt  }
0x73: {  	_ =	shalt  }
0x74: {  	_ =	shalt  }
0x75: {  	_ =	shalt  }
0x76: {  	_ =	shalt  }
0x77: {  	_ =	shalt  }
0x78: {  	_ =	shalt  }
0x79: {  	_ =	shalt  }
0x7a: {  	_ =	shalt  }
0x7b: {  	_ =	shalt  }
0x7c: {  	_ =	shalt  }
0x7d: {  	_ =	shalt  }
0x7e: {  	_ =	shalt  }
0x7f: {  	_ =	shalt  }
0x80: {  	_ =	shalt  }
0x81: {  	_ =	shalt  }
0x82: {  	_ =	shalt  }
0x83: {  	_ =	shalt  }
0x84: {  	_ =	shalt  }
0x85: {  	_ =	shalt  }
0x86: {  	_ =	shalt  }
0x87: {  	_ =	shalt  }
.Lfunc_end0:
.L_simem_size_0:
called_computation_lowered:
.L_overlay_start_0:
0x88: {  	s2 =	sld [smem:$0x3FD9]  }
0x89: {  	s3 =	sld [smem:$0x3FFE];
	_ =	sdelay $0x1  }
0x8a: {  	s1 =	srdreg.scid  }
0x8b: {  	s0 =	sand.u32 $0x1, s1  }
0x8c: {  	s17 =	sshll.u32 s0, $0xA;
	s2 =	sadd.s32 s3, s2  }
0x8d: {  	s2 =	sadd.s32 s2, s17  }
0x8e: {  	[smem:$0x3FC0] =	sst s2  }
0x8f: {  	_ = 	snop  }
0x90: {  	s2 =	sld [smem:$0x3FD0];
	(tm) =	ssettm $0x1  }
0x91: {  	s18 =	sld [smem:$0x3FFB];
	_ =	sdelay $0x3  }
0x92: {  	_ =	strace s18  }
0x93: {  	s3 =	sld [smem:$0x3FFC];
	_ =	sdelay $0x3  }
0x94: {  	_ =	strace s3  }
0x95: {  	s3 =	sld [smem:$0x3FFD];
	_ =	sdelay $0x3  }
0x96: {  	_ =	strace s3  }
0x97: {  	_ =	strace $0x8FFFFFFF  }
0x98: {  	s19 =	sld [smem:$0x3FDB];
	_ =	sdelay $0x1  }
0x99: {  	s4 =	simm.s32 $_scs_section_size  }
0x9a: {  	s5 =	simm.s32 $_size__tile_overlayer_lowered;
	s6 =	simm.s32 $_tile_overlayer_lowered  }
0x9b: {  	s22 =	simm.s32 $0x1BFF;
	s21 =	sshll.u32 s6, $0x1;
	s3 =	sadd.s32 s4, s19  }
0x9c: {  	s7 =	simm.s32 $0x0;
	s20 =	sshll.u32 s5, $0x1;
	s5 =	sadd.s32 s21, s3  }
0x9d: {  	[timem:s7], [sflag:s22] =	dma.local [hbm:s5], s20  }
0x9e: {  	_ =	swait.ge [sflag:s22], s20  }
0x9f: {  	s4 =	ssub.s32 $0x0, s20;
	[sflag:s22] =	ssyncset.done $0x0  }
0xa0: {  	[sflag:s22] =	ssyncadd.s32 s4;
	_ =	sdelay $0x1  }
0xa1: {  	s23 =	simm.s32 $0x1B8B  }
0xa2: {  	_ =	swait.ge [sflag:s23], $0x1  }
0xa3: {  	[sflag:s23] =	ssyncset.done $0x0  }
0xa4: {  	s25 =	simm.s32 $0x1B8E;
	s24 =	sld [smem:$0x3FFE];
	[sflag:s23] =	ssyncadd.s32 $0xFFFFFFFF  }
0xa5: {  	s26 =	simm.s32 $execute0_lowered;
	[smem:$0x3FD2] =	sst s25  }
0xa6: {  	s5 =	sshll.u32 s26, $0x1;
	_ =	strace $0x80000046;
	[dreg:$0x1] =	wrdreg $0xFFFFFFFF  }
0xa7: {  	s28 =	simm.s32 $_size_execute0_lowered;
	s3 =	sadd.s32 s3, s5;
	[dreg:$0x0] =	wrdreg $0x0  }
0xa8: {  	s5 =	sshll.u32 s28, $0x1;
	[dreg:$0x2] =	wrdreg s3  }
0xa9: {  	[dreg:$0x3] =	wrdreg s5  }
0xaa: {  	[dreg:$0x4] =	wrdreg $0xC0  }
0xab: {  	_ =	task [dreg:s7], $0x5FFFF  }
0xac: {  	[dreg:$0x1] =	wrdreg $0xFFFFFFFF  }
0xad: {  	[dreg:$0x0] =	wrdreg $0x60  }
0xae: {  	[dreg:$0x2] =	wrdreg s24  }
0xaf: {  	[dreg:$0x3] =	wrdreg s2  }
0xb0: {  	[dreg:$0x4] =	wrdreg $0x52800  }
0xb1: {  	[dreg:$0x5] =	wrdreg $0x9  }
0xb2: {  	_ =	task.clear_ibuf [dreg:s7], $0x6FFFF;
	_ =	strace $0x90000046  }
0xb3: {  	s29 =	simm.s32 $0x9;
	_ =	strace $0x80000048  }
0xb4: {  	_ =	swait.ge [sflag:s29], $0x1  }
0xb5: {  	[sflag:s29] =	ssyncadd.s32 $0xFFFFFFFF  }
0xb6: {  	_ =	strace $0x90000048  }
0xb7: {  	_ =	sfence  }
0xb8: {  	s30 =	sld [smem:$0x0];
	_ =	sdelay $0x2  }
0xb9: {  	s31 =	sshll.u32 s1, $0xD;
	s1 =	sshrl.u32 s1, $0x2  }
0xba: {  	s3 =	sand.u32 $0x4000, s31;
	s1 =	sadd.s32 s1, s30  }
0xbb: {  	s0 =	sor.u32 s3, s0;
	s1 =	sshll.u32 s1, $0x11  }
0xbc: {  	s0 =	sor.u32 s1, s0  }
0xbd: {  	s0 =	sadd.s32 $0x8F2B, s0  }
0xbe: {  	[sflag:s0] =	ssyncadd.remote.s32 $0x1  }
0xbf: {  	_ =	sfence.sel $0xFFFF  }
0xc0: {  	[dreg:$0x0] =	wrdreg $0xFFFFFFFF;
	(pc) =	sbr.abs _section_cstart, $3  }
0xc1: {  	[dreg:$0x1] =	wrdreg $0xFFFFFFFF  }
0xc2: {  	_ =	task.clear_ibuf [dreg:s7], $0x2FFFF;
	_ =	strace $0x9FFFFFFF  }
0xc3: {  	(tm) =	ssettm $0x7FFFFFFF  }
tec
execute0_lowered:
.L_overlay_start_1:
0x0: {  	(tag) =	ssettag $0x1  }
0x1: {  	s5 =	rddreg [dreg:$0x0]  }
0x2: {  	s7 =	rddreg [dreg:$0x1]  }
0x3: {  	s0 =	srdreg.scid;
	s2 =	rddreg [dreg:$0x2];
	s3 =	simm.s32 $0x0  }
0x4: {  	s11 =	simm.s32 $0x2800;
	s12 =	simm.s32 $0x7D;
	s13 =	simm.s32 $0x1  }
0x5: {  	s16 =	simm.s32 $0x0;
	s4 =	sand.u32 $0x1, s0;
	s0 =	stileid.u32  }
0x6: {  	[smem:$0x7FF] =	sst s3;
	s1 =	sshll.u32 s4, $0x4;
	s8 =	smul.u32 $0x280, s0  }
0x7: {  	s9 =	ssub.s32 $0x2, s4;
	s4 =	smul.u32 $0x2800, s4;
	s14 =	sshll.u32 s0, $0x6  }
0x8: {  	s1 =	sor.u32 s0, s1;
	s10 =	sshrl.u32 s9, $0x1;
	s14 =	sor.u32 $0x1C02, s14  }
0x9: {  	s6 =	smul.u32 $0x500, s1;
	s1 =	rddreg [dreg:$0x3];
	_ =	strace $0x80000047  }
0xa: {  	s9 =	ssub.s32 s9, s10;
	s30 =	sadd.s32 s8, s4;
	s4 =	sadd.s32 s8, s2  }
0xb: {  	s10 =	simm.s32 $0x2;
	s31 =	sshrl.u32 s30, $0x3;
	s8 =	smax.u32 s9, $0x1  }
0xc: {  	s9 =	simm.s32 $0x5000;
	s15 =	sshrl.u32 s4, $0x3;
	s6 =	sadd.s32 s6, s5  }
0xd: {  	v0 =	vimm.f32 $0.0e+00;
	s7 =	sadd.s32 s7, s31;
	s5 =	sadd.s32 $0xC200, s6;
	s6 =	sadd.s32 $0x2200, s6  }
.LBB2_1:
0xe: {  	[tilespmem:$0x5000] =	vst v0  }
0xf: {  	[tilespmem:$0x5010] =	vst v0  }
0x10: {  	[tilespmem:$0x5020] =	vst v0  }
0x11: {  	[tilespmem:$0x5030] =	vst v0  }
0x12: {  	[tilespmem:$0x5040] =	vst v0  }
0x13: {  	[tilespmem:$0x5050] =	vst v0  }
0x14: {  	[tilespmem:$0x5060] =	vst v0  }
0x15: {  	[tilespmem:$0x5070] =	vst v0  }
0x16: {  	[tilespmem:$0x5080] =	vst v0  }
0x17: {  	[tilespmem:$0x5090] =	vst v0  }
0x18: {  	[tilespmem:$0x50A0] =	vst v0  }
0x19: {  	[tilespmem:$0x50B0] =	vst v0  }
0x1a: {  	[tilespmem:$0x50C0] =	vst v0  }
0x1b: {  	[tilespmem:$0x50D0] =	vst v0  }
0x1c: {  	[tilespmem:$0x50E0] =	vst v0  }
0x1d: {  	[tilespmem:$0x50F0] =	vst v0  }
0x1e: {  	[tilespmem:$0x5100] =	vst v0  }
0x1f: {  	[tilespmem:$0x5110] =	vst v0  }
0x20: {  	[tilespmem:$0x5120] =	vst v0  }
0x21: {  	[tilespmem:$0x5130] =	vst v0  }
0x22: {  	[tilespmem:$0x5140] =	vst v0  }
0x23: {  	[tilespmem:$0x5150] =	vst v0  }
0x24: {  	[tilespmem:$0x5160] =	vst v0  }
0x25: {  	[tilespmem:$0x5170] =	vst v0  }
0x26: {  	[tilespmem:$0x5180] =	vst v0  }
0x27: {  	[tilespmem:$0x5190] =	vst v0  }
0x28: {  	[tilespmem:$0x51A0] =	vst v0  }
0x29: {  	[tilespmem:$0x51B0] =	vst v0  }
0x2a: {  	[tilespmem:$0x51C0] =	vst v0  }
0x2b: {  	[tilespmem:$0x51D0] =	vst v0  }
0x2c: {  	[tilespmem:$0x51E0] =	vst v0  }
0x2d: {  	[tilespmem:$0x51F0] =	vst v0  }
0x2e: {  	[tilespmem:$0x5200] =	vst v0  }
0x2f: {  	[tilespmem:$0x5210] =	vst v0  }
0x30: {  	[tilespmem:$0x5220] =	vst v0  }
0x31: {  	[tilespmem:$0x5230] =	vst v0  }
0x32: {  	[tilespmem:$0x5240] =	vst v0  }
0x33: {  	[tilespmem:$0x5250] =	vst v0  }
0x34: {  	[tilespmem:$0x5260] =	vst v0  }
0x35: {  	[tilespmem:$0x5270] =	vst v0  }
0x36: {  	[spmem:s4] =	stream.linear.scatter [tilespmem:s9], [sflag:$0x2], $0x280, $0x38;
	[tilespmem:$0x5500] =	vst v63  }
0x37: {  	_ =	swait.ge [sflag:s10], $0x280  }
0x38: {  	[sflag:s10] =	ssyncset.done $0x0  }
0x39: {  	[sflag:s10] =	ssyncadd.s32 $0xFFFFFD80  }
0x3a: {  	[tilespmem:s3], [sflag:$0x2] =	stream.linear.gather [hbm4b:s5+s3], $0x2800, $0x38;
	[tilespmem:$0x5500] =	vst v63  }
0x3b: {  	_ =	swait.ge [sflag:s10], $0x2800  }
0x3c: {  	[sflag:s10] =	ssyncset.done $0x0  }
0x3d: {  	[sflag:s10] =	ssyncadd.s32 $0xFFFFD800  }
0x3e: {  	[tilespmem:s11], [sflag:$0x2] =	stream.linear.gather [hbm4b:s6+s3], $0x2800, $0x38;
	[tilespmem:$0x5500] =	vst v63  }
0x3f: {  	_ =	swait.ge [sflag:s10], $0x2800  }
0x40: {  	[sflag:s10] =	ssyncset.done $0x0  }
0x41: {  	[sflag:s10] =	ssyncadd.s32 $0xFFFFD800  }
0x42: {  	s17 =	simm.s32 $0x0;
	s18 =	simm.s32 $0x2800;
	[bflag:$0x0] =	sbarrier.arrive $0xFFFF  }
0x43: {  	[spmem:s2] =	stream.indirect.scatter.add.f32 [tilespmem:s18], [sflag:$0x1], $0x1, s17, s12, $0xb8;
	[tilespmem:$0x5500] =	vst v63  }
0x44: {  	s30 =	simm.s32 $0x2880;
	s31 =	simm.s32 $0x80  }
0x45: {  	[spmem:s2] =	stream.indirect.scatter.add.f32 [tilespmem:s30], [sflag:$0x1], $0x1, s31, s12, $0xb8;
	[tilespmem:$0x5500] =	vst v63  }
0x46: {  	s19 =	simm.s32 $0x2900;
	s20 =	simm.s32 $0x100  }
0x47: {  	[spmem:s2] =	stream.indirect.scatter.add.f32 [tilespmem:s19], [sflag:$0x1], $0x1, s20, s12, $0xb8;
	[tilespmem:$0x5500] =	vst v63  }
0x48: {  	s21 =	simm.s32 $0x2980;
	s22 =	simm.s32 $0x180  }
0x49: {  	[spmem:s2] =	stream.indirect.scatter.add.f32 [tilespmem:s21], [sflag:$0x1], $0x1, s22, s12, $0xb8;
	[tilespmem:$0x5500] =	vst v63  }
0x4a: {  	s23 =	simm.s32 $0x2A00;
	s24 =	simm.s32 $0x200  }
0x4b: {  	[spmem:s2] =	stream.indirect.scatter.add.f32 [tilespmem:s23], [sflag:$0x1], $0x1, s24, s12, $0xb8;
	[tilespmem:$0x5500] =	vst v63  }
0x4c: {  	s25 =	simm.s32 $0x2A80;
	s26 =	simm.s32 $0x280  }
0x4d: {  	[spmem:s2] =	stream.indirect.scatter.add.f32 [tilespmem:s25], [sflag:$0x1], $0x1, s26, s12, $0xb8;
	[tilespmem:$0x5500] =	vst v63  }
0x4e: {  	s28 =	simm.s32 $0x2B00;
	s29 =	simm.s32 $0x300  }
0x4f: {  	[spmem:s2] =	stream.indirect.scatter.add.f32 [tilespmem:s28], [sflag:$0x1], $0x1, s29, s12, $0xb8;
	[tilespmem:$0x5500] =	vst v63  }
0x50: {  	s30 =	simm.s32 $0x2B80;
	s31 =	simm.s32 $0x380  }
0x51: {  	[spmem:s2] =	stream.indirect.scatter.add.f32 [tilespmem:s30], [sflag:$0x1], $0x1, s31, s12, $0xb8;
	[tilespmem:$0x5500] =	vst v63  }
0x52: {  	_ =	swait.ge [sflag:s13], $0x7D  }
0x53: {  	[sflag:s13] =	ssyncset.done $0x0  }
0x54: {  	[sflag:s13] =	ssyncadd.s32 $0xFFFFFF83  }
0x55: {  	_ =	swait.ge [sflag:s13], $0x7D  }
0x56: {  	[sflag:s13] =	ssyncset.done $0x0  }
0x57: {  	[sflag:s13] =	ssyncadd.s32 $0xFFFFFF83  }
0x58: {  	_ =	swait.ge [sflag:s13], $0x7D  }
0x59: {  	[sflag:s13] =	ssyncset.done $0x0  }
0x5a: {  	[sflag:s13] =	ssyncadd.s32 $0xFFFFFF83  }
0x5b: {  	_ =	swait.ge [sflag:s13], $0x7D  }
0x5c: {  	[sflag:s13] =	ssyncset.done $0x0  }
0x5d: {  	[sflag:s13] =	ssyncadd.s32 $0xFFFFFF83  }
0x5e: {  	_ =	swait.ge [sflag:s13], $0x7D  }
0x5f: {  	[sflag:s13] =	ssyncset.done $0x0  }
0x60: {  	[sflag:s13] =	ssyncadd.s32 $0xFFFFFF83  }
0x61: {  	_ =	swait.ge [sflag:s13], $0x7D  }
0x62: {  	[sflag:s13] =	ssyncset.done $0x0  }
0x63: {  	[sflag:s13] =	ssyncadd.s32 $0xFFFFFF83  }
0x64: {  	_ =	swait.ge [sflag:s13], $0x7D  }
0x65: {  	[sflag:s13] =	ssyncset.done $0x0  }
0x66: {  	[sflag:s13] =	ssyncadd.s32 $0xFFFFFF83  }
0x67: {  	_ =	swait.ge [sflag:s13], $0x7D  }
0x68: {  	s20 =	simm.s32 $0x2000;
	s19 =	simm.s32 $0x400;
	[sflag:s13] =	ssyncset.done $0x0  }
.LBB2_2:
0x69: {  	s21 =	sadd.s32 $0x2800, s19  }
0x6a: {  	[sflag:s13] =	ssyncadd.s32 $0xFFFFFF83;
	s18 =	smov.u32 s20;
	s17 =	sadd.s32 $0x1000, s20  }
0x6b: {  	[spmem:s2] =	stream.indirect.scatter.add.f32 [tilespmem:s21], [sflag:$0x1], $0x1, s19, s12, $0xb8;
	[tilespmem:$0x5500] =	vst v63  }
0x6c: {  	p0 =	sne.s32 s20, $0x9000;
	s20 =	sadd.s32 $0x2880, s19;
	s21 =	sadd.s32 $0x80, s19  }
0x6d: {  	[spmem:s2] =	stream.indirect.scatter.add.f32 [tilespmem:s20], [sflag:$0x1], $0x1, s21, s12, $0xb8;
	[tilespmem:$0x5500] =	vst v63  }
0x6e: {  	s20 =	sadd.s32 $0x2900, s19;
	s21 =	sadd.s32 $0x100, s19  }
0x6f: {  	[spmem:s2] =	stream.indirect.scatter.add.f32 [tilespmem:s20], [sflag:$0x1], $0x1, s21, s12, $0xb8;
	[tilespmem:$0x5500] =	vst v63  }
0x70: {  	s20 =	sadd.s32 $0x2980, s19;
	s21 =	sadd.s32 $0x180, s19  }
0x71: {  	[spmem:s2] =	stream.indirect.scatter.add.f32 [tilespmem:s20], [sflag:$0x1], $0x1, s21, s12, $0xb8;
	[tilespmem:$0x5500] =	vst v63  }
0x72: {  	s20 =	sadd.s32 $0x2A00, s19;
	s21 =	sadd.s32 $0x200, s19  }
0x73: {  	[spmem:s2] =	stream.indirect.scatter.add.f32 [tilespmem:s20], [sflag:$0x1], $0x1, s21, s12, $0xb8;
	[tilespmem:$0x5500] =	vst v63  }
0x74: {  	s20 =	sadd.s32 $0x2A80, s19;
	s21 =	sadd.s32 $0x280, s19  }
0x75: {  	[spmem:s2] =	stream.indirect.scatter.add.f32 [tilespmem:s20], [sflag:$0x1], $0x1, s21, s12, $0xb8;
	[tilespmem:$0x5500] =	vst v63  }
0x76: {  	s20 =	sadd.s32 $0x2B00, s19;
	s21 =	sadd.s32 $0x300, s19  }
0x77: {  	[spmem:s2] =	stream.indirect.scatter.add.f32 [tilespmem:s20], [sflag:$0x1], $0x1, s21, s12, $0xb8;
	[tilespmem:$0x5500] =	vst v63  }
0x78: {  	s20 =	sadd.s32 $0x2B80, s19;
	s19 =	sadd.s32 $0x380, s19  }
0x79: {  	[spmem:s2] =	stream.indirect.scatter.add.f32 [tilespmem:s20], [sflag:$0x1], $0x1, s19, s12, $0xb8;
	[tilespmem:$0x5500] =	vst v63  }
0x7a: {  	_ =	swait.ge [sflag:s13], $0x7D  }
0x7b: {  	[sflag:s13] =	ssyncset.done $0x0  }
0x7c: {  	[sflag:s13] =	ssyncadd.s32 $0xFFFFFF83  }
0x7d: {  	_ =	swait.ge [sflag:s13], $0x7D  }
0x7e: {  	[sflag:s13] =	ssyncset.done $0x0  }
0x7f: {  	[sflag:s13] =	ssyncadd.s32 $0xFFFFFF83  }
0x80: {  	_ =	swait.ge [sflag:s13], $0x7D  }
0x81: {  	[sflag:s13] =	ssyncset.done $0x0  }
0x82: {  	[sflag:s13] =	ssyncadd.s32 $0xFFFFFF83  }
0x83: {  	_ =	swait.ge [sflag:s13], $0x7D  }
0x84: {  	[sflag:s13] =	ssyncset.done $0x0  }
0x85: {  	[sflag:s13] =	ssyncadd.s32 $0xFFFFFF83  }
0x86: {  	_ =	swait.ge [sflag:s13], $0x7D  }
0x87: {  	[sflag:s13] =	ssyncset.done $0x0  }
0x88: {  	[sflag:s13] =	ssyncadd.s32 $0xFFFFFF83  }
0x89: {  	_ =	swait.ge [sflag:s13], $0x7D  }
0x8a: {  	[sflag:s13] =	ssyncset.done $0x0  }
0x8b: {  	[sflag:s13] =	ssyncadd.s32 $0xFFFFFF83  }
.Ltmp0:
0x8c: {  	_ =	swait.ge [sflag:s13], $0x7D;
	(pc) =	sbr.rel @p0 .LBB2_2-.Ltmp0, $4  }
0x8d: {  	[sflag:s13] =	ssyncset.done $0x0  }
0x8e: {  	[sflag:s13] =	ssyncadd.s32 $0xFFFFFF83  }
0x8f: {  	_ =	swait.ge [sflag:s13], $0x7D  }
0x90: {  	s19 =	sshra.s32 s18, $0x2;
	s20 =	smov.u32 s17;
	[sflag:s13] =	ssyncset.done $0x0  }
0x91: {  	s17 =	sadd.s32 $0x2800, s19;
	[sflag:s13] =	ssyncadd.s32 $0xFFFFFF83  }
0x92: {  	[spmem:s2] =	stream.indirect.scatter.add.f32 [tilespmem:s17], [sflag:$0x1], $0x1, s19, s12, $0xb8;
	[tilespmem:$0x5500] =	vst v63  }
0x93: {  	s31 =	sadd.s32 $0x2880, s19;
	s18 =	sadd.s32 $0x80, s19  }
0x94: {  	[spmem:s2] =	stream.indirect.scatter.add.f32 [tilespmem:s31], [sflag:$0x1], $0x1, s18, s12, $0xb8;
	[tilespmem:$0x5500] =	vst v63  }
0x95: {  	s20 =	sadd.s32 $0x100, s19;
	s18 =	sadd.s32 $0x2900, s19  }
0x96: {  	[spmem:s2] =	stream.indirect.scatter.add.f32 [tilespmem:s18], [sflag:$0x1], $0x1, s20, s12, $0xb8;
	[tilespmem:$0x5500] =	vst v63  }
0x97: {  	s21 =	sadd.s32 $0x2980, s19;
	s22 =	sadd.s32 $0x180, s19  }
0x98: {  	[spmem:s2] =	stream.indirect.scatter.add.f32 [tilespmem:s21], [sflag:$0x1], $0x1, s22, s12, $0xb8;
	[tilespmem:$0x5500] =	vst v63  }
0x99: {  	s23 =	sadd.s32 $0x2A00, s19;
	s24 =	sadd.s32 $0x200, s19  }
0x9a: {  	[spmem:s2] =	stream.indirect.scatter.add.f32 [tilespmem:s23], [sflag:$0x1], $0x1, s24, s12, $0xb8;
	[tilespmem:$0x5500] =	vst v63  }
0x9b: {  	s25 =	sadd.s32 $0x2A80, s19;
	s26 =	sadd.s32 $0x280, s19  }
0x9c: {  	[spmem:s2] =	stream.indirect.scatter.add.f32 [tilespmem:s25], [sflag:$0x1], $0x1, s26, s12, $0xb8;
	[tilespmem:$0x5500] =	vst v63  }
0x9d: {  	s28 =	sadd.s32 $0x2B00, s19;
	s29 =	sadd.s32 $0x300, s19  }
0x9e: {  	[spmem:s2] =	stream.indirect.scatter.add.f32 [tilespmem:s28], [sflag:$0x1], $0x1, s29, s12, $0xb8;
	[tilespmem:$0x5500] =	vst v63  }
0x9f: {  	s30 =	sadd.s32 $0x2B80, s19;
	s31 =	sadd.s32 $0x380, s19  }
0xa0: {  	[spmem:s2] =	stream.indirect.scatter.add.f32 [tilespmem:s30], [sflag:$0x1], $0x1, s31, s12, $0xb8;
	[tilespmem:$0x5500] =	vst v63  }
0xa1: {  	_ =	swait.ge [sflag:s13], $0x7D  }
0xa2: {  	[sflag:s13] =	ssyncset.done $0x0  }
0xa3: {  	[sflag:s13] =	ssyncadd.s32 $0xFFFFFF83  }
0xa4: {  	_ =	swait.ge [sflag:s13], $0x7D  }
0xa5: {  	[sflag:s13] =	ssyncset.done $0x0  }
0xa6: {  	[sflag:s13] =	ssyncadd.s32 $0xFFFFFF83  }
0xa7: {  	_ =	swait.ge [sflag:s13], $0x7D  }
0xa8: {  	[sflag:s13] =	ssyncset.done $0x0  }
0xa9: {  	[sflag:s13] =	ssyncadd.s32 $0xFFFFFF83  }
0xaa: {  	_ =	swait.ge [sflag:s13], $0x7D  }
0xab: {  	[sflag:s13] =	ssyncset.done $0x0  }
0xac: {  	[sflag:s13] =	ssyncadd.s32 $0xFFFFFF83  }
0xad: {  	_ =	swait.ge [sflag:s13], $0x7D  }
0xae: {  	[sflag:s13] =	ssyncset.done $0x0  }
0xaf: {  	[sflag:s13] =	ssyncadd.s32 $0xFFFFFF83  }
0xb0: {  	_ =	swait.ge [sflag:s13], $0x7D  }
0xb1: {  	[sflag:s13] =	ssyncset.done $0x0  }
0xb2: {  	[sflag:s13] =	ssyncadd.s32 $0xFFFFFF83  }
0xb3: {  	_ =	swait.ge [sflag:s13], $0x7D  }
0xb4: {  	[sflag:s13] =	ssyncset.done $0x0  }
0xb5: {  	[sflag:s13] =	ssyncadd.s32 $0xFFFFFF83  }
0xb6: {  	_ =	swait.ge [sflag:s13], $0x7D  }
0xb7: {  	s16 =	sadd.s32 $0x1, s16;
	[sflag:s13] =	ssyncset.done $0x0  }
0xb8: {  	p0 =	sne.s32 s16, s8;
	[sflag:s13] =	ssyncadd.s32 $0xFFFFFF83  }
.Ltmp1:
0xb9: {  	[bflag:$0x0] =	sbarrier.arrive $0xFFFF;
	(pc) =	sbr.rel @p0 .LBB2_1-.Ltmp1, $4  }
0xba: {  	[hbm:s7], [sflag:s14] =	dma.local [spmem:s15], $0x50  }
0xbb: {  	_ =	swait.ge [sflag:s10], $0x50  }
0xbc: {  	[sflag:s10] =	ssyncset.done $0x0  }
0xbd: {  	[sflag:s10] =	ssyncadd.s32 $0xFFFFFFB0  }
0xbe: {  	_ =	sfence.sel $0x180000  }
0xbf: {  	[bflag:$0x0] =	sbarrier.arrive $0xFFFF  }
0xc0: {  	p0 =	sne.s32 s0, $0x0;
	_ =	strace $0x90000047  }
0xc1: {  	s0 =	sadd.s32 @!p0 $0x100000, s1;
	[bflag:$0x2] =	sbarrier.arrive $0xFFFF  }
0xc2: {  	[sflag:s0] =	ssyncadd.tile.s32 @!p0 $0x1;
	_ =	shalt  }
.Lfunc_end2:
_tile_overlayer_lowered:
.L_overlay_start_2:
0xc3: {  	(tag) =	ssettag $0x2  }
0xc4: {  	s0 =	rddreg [dreg:$0x0];
	s2 =	stileid.u32  }
0xc5: {  	s1 =	rddreg [dreg:$0x1];
	p0 =	sne.s32 s2, $0x0  }
0xc6: {  	s3 =	rddreg [dreg:$0x2];
	[bflag:$0x3] =	sbarrier.arrive $0xFFFF;
	s2 =	simm.s32 @!p0 $0x1C02  }
0xc7: {  	[timem:s3], [sflag:s2] =	dma.local @!p0 [hbm:s0], s1  }
0xc8: {  	s0 =	simm.s32 @!p0 $0x2  }
0xc9: {  	_ =	swait.ge @!p0 [sflag:s0], s1  }
0xca: {  	s1 =	ssub.s32 @!p0 $0x0, s1;
	[sflag:s0] =	ssyncset.done @!p0 $0x0  }
0xcb: {  	[sflag:s0] =	ssyncadd.s32 @!p0 s1  }
0xcc: {  	[bflag:$0x3] =	sbarrier.arrive $0xFFFF  }
0xcd: {  	_ =	shalt  }

</sc_bundles>
